<compile_context>
chip_gen: v7x
topology: tpu7x:2x2x1
jax: 0.10.2.dev20260603
libtpu: 0.0.44.dev20260713+nightly
codegen_flags: <defaults>
</compile_context>

<pallas_src>
import functools

import jax
import jax.numpy as jnp
from jax import lax
from jax.experimental import pallas as pl
from jax.experimental.pallas import tpu as pltpu
from jax.experimental.pallas import tpu_sc as plsc

N = 100000
H = 128
MAX_IDX = 511

NC = 2
NS = 16
NW = NC * NS

CHUNK = 160
SUB = 80
NSUB = CHUNK // SUB
NUM_CHUNKS = N // CHUNK
ITERS = (NUM_CHUNKS + NW - 1) // NW

RING = 5
OFF_G = 1
OFF_S = 3
STEPS = ITERS + OFF_S
ROUNDS = (STEPS + RING - 1) // RING

_mesh = plsc.VectorSubcoreMesh(core_axis_name="c", subcore_axis_name="s")


@functools.partial(
    pl.kernel,
    out_type=jax.ShapeDtypeStruct((N, H), jnp.float32),
    mesh=_mesh,
    scratch_types=[
        pltpu.VMEM((RING, NSUB, SUB), jnp.int32),
        pltpu.VMEM((RING, NSUB, SUB), jnp.int32),
        pltpu.VMEM((RING, CHUNK, H), jnp.float32),
        pltpu.VMEM_SHARED((512, H), jnp.float32),
        pltpu.VMEM_SHARED((512, H), jnp.float32),
        [pltpu.SemaphoreType.DMA] * RING,
        [pltpu.SemaphoreType.DMA] * RING,
        [pltpu.SemaphoreType.DMA] * RING,
        [pltpu.SemaphoreType.DMA] * RING,
    ],
)
def _centrality_body(x_hbm, in_deg_hbm, out_deg_hbm, w_in_hbm, w_out_hbm,
                     out_hbm, idx_a, idx_b, acc_v, w_in_sh, w_out_sh,
                     sems_x, sems_i, sems_g, sems_st):
    wid = lax.axis_index("s") * NC + lax.axis_index("c")

    @pl.when(lax.axis_index("s") == 0)
    def _():
        pltpu.sync_copy(w_in_hbm.at[pl.ds(0, 512)], w_in_sh)
        pltpu.sync_copy(w_out_hbm.at[pl.ds(0, 512)], w_out_sh)

    plsc.subcore_barrier()

    def chunk_rows(ci):
        return pl.ds(ci * CHUNK, CHUNK)

    def do_round(o, carry):
        for r in range(RING):
            step = o * RING + r

            ci_l = step * NW + wid

            @pl.when(ci_l < NUM_CHUNKS)
            def _():
                rows = chunk_rows(ci_l)

                @pl.when(step >= RING)
                def _():
                    prev_rows = chunk_rows(ci_l - RING * NW)
                    pltpu.make_async_copy(
                        acc_v.at[r], out_hbm.at[prev_rows], sems_st[r]).wait()

                pltpu.async_copy(x_hbm.at[rows], acc_v.at[r], sems_x[r])
                for g in range(NSUB):
                    sub = pl.ds(ci_l * CHUNK + g * SUB, SUB)
                    pltpu.async_copy(in_deg_hbm.at[sub], idx_a.at[r, g],
                                     sems_i[r])
                    pltpu.async_copy(out_deg_hbm.at[sub], idx_b.at[r, g],
                                     sems_i[r])

            rg = (r - OFF_G) % RING
            t_g = step - OFF_G
            ci_g = t_g * NW + wid

            @pl.when(jnp.logical_and(t_g >= 0, ci_g < NUM_CHUNKS))
            def _():
                rows = chunk_rows(ci_g)
                idx_done = pltpu.make_async_copy(
                    in_deg_hbm.at[pl.ds(ci_g * CHUNK, SUB)],
                    idx_a.at[rg, 0], sems_i[rg])
                for _c in range(2 * NSUB):
                    idx_done.wait()
                for g in range(NSUB):
                    for j in range(SUB // 16):
                        sl = pl.ds(j * 16, 16)
                        idx_a[rg, g, sl] = jnp.minimum(idx_a[rg, g, sl],
                                                       MAX_IDX)
                        idx_b[rg, g, sl] = jnp.minimum(idx_b[rg, g, sl],
                                                       MAX_IDX)
                pltpu.make_async_copy(
                    x_hbm.at[rows], acc_v.at[rg], sems_x[rg]).wait()
                for g in range(NSUB):
                    rsl = pl.ds(g * SUB, SUB)
                    pltpu.async_copy(
                        w_in_sh.at[idx_a.at[rg, g]], acc_v.at[rg, rsl],
                        sems_g[rg], add=True)
                    pltpu.async_copy(
                        w_out_sh.at[idx_b.at[rg, g]], acc_v.at[rg, rsl],
                        sems_g[rg], add=True)

            rs = (r - OFF_S) % RING
            t_s = step - OFF_S
            ci_s = t_s * NW + wid

            @pl.when(jnp.logical_and(t_s >= 0, ci_s < NUM_CHUNKS))
            def _():
                rows = chunk_rows(ci_s)
                gather_done = pltpu.make_async_copy(
                    x_hbm.at[pl.ds(ci_s * CHUNK, SUB)],
                    acc_v.at[rs, pl.ds(0, SUB)], sems_g[rs])
                for _g in range(2 * NSUB):
                    gather_done.wait()
                pltpu.async_copy(acc_v.at[rs], out_hbm.at[rows], sems_st[rs])

        return carry

    lax.fori_loop(0, ROUNDS, do_round, 0)

    for t in range(max(ITERS - RING - 1, 0), ITERS):
        ci = t * NW + wid

        @pl.when(jnp.logical_and(ci < NUM_CHUNKS,
                                 ci + RING * NW >= NUM_CHUNKS))
        def _():
            pltpu.make_async_copy(
                acc_v.at[t % RING], out_hbm.at[chunk_rows(ci)],
                sems_st[t % RING]).wait()


def kernel(x, in_degree, out_degree, W_in, W_out):
    return _centrality_body(x, in_degree, out_degree, W_in, W_out)

# --- scband reference (transcript-rebuilt; emitter-appended) ---
"""Pipeline reference for scband-centrality-encoding-layer-60567628808411 (READ-ONLY COPY).

The authoritative reference and input builder live on the scoring server;
editing this copy changes nothing except your own understanding.
"""

import jax, jax.numpy as jnp
import numpy as np

N = 100000
HIDDEN = 128
NUM_IN_DEGREE = 512
NUM_OUT_DEGREE = 512


def setup_inputs(seed: int = 0) -> dict:
    key = jax.random.key(seed)
    k1, k2, k3, k4, k5 = jax.random.split(key, 5)
    x = jax.random.normal(k1, (N, HIDDEN), dtype=jnp.float32)
    in_degree = jax.random.randint(k2, (N,), 0, NUM_IN_DEGREE + 1, dtype=jnp.int32)
    out_degree = jax.random.randint(k3, (N,), 0, NUM_OUT_DEGREE + 1, dtype=jnp.int32)
    # Embedding tables: (num_degree + 1, hidden_dim); padding_idx=0 -> row 0 is zeros
    W_in = jax.random.normal(k4, (NUM_IN_DEGREE + 1, HIDDEN), dtype=jnp.float32) * 0.02
    W_in = W_in.at[0].set(0.0)
    W_out = jax.random.normal(k5, (NUM_OUT_DEGREE + 1, HIDDEN), dtype=jnp.float32) * 0.02
    W_out = W_out.at[0].set(0.0)
    return {"x": x, "in_degree": in_degree, "out_degree": out_degree, "W_in": W_in, "W_out": W_out}


def reference(x, in_degree, out_degree, W_in, W_out):
    in_d = jnp.clip(in_degree, None, NUM_IN_DEGREE - 1).astype(jnp.int32)
    out_d = jnp.clip(out_degree, None, NUM_OUT_DEGREE - 1).astype(jnp.int32)
    in_emb = jnp.take(W_in, in_d, axis=0)
    out_emb = jnp.take(W_out, out_d, axis=0)
    return x + in_emb + out_emb

if __name__ == "__main__":
    import jax
    _d = setup_inputs()
    print(jax.jit(kernel)(*tuple(_d.values())))

</pallas_src>

<mosaic_0001>
#map = affine_map<(d0, d1) -> (0, 0)>
#map1 = affine_map<(d0, d1) -> (0)>
module attributes {stable_mosaic.version = 14 : i64} {
  func.func @_centrality_body(%arg0: i32, %arg1: i32, %arg2: memref<100000x128xf32, #tpu.memory_space<hbm>>, %arg3: memref<100000xi32, #tpu.memory_space<hbm>>, %arg4: memref<100000xi32, #tpu.memory_space<hbm>>, %arg5: memref<513x128xf32, #tpu.memory_space<hbm>>, %arg6: memref<513x128xf32, #tpu.memory_space<hbm>>, %arg7: memref<100000x128xf32, #tpu.memory_space<hbm>>, %arg8: memref<5x2x80xi32, #tpu.memory_space<vmem>>, %arg9: memref<5x2x80xi32, #tpu.memory_space<vmem>>, %arg10: memref<5x160x128xf32, #tpu.memory_space<vmem>>, %arg11: memref<512x128xf32, #tpu.memory_space<vmem_shared>>, %arg12: memref<512x128xf32, #tpu.memory_space<vmem_shared>>, %arg13: memref<!tpu.dma_semaphore, #tpu.memory_space<semaphore_mem>>, %arg14: memref<!tpu.dma_semaphore, #tpu.memory_space<semaphore_mem>>, %arg15: memref<!tpu.dma_semaphore, #tpu.memory_space<semaphore_mem>>, %arg16: memref<!tpu.dma_semaphore, #tpu.memory_space<semaphore_mem>>, %arg17: memref<!tpu.dma_semaphore, #tpu.memory_space<semaphore_mem>>, %arg18: memref<!tpu.dma_semaphore, #tpu.memory_space<semaphore_mem>>, %arg19: memref<!tpu.dma_semaphore, #tpu.memory_space<semaphore_mem>>, %arg20: memref<!tpu.dma_semaphore, #tpu.memory_space<semaphore_mem>>, %arg21: memref<!tpu.dma_semaphore, #tpu.memory_space<semaphore_mem>>, %arg22: memref<!tpu.dma_semaphore, #tpu.memory_space<semaphore_mem>>, %arg23: memref<!tpu.dma_semaphore, #tpu.memory_space<semaphore_mem>>, %arg24: memref<!tpu.dma_semaphore, #tpu.memory_space<semaphore_mem>>, %arg25: memref<!tpu.dma_semaphore, #tpu.memory_space<semaphore_mem>>, %arg26: memref<!tpu.dma_semaphore, #tpu.memory_space<semaphore_mem>>, %arg27: memref<!tpu.dma_semaphore, #tpu.memory_space<semaphore_mem>>, %arg28: memref<!tpu.dma_semaphore, #tpu.memory_space<semaphore_mem>>, %arg29: memref<!tpu.dma_semaphore, #tpu.memory_space<semaphore_mem>>, %arg30: memref<!tpu.dma_semaphore, #tpu.memory_space<semaphore_mem>>, %arg31: memref<!tpu.dma_semaphore, #tpu.memory_space<semaphore_mem>>, %arg32: memref<!tpu.dma_semaphore, #tpu.memory_space<semaphore_mem>>) attributes {dimension_semantics = [#tpu.dimension_semantics<core_parallel>, #tpu.dimension_semantics<subcore_parallel>], iteration_bounds = array<i64: 2, 16>, scalar_prefetch = 0 : i64, scratch_operands = 25 : i64, tpu.core_type = #tpu.core_type<sc_vector_subcore>, window_params = [{transform_indices = #map}, {transform_indices = #map1}, {transform_indices = #map1}, {transform_indices = #map}, {transform_indices = #map}, {transform_indices = #map}]} {
    %mul3A = arith.constant 2 : i32
    %mul3A_0 = arith.muli %arg1, %mul3A : i32
    %add3A = arith.addi %mul3A_0, %arg0 : i32
    %eq3A = arith.constant 0 : i32
    %eq3A_1 = arith.cmpi eq, %arg1, %eq3A : i32
    %convert_element_type3A = arith.extui %eq3A_1 : i1 to i32
    %cond3A = arith.constant 0 : i32
    %cond3A_2 = arith.cmpi ne, %convert_element_type3A, %cond3A : i32
    scf.if %cond3A_2 {
      "tpu.region"() ({
        %run_scoped3A = tpu.sem_alloc : memref<!tpu.dma_semaphore, #tpu.memory_space<semaphore_mem>>
        %dma_start3A = arith.constant 0 : i32
        %dma_start3A_77 = arith.constant 0 : i32
        %dma_start3A_78 = tpu.memref_slice %arg5[%dma_start3A, %dma_start3A_77] : memref<513x128xf32, #tpu.memory_space<hbm>> -> memref<512x128xf32, #tpu.memory_space<hbm>>
        tpu.enqueue_dma source(%dma_start3A_78 : memref<512x128xf32, #tpu.memory_space<hbm>>) target(%arg11 : memref<512x128xf32, #tpu.memory_space<vmem_shared>>) target_semaphore(%run_scoped3A : memref<!tpu.dma_semaphore, #tpu.memory_space<semaphore_mem>>)
        %dma_wait3A = arith.constant 0 : i32
        %dma_wait3A_79 = arith.constant 0 : i32
        %dma_wait3A_80 = tpu.memref_slice %arg5[%dma_wait3A, %dma_wait3A_79] : memref<513x128xf32, #tpu.memory_space<hbm>> -> memref<512x128xf32, #tpu.memory_space<hbm>>
        tpu.wait_dma2 semaphore(%run_scoped3A : memref<!tpu.dma_semaphore, #tpu.memory_space<semaphore_mem>>) src(%dma_wait3A_80 : memref<512x128xf32, #tpu.memory_space<hbm>>) dst(%arg11 : memref<512x128xf32, #tpu.memory_space<vmem_shared>>)
        tpu.yield
      }) : () -> ()
      "tpu.region"() ({
        %run_scoped3A = tpu.sem_alloc : memref<!tpu.dma_semaphore, #tpu.memory_space<semaphore_mem>>
        %dma_start3A = arith.constant 0 : i32
        %dma_start3A_77 = arith.constant 0 : i32
        %dma_start3A_78 = tpu.memref_slice %arg6[%dma_start3A, %dma_start3A_77] : memref<513x128xf32, #tpu.memory_space<hbm>> -> memref<512x128xf32, #tpu.memory_space<hbm>>
        tpu.enqueue_dma source(%dma_start3A_78 : memref<512x128xf32, #tpu.memory_space<hbm>>) target(%arg12 : memref<512x128xf32, #tpu.memory_space<vmem_shared>>) target_semaphore(%run_scoped3A : memref<!tpu.dma_semaphore, #tpu.memory_space<semaphore_mem>>)
        %dma_wait3A = arith.constant 0 : i32
        %dma_wait3A_79 = arith.constant 0 : i32
        %dma_wait3A_80 = tpu.memref_slice %arg6[%dma_wait3A, %dma_wait3A_79] : memref<513x128xf32, #tpu.memory_space<hbm>> -> memref<512x128xf32, #tpu.memory_space<hbm>>
        tpu.wait_dma2 semaphore(%run_scoped3A : memref<!tpu.dma_semaphore, #tpu.memory_space<semaphore_mem>>) src(%dma_wait3A_80 : memref<512x128xf32, #tpu.memory_space<hbm>>) dst(%arg12 : memref<512x128xf32, #tpu.memory_space<vmem_shared>>)
        tpu.yield
      }) : () -> ()
    } else {
    }
    %barrier3A = arith.constant 0 : index
    tpu.barrier barrier_id(%barrier3A)
    %scan3A = arith.constant 0 : i32
    %scan3A_3 = arith.constant 0 : i32
    %scan3A_4 = arith.constant 5 : i32
    %scan3A_5 = arith.addi %scan3A_3, %scan3A_4 : i32
    %scan3A_6 = arith.constant 1 : i32
    scf.for %scan3A_77 = %scan3A_3 to %scan3A_5 step %scan3A_6  : i32 {
      %mul3A_78 = arith.constant 5 : i32
      %mul3A_79 = arith.muli %scan3A_77, %mul3A_78 : i32
      %add3A_80 = arith.constant 0 : i32
      %add3A_81 = arith.addi %mul3A_79, %add3A_80 : i32
      %mul3A_82 = arith.constant 32 : i32
      %mul3A_83 = arith.muli %add3A_81, %mul3A_82 : i32
      %add3A_84 = arith.addi %mul3A_83, %add3A : i32
      %lt3A_85 = arith.constant 625 : i32
      %lt3A_86 = arith.cmpi slt, %add3A_84, %lt3A_85 : i32
      %convert_element_type3A_87 = arith.extui %lt3A_86 : i1 to i32
      %cond3A_88 = arith.constant 0 : i32
      %cond3A_89 = arith.cmpi ne, %convert_element_type3A_87, %cond3A_88 : i32
      scf.if %cond3A_89 {
        %mul3A_267 = arith.constant 160 : i32
        %mul3A_268 = arith.muli %add3A_84, %mul3A_267 : i32
        %ge3A_269 = arith.constant 5 : i32
        %ge3A_270 = arith.cmpi sge, %add3A_81, %ge3A_269 : i32
        %convert_element_type3A_271 = arith.extui %ge3A_270 : i1 to i32
        %cond3A_272 = arith.constant 0 : i32
        %cond3A_273 = arith.cmpi ne, %convert_element_type3A_271, %cond3A_272 : i32
        scf.if %cond3A_273 {
          %sub3A_334 = arith.constant 160 : i32
          %sub3A_335 = arith.subi %add3A_84, %sub3A_334 : i32
          %mul3A_336 = arith.constant 160 : i32
          %mul3A_337 = arith.muli %sub3A_335, %mul3A_336 : i32
          %dma_wait3A = arith.constant 0 : i32
          %dma_wait3A_338 = arith.constant 0 : i32
          %dma_wait3A_339 = arith.constant 0 : i32
          %dma_wait3A_340 = tpu.memref_slice %arg10[%dma_wait3A, %dma_wait3A_338, %dma_wait3A_339] : memref<5x160x128xf32, #tpu.memory_space<vmem>> -> memref<1x160x128xf32, #tpu.memory_space<vmem>>
          %dma_wait3A_341 = tpu.memref_squeeze %dma_wait3A_340 : memref<1x160x128xf32, #tpu.memory_space<vmem>> -> memref<160x128xf32, #tpu.memory_space<vmem>>
          %dma_wait3A_342 = arith.constant 0 : i32
          %dma_wait3A_343 = tpu.memref_slice %arg7[%mul3A_337, %dma_wait3A_342] : memref<100000x128xf32, #tpu.memory_space<hbm>> -> memref<160x128xf32, #tpu.memory_space<hbm>>
          %dma_wait3A_344 = arith.constant 0 : i32
          %dma_wait3A_345 = tpu.memref_slice %arg7[%mul3A_337, %dma_wait3A_344] : memref<100000x128xf32, #tpu.memory_space<hbm>> -> memref<160x128xf32, #tpu.memory_space<hbm>>
          %dma_wait3A_346 = arith.constant 0 : i32
          %dma_wait3A_347 = arith.constant 0 : i32
          %dma_wait3A_348 = tpu.memref_slice %arg10[%dma_wait3A, %dma_wait3A_346, %dma_wait3A_347] : memref<5x160x128xf32, #tpu.memory_space<vmem>> -> memref<1x160x128xf32, #tpu.memory_space<vmem>>
          %dma_wait3A_349 = tpu.memref_squeeze %dma_wait3A_348 : memref<1x160x128xf32, #tpu.memory_space<vmem>> -> memref<160x128xf32, #tpu.memory_space<vmem>>
          tpu.wait_dma2 semaphore(%arg28 : memref<!tpu.dma_semaphore, #tpu.memory_space<semaphore_mem>>) src(%dma_wait3A_349 : memref<160x128xf32, #tpu.memory_space<vmem>>) dst(%dma_wait3A_345 : memref<160x128xf32, #tpu.memory_space<hbm>>)
        } else {
        }
        %dma_start3A = arith.constant 0 : i32
        %dma_start3A_274 = arith.constant 0 : i32
        %dma_start3A_275 = arith.constant 0 : i32
        %dma_start3A_276 = tpu.memref_slice %arg10[%dma_start3A, %dma_start3A_274, %dma_start3A_275] : memref<5x160x128xf32, #tpu.memory_space<vmem>> -> memref<1x160x128xf32, #tpu.memory_space<vmem>>
        %dma_start3A_277 = tpu.memref_squeeze %dma_start3A_276 : memref<1x160x128xf32, #tpu.memory_space<vmem>> -> memref<160x128xf32, #tpu.memory_space<vmem>>
        %dma_start3A_278 = arith.constant 0 : i32
        %dma_start3A_279 = tpu.memref_slice %arg2[%mul3A_268, %dma_start3A_278] : memref<100000x128xf32, #tpu.memory_space<hbm>> -> memref<160x128xf32, #tpu.memory_space<hbm>>
        %dma_start3A_280 = arith.constant 0 : i32
        %dma_start3A_281 = arith.constant 0 : i32
        %dma_start3A_282 = tpu.memref_slice %arg10[%dma_start3A, %dma_start3A_280, %dma_start3A_281] : memref<5x160x128xf32, #tpu.memory_space<vmem>> -> memref<1x160x128xf32, #tpu.memory_space<vmem>>
        %dma_start3A_283 = tpu.memref_squeeze %dma_start3A_282 : memref<1x160x128xf32, #tpu.memory_space<vmem>> -> memref<160x128xf32, #tpu.memory_space<vmem>>
        %dma_start3A_284 = arith.constant 0 : i32
        %dma_start3A_285 = tpu.memref_slice %arg2[%mul3A_268, %dma_start3A_284] : memref<100000x128xf32, #tpu.memory_space<hbm>> -> memref<160x128xf32, #tpu.memory_space<hbm>>
        tpu.enqueue_dma source(%dma_start3A_285 : memref<160x128xf32, #tpu.memory_space<hbm>>) target(%dma_start3A_283 : memref<160x128xf32, #tpu.memory_space<vmem>>) target_semaphore(%arg13 : memref<!tpu.dma_semaphore, #tpu.memory_space<semaphore_mem>>)
        %mul3A_286 = arith.constant 160 : i32
        %mul3A_287 = arith.muli %add3A_84, %mul3A_286 : i32
        %add3A_288 = arith.constant 0 : i32
        %add3A_289 = arith.addi %mul3A_287, %add3A_288 : i32
        %dma_start3A_290 = arith.constant 0 : i32
        %dma_start3A_291 = arith.constant 0 : i32
        %dma_start3A_292 = arith.constant 0 : i32
        %dma_start3A_293 = tpu.memref_slice %arg8[%dma_start3A_290, %dma_start3A_291, %dma_start3A_292] : memref<5x2x80xi32, #tpu.memory_space<vmem>> -> memref<1x1x80xi32, #tpu.memory_space<vmem>>
        %dma_start3A_294 = tpu.memref_squeeze %dma_start3A_293 : memref<1x1x80xi32, #tpu.memory_space<vmem>> -> memref<80xi32, #tpu.memory_space<vmem>>
        %dma_start3A_295 = tpu.memref_slice %arg3[%add3A_289] : memref<100000xi32, #tpu.memory_space<hbm>> -> memref<80xi32, #tpu.memory_space<hbm>>
        %dma_start3A_296 = arith.constant 0 : i32
        %dma_start3A_297 = tpu.memref_slice %arg8[%dma_start3A_290, %dma_start3A_291, %dma_start3A_296] : memref<5x2x80xi32, #tpu.memory_space<vmem>> -> memref<1x1x80xi32, #tpu.memory_space<vmem>>
        %dma_start3A_298 = tpu.memref_squeeze %dma_start3A_297 : memref<1x1x80xi32, #tpu.memory_space<vmem>> -> memref<80xi32, #tpu.memory_space<vmem>>
        %dma_start3A_299 = tpu.memref_slice %arg3[%add3A_289] : memref<100000xi32, #tpu.memory_space<hbm>> -> memref<80xi32, #tpu.memory_space<hbm>>
        tpu.enqueue_dma source(%dma_start3A_299 : memref<80xi32, #tpu.memory_space<hbm>>) target(%dma_start3A_298 : memref<80xi32, #tpu.memory_space<vmem>>) target_semaphore(%arg18 : memref<!tpu.dma_semaphore, #tpu.memory_space<semaphore_mem>>)
        %dma_start3A_300 = arith.constant 0 : i32
        %dma_start3A_301 = arith.constant 0 : i32
        %dma_start3A_302 = arith.constant 0 : i32
        %dma_start3A_303 = tpu.memref_slice %arg9[%dma_start3A_300, %dma_start3A_301, %dma_start3A_302] : memref<5x2x80xi32, #tpu.memory_space<vmem>> -> memref<1x1x80xi32, #tpu.memory_space<vmem>>
        %dma_start3A_304 = tpu.memref_squeeze %dma_start3A_303 : memref<1x1x80xi32, #tpu.memory_space<vmem>> -> memref<80xi32, #tpu.memory_space<vmem>>
        %dma_start3A_305 = tpu.memref_slice %arg4[%add3A_289] : memref<100000xi32, #tpu.memory_space<hbm>> -> memref<80xi32, #tpu.memory_space<hbm>>
        %dma_start3A_306 = arith.constant 0 : i32
        %dma_start3A_307 = tpu.memref_slice %arg9[%dma_start3A_300, %dma_start3A_301, %dma_start3A_306] : memref<5x2x80xi32, #tpu.memory_space<vmem>> -> memref<1x1x80xi32, #tpu.memory_space<vmem>>
        %dma_start3A_308 = tpu.memref_squeeze %dma_start3A_307 : memref<1x1x80xi32, #tpu.memory_space<vmem>> -> memref<80xi32, #tpu.memory_space<vmem>>
        %dma_start3A_309 = tpu.memref_slice %arg4[%add3A_289] : memref<100000xi32, #tpu.memory_space<hbm>> -> memref<80xi32, #tpu.memory_space<hbm>>
        tpu.enqueue_dma source(%dma_start3A_309 : memref<80xi32, #tpu.memory_space<hbm>>) target(%dma_start3A_308 : memref<80xi32, #tpu.memory_space<vmem>>) target_semaphore(%arg18 : memref<!tpu.dma_semaphore, #tpu.memory_space<semaphore_mem>>)
        %mul3A_310 = arith.constant 160 : i32
        %mul3A_311 = arith.muli %add3A_84, %mul3A_310 : i32
        %add3A_312 = arith.constant 80 : i32
        %add3A_313 = arith.addi %mul3A_311, %add3A_312 : i32
        %dma_start3A_314 = arith.constant 0 : i32
        %dma_start3A_315 = arith.constant 1 : i32
        %dma_start3A_316 = arith.constant 0 : i32
        %dma_start3A_317 = tpu.memref_slice %arg8[%dma_start3A_314, %dma_start3A_315, %dma_start3A_316] : memref<5x2x80xi32, #tpu.memory_space<vmem>> -> memref<1x1x80xi32, #tpu.memory_space<vmem>>
        %dma_start3A_318 = tpu.memref_squeeze %dma_start3A_317 : memref<1x1x80xi32, #tpu.memory_space<vmem>> -> memref<80xi32, #tpu.memory_space<vmem>>
        %dma_start3A_319 = tpu.memref_slice %arg3[%add3A_313] : memref<100000xi32, #tpu.memory_space<hbm>> -> memref<80xi32, #tpu.memory_space<hbm>>
        %dma_start3A_320 = arith.constant 0 : i32
        %dma_start3A_321 = tpu.memref_slice %arg8[%dma_start3A_314, %dma_start3A_315, %dma_start3A_320] : memref<5x2x80xi32, #tpu.memory_space<vmem>> -> memref<1x1x80xi32, #tpu.memory_space<vmem>>
        %dma_start3A_322 = tpu.memref_squeeze %dma_start3A_321 : memref<1x1x80xi32, #tpu.memory_space<vmem>> -> memref<80xi32, #tpu.memory_space<vmem>>
        %dma_start3A_323 = tpu.memref_slice %arg3[%add3A_313] : memref<100000xi32, #tpu.memory_space<hbm>> -> memref<80xi32, #tpu.memory_space<hbm>>
        tpu.enqueue_dma source(%dma_start3A_323 : memref<80xi32, #tpu.memory_space<hbm>>) target(%dma_start3A_322 : memref<80xi32, #tpu.memory_space<vmem>>) target_semaphore(%arg18 : memref<!tpu.dma_semaphore, #tpu.memory_space<semaphore_mem>>)
        %dma_start3A_324 = arith.constant 0 : i32
        %dma_start3A_325 = arith.constant 1 : i32
        %dma_start3A_326 = arith.constant 0 : i32
        %dma_start3A_327 = tpu.memref_slice %arg9[%dma_start3A_324, %dma_start3A_325, %dma_start3A_326] : memref<5x2x80xi32, #tpu.memory_space<vmem>> -> memref<1x1x80xi32, #tpu.memory_space<vmem>>
        %dma_start3A_328 = tpu.memref_squeeze %dma_start3A_327 : memref<1x1x80xi32, #tpu.memory_space<vmem>> -> memref<80xi32, #tpu.memory_space<vmem>>
        %dma_start3A_329 = tpu.memref_slice %arg4[%add3A_313] : memref<100000xi32, #tpu.memory_space<hbm>> -> memref<80xi32, #tpu.memory_space<hbm>>
        %dma_start3A_330 = arith.constant 0 : i32
        %dma_start3A_331 = tpu.memref_slice %arg9[%dma_start3A_324, %dma_start3A_325, %dma_start3A_330] : memref<5x2x80xi32, #tpu.memory_space<vmem>> -> memref<1x1x80xi32, #tpu.memory_space<vmem>>
        %dma_start3A_332 = tpu.memref_squeeze %dma_start3A_331 : memref<1x1x80xi32, #tpu.memory_space<vmem>> -> memref<80xi32, #tpu.memory_space<vmem>>
        %dma_start3A_333 = tpu.memref_slice %arg4[%add3A_313] : memref<100000xi32, #tpu.memory_space<hbm>> -> memref<80xi32, #tpu.memory_space<hbm>>
        tpu.enqueue_dma source(%dma_start3A_333 : memref<80xi32, #tpu.memory_space<hbm>>) target(%dma_start3A_332 : memref<80xi32, #tpu.memory_space<vmem>>) target_semaphore(%arg18 : memref<!tpu.dma_semaphore, #tpu.memory_space<semaphore_mem>>)
      } else {
      }
      %sub3A = arith.constant 1 : i32
      %sub3A_90 = arith.subi %add3A_81, %sub3A : i32
      %mul3A_91 = arith.constant 32 : i32
      %mul3A_92 = arith.muli %sub3A_90, %mul3A_91 : i32
      %add3A_93 = arith.addi %mul3A_92, %add3A : i32
      %ge3A_94 = arith.constant 0 : i32
      %ge3A_95 = arith.cmpi sge, %sub3A_90, %ge3A_94 : i32
      %lt3A_96 = arith.constant 625 : i32
      %lt3A_97 = arith.cmpi slt, %add3A_93, %lt3A_96 : i32
      %and3A_98 = arith.andi %ge3A_95, %lt3A_97 : i1
      %convert_element_type3A_99 = arith.extui %and3A_98 : i1 to i32
      %cond3A_100 = arith.constant 0 : i32
      %cond3A_101 = arith.cmpi ne, %convert_element_type3A_99, %cond3A_100 : i32
      scf.if %cond3A_101 {
        %mul3A_267 = arith.constant 160 : i32
        %mul3A_268 = arith.muli %add3A_93, %mul3A_267 : i32
        %mul3A_269 = arith.constant 160 : i32
        %mul3A_270 = arith.muli %add3A_93, %mul3A_269 : i32
        %dma_wait3A = arith.constant 4 : i32
        %dma_wait3A_271 = arith.constant 0 : i32
        %dma_wait3A_272 = arith.constant 0 : i32
        %dma_wait3A_273 = tpu.memref_slice %arg8[%dma_wait3A, %dma_wait3A_271, %dma_wait3A_272] : memref<5x2x80xi32, #tpu.memory_space<vmem>> -> memref<1x1x80xi32, #tpu.memory_space<vmem>>
        %dma_wait3A_274 = tpu.memref_squeeze %dma_wait3A_273 : memref<1x1x80xi32, #tpu.memory_space<vmem>> -> memref<80xi32, #tpu.memory_space<vmem>>
        %dma_wait3A_275 = tpu.memref_slice %arg3[%mul3A_270] : memref<100000xi32, #tpu.memory_space<hbm>> -> memref<80xi32, #tpu.memory_space<hbm>>
        %dma_wait3A_276 = arith.constant 0 : i32
        %dma_wait3A_277 = tpu.memref_slice %arg8[%dma_wait3A, %dma_wait3A_271, %dma_wait3A_276] : memref<5x2x80xi32, #tpu.memory_space<vmem>> -> memref<1x1x80xi32, #tpu.memory_space<vmem>>
        %dma_wait3A_278 = tpu.memref_squeeze %dma_wait3A_277 : memref<1x1x80xi32, #tpu.memory_space<vmem>> -> memref<80xi32, #tpu.memory_space<vmem>>
        %dma_wait3A_279 = tpu.memref_slice %arg3[%mul3A_270] : memref<100000xi32, #tpu.memory_space<hbm>> -> memref<80xi32, #tpu.memory_space<hbm>>
        tpu.wait_dma2 semaphore(%arg22 : memref<!tpu.dma_semaphore, #tpu.memory_space<semaphore_mem>>) src(%dma_wait3A_279 : memref<80xi32, #tpu.memory_space<hbm>>) dst(%dma_wait3A_278 : memref<80xi32, #tpu.memory_space<vmem>>)
        %dma_wait3A_280 = arith.constant 4 : i32
        %dma_wait3A_281 = arith.constant 0 : i32
        %dma_wait3A_282 = arith.constant 0 : i32
        %dma_wait3A_283 = tpu.memref_slice %arg8[%dma_wait3A_280, %dma_wait3A_281, %dma_wait3A_282] : memref<5x2x80xi32, #tpu.memory_space<vmem>> -> memref<1x1x80xi32, #tpu.memory_space<vmem>>
        %dma_wait3A_284 = tpu.memref_squeeze %dma_wait3A_283 : memref<1x1x80xi32, #tpu.memory_space<vmem>> -> memref<80xi32, #tpu.memory_space<vmem>>
        %dma_wait3A_285 = tpu.memref_slice %arg3[%mul3A_270] : memref<100000xi32, #tpu.memory_space<hbm>> -> memref<80xi32, #tpu.memory_space<hbm>>
        %dma_wait3A_286 = arith.constant 0 : i32
        %dma_wait3A_287 = tpu.memref_slice %arg8[%dma_wait3A_280, %dma_wait3A_281, %dma_wait3A_286] : memref<5x2x80xi32, #tpu.memory_space<vmem>> -> memref<1x1x80xi32, #tpu.memory_space<vmem>>
        %dma_wait3A_288 = tpu.memref_squeeze %dma_wait3A_287 : memref<1x1x80xi32, #tpu.memory_space<vmem>> -> memref<80xi32, #tpu.memory_space<vmem>>
        %dma_wait3A_289 = tpu.memref_slice %arg3[%mul3A_270] : memref<100000xi32, #tpu.memory_space<hbm>> -> memref<80xi32, #tpu.memory_space<hbm>>
        tpu.wait_dma2 semaphore(%arg22 : memref<!tpu.dma_semaphore, #tpu.memory_space<semaphore_mem>>) src(%dma_wait3A_289 : memref<80xi32, #tpu.memory_space<hbm>>) dst(%dma_wait3A_288 : memref<80xi32, #tpu.memory_space<vmem>>)
        %dma_wait3A_290 = arith.constant 4 : i32
        %dma_wait3A_291 = arith.constant 0 : i32
        %dma_wait3A_292 = arith.constant 0 : i32
        %dma_wait3A_293 = tpu.memref_slice %arg8[%dma_wait3A_290, %dma_wait3A_291, %dma_wait3A_292] : memref<5x2x80xi32, #tpu.memory_space<vmem>> -> memref<1x1x80xi32, #tpu.memory_space<vmem>>
        %dma_wait3A_294 = tpu.memref_squeeze %dma_wait3A_293 : memref<1x1x80xi32, #tpu.memory_space<vmem>> -> memref<80xi32, #tpu.memory_space<vmem>>
        %dma_wait3A_295 = tpu.memref_slice %arg3[%mul3A_270] : memref<100000xi32, #tpu.memory_space<hbm>> -> memref<80xi32, #tpu.memory_space<hbm>>
        %dma_wait3A_296 = arith.constant 0 : i32
        %dma_wait3A_297 = tpu.memref_slice %arg8[%dma_wait3A_290, %dma_wait3A_291, %dma_wait3A_296] : memref<5x2x80xi32, #tpu.memory_space<vmem>> -> memref<1x1x80xi32, #tpu.memory_space<vmem>>
        %dma_wait3A_298 = tpu.memref_squeeze %dma_wait3A_297 : memref<1x1x80xi32, #tpu.memory_space<vmem>> -> memref<80xi32, #tpu.memory_space<vmem>>
        %dma_wait3A_299 = tpu.memref_slice %arg3[%mul3A_270] : memref<100000xi32, #tpu.memory_space<hbm>> -> memref<80xi32, #tpu.memory_space<hbm>>
        tpu.wait_dma2 semaphore(%arg22 : memref<!tpu.dma_semaphore, #tpu.memory_space<semaphore_mem>>) src(%dma_wait3A_299 : memref<80xi32, #tpu.memory_space<hbm>>) dst(%dma_wait3A_298 : memref<80xi32, #tpu.memory_space<vmem>>)
        %dma_wait3A_300 = arith.constant 4 : i32
        %dma_wait3A_301 = arith.constant 0 : i32
        %dma_wait3A_302 = arith.constant 0 : i32
        %dma_wait3A_303 = tpu.memref_slice %arg8[%dma_wait3A_300, %dma_wait3A_301, %dma_wait3A_302] : memref<5x2x80xi32, #tpu.memory_space<vmem>> -> memref<1x1x80xi32, #tpu.memory_space<vmem>>
        %dma_wait3A_304 = tpu.memref_squeeze %dma_wait3A_303 : memref<1x1x80xi32, #tpu.memory_space<vmem>> -> memref<80xi32, #tpu.memory_space<vmem>>
        %dma_wait3A_305 = tpu.memref_slice %arg3[%mul3A_270] : memref<100000xi32, #tpu.memory_space<hbm>> -> memref<80xi32, #tpu.memory_space<hbm>>
        %dma_wait3A_306 = arith.constant 0 : i32
        %dma_wait3A_307 = tpu.memref_slice %arg8[%dma_wait3A_300, %dma_wait3A_301, %dma_wait3A_306] : memref<5x2x80xi32, #tpu.memory_space<vmem>> -> memref<1x1x80xi32, #tpu.memory_space<vmem>>
        %dma_wait3A_308 = tpu.memref_squeeze %dma_wait3A_307 : memref<1x1x80xi32, #tpu.memory_space<vmem>> -> memref<80xi32, #tpu.memory_space<vmem>>
        %dma_wait3A_309 = tpu.memref_slice %arg3[%mul3A_270] : memref<100000xi32, #tpu.memory_space<hbm>> -> memref<80xi32, #tpu.memory_space<hbm>>
        tpu.wait_dma2 semaphore(%arg22 : memref<!tpu.dma_semaphore, #tpu.memory_space<semaphore_mem>>) src(%dma_wait3A_309 : memref<80xi32, #tpu.memory_space<hbm>>) dst(%dma_wait3A_308 : memref<80xi32, #tpu.memory_space<vmem>>)
        %get3A = arith.constant 4 : i32
        %get3A_310 = arith.constant 0 : i32
        %get3A_311 = arith.index_cast %get3A : i32 to index
        %get3A_312 = arith.index_cast %get3A_310 : i32 to index
        %get3A_313 = arith.constant 0 : index
        %get3A_314 = tpu.vector_load %arg8[%get3A_311, %get3A_312, %get3A_313] {strides = array<i32>} : memref<5x2x80xi32, #tpu.memory_space<vmem>>, vector<1x1x16xi32>,
        %get3A_315 = vector.shape_cast %get3A_314 : vector<1x1x16xi32> to vector<16xi32>
        %min3A = arith.constant 511 : i32
        %min3A_316 = vector.broadcast %min3A : i32 to vector<16xi32>
        %min3A_317 = arith.minsi %get3A_315, %min3A_316 : vector<16xi32>
        %swap3A = arith.constant 4 : i32
        %swap3A_318 = arith.constant 0 : i32
        %swap3A_319 = arith.index_cast %swap3A : i32 to index
        %swap3A_320 = arith.index_cast %swap3A_318 : i32 to index
        %swap3A_321 = arith.constant 0 : index
        %swap3A_322 = tpu.vector_load %arg8[%swap3A_319, %swap3A_320, %swap3A_321] {strides = array<i32>} : memref<5x2x80xi32, #tpu.memory_space<vmem>>, vector<1x1x16xi32>,
        %swap3A_323 = vector.shape_cast %swap3A_322 : vector<1x1x16xi32> to vector<16xi32>
        %swap3A_324 = vector.shape_cast %min3A_317 : vector<16xi32> to vector<1x1x16xi32>
        tpu.vector_store %arg8[%swap3A_319, %swap3A_320, %swap3A_321], %swap3A_324 {strides = array<i32>} : memref<5x2x80xi32, #tpu.memory_space<vmem>>, vector<1x1x16xi32>,
        %get3A_325 = arith.constant 4 : i32
        %get3A_326 = arith.constant 0 : i32
        %get3A_327 = arith.index_cast %get3A_325 : i32 to index
        %get3A_328 = arith.index_cast %get3A_326 : i32 to index
        %get3A_329 = arith.constant 0 : index
        %get3A_330 = tpu.vector_load %arg9[%get3A_327, %get3A_328, %get3A_329] {strides = array<i32>} : memref<5x2x80xi32, #tpu.memory_space<vmem>>, vector<1x1x16xi32>,
        %get3A_331 = vector.shape_cast %get3A_330 : vector<1x1x16xi32> to vector<16xi32>
        %min3A_332 = arith.constant 511 : i32
        %min3A_333 = vector.broadcast %min3A_332 : i32 to vector<16xi32>
        %min3A_334 = arith.minsi %get3A_331, %min3A_333 : vector<16xi32>
        %swap3A_335 = arith.constant 4 : i32
        %swap3A_336 = arith.constant 0 : i32
        %swap3A_337 = arith.index_cast %swap3A_335 : i32 to index
        %swap3A_338 = arith.index_cast %swap3A_336 : i32 to index
        %swap3A_339 = arith.constant 0 : index
        %swap3A_340 = tpu.vector_load %arg9[%swap3A_337, %swap3A_338, %swap3A_339] {strides = array<i32>} : memref<5x2x80xi32, #tpu.memory_space<vmem>>, vector<1x1x16xi32>,
        %swap3A_341 = vector.shape_cast %swap3A_340 : vector<1x1x16xi32> to vector<16xi32>
        %swap3A_342 = vector.shape_cast %min3A_334 : vector<16xi32> to vector<1x1x16xi32>
        tpu.vector_store %arg9[%swap3A_337, %swap3A_338, %swap3A_339], %swap3A_342 {strides = array<i32>} : memref<5x2x80xi32, #tpu.memory_space<vmem>>, vector<1x1x16xi32>,
        %get3A_343 = arith.constant 4 : i32
        %get3A_344 = arith.constant 0 : i32
        %get3A_345 = arith.index_cast %get3A_343 : i32 to index
        %get3A_346 = arith.index_cast %get3A_344 : i32 to index
        %get3A_347 = arith.constant 16 : index
        %get3A_348 = tpu.vector_load %arg8[%get3A_345, %get3A_346, %get3A_347] {strides = array<i32>} : memref<5x2x80xi32, #tpu.memory_space<vmem>>, vector<1x1x16xi32>,
        %get3A_349 = vector.shape_cast %get3A_348 : vector<1x1x16xi32> to vector<16xi32>
        %min3A_350 = arith.constant 511 : i32
        %min3A_351 = vector.broadcast %min3A_350 : i32 to vector<16xi32>
        %min3A_352 = arith.minsi %get3A_349, %min3A_351 : vector<16xi32>
        %swap3A_353 = arith.constant 4 : i32
        %swap3A_354 = arith.constant 0 : i32
        %swap3A_355 = arith.index_cast %swap3A_353 : i32 to index
        %swap3A_356 = arith.index_cast %swap3A_354 : i32 to index
        %swap3A_357 = arith.constant 16 : index
        %swap3A_358 = tpu.vector_load %arg8[%swap3A_355, %swap3A_356, %swap3A_357] {strides = array<i32>} : memref<5x2x80xi32, #tpu.memory_space<vmem>>, vector<1x1x16xi32>,
        %swap3A_359 = vector.shape_cast %swap3A_358 : vector<1x1x16xi32> to vector<16xi32>
        %swap3A_360 = vector.shape_cast %min3A_352 : vector<16xi32> to vector<1x1x16xi32>
        tpu.vector_store %arg8[%swap3A_355, %swap3A_356, %swap3A_357], %swap3A_360 {strides = array<i32>} : memref<5x2x80xi32, #tpu.memory_space<vmem>>, vector<1x1x16xi32>,
        %get3A_361 = arith.constant 4 : i32
        %get3A_362 = arith.constant 0 : i32
        %get3A_363 = arith.index_cast %get3A_361 : i32 to index
        %get3A_364 = arith.index_cast %get3A_362 : i32 to index
        %get3A_365 = arith.constant 16 : index
        %get3A_366 = tpu.vector_load %arg9[%get3A_363, %get3A_364, %get3A_365] {strides = array<i32>} : memref<5x2x80xi32, #tpu.memory_space<vmem>>, vector<1x1x16xi32>,
        %get3A_367 = vector.shape_cast %get3A_366 : vector<1x1x16xi32> to vector<16xi32>
        %min3A_368 = arith.constant 511 : i32
        %min3A_369 = vector.broadcast %min3A_368 : i32 to vector<16xi32>
        %min3A_370 = arith.minsi %get3A_367, %min3A_369 : vector<16xi32>
        %swap3A_371 = arith.constant 4 : i32
        %swap3A_372 = arith.constant 0 : i32
        %swap3A_373 = arith.index_cast %swap3A_371 : i32 to index
        %swap3A_374 = arith.index_cast %swap3A_372 : i32 to index
        %swap3A_375 = arith.constant 16 : index
        %swap3A_376 = tpu.vector_load %arg9[%swap3A_373, %swap3A_374, %swap3A_375] {strides = array<i32>} : memref<5x2x80xi32, #tpu.memory_space<vmem>>, vector<1x1x16xi32>,
        %swap3A_377 = vector.shape_cast %swap3A_376 : vector<1x1x16xi32> to vector<16xi32>
        %swap3A_378 = vector.shape_cast %min3A_370 : vector<16xi32> to vector<1x1x16xi32>
        tpu.vector_store %arg9[%swap3A_373, %swap3A_374, %swap3A_375], %swap3A_378 {strides = array<i32>} : memref<5x2x80xi32, #tpu.memory_space<vmem>>, vector<1x1x16xi32>,
        %get3A_379 = arith.constant 4 : i32
        %get3A_380 = arith.constant 0 : i32
        %get3A_381 = arith.index_cast %get3A_379 : i32 to index
        %get3A_382 = arith.index_cast %get3A_380 : i32 to index
        %get3A_383 = arith.constant 32 : index
        %get3A_384 = tpu.vector_load %arg8[%get3A_381, %get3A_382, %get3A_383] {strides = array<i32>} : memref<5x2x80xi32, #tpu.memory_space<vmem>>, vector<1x1x16xi32>,
        %get3A_385 = vector.shape_cast %get3A_384 : vector<1x1x16xi32> to vector<16xi32>
        %min3A_386 = arith.constant 511 : i32
        %min3A_387 = vector.broadcast %min3A_386 : i32 to vector<16xi32>
        %min3A_388 = arith.minsi %get3A_385, %min3A_387 : vector<16xi32>
        %swap3A_389 = arith.constant 4 : i32
        %swap3A_390 = arith.constant 0 : i32
        %swap3A_391 = arith.index_cast %swap3A_389 : i32 to index
        %swap3A_392 = arith.index_cast %swap3A_390 : i32 to index
        %swap3A_393 = arith.constant 32 : index
        %swap3A_394 = tpu.vector_load %arg8[%swap3A_391, %swap3A_392, %swap3A_393] {strides = array<i32>} : memref<5x2x80xi32, #tpu.memory_space<vmem>>, vector<1x1x16xi32>,
        %swap3A_395 = vector.shape_cast %swap3A_394 : vector<1x1x16xi32> to vector<16xi32>
        %swap3A_396 = vector.shape_cast %min3A_388 : vector<16xi32> to vector<1x1x16xi32>
        tpu.vector_store %arg8[%swap3A_391, %swap3A_392, %swap3A_393], %swap3A_396 {strides = array<i32>} : memref<5x2x80xi32, #tpu.memory_space<vmem>>, vector<1x1x16xi32>,
        %get3A_397 = arith.constant 4 : i32
        %get3A_398 = arith.constant 0 : i32
        %get3A_399 = arith.index_cast %get3A_397 : i32 to index
        %get3A_400 = arith.index_cast %get3A_398 : i32 to index
        %get3A_401 = arith.constant 32 : index
        %get3A_402 = tpu.vector_load %arg9[%get3A_399, %get3A_400, %get3A_401] {strides = array<i32>} : memref<5x2x80xi32, #tpu.memory_space<vmem>>, vector<1x1x16xi32>,
        %get3A_403 = vector.shape_cast %get3A_402 : vector<1x1x16xi32> to vector<16xi32>
        %min3A_404 = arith.constant 511 : i32
        %min3A_405 = vector.broadcast %min3A_404 : i32 to vector<16xi32>
        %min3A_406 = arith.minsi %get3A_403, %min3A_405 : vector<16xi32>
        %swap3A_407 = arith.constant 4 : i32
        %swap3A_408 = arith.constant 0 : i32
        %swap3A_409 = arith.index_cast %swap3A_407 : i32 to index
        %swap3A_410 = arith.index_cast %swap3A_408 : i32 to index
        %swap3A_411 = arith.constant 32 : index
        %swap3A_412 = tpu.vector_load %arg9[%swap3A_409, %swap3A_410, %swap3A_411] {strides = array<i32>} : memref<5x2x80xi32, #tpu.memory_space<vmem>>, vector<1x1x16xi32>,
        %swap3A_413 = vector.shape_cast %swap3A_412 : vector<1x1x16xi32> to vector<16xi32>
        %swap3A_414 = vector.shape_cast %min3A_406 : vector<16xi32> to vector<1x1x16xi32>
        tpu.vector_store %arg9[%swap3A_409, %swap3A_410, %swap3A_411], %swap3A_414 {strides = array<i32>} : memref<5x2x80xi32, #tpu.memory_space<vmem>>, vector<1x1x16xi32>,
        %get3A_415 = arith.constant 4 : i32
        %get3A_416 = arith.constant 0 : i32
        %get3A_417 = arith.index_cast %get3A_415 : i32 to index
        %get3A_418 = arith.index_cast %get3A_416 : i32 to index
        %get3A_419 = arith.constant 48 : index
        %get3A_420 = tpu.vector_load %arg8[%get3A_417, %get3A_418, %get3A_419] {strides = array<i32>} : memref<5x2x80xi32, #tpu.memory_space<vmem>>, vector<1x1x16xi32>,
        %get3A_421 = vector.shape_cast %get3A_420 : vector<1x1x16xi32> to vector<16xi32>
        %min3A_422 = arith.constant 511 : i32
        %min3A_423 = vector.broadcast %min3A_422 : i32 to vector<16xi32>
        %min3A_424 = arith.minsi %get3A_421, %min3A_423 : vector<16xi32>
        %swap3A_425 = arith.constant 4 : i32
        %swap3A_426 = arith.constant 0 : i32
        %swap3A_427 = arith.index_cast %swap3A_425 : i32 to index
        %swap3A_428 = arith.index_cast %swap3A_426 : i32 to index
        %swap3A_429 = arith.constant 48 : index
        %swap3A_430 = tpu.vector_load %arg8[%swap3A_427, %swap3A_428, %swap3A_429] {strides = array<i32>} : memref<5x2x80xi32, #tpu.memory_space<vmem>>, vector<1x1x16xi32>,
        %swap3A_431 = vector.shape_cast %swap3A_430 : vector<1x1x16xi32> to vector<16xi32>
        %swap3A_432 = vector.shape_cast %min3A_424 : vector<16xi32> to vector<1x1x16xi32>
        tpu.vector_store %arg8[%swap3A_427, %swap3A_428, %swap3A_429], %swap3A_432 {strides = array<i32>} : memref<5x2x80xi32, #tpu.memory_space<vmem>>, vector<1x1x16xi32>,
        %get3A_433 = arith.constant 4 : i32
        %get3A_434 = arith.constant 0 : i32
        %get3A_435 = arith.index_cast %get3A_433 : i32 to index
        %get3A_436 = arith.index_cast %get3A_434 : i32 to index
        %get3A_437 = arith.constant 48 : index
        %get3A_438 = tpu.vector_load %arg9[%get3A_435, %get3A_436, %get3A_437] {strides = array<i32>} : memref<5x2x80xi32, #tpu.memory_space<vmem>>, vector<1x1x16xi32>,
        %get3A_439 = vector.shape_cast %get3A_438 : vector<1x1x16xi32> to vector<16xi32>
        %min3A_440 = arith.constant 511 : i32
        %min3A_441 = vector.broadcast %min3A_440 : i32 to vector<16xi32>
        %min3A_442 = arith.minsi %get3A_439, %min3A_441 : vector<16xi32>
        %swap3A_443 = arith.constant 4 : i32
        %swap3A_444 = arith.constant 0 : i32
        %swap3A_445 = arith.index_cast %swap3A_443 : i32 to index
        %swap3A_446 = arith.index_cast %swap3A_444 : i32 to index
        %swap3A_447 = arith.constant 48 : index
        %swap3A_448 = tpu.vector_load %arg9[%swap3A_445, %swap3A_446, %swap3A_447] {strides = array<i32>} : memref<5x2x80xi32, #tpu.memory_space<vmem>>, vector<1x1x16xi32>,
        %swap3A_449 = vector.shape_cast %swap3A_448 : vector<1x1x16xi32> to vector<16xi32>
        %swap3A_450 = vector.shape_cast %min3A_442 : vector<16xi32> to vector<1x1x16xi32>
        tpu.vector_store %arg9[%swap3A_445, %swap3A_446, %swap3A_447], %swap3A_450 {strides = array<i32>} : memref<5x2x80xi32, #tpu.memory_space<vmem>>, vector<1x1x16xi32>,
        %get3A_451 = arith.constant 4 : i32
        %get3A_452 = arith.constant 0 : i32
        %get3A_453 = arith.index_cast %get3A_451 : i32 to index
        %get3A_454 = arith.index_cast %get3A_452 : i32 to index
        %get3A_455 = arith.constant 64 : index
        %get3A_456 = tpu.vector_load %arg8[%get3A_453, %get3A_454, %get3A_455] {strides = array<i32>} : memref<5x2x80xi32, #tpu.memory_space<vmem>>, vector<1x1x16xi32>,
        %get3A_457 = vector.shape_cast %get3A_456 : vector<1x1x16xi32> to vector<16xi32>
        %min3A_458 = arith.constant 511 : i32
        %min3A_459 = vector.broadcast %min3A_458 : i32 to vector<16xi32>
        %min3A_460 = arith.minsi %get3A_457, %min3A_459 : vector<16xi32>
        %swap3A_461 = arith.constant 4 : i32
        %swap3A_462 = arith.constant 0 : i32
        %swap3A_463 = arith.index_cast %swap3A_461 : i32 to index
        %swap3A_464 = arith.index_cast %swap3A_462 : i32 to index
        %swap3A_465 = arith.constant 64 : index
        %swap3A_466 = tpu.vector_load %arg8[%swap3A_463, %swap3A_464, %swap3A_465] {strides = array<i32>} : memref<5x2x80xi32, #tpu.memory_space<vmem>>, vector<1x1x16xi32>,
        %swap3A_467 = vector.shape_cast %swap3A_466 : vector<1x1x16xi32> to vector<16xi32>
        %swap3A_468 = vector.shape_cast %min3A_460 : vector<16xi32> to vector<1x1x16xi32>
        tpu.vector_store %arg8[%swap3A_463, %swap3A_464, %swap3A_465], %swap3A_468 {strides = array<i32>} : memref<5x2x80xi32, #tpu.memory_space<vmem>>, vector<1x1x16xi32>,
        %get3A_469 = arith.constant 4 : i32
        %get3A_470 = arith.constant 0 : i32
        %get3A_471 = arith.index_cast %get3A_469 : i32 to index
        %get3A_472 = arith.index_cast %get3A_470 : i32 to index
        %get3A_473 = arith.constant 64 : index
        %get3A_474 = tpu.vector_load %arg9[%get3A_471, %get3A_472, %get3A_473] {strides = array<i32>} : memref<5x2x80xi32, #tpu.memory_space<vmem>>, vector<1x1x16xi32>,
        %get3A_475 = vector.shape_cast %get3A_474 : vector<1x1x16xi32> to vector<16xi32>
        %min3A_476 = arith.constant 511 : i32
        %min3A_477 = vector.broadcast %min3A_476 : i32 to vector<16xi32>
        %min3A_478 = arith.minsi %get3A_475, %min3A_477 : vector<16xi32>
        %swap3A_479 = arith.constant 4 : i32
        %swap3A_480 = arith.constant 0 : i32
        %swap3A_481 = arith.index_cast %swap3A_479 : i32 to index
        %swap3A_482 = arith.index_cast %swap3A_480 : i32 to index
        %swap3A_483 = arith.constant 64 : index
        %swap3A_484 = tpu.vector_load %arg9[%swap3A_481, %swap3A_482, %swap3A_483] {strides = array<i32>} : memref<5x2x80xi32, #tpu.memory_space<vmem>>, vector<1x1x16xi32>,
        %swap3A_485 = vector.shape_cast %swap3A_484 : vector<1x1x16xi32> to vector<16xi32>
        %swap3A_486 = vector.shape_cast %min3A_478 : vector<16xi32> to vector<1x1x16xi32>
        tpu.vector_store %arg9[%swap3A_481, %swap3A_482, %swap3A_483], %swap3A_486 {strides = array<i32>} : memref<5x2x80xi32, #tpu.memory_space<vmem>>, vector<1x1x16xi32>,
        %get3A_487 = arith.constant 4 : i32
        %get3A_488 = arith.constant 1 : i32
        %get3A_489 = arith.index_cast %get3A_487 : i32 to index
        %get3A_490 = arith.index_cast %get3A_488 : i32 to index
        %get3A_491 = arith.constant 0 : index
        %get3A_492 = tpu.vector_load %arg8[%get3A_489, %get3A_490, %get3A_491] {strides = array<i32>} : memref<5x2x80xi32, #tpu.memory_space<vmem>>, vector<1x1x16xi32>,
        %get3A_493 = vector.shape_cast %get3A_492 : vector<1x1x16xi32> to vector<16xi32>
        %min3A_494 = arith.constant 511 : i32
        %min3A_495 = vector.broadcast %min3A_494 : i32 to vector<16xi32>
        %min3A_496 = arith.minsi %get3A_493, %min3A_495 : vector<16xi32>
        %swap3A_497 = arith.constant 4 : i32
        %swap3A_498 = arith.constant 1 : i32
        %swap3A_499 = arith.index_cast %swap3A_497 : i32 to index
        %swap3A_500 = arith.index_cast %swap3A_498 : i32 to index
        %swap3A_501 = arith.constant 0 : index
        %swap3A_502 = tpu.vector_load %arg8[%swap3A_499, %swap3A_500, %swap3A_501] {strides = array<i32>} : memref<5x2x80xi32, #tpu.memory_space<vmem>>, vector<1x1x16xi32>,
        %swap3A_503 = vector.shape_cast %swap3A_502 : vector<1x1x16xi32> to vector<16xi32>
        %swap3A_504 = vector.shape_cast %min3A_496 : vector<16xi32> to vector<1x1x16xi32>
        tpu.vector_store %arg8[%swap3A_499, %swap3A_500, %swap3A_501], %swap3A_504 {strides = array<i32>} : memref<5x2x80xi32, #tpu.memory_space<vmem>>, vector<1x1x16xi32>,
        %get3A_505 = arith.constant 4 : i32
        %get3A_506 = arith.constant 1 : i32
        %get3A_507 = arith.index_cast %get3A_505 : i32 to index
        %get3A_508 = arith.index_cast %get3A_506 : i32 to index
        %get3A_509 = arith.constant 0 : index
        %get3A_510 = tpu.vector_load %arg9[%get3A_507, %get3A_508, %get3A_509] {strides = array<i32>} : memref<5x2x80xi32, #tpu.memory_space<vmem>>, vector<1x1x16xi32>,
        %get3A_511 = vector.shape_cast %get3A_510 : vector<1x1x16xi32> to vector<16xi32>
        %min3A_512 = arith.constant 511 : i32
        %min3A_513 = vector.broadcast %min3A_512 : i32 to vector<16xi32>
        %min3A_514 = arith.minsi %get3A_511, %min3A_513 : vector<16xi32>
        %swap3A_515 = arith.constant 4 : i32
        %swap3A_516 = arith.constant 1 : i32
        %swap3A_517 = arith.index_cast %swap3A_515 : i32 to index
        %swap3A_518 = arith.index_cast %swap3A_516 : i32 to index
        %swap3A_519 = arith.constant 0 : index
        %swap3A_520 = tpu.vector_load %arg9[%swap3A_517, %swap3A_518, %swap3A_519] {strides = array<i32>} : memref<5x2x80xi32, #tpu.memory_space<vmem>>, vector<1x1x16xi32>,
        %swap3A_521 = vector.shape_cast %swap3A_520 : vector<1x1x16xi32> to vector<16xi32>
        %swap3A_522 = vector.shape_cast %min3A_514 : vector<16xi32> to vector<1x1x16xi32>
        tpu.vector_store %arg9[%swap3A_517, %swap3A_518, %swap3A_519], %swap3A_522 {strides = array<i32>} : memref<5x2x80xi32, #tpu.memory_space<vmem>>, vector<1x1x16xi32>,
        %get3A_523 = arith.constant 4 : i32
        %get3A_524 = arith.constant 1 : i32
        %get3A_525 = arith.index_cast %get3A_523 : i32 to index
        %get3A_526 = arith.index_cast %get3A_524 : i32 to index
        %get3A_527 = arith.constant 16 : index
        %get3A_528 = tpu.vector_load %arg8[%get3A_525, %get3A_526, %get3A_527] {strides = array<i32>} : memref<5x2x80xi32, #tpu.memory_space<vmem>>, vector<1x1x16xi32>,
        %get3A_529 = vector.shape_cast %get3A_528 : vector<1x1x16xi32> to vector<16xi32>
        %min3A_530 = arith.constant 511 : i32
        %min3A_531 = vector.broadcast %min3A_530 : i32 to vector<16xi32>
        %min3A_532 = arith.minsi %get3A_529, %min3A_531 : vector<16xi32>
        %swap3A_533 = arith.constant 4 : i32
        %swap3A_534 = arith.constant 1 : i32
        %swap3A_535 = arith.index_cast %swap3A_533 : i32 to index
        %swap3A_536 = arith.index_cast %swap3A_534 : i32 to index
        %swap3A_537 = arith.constant 16 : index
        %swap3A_538 = tpu.vector_load %arg8[%swap3A_535, %swap3A_536, %swap3A_537] {strides = array<i32>} : memref<5x2x80xi32, #tpu.memory_space<vmem>>, vector<1x1x16xi32>,
        %swap3A_539 = vector.shape_cast %swap3A_538 : vector<1x1x16xi32> to vector<16xi32>
        %swap3A_540 = vector.shape_cast %min3A_532 : vector<16xi32> to vector<1x1x16xi32>
        tpu.vector_store %arg8[%swap3A_535, %swap3A_536, %swap3A_537], %swap3A_540 {strides = array<i32>} : memref<5x2x80xi32, #tpu.memory_space<vmem>>, vector<1x1x16xi32>,
        %get3A_541 = arith.constant 4 : i32
        %get3A_542 = arith.constant 1 : i32
        %get3A_543 = arith.index_cast %get3A_541 : i32 to index
        %get3A_544 = arith.index_cast %get3A_542 : i32 to index
        %get3A_545 = arith.constant 16 : index
        %get3A_546 = tpu.vector_load %arg9[%get3A_543, %get3A_544, %get3A_545] {strides = array<i32>} : memref<5x2x80xi32, #tpu.memory_space<vmem>>, vector<1x1x16xi32>,
        %get3A_547 = vector.shape_cast %get3A_546 : vector<1x1x16xi32> to vector<16xi32>
        %min3A_548 = arith.constant 511 : i32
        %min3A_549 = vector.broadcast %min3A_548 : i32 to vector<16xi32>
        %min3A_550 = arith.minsi %get3A_547, %min3A_549 : vector<16xi32>
        %swap3A_551 = arith.constant 4 : i32
        %swap3A_552 = arith.constant 1 : i32
        %swap3A_553 = arith.index_cast %swap3A_551 : i32 to index
        %swap3A_554 = arith.index_cast %swap3A_552 : i32 to index
        %swap3A_555 = arith.constant 16 : index
        %swap3A_556 = tpu.vector_load %arg9[%swap3A_553, %swap3A_554, %swap3A_555] {strides = array<i32>} : memref<5x2x80xi32, #tpu.memory_space<vmem>>, vector<1x1x16xi32>,
        %swap3A_557 = vector.shape_cast %swap3A_556 : vector<1x1x16xi32> to vector<16xi32>
        %swap3A_558 = vector.shape_cast %min3A_550 : vector<16xi32> to vector<1x1x16xi32>
        tpu.vector_store %arg9[%swap3A_553, %swap3A_554, %swap3A_555], %swap3A_558 {strides = array<i32>} : memref<5x2x80xi32, #tpu.memory_space<vmem>>, vector<1x1x16xi32>,
        %get3A_559 = arith.constant 4 : i32
        %get3A_560 = arith.constant 1 : i32
        %get3A_561 = arith.index_cast %get3A_559 : i32 to index
        %get3A_562 = arith.index_cast %get3A_560 : i32 to index
        %get3A_563 = arith.constant 32 : index
        %get3A_564 = tpu.vector_load %arg8[%get3A_561, %get3A_562, %get3A_563] {strides = array<i32>} : memref<5x2x80xi32, #tpu.memory_space<vmem>>, vector<1x1x16xi32>,
        %get3A_565 = vector.shape_cast %get3A_564 : vector<1x1x16xi32> to vector<16xi32>
        %min3A_566 = arith.constant 511 : i32
        %min3A_567 = vector.broadcast %min3A_566 : i32 to vector<16xi32>
        %min3A_568 = arith.minsi %get3A_565, %min3A_567 : vector<16xi32>
        %swap3A_569 = arith.constant 4 : i32
        %swap3A_570 = arith.constant 1 : i32
        %swap3A_571 = arith.index_cast %swap3A_569 : i32 to index
        %swap3A_572 = arith.index_cast %swap3A_570 : i32 to index
        %swap3A_573 = arith.constant 32 : index
        %swap3A_574 = tpu.vector_load %arg8[%swap3A_571, %swap3A_572, %swap3A_573] {strides = array<i32>} : memref<5x2x80xi32, #tpu.memory_space<vmem>>, vector<1x1x16xi32>,
        %swap3A_575 = vector.shape_cast %swap3A_574 : vector<1x1x16xi32> to vector<16xi32>
        %swap3A_576 = vector.shape_cast %min3A_568 : vector<16xi32> to vector<1x1x16xi32>
        tpu.vector_store %arg8[%swap3A_571, %swap3A_572, %swap3A_573], %swap3A_576 {strides = array<i32>} : memref<5x2x80xi32, #tpu.memory_space<vmem>>, vector<1x1x16xi32>,
        %get3A_577 = arith.constant 4 : i32
        %get3A_578 = arith.constant 1 : i32
        %get3A_579 = arith.index_cast %get3A_577 : i32 to index
        %get3A_580 = arith.index_cast %get3A_578 : i32 to index
        %get3A_581 = arith.constant 32 : index
        %get3A_582 = tpu.vector_load %arg9[%get3A_579, %get3A_580, %get3A_581] {strides = array<i32>} : memref<5x2x80xi32, #tpu.memory_space<vmem>>, vector<1x1x16xi32>,
        %get3A_583 = vector.shape_cast %get3A_582 : vector<1x1x16xi32> to vector<16xi32>
        %min3A_584 = arith.constant 511 : i32
        %min3A_585 = vector.broadcast %min3A_584 : i32 to vector<16xi32>
        %min3A_586 = arith.minsi %get3A_583, %min3A_585 : vector<16xi32>
        %swap3A_587 = arith.constant 4 : i32
        %swap3A_588 = arith.constant 1 : i32
        %swap3A_589 = arith.index_cast %swap3A_587 : i32 to index
        %swap3A_590 = arith.index_cast %swap3A_588 : i32 to index
        %swap3A_591 = arith.constant 32 : index
        %swap3A_592 = tpu.vector_load %arg9[%swap3A_589, %swap3A_590, %swap3A_591] {strides = array<i32>} : memref<5x2x80xi32, #tpu.memory_space<vmem>>, vector<1x1x16xi32>,
        %swap3A_593 = vector.shape_cast %swap3A_592 : vector<1x1x16xi32> to vector<16xi32>
        %swap3A_594 = vector.shape_cast %min3A_586 : vector<16xi32> to vector<1x1x16xi32>
        tpu.vector_store %arg9[%swap3A_589, %swap3A_590, %swap3A_591], %swap3A_594 {strides = array<i32>} : memref<5x2x80xi32, #tpu.memory_space<vmem>>, vector<1x1x16xi32>,
        %get3A_595 = arith.constant 4 : i32
        %get3A_596 = arith.constant 1 : i32
        %get3A_597 = arith.index_cast %get3A_595 : i32 to index
        %get3A_598 = arith.index_cast %get3A_596 : i32 to index
        %get3A_599 = arith.constant 48 : index
        %get3A_600 = tpu.vector_load %arg8[%get3A_597, %get3A_598, %get3A_599] {strides = array<i32>} : memref<5x2x80xi32, #tpu.memory_space<vmem>>, vector<1x1x16xi32>,
        %get3A_601 = vector.shape_cast %get3A_600 : vector<1x1x16xi32> to vector<16xi32>
        %min3A_602 = arith.constant 511 : i32
        %min3A_603 = vector.broadcast %min3A_602 : i32 to vector<16xi32>
        %min3A_604 = arith.minsi %get3A_601, %min3A_603 : vector<16xi32>
        %swap3A_605 = arith.constant 4 : i32
        %swap3A_606 = arith.constant 1 : i32
        %swap3A_607 = arith.index_cast %swap3A_605 : i32 to index
        %swap3A_608 = arith.index_cast %swap3A_606 : i32 to index
        %swap3A_609 = arith.constant 48 : index
        %swap3A_610 = tpu.vector_load %arg8[%swap3A_607, %swap3A_608, %swap3A_609] {strides = array<i32>} : memref<5x2x80xi32, #tpu.memory_space<vmem>>, vector<1x1x16xi32>,
        %swap3A_611 = vector.shape_cast %swap3A_610 : vector<1x1x16xi32> to vector<16xi32>
        %swap3A_612 = vector.shape_cast %min3A_604 : vector<16xi32> to vector<1x1x16xi32>
        tpu.vector_store %arg8[%swap3A_607, %swap3A_608, %swap3A_609], %swap3A_612 {strides = array<i32>} : memref<5x2x80xi32, #tpu.memory_space<vmem>>, vector<1x1x16xi32>,
        %get3A_613 = arith.constant 4 : i32
        %get3A_614 = arith.constant 1 : i32
        %get3A_615 = arith.index_cast %get3A_613 : i32 to index
        %get3A_616 = arith.index_cast %get3A_614 : i32 to index
        %get3A_617 = arith.constant 48 : index
        %get3A_618 = tpu.vector_load %arg9[%get3A_615, %get3A_616, %get3A_617] {strides = array<i32>} : memref<5x2x80xi32, #tpu.memory_space<vmem>>, vector<1x1x16xi32>,
        %get3A_619 = vector.shape_cast %get3A_618 : vector<1x1x16xi32> to vector<16xi32>
        %min3A_620 = arith.constant 511 : i32
        %min3A_621 = vector.broadcast %min3A_620 : i32 to vector<16xi32>
        %min3A_622 = arith.minsi %get3A_619, %min3A_621 : vector<16xi32>
        %swap3A_623 = arith.constant 4 : i32
        %swap3A_624 = arith.constant 1 : i32
        %swap3A_625 = arith.index_cast %swap3A_623 : i32 to index
        %swap3A_626 = arith.index_cast %swap3A_624 : i32 to index
        %swap3A_627 = arith.constant 48 : index
        %swap3A_628 = tpu.vector_load %arg9[%swap3A_625, %swap3A_626, %swap3A_627] {strides = array<i32>} : memref<5x2x80xi32, #tpu.memory_space<vmem>>, vector<1x1x16xi32>,
        %swap3A_629 = vector.shape_cast %swap3A_628 : vector<1x1x16xi32> to vector<16xi32>
        %swap3A_630 = vector.shape_cast %min3A_622 : vector<16xi32> to vector<1x1x16xi32>
        tpu.vector_store %arg9[%swap3A_625, %swap3A_626, %swap3A_627], %swap3A_630 {strides = array<i32>} : memref<5x2x80xi32, #tpu.memory_space<vmem>>, vector<1x1x16xi32>,
        %get3A_631 = arith.constant 4 : i32
        %get3A_632 = arith.constant 1 : i32
        %get3A_633 = arith.index_cast %get3A_631 : i32 to index
        %get3A_634 = arith.index_cast %get3A_632 : i32 to index
        %get3A_635 = arith.constant 64 : index
        %get3A_636 = tpu.vector_load %arg8[%get3A_633, %get3A_634, %get3A_635] {strides = array<i32>} : memref<5x2x80xi32, #tpu.memory_space<vmem>>, vector<1x1x16xi32>,
        %get3A_637 = vector.shape_cast %get3A_636 : vector<1x1x16xi32> to vector<16xi32>
        %min3A_638 = arith.constant 511 : i32
        %min3A_639 = vector.broadcast %min3A_638 : i32 to vector<16xi32>
        %min3A_640 = arith.minsi %get3A_637, %min3A_639 : vector<16xi32>
        %swap3A_641 = arith.constant 4 : i32
        %swap3A_642 = arith.constant 1 : i32
        %swap3A_643 = arith.index_cast %swap3A_641 : i32 to index
        %swap3A_644 = arith.index_cast %swap3A_642 : i32 to index
        %swap3A_645 = arith.constant 64 : index
        %swap3A_646 = tpu.vector_load %arg8[%swap3A_643, %swap3A_644, %swap3A_645] {strides = array<i32>} : memref<5x2x80xi32, #tpu.memory_space<vmem>>, vector<1x1x16xi32>,
        %swap3A_647 = vector.shape_cast %swap3A_646 : vector<1x1x16xi32> to vector<16xi32>
        %swap3A_648 = vector.shape_cast %min3A_640 : vector<16xi32> to vector<1x1x16xi32>
        tpu.vector_store %arg8[%swap3A_643, %swap3A_644, %swap3A_645], %swap3A_648 {strides = array<i32>} : memref<5x2x80xi32, #tpu.memory_space<vmem>>, vector<1x1x16xi32>,
        %get3A_649 = arith.constant 4 : i32
        %get3A_650 = arith.constant 1 : i32
        %get3A_651 = arith.index_cast %get3A_649 : i32 to index
        %get3A_652 = arith.index_cast %get3A_650 : i32 to index
        %get3A_653 = arith.constant 64 : index
        %get3A_654 = tpu.vector_load %arg9[%get3A_651, %get3A_652, %get3A_653] {strides = array<i32>} : memref<5x2x80xi32, #tpu.memory_space<vmem>>, vector<1x1x16xi32>,
        %get3A_655 = vector.shape_cast %get3A_654 : vector<1x1x16xi32> to vector<16xi32>
        %min3A_656 = arith.constant 511 : i32
        %min3A_657 = vector.broadcast %min3A_656 : i32 to vector<16xi32>
        %min3A_658 = arith.minsi %get3A_655, %min3A_657 : vector<16xi32>
        %swap3A_659 = arith.constant 4 : i32
        %swap3A_660 = arith.constant 1 : i32
        %swap3A_661 = arith.index_cast %swap3A_659 : i32 to index
        %swap3A_662 = arith.index_cast %swap3A_660 : i32 to index
        %swap3A_663 = arith.constant 64 : index
        %swap3A_664 = tpu.vector_load %arg9[%swap3A_661, %swap3A_662, %swap3A_663] {strides = array<i32>} : memref<5x2x80xi32, #tpu.memory_space<vmem>>, vector<1x1x16xi32>,
        %swap3A_665 = vector.shape_cast %swap3A_664 : vector<1x1x16xi32> to vector<16xi32>
        %swap3A_666 = vector.shape_cast %min3A_658 : vector<16xi32> to vector<1x1x16xi32>
        tpu.vector_store %arg9[%swap3A_661, %swap3A_662, %swap3A_663], %swap3A_666 {strides = array<i32>} : memref<5x2x80xi32, #tpu.memory_space<vmem>>, vector<1x1x16xi32>,
        %dma_wait3A_667 = arith.constant 4 : i32
        %dma_wait3A_668 = arith.constant 0 : i32
        %dma_wait3A_669 = arith.constant 0 : i32
        %dma_wait3A_670 = tpu.memref_slice %arg10[%dma_wait3A_667, %dma_wait3A_668, %dma_wait3A_669] : memref<5x160x128xf32, #tpu.memory_space<vmem>> -> memref<1x160x128xf32, #tpu.memory_space<vmem>>
        %dma_wait3A_671 = tpu.memref_squeeze %dma_wait3A_670 : memref<1x160x128xf32, #tpu.memory_space<vmem>> -> memref<160x128xf32, #tpu.memory_space<vmem>>
        %dma_wait3A_672 = arith.constant 0 : i32
        %dma_wait3A_673 = tpu.memref_slice %arg2[%mul3A_268, %dma_wait3A_672] : memref<100000x128xf32, #tpu.memory_space<hbm>> -> memref<160x128xf32, #tpu.memory_space<hbm>>
        %dma_wait3A_674 = arith.constant 0 : i32
        %dma_wait3A_675 = arith.constant 0 : i32
        %dma_wait3A_676 = tpu.memref_slice %arg10[%dma_wait3A_667, %dma_wait3A_674, %dma_wait3A_675] : memref<5x160x128xf32, #tpu.memory_space<vmem>> -> memref<1x160x128xf32, #tpu.memory_space<vmem>>
        %dma_wait3A_677 = tpu.memref_squeeze %dma_wait3A_676 : memref<1x160x128xf32, #tpu.memory_space<vmem>> -> memref<160x128xf32, #tpu.memory_space<vmem>>
        %dma_wait3A_678 = arith.constant 0 : i32
        %dma_wait3A_679 = tpu.memref_slice %arg2[%mul3A_268, %dma_wait3A_678] : memref<100000x128xf32, #tpu.memory_space<hbm>> -> memref<160x128xf32, #tpu.memory_space<hbm>>
        tpu.wait_dma2 semaphore(%arg17 : memref<!tpu.dma_semaphore, #tpu.memory_space<semaphore_mem>>) src(%dma_wait3A_679 : memref<160x128xf32, #tpu.memory_space<hbm>>) dst(%dma_wait3A_677 : memref<160x128xf32, #tpu.memory_space<vmem>>)
        %dma_start3A = arith.constant 4 : i32
        %dma_start3A_680 = arith.constant 0 : i32
        %dma_start3A_681 = arith.constant 4 : i32
        %dma_start3A_682 = arith.constant 0 : i32
        %dma_start3A_683 = arith.constant 0 : i32
        %dma_start3A_684 = tpu.memref_slice %arg10[%dma_start3A_681, %dma_start3A_682, %dma_start3A_683] : memref<5x160x128xf32, #tpu.memory_space<vmem>> -> memref<1x80x128xf32, #tpu.memory_space<vmem>>
        %dma_start3A_685 = tpu.memref_squeeze %dma_start3A_684 : memref<1x80x128xf32, #tpu.memory_space<vmem>> -> memref<80x128xf32, #tpu.memory_space<vmem>>
        %dma_start3A_686 = arith.constant 0 : i32
        %dma_start3A_687 = tpu.memref_slice %arg8[%dma_start3A, %dma_start3A_680, %dma_start3A_686] : memref<5x2x80xi32, #tpu.memory_space<vmem>> -> memref<1x1x80xi32, #tpu.memory_space<vmem>>
        %dma_start3A_688 = tpu.memref_squeeze %dma_start3A_687 : memref<1x1x80xi32, #tpu.memory_space<vmem>> -> memref<80xi32, #tpu.memory_space<vmem>>
        %dma_start3A_689 = arith.constant 0 : i32
        %dma_start3A_690 = arith.constant 0 : i32
        %dma_start3A_691 = tpu.memref_slice %arg11[%dma_start3A_689, %dma_start3A_690] : memref<512x128xf32, #tpu.memory_space<vmem_shared>> -> memref<512x128xf32, #tpu.memory_space<vmem_shared>>
        tpu.enqueue_indirect_dma source(%dma_start3A_691 : memref<512x128xf32, #tpu.memory_space<vmem_shared>>) target(%dma_start3A_685 : memref<80x128xf32, #tpu.memory_space<vmem>>) offsets(%dma_start3A_688 : memref<80xi32, #tpu.memory_space<vmem>>) semaphore(%arg27 : memref<!tpu.dma_semaphore, #tpu.memory_space<semaphore_mem>>) {add = true}
        %dma_start3A_692 = arith.constant 4 : i32
        %dma_start3A_693 = arith.constant 0 : i32
        %dma_start3A_694 = arith.constant 4 : i32
        %dma_start3A_695 = arith.constant 0 : i32
        %dma_start3A_696 = arith.constant 0 : i32
        %dma_start3A_697 = tpu.memref_slice %arg10[%dma_start3A_694, %dma_start3A_695, %dma_start3A_696] : memref<5x160x128xf32, #tpu.memory_space<vmem>> -> memref<1x80x128xf32, #tpu.memory_space<vmem>>
        %dma_start3A_698 = tpu.memref_squeeze %dma_start3A_697 : memref<1x80x128xf32, #tpu.memory_space<vmem>> -> memref<80x128xf32, #tpu.memory_space<vmem>>
        %dma_start3A_699 = arith.constant 0 : i32
        %dma_start3A_700 = tpu.memref_slice %arg9[%dma_start3A_692, %dma_start3A_693, %dma_start3A_699] : memref<5x2x80xi32, #tpu.memory_space<vmem>> -> memref<1x1x80xi32, #tpu.memory_space<vmem>>
        %dma_start3A_701 = tpu.memref_squeeze %dma_start3A_700 : memref<1x1x80xi32, #tpu.memory_space<vmem>> -> memref<80xi32, #tpu.memory_space<vmem>>
        %dma_start3A_702 = arith.constant 0 : i32
        %dma_start3A_703 = arith.constant 0 : i32
        %dma_start3A_704 = tpu.memref_slice %arg12[%dma_start3A_702, %dma_start3A_703] : memref<512x128xf32, #tpu.memory_space<vmem_shared>> -> memref<512x128xf32, #tpu.memory_space<vmem_shared>>
        tpu.enqueue_indirect_dma source(%dma_start3A_704 : memref<512x128xf32, #tpu.memory_space<vmem_shared>>) target(%dma_start3A_698 : memref<80x128xf32, #tpu.memory_space<vmem>>) offsets(%dma_start3A_701 : memref<80xi32, #tpu.memory_space<vmem>>) semaphore(%arg27 : memref<!tpu.dma_semaphore, #tpu.memory_space<semaphore_mem>>) {add = true}
        %dma_start3A_705 = arith.constant 4 : i32
        %dma_start3A_706 = arith.constant 1 : i32
        %dma_start3A_707 = arith.constant 4 : i32
        %dma_start3A_708 = arith.constant 80 : i32
        %dma_start3A_709 = arith.constant 0 : i32
        %dma_start3A_710 = tpu.memref_slice %arg10[%dma_start3A_707, %dma_start3A_708, %dma_start3A_709] : memref<5x160x128xf32, #tpu.memory_space<vmem>> -> memref<1x80x128xf32, #tpu.memory_space<vmem>>
        %dma_start3A_711 = tpu.memref_squeeze %dma_start3A_710 : memref<1x80x128xf32, #tpu.memory_space<vmem>> -> memref<80x128xf32, #tpu.memory_space<vmem>>
        %dma_start3A_712 = arith.constant 0 : i32
        %dma_start3A_713 = tpu.memref_slice %arg8[%dma_start3A_705, %dma_start3A_706, %dma_start3A_712] : memref<5x2x80xi32, #tpu.memory_space<vmem>> -> memref<1x1x80xi32, #tpu.memory_space<vmem>>
        %dma_start3A_714 = tpu.memref_squeeze %dma_start3A_713 : memref<1x1x80xi32, #tpu.memory_space<vmem>> -> memref<80xi32, #tpu.memory_space<vmem>>
        %dma_start3A_715 = arith.constant 0 : i32
        %dma_start3A_716 = arith.constant 0 : i32
        %dma_start3A_717 = tpu.memref_slice %arg11[%dma_start3A_715, %dma_start3A_716] : memref<512x128xf32, #tpu.memory_space<vmem_shared>> -> memref<512x128xf32, #tpu.memory_space<vmem_shared>>
        tpu.enqueue_indirect_dma source(%dma_start3A_717 : memref<512x128xf32, #tpu.memory_space<vmem_shared>>) target(%dma_start3A_711 : memref<80x128xf32, #tpu.memory_space<vmem>>) offsets(%dma_start3A_714 : memref<80xi32, #tpu.memory_space<vmem>>) semaphore(%arg27 : memref<!tpu.dma_semaphore, #tpu.memory_space<semaphore_mem>>) {add = true}
        %dma_start3A_718 = arith.constant 4 : i32
        %dma_start3A_719 = arith.constant 1 : i32
        %dma_start3A_720 = arith.constant 4 : i32
        %dma_start3A_721 = arith.constant 80 : i32
        %dma_start3A_722 = arith.constant 0 : i32
        %dma_start3A_723 = tpu.memref_slice %arg10[%dma_start3A_720, %dma_start3A_721, %dma_start3A_722] : memref<5x160x128xf32, #tpu.memory_space<vmem>> -> memref<1x80x128xf32, #tpu.memory_space<vmem>>
        %dma_start3A_724 = tpu.memref_squeeze %dma_start3A_723 : memref<1x80x128xf32, #tpu.memory_space<vmem>> -> memref<80x128xf32, #tpu.memory_space<vmem>>
        %dma_start3A_725 = arith.constant 0 : i32
        %dma_start3A_726 = tpu.memref_slice %arg9[%dma_start3A_718, %dma_start3A_719, %dma_start3A_725] : memref<5x2x80xi32, #tpu.memory_space<vmem>> -> memref<1x1x80xi32, #tpu.memory_space<vmem>>
        %dma_start3A_727 = tpu.memref_squeeze %dma_start3A_726 : memref<1x1x80xi32, #tpu.memory_space<vmem>> -> memref<80xi32, #tpu.memory_space<vmem>>
        %dma_start3A_728 = arith.constant 0 : i32
        %dma_start3A_729 = arith.constant 0 : i32
        %dma_start3A_730 = tpu.memref_slice %arg12[%dma_start3A_728, %dma_start3A_729] : memref<512x128xf32, #tpu.memory_space<vmem_shared>> -> memref<512x128xf32, #tpu.memory_space<vmem_shared>>
        tpu.enqueue_indirect_dma source(%dma_start3A_730 : memref<512x128xf32, #tpu.memory_space<vmem_shared>>) target(%dma_start3A_724 : memref<80x128xf32, #tpu.memory_space<vmem>>) offsets(%dma_start3A_727 : memref<80xi32, #tpu.memory_space<vmem>>) semaphore(%arg27 : memref<!tpu.dma_semaphore, #tpu.memory_space<semaphore_mem>>) {add = true}
      } else {
      }
      %sub3A_102 = arith.constant 3 : i32
      %sub3A_103 = arith.subi %add3A_81, %sub3A_102 : i32
      %mul3A_104 = arith.constant 32 : i32
      %mul3A_105 = arith.muli %sub3A_103, %mul3A_104 : i32
      %add3A_106 = arith.addi %mul3A_105, %add3A : i32
      %ge3A_107 = arith.constant 0 : i32
      %ge3A_108 = arith.cmpi sge, %sub3A_103, %ge3A_107 : i32
      %lt3A_109 = arith.constant 625 : i32
      %lt3A_110 = arith.cmpi slt, %add3A_106, %lt3A_109 : i32
      %and3A_111 = arith.andi %ge3A_108, %lt3A_110 : i1
      %convert_element_type3A_112 = arith.extui %and3A_111 : i1 to i32
      %cond3A_113 = arith.constant 0 : i32
      %cond3A_114 = arith.cmpi ne, %convert_element_type3A_112, %cond3A_113 : i32
      scf.if %cond3A_114 {
        %mul3A_267 = arith.constant 160 : i32
        %mul3A_268 = arith.muli %add3A_106, %mul3A_267 : i32
        %mul3A_269 = arith.constant 160 : i32
        %mul3A_270 = arith.muli %add3A_106, %mul3A_269 : i32
        %dma_wait3A = arith.constant 2 : i32
        %dma_wait3A_271 = arith.constant 0 : i32
        %dma_wait3A_272 = arith.constant 0 : i32
        %dma_wait3A_273 = tpu.memref_slice %arg10[%dma_wait3A, %dma_wait3A_271, %dma_wait3A_272] : memref<5x160x128xf32, #tpu.memory_space<vmem>> -> memref<1x80x128xf32, #tpu.memory_space<vmem>>
        %dma_wait3A_274 = tpu.memref_squeeze %dma_wait3A_273 : memref<1x80x128xf32, #tpu.memory_space<vmem>> -> memref<80x128xf32, #tpu.memory_space<vmem>>
        %dma_wait3A_275 = arith.constant 0 : i32
        %dma_wait3A_276 = tpu.memref_slice %arg2[%mul3A_270, %dma_wait3A_275] : memref<100000x128xf32, #tpu.memory_space<hbm>> -> memref<80x128xf32, #tpu.memory_space<hbm>>
        %dma_wait3A_277 = arith.constant 0 : i32
        %dma_wait3A_278 = arith.constant 0 : i32
        %dma_wait3A_279 = tpu.memref_slice %arg10[%dma_wait3A, %dma_wait3A_277, %dma_wait3A_278] : memref<5x160x128xf32, #tpu.memory_space<vmem>> -> memref<1x80x128xf32, #tpu.memory_space<vmem>>
        %dma_wait3A_280 = tpu.memref_squeeze %dma_wait3A_279 : memref<1x80x128xf32, #tpu.memory_space<vmem>> -> memref<80x128xf32, #tpu.memory_space<vmem>>
        %dma_wait3A_281 = arith.constant 0 : i32
        %dma_wait3A_282 = tpu.memref_slice %arg2[%mul3A_270, %dma_wait3A_281] : memref<100000x128xf32, #tpu.memory_space<hbm>> -> memref<80x128xf32, #tpu.memory_space<hbm>>
        tpu.wait_dma2 semaphore(%arg25 : memref<!tpu.dma_semaphore, #tpu.memory_space<semaphore_mem>>) src(%dma_wait3A_282 : memref<80x128xf32, #tpu.memory_space<hbm>>) dst(%dma_wait3A_280 : memref<80x128xf32, #tpu.memory_space<vmem>>)
        %dma_wait3A_283 = arith.constant 2 : i32
        %dma_wait3A_284 = arith.constant 0 : i32
        %dma_wait3A_285 = arith.constant 0 : i32
        %dma_wait3A_286 = tpu.memref_slice %arg10[%dma_wait3A_283, %dma_wait3A_284, %dma_wait3A_285] : memref<5x160x128xf32, #tpu.memory_space<vmem>> -> memref<1x80x128xf32, #tpu.memory_space<vmem>>
        %dma_wait3A_287 = tpu.memref_squeeze %dma_wait3A_286 : memref<1x80x128xf32, #tpu.memory_space<vmem>> -> memref<80x128xf32, #tpu.memory_space<vmem>>
        %dma_wait3A_288 = arith.constant 0 : i32
        %dma_wait3A_289 = tpu.memref_slice %arg2[%mul3A_270, %dma_wait3A_288] : memref<100000x128xf32, #tpu.memory_space<hbm>> -> memref<80x128xf32, #tpu.memory_space<hbm>>
        %dma_wait3A_290 = arith.constant 0 : i32
        %dma_wait3A_291 = arith.constant 0 : i32
        %dma_wait3A_292 = tpu.memref_slice %arg10[%dma_wait3A_283, %dma_wait3A_290, %dma_wait3A_291] : memref<5x160x128xf32, #tpu.memory_space<vmem>> -> memref<1x80x128xf32, #tpu.memory_space<vmem>>
        %dma_wait3A_293 = tpu.memref_squeeze %dma_wait3A_292 : memref<1x80x128xf32, #tpu.memory_space<vmem>> -> memref<80x128xf32, #tpu.memory_space<vmem>>
        %dma_wait3A_294 = arith.constant 0 : i32
        %dma_wait3A_295 = tpu.memref_slice %arg2[%mul3A_270, %dma_wait3A_294] : memref<100000x128xf32, #tpu.memory_space<hbm>> -> memref<80x128xf32, #tpu.memory_space<hbm>>
        tpu.wait_dma2 semaphore(%arg25 : memref<!tpu.dma_semaphore, #tpu.memory_space<semaphore_mem>>) src(%dma_wait3A_295 : memref<80x128xf32, #tpu.memory_space<hbm>>) dst(%dma_wait3A_293 : memref<80x128xf32, #tpu.memory_space<vmem>>)
        %dma_wait3A_296 = arith.constant 2 : i32
        %dma_wait3A_297 = arith.constant 0 : i32
        %dma_wait3A_298 = arith.constant 0 : i32
        %dma_wait3A_299 = tpu.memref_slice %arg10[%dma_wait3A_296, %dma_wait3A_297, %dma_wait3A_298] : memref<5x160x128xf32, #tpu.memory_space<vmem>> -> memref<1x80x128xf32, #tpu.memory_space<vmem>>
        %dma_wait3A_300 = tpu.memref_squeeze %dma_wait3A_299 : memref<1x80x128xf32, #tpu.memory_space<vmem>> -> memref<80x128xf32, #tpu.memory_space<vmem>>
        %dma_wait3A_301 = arith.constant 0 : i32
        %dma_wait3A_302 = tpu.memref_slice %arg2[%mul3A_270, %dma_wait3A_301] : memref<100000x128xf32, #tpu.memory_space<hbm>> -> memref<80x128xf32, #tpu.memory_space<hbm>>
        %dma_wait3A_303 = arith.constant 0 : i32
        %dma_wait3A_304 = arith.constant 0 : i32
        %dma_wait3A_305 = tpu.memref_slice %arg10[%dma_wait3A_296, %dma_wait3A_303, %dma_wait3A_304] : memref<5x160x128xf32, #tpu.memory_space<vmem>> -> memref<1x80x128xf32, #tpu.memory_space<vmem>>
        %dma_wait3A_306 = tpu.memref_squeeze %dma_wait3A_305 : memref<1x80x128xf32, #tpu.memory_space<vmem>> -> memref<80x128xf32, #tpu.memory_space<vmem>>
        %dma_wait3A_307 = arith.constant 0 : i32
        %dma_wait3A_308 = tpu.memref_slice %arg2[%mul3A_270, %dma_wait3A_307] : memref<100000x128xf32, #tpu.memory_space<hbm>> -> memref<80x128xf32, #tpu.memory_space<hbm>>
        tpu.wait_dma2 semaphore(%arg25 : memref<!tpu.dma_semaphore, #tpu.memory_space<semaphore_mem>>) src(%dma_wait3A_308 : memref<80x128xf32, #tpu.memory_space<hbm>>) dst(%dma_wait3A_306 : memref<80x128xf32, #tpu.memory_space<vmem>>)
        %dma_wait3A_309 = arith.constant 2 : i32
        %dma_wait3A_310 = arith.constant 0 : i32
        %dma_wait3A_311 = arith.constant 0 : i32
        %dma_wait3A_312 = tpu.memref_slice %arg10[%dma_wait3A_309, %dma_wait3A_310, %dma_wait3A_311] : memref<5x160x128xf32, #tpu.memory_space<vmem>> -> memref<1x80x128xf32, #tpu.memory_space<vmem>>
        %dma_wait3A_313 = tpu.memref_squeeze %dma_wait3A_312 : memref<1x80x128xf32, #tpu.memory_space<vmem>> -> memref<80x128xf32, #tpu.memory_space<vmem>>
        %dma_wait3A_314 = arith.constant 0 : i32
        %dma_wait3A_315 = tpu.memref_slice %arg2[%mul3A_270, %dma_wait3A_314] : memref<100000x128xf32, #tpu.memory_space<hbm>> -> memref<80x128xf32, #tpu.memory_space<hbm>>
        %dma_wait3A_316 = arith.constant 0 : i32
        %dma_wait3A_317 = arith.constant 0 : i32
        %dma_wait3A_318 = tpu.memref_slice %arg10[%dma_wait3A_309, %dma_wait3A_316, %dma_wait3A_317] : memref<5x160x128xf32, #tpu.memory_space<vmem>> -> memref<1x80x128xf32, #tpu.memory_space<vmem>>
        %dma_wait3A_319 = tpu.memref_squeeze %dma_wait3A_318 : memref<1x80x128xf32, #tpu.memory_space<vmem>> -> memref<80x128xf32, #tpu.memory_space<vmem>>
        %dma_wait3A_320 = arith.constant 0 : i32
        %dma_wait3A_321 = tpu.memref_slice %arg2[%mul3A_270, %dma_wait3A_320] : memref<100000x128xf32, #tpu.memory_space<hbm>> -> memref<80x128xf32, #tpu.memory_space<hbm>>
        tpu.wait_dma2 semaphore(%arg25 : memref<!tpu.dma_semaphore, #tpu.memory_space<semaphore_mem>>) src(%dma_wait3A_321 : memref<80x128xf32, #tpu.memory_space<hbm>>) dst(%dma_wait3A_319 : memref<80x128xf32, #tpu.memory_space<vmem>>)
        %dma_start3A = arith.constant 2 : i32
        %dma_start3A_322 = arith.constant 0 : i32
        %dma_start3A_323 = arith.constant 0 : i32
        %dma_start3A_324 = tpu.memref_slice %arg10[%dma_start3A, %dma_start3A_322, %dma_start3A_323] : memref<5x160x128xf32, #tpu.memory_space<vmem>> -> memref<1x160x128xf32, #tpu.memory_space<vmem>>
        %dma_start3A_325 = tpu.memref_squeeze %dma_start3A_324 : memref<1x160x128xf32, #tpu.memory_space<vmem>> -> memref<160x128xf32, #tpu.memory_space<vmem>>
        %dma_start3A_326 = arith.constant 0 : i32
        %dma_start3A_327 = tpu.memref_slice %arg7[%mul3A_268, %dma_start3A_326] : memref<100000x128xf32, #tpu.memory_space<hbm>> -> memref<160x128xf32, #tpu.memory_space<hbm>>
        %dma_start3A_328 = arith.constant 0 : i32
        %dma_start3A_329 = tpu.memref_slice %arg7[%mul3A_268, %dma_start3A_328] : memref<100000x128xf32, #tpu.memory_space<hbm>> -> memref<160x128xf32, #tpu.memory_space<hbm>>
        %dma_start3A_330 = arith.constant 0 : i32
        %dma_start3A_331 = arith.constant 0 : i32
        %dma_start3A_332 = tpu.memref_slice %arg10[%dma_start3A, %dma_start3A_330, %dma_start3A_331] : memref<5x160x128xf32, #tpu.memory_space<vmem>> -> memref<1x160x128xf32, #tpu.memory_space<vmem>>
        %dma_start3A_333 = tpu.memref_squeeze %dma_start3A_332 : memref<1x160x128xf32, #tpu.memory_space<vmem>> -> memref<160x128xf32, #tpu.memory_space<vmem>>
        tpu.enqueue_dma source(%dma_start3A_333 : memref<160x128xf32, #tpu.memory_space<vmem>>) target(%dma_start3A_329 : memref<160x128xf32, #tpu.memory_space<hbm>>) target_semaphore(%arg30 : memref<!tpu.dma_semaphore, #tpu.memory_space<semaphore_mem>>)
      } else {
      }
      %mul3A_115 = arith.constant 5 : i32
      %mul3A_116 = arith.muli %scan3A_77, %mul3A_115 : i32
      %add3A_117 = arith.constant 1 : i32
      %add3A_118 = arith.addi %mul3A_116, %add3A_117 : i32
      %mul3A_119 = arith.constant 32 : i32
      %mul3A_120 = arith.muli %add3A_118, %mul3A_119 : i32
      %add3A_121 = arith.addi %mul3A_120, %add3A : i32
      %lt3A_122 = arith.constant 625 : i32
      %lt3A_123 = arith.cmpi slt, %add3A_121, %lt3A_122 : i32
      %convert_element_type3A_124 = arith.extui %lt3A_123 : i1 to i32
      %cond3A_125 = arith.constant 0 : i32
      %cond3A_126 = arith.cmpi ne, %convert_element_type3A_124, %cond3A_125 : i32
      scf.if %cond3A_126 {
        %mul3A_267 = arith.constant 160 : i32
        %mul3A_268 = arith.muli %add3A_121, %mul3A_267 : i32
        %ge3A_269 = arith.constant 5 : i32
        %ge3A_270 = arith.cmpi sge, %add3A_118, %ge3A_269 : i32
        %convert_element_type3A_271 = arith.extui %ge3A_270 : i1 to i32
        %cond3A_272 = arith.constant 0 : i32
        %cond3A_273 = arith.cmpi ne, %convert_element_type3A_271, %cond3A_272 : i32
        scf.if %cond3A_273 {
          %sub3A_334 = arith.constant 160 : i32
          %sub3A_335 = arith.subi %add3A_121, %sub3A_334 : i32
          %mul3A_336 = arith.constant 160 : i32
          %mul3A_337 = arith.muli %sub3A_335, %mul3A_336 : i32
          %dma_wait3A = arith.constant 1 : i32
          %dma_wait3A_338 = arith.constant 0 : i32
          %dma_wait3A_339 = arith.constant 0 : i32
          %dma_wait3A_340 = tpu.memref_slice %arg10[%dma_wait3A, %dma_wait3A_338, %dma_wait3A_339] : memref<5x160x128xf32, #tpu.memory_space<vmem>> -> memref<1x160x128xf32, #tpu.memory_space<vmem>>
          %dma_wait3A_341 = tpu.memref_squeeze %dma_wait3A_340 : memref<1x160x128xf32, #tpu.memory_space<vmem>> -> memref<160x128xf32, #tpu.memory_space<vmem>>
          %dma_wait3A_342 = arith.constant 0 : i32
          %dma_wait3A_343 = tpu.memref_slice %arg7[%mul3A_337, %dma_wait3A_342] : memref<100000x128xf32, #tpu.memory_space<hbm>> -> memref<160x128xf32, #tpu.memory_space<hbm>>
          %dma_wait3A_344 = arith.constant 0 : i32
          %dma_wait3A_345 = tpu.memref_slice %arg7[%mul3A_337, %dma_wait3A_344] : memref<100000x128xf32, #tpu.memory_space<hbm>> -> memref<160x128xf32, #tpu.memory_space<hbm>>
          %dma_wait3A_346 = arith.constant 0 : i32
          %dma_wait3A_347 = arith.constant 0 : i32
          %dma_wait3A_348 = tpu.memref_slice %arg10[%dma_wait3A, %dma_wait3A_346, %dma_wait3A_347] : memref<5x160x128xf32, #tpu.memory_space<vmem>> -> memref<1x160x128xf32, #tpu.memory_space<vmem>>
          %dma_wait3A_349 = tpu.memref_squeeze %dma_wait3A_348 : memref<1x160x128xf32, #tpu.memory_space<vmem>> -> memref<160x128xf32, #tpu.memory_space<vmem>>
          tpu.wait_dma2 semaphore(%arg29 : memref<!tpu.dma_semaphore, #tpu.memory_space<semaphore_mem>>) src(%dma_wait3A_349 : memref<160x128xf32, #tpu.memory_space<vmem>>) dst(%dma_wait3A_345 : memref<160x128xf32, #tpu.memory_space<hbm>>)
        } else {
        }
        %dma_start3A = arith.constant 1 : i32
        %dma_start3A_274 = arith.constant 0 : i32
        %dma_start3A_275 = arith.constant 0 : i32
        %dma_start3A_276 = tpu.memref_slice %arg10[%dma_start3A, %dma_start3A_274, %dma_start3A_275] : memref<5x160x128xf32, #tpu.memory_space<vmem>> -> memref<1x160x128xf32, #tpu.memory_space<vmem>>
        %dma_start3A_277 = tpu.memref_squeeze %dma_start3A_276 : memref<1x160x128xf32, #tpu.memory_space<vmem>> -> memref<160x128xf32, #tpu.memory_space<vmem>>
        %dma_start3A_278 = arith.constant 0 : i32
        %dma_start3A_279 = tpu.memref_slice %arg2[%mul3A_268, %dma_start3A_278] : memref<100000x128xf32, #tpu.memory_space<hbm>> -> memref<160x128xf32, #tpu.memory_space<hbm>>
        %dma_start3A_280 = arith.constant 0 : i32
        %dma_start3A_281 = arith.constant 0 : i32
        %dma_start3A_282 = tpu.memref_slice %arg10[%dma_start3A, %dma_start3A_280, %dma_start3A_281] : memref<5x160x128xf32, #tpu.memory_space<vmem>> -> memref<1x160x128xf32, #tpu.memory_space<vmem>>
        %dma_start3A_283 = tpu.memref_squeeze %dma_start3A_282 : memref<1x160x128xf32, #tpu.memory_space<vmem>> -> memref<160x128xf32, #tpu.memory_space<vmem>>
        %dma_start3A_284 = arith.constant 0 : i32
        %dma_start3A_285 = tpu.memref_slice %arg2[%mul3A_268, %dma_start3A_284] : memref<100000x128xf32, #tpu.memory_space<hbm>> -> memref<160x128xf32, #tpu.memory_space<hbm>>
        tpu.enqueue_dma source(%dma_start3A_285 : memref<160x128xf32, #tpu.memory_space<hbm>>) target(%dma_start3A_283 : memref<160x128xf32, #tpu.memory_space<vmem>>) target_semaphore(%arg14 : memref<!tpu.dma_semaphore, #tpu.memory_space<semaphore_mem>>)
        %mul3A_286 = arith.constant 160 : i32
        %mul3A_287 = arith.muli %add3A_121, %mul3A_286 : i32
        %add3A_288 = arith.constant 0 : i32
        %add3A_289 = arith.addi %mul3A_287, %add3A_288 : i32
        %dma_start3A_290 = arith.constant 1 : i32
        %dma_start3A_291 = arith.constant 0 : i32
        %dma_start3A_292 = arith.constant 0 : i32
        %dma_start3A_293 = tpu.memref_slice %arg8[%dma_start3A_290, %dma_start3A_291, %dma_start3A_292] : memref<5x2x80xi32, #tpu.memory_space<vmem>> -> memref<1x1x80xi32, #tpu.memory_space<vmem>>
        %dma_start3A_294 = tpu.memref_squeeze %dma_start3A_293 : memref<1x1x80xi32, #tpu.memory_space<vmem>> -> memref<80xi32, #tpu.memory_space<vmem>>
        %dma_start3A_295 = tpu.memref_slice %arg3[%add3A_289] : memref<100000xi32, #tpu.memory_space<hbm>> -> memref<80xi32, #tpu.memory_space<hbm>>
        %dma_start3A_296 = arith.constant 0 : i32
        %dma_start3A_297 = tpu.memref_slice %arg8[%dma_start3A_290, %dma_start3A_291, %dma_start3A_296] : memref<5x2x80xi32, #tpu.memory_space<vmem>> -> memref<1x1x80xi32, #tpu.memory_space<vmem>>
        %dma_start3A_298 = tpu.memref_squeeze %dma_start3A_297 : memref<1x1x80xi32, #tpu.memory_space<vmem>> -> memref<80xi32, #tpu.memory_space<vmem>>
        %dma_start3A_299 = tpu.memref_slice %arg3[%add3A_289] : memref<100000xi32, #tpu.memory_space<hbm>> -> memref<80xi32, #tpu.memory_space<hbm>>
        tpu.enqueue_dma source(%dma_start3A_299 : memref<80xi32, #tpu.memory_space<hbm>>) target(%dma_start3A_298 : memref<80xi32, #tpu.memory_space<vmem>>) target_semaphore(%arg19 : memref<!tpu.dma_semaphore, #tpu.memory_space<semaphore_mem>>)
        %dma_start3A_300 = arith.constant 1 : i32
        %dma_start3A_301 = arith.constant 0 : i32
        %dma_start3A_302 = arith.constant 0 : i32
        %dma_start3A_303 = tpu.memref_slice %arg9[%dma_start3A_300, %dma_start3A_301, %dma_start3A_302] : memref<5x2x80xi32, #tpu.memory_space<vmem>> -> memref<1x1x80xi32, #tpu.memory_space<vmem>>
        %dma_start3A_304 = tpu.memref_squeeze %dma_start3A_303 : memref<1x1x80xi32, #tpu.memory_space<vmem>> -> memref<80xi32, #tpu.memory_space<vmem>>
        %dma_start3A_305 = tpu.memref_slice %arg4[%add3A_289] : memref<100000xi32, #tpu.memory_space<hbm>> -> memref<80xi32, #tpu.memory_space<hbm>>
        %dma_start3A_306 = arith.constant 0 : i32
        %dma_start3A_307 = tpu.memref_slice %arg9[%dma_start3A_300, %dma_start3A_301, %dma_start3A_306] : memref<5x2x80xi32, #tpu.memory_space<vmem>> -> memref<1x1x80xi32, #tpu.memory_space<vmem>>
        %dma_start3A_308 = tpu.memref_squeeze %dma_start3A_307 : memref<1x1x80xi32, #tpu.memory_space<vmem>> -> memref<80xi32, #tpu.memory_space<vmem>>
        %dma_start3A_309 = tpu.memref_slice %arg4[%add3A_289] : memref<100000xi32, #tpu.memory_space<hbm>> -> memref<80xi32, #tpu.memory_space<hbm>>
        tpu.enqueue_dma source(%dma_start3A_309 : memref<80xi32, #tpu.memory_space<hbm>>) target(%dma_start3A_308 : memref<80xi32, #tpu.memory_space<vmem>>) target_semaphore(%arg19 : memref<!tpu.dma_semaphore, #tpu.memory_space<semaphore_mem>>)
        %mul3A_310 = arith.constant 160 : i32
        %mul3A_311 = arith.muli %add3A_121, %mul3A_310 : i32
        %add3A_312 = arith.constant 80 : i32
        %add3A_313 = arith.addi %mul3A_311, %add3A_312 : i32
        %dma_start3A_314 = arith.constant 1 : i32
        %dma_start3A_315 = arith.constant 1 : i32
        %dma_start3A_316 = arith.constant 0 : i32
        %dma_start3A_317 = tpu.memref_slice %arg8[%dma_start3A_314, %dma_start3A_315, %dma_start3A_316] : memref<5x2x80xi32, #tpu.memory_space<vmem>> -> memref<1x1x80xi32, #tpu.memory_space<vmem>>
        %dma_start3A_318 = tpu.memref_squeeze %dma_start3A_317 : memref<1x1x80xi32, #tpu.memory_space<vmem>> -> memref<80xi32, #tpu.memory_space<vmem>>
        %dma_start3A_319 = tpu.memref_slice %arg3[%add3A_313] : memref<100000xi32, #tpu.memory_space<hbm>> -> memref<80xi32, #tpu.memory_space<hbm>>
        %dma_start3A_320 = arith.constant 0 : i32
        %dma_start3A_321 = tpu.memref_slice %arg8[%dma_start3A_314, %dma_start3A_315, %dma_start3A_320] : memref<5x2x80xi32, #tpu.memory_space<vmem>> -> memref<1x1x80xi32, #tpu.memory_space<vmem>>
        %dma_start3A_322 = tpu.memref_squeeze %dma_start3A_321 : memref<1x1x80xi32, #tpu.memory_space<vmem>> -> memref<80xi32, #tpu.memory_space<vmem>>
        %dma_start3A_323 = tpu.memref_slice %arg3[%add3A_313] : memref<100000xi32, #tpu.memory_space<hbm>> -> memref<80xi32, #tpu.memory_space<hbm>>
        tpu.enqueue_dma source(%dma_start3A_323 : memref<80xi32, #tpu.memory_space<hbm>>) target(%dma_start3A_322 : memref<80xi32, #tpu.memory_space<vmem>>) target_semaphore(%arg19 : memref<!tpu.dma_semaphore, #tpu.memory_space<semaphore_mem>>)
        %dma_start3A_324 = arith.constant 1 : i32
        %dma_start3A_325 = arith.constant 1 : i32
        %dma_start3A_326 = arith.constant 0 : i32
        %dma_start3A_327 = tpu.memref_slice %arg9[%dma_start3A_324, %dma_start3A_325, %dma_start3A_326] : memref<5x2x80xi32, #tpu.memory_space<vmem>> -> memref<1x1x80xi32, #tpu.memory_space<vmem>>
        %dma_start3A_328 = tpu.memref_squeeze %dma_start3A_327 : memref<1x1x80xi32, #tpu.memory_space<vmem>> -> memref<80xi32, #tpu.memory_space<vmem>>
        %dma_start3A_329 = tpu.memref_slice %arg4[%add3A_313] : memref<100000xi32, #tpu.memory_space<hbm>> -> memref<80xi32, #tpu.memory_space<hbm>>
        %dma_start3A_330 = arith.constant 0 : i32
        %dma_start3A_331 = tpu.memref_slice %arg9[%dma_start3A_324, %dma_start3A_325, %dma_start3A_330] : memref<5x2x80xi32, #tpu.memory_space<vmem>> -> memref<1x1x80xi32, #tpu.memory_space<vmem>>
        %dma_start3A_332 = tpu.memref_squeeze %dma_start3A_331 : memref<1x1x80xi32, #tpu.memory_space<vmem>> -> memref<80xi32, #tpu.memory_space<vmem>>
        %dma_start3A_333 = tpu.memref_slice %arg4[%add3A_313] : memref<100000xi32, #tpu.memory_space<hbm>> -> memref<80xi32, #tpu.memory_space<hbm>>
        tpu.enqueue_dma source(%dma_start3A_333 : memref<80xi32, #tpu.memory_space<hbm>>) target(%dma_start3A_332 : memref<80xi32, #tpu.memory_space<vmem>>) target_semaphore(%arg19 : memref<!tpu.dma_semaphore, #tpu.memory_space<semaphore_mem>>)
      } else {
      }
      %sub3A_127 = arith.constant 1 : i32
      %sub3A_128 = arith.subi %add3A_118, %sub3A_127 : i32
      %mul3A_129 = arith.constant 32 : i32
      %mul3A_130 = arith.muli %sub3A_128, %mul3A_129 : i32
      %add3A_131 = arith.addi %mul3A_130, %add3A : i32
      %ge3A_132 = arith.constant 0 : i32
      %ge3A_133 = arith.cmpi sge, %sub3A_128, %ge3A_132 : i32
      %lt3A_134 = arith.constant 625 : i32
      %lt3A_135 = arith.cmpi slt, %add3A_131, %lt3A_134 : i32
      %and3A_136 = arith.andi %ge3A_133, %lt3A_135 : i1
      %convert_element_type3A_137 = arith.extui %and3A_136 : i1 to i32
      %cond3A_138 = arith.constant 0 : i32
      %cond3A_139 = arith.cmpi ne, %convert_element_type3A_137, %cond3A_138 : i32
      scf.if %cond3A_139 {
        %mul3A_267 = arith.constant 160 : i32
        %mul3A_268 = arith.muli %add3A_131, %mul3A_267 : i32
        %mul3A_269 = arith.constant 160 : i32
        %mul3A_270 = arith.muli %add3A_131, %mul3A_269 : i32
        %dma_wait3A = arith.constant 0 : i32
        %dma_wait3A_271 = arith.constant 0 : i32
        %dma_wait3A_272 = arith.constant 0 : i32
        %dma_wait3A_273 = tpu.memref_slice %arg8[%dma_wait3A, %dma_wait3A_271, %dma_wait3A_272] : memref<5x2x80xi32, #tpu.memory_space<vmem>> -> memref<1x1x80xi32, #tpu.memory_space<vmem>>
        %dma_wait3A_274 = tpu.memref_squeeze %dma_wait3A_273 : memref<1x1x80xi32, #tpu.memory_space<vmem>> -> memref<80xi32, #tpu.memory_space<vmem>>
        %dma_wait3A_275 = tpu.memref_slice %arg3[%mul3A_270] : memref<100000xi32, #tpu.memory_space<hbm>> -> memref<80xi32, #tpu.memory_space<hbm>>
        %dma_wait3A_276 = arith.constant 0 : i32
        %dma_wait3A_277 = tpu.memref_slice %arg8[%dma_wait3A, %dma_wait3A_271, %dma_wait3A_276] : memref<5x2x80xi32, #tpu.memory_space<vmem>> -> memref<1x1x80xi32, #tpu.memory_space<vmem>>
        %dma_wait3A_278 = tpu.memref_squeeze %dma_wait3A_277 : memref<1x1x80xi32, #tpu.memory_space<vmem>> -> memref<80xi32, #tpu.memory_space<vmem>>
        %dma_wait3A_279 = tpu.memref_slice %arg3[%mul3A_270] : memref<100000xi32, #tpu.memory_space<hbm>> -> memref<80xi32, #tpu.memory_space<hbm>>
        tpu.wait_dma2 semaphore(%arg18 : memref<!tpu.dma_semaphore, #tpu.memory_space<semaphore_mem>>) src(%dma_wait3A_279 : memref<80xi32, #tpu.memory_space<hbm>>) dst(%dma_wait3A_278 : memref<80xi32, #tpu.memory_space<vmem>>)
        %dma_wait3A_280 = arith.constant 0 : i32
        %dma_wait3A_281 = arith.constant 0 : i32
        %dma_wait3A_282 = arith.constant 0 : i32
        %dma_wait3A_283 = tpu.memref_slice %arg8[%dma_wait3A_280, %dma_wait3A_281, %dma_wait3A_282] : memref<5x2x80xi32, #tpu.memory_space<vmem>> -> memref<1x1x80xi32, #tpu.memory_space<vmem>>
        %dma_wait3A_284 = tpu.memref_squeeze %dma_wait3A_283 : memref<1x1x80xi32, #tpu.memory_space<vmem>> -> memref<80xi32, #tpu.memory_space<vmem>>
        %dma_wait3A_285 = tpu.memref_slice %arg3[%mul3A_270] : memref<100000xi32, #tpu.memory_space<hbm>> -> memref<80xi32, #tpu.memory_space<hbm>>
        %dma_wait3A_286 = arith.constant 0 : i32
        %dma_wait3A_287 = tpu.memref_slice %arg8[%dma_wait3A_280, %dma_wait3A_281, %dma_wait3A_286] : memref<5x2x80xi32, #tpu.memory_space<vmem>> -> memref<1x1x80xi32, #tpu.memory_space<vmem>>
        %dma_wait3A_288 = tpu.memref_squeeze %dma_wait3A_287 : memref<1x1x80xi32, #tpu.memory_space<vmem>> -> memref<80xi32, #tpu.memory_space<vmem>>
        %dma_wait3A_289 = tpu.memref_slice %arg3[%mul3A_270] : memref<100000xi32, #tpu.memory_space<hbm>> -> memref<80xi32, #tpu.memory_space<hbm>>
        tpu.wait_dma2 semaphore(%arg18 : memref<!tpu.dma_semaphore, #tpu.memory_space<semaphore_mem>>) src(%dma_wait3A_289 : memref<80xi32, #tpu.memory_space<hbm>>) dst(%dma_wait3A_288 : memref<80xi32, #tpu.memory_space<vmem>>)
        %dma_wait3A_290 = arith.constant 0 : i32
        %dma_wait3A_291 = arith.constant 0 : i32
        %dma_wait3A_292 = arith.constant 0 : i32
        %dma_wait3A_293 = tpu.memref_slice %arg8[%dma_wait3A_290, %dma_wait3A_291, %dma_wait3A_292] : memref<5x2x80xi32, #tpu.memory_space<vmem>> -> memref<1x1x80xi32, #tpu.memory_space<vmem>>
        %dma_wait3A_294 = tpu.memref_squeeze %dma_wait3A_293 : memref<1x1x80xi32, #tpu.memory_space<vmem>> -> memref<80xi32, #tpu.memory_space<vmem>>
        %dma_wait3A_295 = tpu.memref_slice %arg3[%mul3A_270] : memref<100000xi32, #tpu.memory_space<hbm>> -> memref<80xi32, #tpu.memory_space<hbm>>
        %dma_wait3A_296 = arith.constant 0 : i32
        %dma_wait3A_297 = tpu.memref_slice %arg8[%dma_wait3A_290, %dma_wait3A_291, %dma_wait3A_296] : memref<5x2x80xi32, #tpu.memory_space<vmem>> -> memref<1x1x80xi32, #tpu.memory_space<vmem>>
        %dma_wait3A_298 = tpu.memref_squeeze %dma_wait3A_297 : memref<1x1x80xi32, #tpu.memory_space<vmem>> -> memref<80xi32, #tpu.memory_space<vmem>>
        %dma_wait3A_299 = tpu.memref_slice %arg3[%mul3A_270] : memref<100000xi32, #tpu.memory_space<hbm>> -> memref<80xi32, #tpu.memory_space<hbm>>
        tpu.wait_dma2 semaphore(%arg18 : memref<!tpu.dma_semaphore, #tpu.memory_space<semaphore_mem>>) src(%dma_wait3A_299 : memref<80xi32, #tpu.memory_space<hbm>>) dst(%dma_wait3A_298 : memref<80xi32, #tpu.memory_space<vmem>>)
        %dma_wait3A_300 = arith.constant 0 : i32
        %dma_wait3A_301 = arith.constant 0 : i32
        %dma_wait3A_302 = arith.constant 0 : i32
        %dma_wait3A_303 = tpu.memref_slice %arg8[%dma_wait3A_300, %dma_wait3A_301, %dma_wait3A_302] : memref<5x2x80xi32, #tpu.memory_space<vmem>> -> memref<1x1x80xi32, #tpu.memory_space<vmem>>
        %dma_wait3A_304 = tpu.memref_squeeze %dma_wait3A_303 : memref<1x1x80xi32, #tpu.memory_space<vmem>> -> memref<80xi32, #tpu.memory_space<vmem>>
        %dma_wait3A_305 = tpu.memref_slice %arg3[%mul3A_270] : memref<100000xi32, #tpu.memory_space<hbm>> -> memref<80xi32, #tpu.memory_space<hbm>>
        %dma_wait3A_306 = arith.constant 0 : i32
        %dma_wait3A_307 = tpu.memref_slice %arg8[%dma_wait3A_300, %dma_wait3A_301, %dma_wait3A_306] : memref<5x2x80xi32, #tpu.memory_space<vmem>> -> memref<1x1x80xi32, #tpu.memory_space<vmem>>
        %dma_wait3A_308 = tpu.memref_squeeze %dma_wait3A_307 : memref<1x1x80xi32, #tpu.memory_space<vmem>> -> memref<80xi32, #tpu.memory_space<vmem>>
        %dma_wait3A_309 = tpu.memref_slice %arg3[%mul3A_270] : memref<100000xi32, #tpu.memory_space<hbm>> -> memref<80xi32, #tpu.memory_space<hbm>>
        tpu.wait_dma2 semaphore(%arg18 : memref<!tpu.dma_semaphore, #tpu.memory_space<semaphore_mem>>) src(%dma_wait3A_309 : memref<80xi32, #tpu.memory_space<hbm>>) dst(%dma_wait3A_308 : memref<80xi32, #tpu.memory_space<vmem>>)
        %get3A = arith.constant 0 : i32
        %get3A_310 = arith.constant 0 : i32
        %get3A_311 = arith.index_cast %get3A : i32 to index
        %get3A_312 = arith.index_cast %get3A_310 : i32 to index
        %get3A_313 = arith.constant 0 : index
        %get3A_314 = tpu.vector_load %arg8[%get3A_311, %get3A_312, %get3A_313] {strides = array<i32>} : memref<5x2x80xi32, #tpu.memory_space<vmem>>, vector<1x1x16xi32>,
        %get3A_315 = vector.shape_cast %get3A_314 : vector<1x1x16xi32> to vector<16xi32>
        %min3A = arith.constant 511 : i32
        %min3A_316 = vector.broadcast %min3A : i32 to vector<16xi32>
        %min3A_317 = arith.minsi %get3A_315, %min3A_316 : vector<16xi32>
        %swap3A = arith.constant 0 : i32
        %swap3A_318 = arith.constant 0 : i32
        %swap3A_319 = arith.index_cast %swap3A : i32 to index
        %swap3A_320 = arith.index_cast %swap3A_318 : i32 to index
        %swap3A_321 = arith.constant 0 : index
        %swap3A_322 = tpu.vector_load %arg8[%swap3A_319, %swap3A_320, %swap3A_321] {strides = array<i32>} : memref<5x2x80xi32, #tpu.memory_space<vmem>>, vector<1x1x16xi32>,
        %swap3A_323 = vector.shape_cast %swap3A_322 : vector<1x1x16xi32> to vector<16xi32>
        %swap3A_324 = vector.shape_cast %min3A_317 : vector<16xi32> to vector<1x1x16xi32>
        tpu.vector_store %arg8[%swap3A_319, %swap3A_320, %swap3A_321], %swap3A_324 {strides = array<i32>} : memref<5x2x80xi32, #tpu.memory_space<vmem>>, vector<1x1x16xi32>,
        %get3A_325 = arith.constant 0 : i32
        %get3A_326 = arith.constant 0 : i32
        %get3A_327 = arith.index_cast %get3A_325 : i32 to index
        %get3A_328 = arith.index_cast %get3A_326 : i32 to index
        %get3A_329 = arith.constant 0 : index
        %get3A_330 = tpu.vector_load %arg9[%get3A_327, %get3A_328, %get3A_329] {strides = array<i32>} : memref<5x2x80xi32, #tpu.memory_space<vmem>>, vector<1x1x16xi32>,
        %get3A_331 = vector.shape_cast %get3A_330 : vector<1x1x16xi32> to vector<16xi32>
        %min3A_332 = arith.constant 511 : i32
        %min3A_333 = vector.broadcast %min3A_332 : i32 to vector<16xi32>
        %min3A_334 = arith.minsi %get3A_331, %min3A_333 : vector<16xi32>
        %swap3A_335 = arith.constant 0 : i32
        %swap3A_336 = arith.constant 0 : i32
        %swap3A_337 = arith.index_cast %swap3A_335 : i32 to index
        %swap3A_338 = arith.index_cast %swap3A_336 : i32 to index
        %swap3A_339 = arith.constant 0 : index
        %swap3A_340 = tpu.vector_load %arg9[%swap3A_337, %swap3A_338, %swap3A_339] {strides = array<i32>} : memref<5x2x80xi32, #tpu.memory_space<vmem>>, vector<1x1x16xi32>,
        %swap3A_341 = vector.shape_cast %swap3A_340 : vector<1x1x16xi32> to vector<16xi32>
        %swap3A_342 = vector.shape_cast %min3A_334 : vector<16xi32> to vector<1x1x16xi32>
        tpu.vector_store %arg9[%swap3A_337, %swap3A_338, %swap3A_339], %swap3A_342 {strides = array<i32>} : memref<5x2x80xi32, #tpu.memory_space<vmem>>, vector<1x1x16xi32>,
        %get3A_343 = arith.constant 0 : i32
        %get3A_344 = arith.constant 0 : i32
        %get3A_345 = arith.index_cast %get3A_343 : i32 to index
        %get3A_346 = arith.index_cast %get3A_344 : i32 to index
        %get3A_347 = arith.constant 16 : index
        %get3A_348 = tpu.vector_load %arg8[%get3A_345, %get3A_346, %get3A_347] {strides = array<i32>} : memref<5x2x80xi32, #tpu.memory_space<vmem>>, vector<1x1x16xi32>,
        %get3A_349 = vector.shape_cast %get3A_348 : vector<1x1x16xi32> to vector<16xi32>
        %min3A_350 = arith.constant 511 : i32
        %min3A_351 = vector.broadcast %min3A_350 : i32 to vector<16xi32>
        %min3A_352 = arith.minsi %get3A_349, %min3A_351 : vector<16xi32>
        %swap3A_353 = arith.constant 0 : i32
        %swap3A_354 = arith.constant 0 : i32
        %swap3A_355 = arith.index_cast %swap3A_353 : i32 to index
        %swap3A_356 = arith.index_cast %swap3A_354 : i32 to index
        %swap3A_357 = arith.constant 16 : index
        %swap3A_358 = tpu.vector_load %arg8[%swap3A_355, %swap3A_356, %swap3A_357] {strides = array<i32>} : memref<5x2x80xi32, #tpu.memory_space<vmem>>, vector<1x1x16xi32>,
        %swap3A_359 = vector.shape_cast %swap3A_358 : vector<1x1x16xi32> to vector<16xi32>
        %swap3A_360 = vector.shape_cast %min3A_352 : vector<16xi32> to vector<1x1x16xi32>
        tpu.vector_store %arg8[%swap3A_355, %swap3A_356, %swap3A_357], %swap3A_360 {strides = array<i32>} : memref<5x2x80xi32, #tpu.memory_space<vmem>>, vector<1x1x16xi32>,
        %get3A_361 = arith.constant 0 : i32
        %get3A_362 = arith.constant 0 : i32
        %get3A_363 = arith.index_cast %get3A_361 : i32 to index
        %get3A_364 = arith.index_cast %get3A_362 : i32 to index
        %get3A_365 = arith.constant 16 : index
        %get3A_366 = tpu.vector_load %arg9[%get3A_363, %get3A_364, %get3A_365] {strides = array<i32>} : memref<5x2x80xi32, #tpu.memory_space<vmem>>, vector<1x1x16xi32>,
        %get3A_367 = vector.shape_cast %get3A_366 : vector<1x1x16xi32> to vector<16xi32>
        %min3A_368 = arith.constant 511 : i32
        %min3A_369 = vector.broadcast %min3A_368 : i32 to vector<16xi32>
        %min3A_370 = arith.minsi %get3A_367, %min3A_369 : vector<16xi32>
        %swap3A_371 = arith.constant 0 : i32
        %swap3A_372 = arith.constant 0 : i32
        %swap3A_373 = arith.index_cast %swap3A_371 : i32 to index
        %swap3A_374 = arith.index_cast %swap3A_372 : i32 to index
        %swap3A_375 = arith.constant 16 : index
        %swap3A_376 = tpu.vector_load %arg9[%swap3A_373, %swap3A_374, %swap3A_375] {strides = array<i32>} : memref<5x2x80xi32, #tpu.memory_space<vmem>>, vector<1x1x16xi32>,
        %swap3A_377 = vector.shape_cast %swap3A_376 : vector<1x1x16xi32> to vector<16xi32>
        %swap3A_378 = vector.shape_cast %min3A_370 : vector<16xi32> to vector<1x1x16xi32>
        tpu.vector_store %arg9[%swap3A_373, %swap3A_374, %swap3A_375], %swap3A_378 {strides = array<i32>} : memref<5x2x80xi32, #tpu.memory_space<vmem>>, vector<1x1x16xi32>,
        %get3A_379 = arith.constant 0 : i32
        %get3A_380 = arith.constant 0 : i32
        %get3A_381 = arith.index_cast %get3A_379 : i32 to index
        %get3A_382 = arith.index_cast %get3A_380 : i32 to index
        %get3A_383 = arith.constant 32 : index
        %get3A_384 = tpu.vector_load %arg8[%get3A_381, %get3A_382, %get3A_383] {strides = array<i32>} : memref<5x2x80xi32, #tpu.memory_space<vmem>>, vector<1x1x16xi32>,
        %get3A_385 = vector.shape_cast %get3A_384 : vector<1x1x16xi32> to vector<16xi32>
        %min3A_386 = arith.constant 511 : i32
        %min3A_387 = vector.broadcast %min3A_386 : i32 to vector<16xi32>
        %min3A_388 = arith.minsi %get3A_385, %min3A_387 : vector<16xi32>
        %swap3A_389 = arith.constant 0 : i32
        %swap3A_390 = arith.constant 0 : i32
        %swap3A_391 = arith.index_cast %swap3A_389 : i32 to index
        %swap3A_392 = arith.index_cast %swap3A_390 : i32 to index
        %swap3A_393 = arith.constant 32 : index
        %swap3A_394 = tpu.vector_load %arg8[%swap3A_391, %swap3A_392, %swap3A_393] {strides = array<i32>} : memref<5x2x80xi32, #tpu.memory_space<vmem>>, vector<1x1x16xi32>,
        %swap3A_395 = vector.shape_cast %swap3A_394 : vector<1x1x16xi32> to vector<16xi32>
        %swap3A_396 = vector.shape_cast %min3A_388 : vector<16xi32> to vector<1x1x16xi32>
        tpu.vector_store %arg8[%swap3A_391, %swap3A_392, %swap3A_393], %swap3A_396 {strides = array<i32>} : memref<5x2x80xi32, #tpu.memory_space<vmem>>, vector<1x1x16xi32>,
        %get3A_397 = arith.constant 0 : i32
        %get3A_398 = arith.constant 0 : i32
        %get3A_399 = arith.index_cast %get3A_397 : i32 to index
        %get3A_400 = arith.index_cast %get3A_398 : i32 to index
        %get3A_401 = arith.constant 32 : index
        %get3A_402 = tpu.vector_load %arg9[%get3A_399, %get3A_400, %get3A_401] {strides = array<i32>} : memref<5x2x80xi32, #tpu.memory_space<vmem>>, vector<1x1x16xi32>,
        %get3A_403 = vector.shape_cast %get3A_402 : vector<1x1x16xi32> to vector<16xi32>
        %min3A_404 = arith.constant 511 : i32
        %min3A_405 = vector.broadcast %min3A_404 : i32 to vector<16xi32>
        %min3A_406 = arith.minsi %get3A_403, %min3A_405 : vector<16xi32>
        %swap3A_407 = arith.constant 0 : i32
        %swap3A_408 = arith.constant 0 : i32
        %swap3A_409 = arith.index_cast %swap3A_407 : i32 to index
        %swap3A_410 = arith.index_cast %swap3A_408 : i32 to index
        %swap3A_411 = arith.constant 32 : index
        %swap3A_412 = tpu.vector_load %arg9[%swap3A_409, %swap3A_410, %swap3A_411] {strides = array<i32>} : memref<5x2x80xi32, #tpu.memory_space<vmem>>, vector<1x1x16xi32>,
        %swap3A_413 = vector.shape_cast %swap3A_412 : vector<1x1x16xi32> to vector<16xi32>
        %swap3A_414 = vector.shape_cast %min3A_406 : vector<16xi32> to vector<1x1x16xi32>
        tpu.vector_store %arg9[%swap3A_409, %swap3A_410, %swap3A_411], %swap3A_414 {strides = array<i32>} : memref<5x2x80xi32, #tpu.memory_space<vmem>>, vector<1x1x16xi32>,
        %get3A_415 = arith.constant 0 : i32
        %get3A_416 = arith.constant 0 : i32
        %get3A_417 = arith.index_cast %get3A_415 : i32 to index
        %get3A_418 = arith.index_cast %get3A_416 : i32 to index
        %get3A_419 = arith.constant 48 : index
        %get3A_420 = tpu.vector_load %arg8[%get3A_417, %get3A_418, %get3A_419] {strides = array<i32>} : memref<5x2x80xi32, #tpu.memory_space<vmem>>, vector<1x1x16xi32>,
        %get3A_421 = vector.shape_cast %get3A_420 : vector<1x1x16xi32> to vector<16xi32>
        %min3A_422 = arith.constant 511 : i32
        %min3A_423 = vector.broadcast %min3A_422 : i32 to vector<16xi32>
        %min3A_424 = arith.minsi %get3A_421, %min3A_423 : vector<16xi32>
        %swap3A_425 = arith.constant 0 : i32
        %swap3A_426 = arith.constant 0 : i32
        %swap3A_427 = arith.index_cast %swap3A_425 : i32 to index
        %swap3A_428 = arith.index_cast %swap3A_426 : i32 to index
        %swap3A_429 = arith.constant 48 : index
        %swap3A_430 = tpu.vector_load %arg8[%swap3A_427, %swap3A_428, %swap3A_429] {strides = array<i32>} : memref<5x2x80xi32, #tpu.memory_space<vmem>>, vector<1x1x16xi32>,
        %swap3A_431 = vector.shape_cast %swap3A_430 : vector<1x1x16xi32> to vector<16xi32>
        %swap3A_432 = vector.shape_cast %min3A_424 : vector<16xi32> to vector<1x1x16xi32>
        tpu.vector_store %arg8[%swap3A_427, %swap3A_428, %swap3A_429], %swap3A_432 {strides = array<i32>} : memref<5x2x80xi32, #tpu.memory_space<vmem>>, vector<1x1x16xi32>,
        %get3A_433 = arith.constant 0 : i32
        %get3A_434 = arith.constant 0 : i32
        %get3A_435 = arith.index_cast %get3A_433 : i32 to index
        %get3A_436 = arith.index_cast %get3A_434 : i32 to index
        %get3A_437 = arith.constant 48 : index
        %get3A_438 = tpu.vector_load %arg9[%get3A_435, %get3A_436, %get3A_437] {strides = array<i32>} : memref<5x2x80xi32, #tpu.memory_space<vmem>>, vector<1x1x16xi32>,
        %get3A_439 = vector.shape_cast %get3A_438 : vector<1x1x16xi32> to vector<16xi32>
        %min3A_440 = arith.constant 511 : i32
        %min3A_441 = vector.broadcast %min3A_440 : i32 to vector<16xi32>
        %min3A_442 = arith.minsi %get3A_439, %min3A_441 : vector<16xi32>
        %swap3A_443 = arith.constant 0 : i32
        %swap3A_444 = arith.constant 0 : i32
        %swap3A_445 = arith.index_cast %swap3A_443 : i32 to index
        %swap3A_446 = arith.index_cast %swap3A_444 : i32 to index
        %swap3A_447 = arith.constant 48 : index
        %swap3A_448 = tpu.vector_load %arg9[%swap3A_445, %swap3A_446, %swap3A_447] {strides = array<i32>} : memref<5x2x80xi32, #tpu.memory_space<vmem>>, vector<1x1x16xi32>,
        %swap3A_449 = vector.shape_cast %swap3A_448 : vector<1x1x16xi32> to vector<16xi32>
        %swap3A_450 = vector.shape_cast %min3A_442 : vector<16xi32> to vector<1x1x16xi32>
        tpu.vector_store %arg9[%swap3A_445, %swap3A_446, %swap3A_447], %swap3A_450 {strides = array<i32>} : memref<5x2x80xi32, #tpu.memory_space<vmem>>, vector<1x1x16xi32>,
        %get3A_451 = arith.constant 0 : i32
        %get3A_452 = arith.constant 0 : i32
        %get3A_453 = arith.index_cast %get3A_451 : i32 to index
        %get3A_454 = arith.index_cast %get3A_452 : i32 to index
        %get3A_455 = arith.constant 64 : index
        %get3A_456 = tpu.vector_load %arg8[%get3A_453, %get3A_454, %get3A_455] {strides = array<i32>} : memref<5x2x80xi32, #tpu.memory_space<vmem>>, vector<1x1x16xi32>,
        %get3A_457 = vector.shape_cast %get3A_456 : vector<1x1x16xi32> to vector<16xi32>
        %min3A_458 = arith.constant 511 : i32
        %min3A_459 = vector.broadcast %min3A_458 : i32 to vector<16xi32>
        %min3A_460 = arith.minsi %get3A_457, %min3A_459 : vector<16xi32>
        %swap3A_461 = arith.constant 0 : i32
        %swap3A_462 = arith.constant 0 : i32
        %swap3A_463 = arith.index_cast %swap3A_461 : i32 to index
        %swap3A_464 = arith.index_cast %swap3A_462 : i32 to index
        %swap3A_465 = arith.constant 64 : index
        %swap3A_466 = tpu.vector_load %arg8[%swap3A_463, %swap3A_464, %swap3A_465] {strides = array<i32>} : memref<5x2x80xi32, #tpu.memory_space<vmem>>, vector<1x1x16xi32>,
        %swap3A_467 = vector.shape_cast %swap3A_466 : vector<1x1x16xi32> to vector<16xi32>
        %swap3A_468 = vector.shape_cast %min3A_460 : vector<16xi32> to vector<1x1x16xi32>
        tpu.vector_store %arg8[%swap3A_463, %swap3A_464, %swap3A_465], %swap3A_468 {strides = array<i32>} : memref<5x2x80xi32, #tpu.memory_space<vmem>>, vector<1x1x16xi32>,
        %get3A_469 = arith.constant 0 : i32
        %get3A_470 = arith.constant 0 : i32
        %get3A_471 = arith.index_cast %get3A_469 : i32 to index
        %get3A_472 = arith.index_cast %get3A_470 : i32 to index
        %get3A_473 = arith.constant 64 : index
        %get3A_474 = tpu.vector_load %arg9[%get3A_471, %get3A_472, %get3A_473] {strides = array<i32>} : memref<5x2x80xi32, #tpu.memory_space<vmem>>, vector<1x1x16xi32>,
        %get3A_475 = vector.shape_cast %get3A_474 : vector<1x1x16xi32> to vector<16xi32>
        %min3A_476 = arith.constant 511 : i32
        %min3A_477 = vector.broadcast %min3A_476 : i32 to vector<16xi32>
        %min3A_478 = arith.minsi %get3A_475, %min3A_477 : vector<16xi32>
        %swap3A_479 = arith.constant 0 : i32
        %swap3A_480 = arith.constant 0 : i32
        %swap3A_481 = arith.index_cast %swap3A_479 : i32 to index
        %swap3A_482 = arith.index_cast %swap3A_480 : i32 to index
        %swap3A_483 = arith.constant 64 : index
        %swap3A_484 = tpu.vector_load %arg9[%swap3A_481, %swap3A_482, %swap3A_483] {strides = array<i32>} : memref<5x2x80xi32, #tpu.memory_space<vmem>>, vector<1x1x16xi32>,
        %swap3A_485 = vector.shape_cast %swap3A_484 : vector<1x1x16xi32> to vector<16xi32>
        %swap3A_486 = vector.shape_cast %min3A_478 : vector<16xi32> to vector<1x1x16xi32>
        tpu.vector_store %arg9[%swap3A_481, %swap3A_482, %swap3A_483], %swap3A_486 {strides = array<i32>} : memref<5x2x80xi32, #tpu.memory_space<vmem>>, vector<1x1x16xi32>,
        %get3A_487 = arith.constant 0 : i32
        %get3A_488 = arith.constant 1 : i32
        %get3A_489 = arith.index_cast %get3A_487 : i32 to index
        %get3A_490 = arith.index_cast %get3A_488 : i32 to index
        %get3A_491 = arith.constant 0 : index
        %get3A_492 = tpu.vector_load %arg8[%get3A_489, %get3A_490, %get3A_491] {strides = array<i32>} : memref<5x2x80xi32, #tpu.memory_space<vmem>>, vector<1x1x16xi32>,
        %get3A_493 = vector.shape_cast %get3A_492 : vector<1x1x16xi32> to vector<16xi32>
        %min3A_494 = arith.constant 511 : i32
        %min3A_495 = vector.broadcast %min3A_494 : i32 to vector<16xi32>
        %min3A_496 = arith.minsi %get3A_493, %min3A_495 : vector<16xi32>
        %swap3A_497 = arith.constant 0 : i32
        %swap3A_498 = arith.constant 1 : i32
        %swap3A_499 = arith.index_cast %swap3A_497 : i32 to index
        %swap3A_500 = arith.index_cast %swap3A_498 : i32 to index
        %swap3A_501 = arith.constant 0 : index
        %swap3A_502 = tpu.vector_load %arg8[%swap3A_499, %swap3A_500, %swap3A_501] {strides = array<i32>} : memref<5x2x80xi32, #tpu.memory_space<vmem>>, vector<1x1x16xi32>,
        %swap3A_503 = vector.shape_cast %swap3A_502 : vector<1x1x16xi32> to vector<16xi32>
        %swap3A_504 = vector.shape_cast %min3A_496 : vector<16xi32> to vector<1x1x16xi32>
        tpu.vector_store %arg8[%swap3A_499, %swap3A_500, %swap3A_501], %swap3A_504 {strides = array<i32>} : memref<5x2x80xi32, #tpu.memory_space<vmem>>, vector<1x1x16xi32>,
        %get3A_505 = arith.constant 0 : i32
        %get3A_506 = arith.constant 1 : i32
        %get3A_507 = arith.index_cast %get3A_505 : i32 to index
        %get3A_508 = arith.index_cast %get3A_506 : i32 to index
        %get3A_509 = arith.constant 0 : index
        %get3A_510 = tpu.vector_load %arg9[%get3A_507, %get3A_508, %get3A_509] {strides = array<i32>} : memref<5x2x80xi32, #tpu.memory_space<vmem>>, vector<1x1x16xi32>,
        %get3A_511 = vector.shape_cast %get3A_510 : vector<1x1x16xi32> to vector<16xi32>
        %min3A_512 = arith.constant 511 : i32
        %min3A_513 = vector.broadcast %min3A_512 : i32 to vector<16xi32>
        %min3A_514 = arith.minsi %get3A_511, %min3A_513 : vector<16xi32>
        %swap3A_515 = arith.constant 0 : i32
        %swap3A_516 = arith.constant 1 : i32
        %swap3A_517 = arith.index_cast %swap3A_515 : i32 to index
        %swap3A_518 = arith.index_cast %swap3A_516 : i32 to index
        %swap3A_519 = arith.constant 0 : index
        %swap3A_520 = tpu.vector_load %arg9[%swap3A_517, %swap3A_518, %swap3A_519] {strides = array<i32>} : memref<5x2x80xi32, #tpu.memory_space<vmem>>, vector<1x1x16xi32>,
        %swap3A_521 = vector.shape_cast %swap3A_520 : vector<1x1x16xi32> to vector<16xi32>
        %swap3A_522 = vector.shape_cast %min3A_514 : vector<16xi32> to vector<1x1x16xi32>
        tpu.vector_store %arg9[%swap3A_517, %swap3A_518, %swap3A_519], %swap3A_522 {strides = array<i32>} : memref<5x2x80xi32, #tpu.memory_space<vmem>>, vector<1x1x16xi32>,
        %get3A_523 = arith.constant 0 : i32
        %get3A_524 = arith.constant 1 : i32
        %get3A_525 = arith.index_cast %get3A_523 : i32 to index
        %get3A_526 = arith.index_cast %get3A_524 : i32 to index
        %get3A_527 = arith.constant 16 : index
        %get3A_528 = tpu.vector_load %arg8[%get3A_525, %get3A_526, %get3A_527] {strides = array<i32>} : memref<5x2x80xi32, #tpu.memory_space<vmem>>, vector<1x1x16xi32>,
        %get3A_529 = vector.shape_cast %get3A_528 : vector<1x1x16xi32> to vector<16xi32>
        %min3A_530 = arith.constant 511 : i32
        %min3A_531 = vector.broadcast %min3A_530 : i32 to vector<16xi32>
        %min3A_532 = arith.minsi %get3A_529, %min3A_531 : vector<16xi32>
        %swap3A_533 = arith.constant 0 : i32
        %swap3A_534 = arith.constant 1 : i32
        %swap3A_535 = arith.index_cast %swap3A_533 : i32 to index
        %swap3A_536 = arith.index_cast %swap3A_534 : i32 to index
        %swap3A_537 = arith.constant 16 : index
        %swap3A_538 = tpu.vector_load %arg8[%swap3A_535, %swap3A_536, %swap3A_537] {strides = array<i32>} : memref<5x2x80xi32, #tpu.memory_space<vmem>>, vector<1x1x16xi32>,
        %swap3A_539 = vector.shape_cast %swap3A_538 : vector<1x1x16xi32> to vector<16xi32>
        %swap3A_540 = vector.shape_cast %min3A_532 : vector<16xi32> to vector<1x1x16xi32>
        tpu.vector_store %arg8[%swap3A_535, %swap3A_536, %swap3A_537], %swap3A_540 {strides = array<i32>} : memref<5x2x80xi32, #tpu.memory_space<vmem>>, vector<1x1x16xi32>,
        %get3A_541 = arith.constant 0 : i32
        %get3A_542 = arith.constant 1 : i32
        %get3A_543 = arith.index_cast %get3A_541 : i32 to index
        %get3A_544 = arith.index_cast %get3A_542 : i32 to index
        %get3A_545 = arith.constant 16 : index
        %get3A_546 = tpu.vector_load %arg9[%get3A_543, %get3A_544, %get3A_545] {strides = array<i32>} : memref<5x2x80xi32, #tpu.memory_space<vmem>>, vector<1x1x16xi32>,
        %get3A_547 = vector.shape_cast %get3A_546 : vector<1x1x16xi32> to vector<16xi32>
        %min3A_548 = arith.constant 511 : i32
        %min3A_549 = vector.broadcast %min3A_548 : i32 to vector<16xi32>
        %min3A_550 = arith.minsi %get3A_547, %min3A_549 : vector<16xi32>
        %swap3A_551 = arith.constant 0 : i32
        %swap3A_552 = arith.constant 1 : i32
        %swap3A_553 = arith.index_cast %swap3A_551 : i32 to index
        %swap3A_554 = arith.index_cast %swap3A_552 : i32 to index
        %swap3A_555 = arith.constant 16 : index
        %swap3A_556 = tpu.vector_load %arg9[%swap3A_553, %swap3A_554, %swap3A_555] {strides = array<i32>} : memref<5x2x80xi32, #tpu.memory_space<vmem>>, vector<1x1x16xi32>,
        %swap3A_557 = vector.shape_cast %swap3A_556 : vector<1x1x16xi32> to vector<16xi32>
        %swap3A_558 = vector.shape_cast %min3A_550 : vector<16xi32> to vector<1x1x16xi32>
        tpu.vector_store %arg9[%swap3A_553, %swap3A_554, %swap3A_555], %swap3A_558 {strides = array<i32>} : memref<5x2x80xi32, #tpu.memory_space<vmem>>, vector<1x1x16xi32>,
        %get3A_559 = arith.constant 0 : i32
        %get3A_560 = arith.constant 1 : i32
        %get3A_561 = arith.index_cast %get3A_559 : i32 to index
        %get3A_562 = arith.index_cast %get3A_560 : i32 to index
        %get3A_563 = arith.constant 32 : index
        %get3A_564 = tpu.vector_load %arg8[%get3A_561, %get3A_562, %get3A_563] {strides = array<i32>} : memref<5x2x80xi32, #tpu.memory_space<vmem>>, vector<1x1x16xi32>,
        %get3A_565 = vector.shape_cast %get3A_564 : vector<1x1x16xi32> to vector<16xi32>
        %min3A_566 = arith.constant 511 : i32
        %min3A_567 = vector.broadcast %min3A_566 : i32 to vector<16xi32>
        %min3A_568 = arith.minsi %get3A_565, %min3A_567 : vector<16xi32>
        %swap3A_569 = arith.constant 0 : i32
        %swap3A_570 = arith.constant 1 : i32
        %swap3A_571 = arith.index_cast %swap3A_569 : i32 to index
        %swap3A_572 = arith.index_cast %swap3A_570 : i32 to index
        %swap3A_573 = arith.constant 32 : index
        %swap3A_574 = tpu.vector_load %arg8[%swap3A_571, %swap3A_572, %swap3A_573] {strides = array<i32>} : memref<5x2x80xi32, #tpu.memory_space<vmem>>, vector<1x1x16xi32>,
        %swap3A_575 = vector.shape_cast %swap3A_574 : vector<1x1x16xi32> to vector<16xi32>
        %swap3A_576 = vector.shape_cast %min3A_568 : vector<16xi32> to vector<1x1x16xi32>
        tpu.vector_store %arg8[%swap3A_571, %swap3A_572, %swap3A_573], %swap3A_576 {strides = array<i32>} : memref<5x2x80xi32, #tpu.memory_space<vmem>>, vector<1x1x16xi32>,
        %get3A_577 = arith.constant 0 : i32
        %get3A_578 = arith.constant 1 : i32
        %get3A_579 = arith.index_cast %get3A_577 : i32 to index
        %get3A_580 = arith.index_cast %get3A_578 : i32 to index
        %get3A_581 = arith.constant 32 : index
        %get3A_582 = tpu.vector_load %arg9[%get3A_579, %get3A_580, %get3A_581] {strides = array<i32>} : memref<5x2x80xi32, #tpu.memory_space<vmem>>, vector<1x1x16xi32>,
        %get3A_583 = vector.shape_cast %get3A_582 : vector<1x1x16xi32> to vector<16xi32>
        %min3A_584 = arith.constant 511 : i32
        %min3A_585 = vector.broadcast %min3A_584 : i32 to vector<16xi32>
        %min3A_586 = arith.minsi %get3A_583, %min3A_585 : vector<16xi32>
        %swap3A_587 = arith.constant 0 : i32
        %swap3A_588 = arith.constant 1 : i32
        %swap3A_589 = arith.index_cast %swap3A_587 : i32 to index
        %swap3A_590 = arith.index_cast %swap3A_588 : i32 to index
        %swap3A_591 = arith.constant 32 : index
        %swap3A_592 = tpu.vector_load %arg9[%swap3A_589, %swap3A_590, %swap3A_591] {strides = array<i32>} : memref<5x2x80xi32, #tpu.memory_space<vmem>>, vector<1x1x16xi32>,
        %swap3A_593 = vector.shape_cast %swap3A_592 : vector<1x1x16xi32> to vector<16xi32>
        %swap3A_594 = vector.shape_cast %min3A_586 : vector<16xi32> to vector<1x1x16xi32>
        tpu.vector_store %arg9[%swap3A_589, %swap3A_590, %swap3A_591], %swap3A_594 {strides = array<i32>} : memref<5x2x80xi32, #tpu.memory_space<vmem>>, vector<1x1x16xi32>,
        %get3A_595 = arith.constant 0 : i32
        %get3A_596 = arith.constant 1 : i32
        %get3A_597 = arith.index_cast %get3A_595 : i32 to index
        %get3A_598 = arith.index_cast %get3A_596 : i32 to index
        %get3A_599 = arith.constant 48 : index
        %get3A_600 = tpu.vector_load %arg8[%get3A_597, %get3A_598, %get3A_599] {strides = array<i32>} : memref<5x2x80xi32, #tpu.memory_space<vmem>>, vector<1x1x16xi32>,
        %get3A_601 = vector.shape_cast %get3A_600 : vector<1x1x16xi32> to vector<16xi32>
        %min3A_602 = arith.constant 511 : i32
        %min3A_603 = vector.broadcast %min3A_602 : i32 to vector<16xi32>
        %min3A_604 = arith.minsi %get3A_601, %min3A_603 : vector<16xi32>
        %swap3A_605 = arith.constant 0 : i32
        %swap3A_606 = arith.constant 1 : i32
        %swap3A_607 = arith.index_cast %swap3A_605 : i32 to index
        %swap3A_608 = arith.index_cast %swap3A_606 : i32 to index
        %swap3A_609 = arith.constant 48 : index
        %swap3A_610 = tpu.vector_load %arg8[%swap3A_607, %swap3A_608, %swap3A_609] {strides = array<i32>} : memref<5x2x80xi32, #tpu.memory_space<vmem>>, vector<1x1x16xi32>,
        %swap3A_611 = vector.shape_cast %swap3A_610 : vector<1x1x16xi32> to vector<16xi32>
        %swap3A_612 = vector.shape_cast %min3A_604 : vector<16xi32> to vector<1x1x16xi32>
        tpu.vector_store %arg8[%swap3A_607, %swap3A_608, %swap3A_609], %swap3A_612 {strides = array<i32>} : memref<5x2x80xi32, #tpu.memory_space<vmem>>, vector<1x1x16xi32>,
        %get3A_613 = arith.constant 0 : i32
        %get3A_614 = arith.constant 1 : i32
        %get3A_615 = arith.index_cast %get3A_613 : i32 to index
        %get3A_616 = arith.index_cast %get3A_614 : i32 to index
        %get3A_617 = arith.constant 48 : index
        %get3A_618 = tpu.vector_load %arg9[%get3A_615, %get3A_616, %get3A_617] {strides = array<i32>} : memref<5x2x80xi32, #tpu.memory_space<vmem>>, vector<1x1x16xi32>,
        %get3A_619 = vector.shape_cast %get3A_618 : vector<1x1x16xi32> to vector<16xi32>
        %min3A_620 = arith.constant 511 : i32
        %min3A_621 = vector.broadcast %min3A_620 : i32 to vector<16xi32>
        %min3A_622 = arith.minsi %get3A_619, %min3A_621 : vector<16xi32>
        %swap3A_623 = arith.constant 0 : i32
        %swap3A_624 = arith.constant 1 : i32
        %swap3A_625 = arith.index_cast %swap3A_623 : i32 to index
        %swap3A_626 = arith.index_cast %swap3A_624 : i32 to index
        %swap3A_627 = arith.constant 48 : index
        %swap3A_628 = tpu.vector_load %arg9[%swap3A_625, %swap3A_626, %swap3A_627] {strides = array<i32>} : memref<5x2x80xi32, #tpu.memory_space<vmem>>, vector<1x1x16xi32>,
        %swap3A_629 = vector.shape_cast %swap3A_628 : vector<1x1x16xi32> to vector<16xi32>
        %swap3A_630 = vector.shape_cast %min3A_622 : vector<16xi32> to vector<1x1x16xi32>
        tpu.vector_store %arg9[%swap3A_625, %swap3A_626, %swap3A_627], %swap3A_630 {strides = array<i32>} : memref<5x2x80xi32, #tpu.memory_space<vmem>>, vector<1x1x16xi32>,
        %get3A_631 = arith.constant 0 : i32
        %get3A_632 = arith.constant 1 : i32
        %get3A_633 = arith.index_cast %get3A_631 : i32 to index
        %get3A_634 = arith.index_cast %get3A_632 : i32 to index
        %get3A_635 = arith.constant 64 : index
        %get3A_636 = tpu.vector_load %arg8[%get3A_633, %get3A_634, %get3A_635] {strides = array<i32>} : memref<5x2x80xi32, #tpu.memory_space<vmem>>, vector<1x1x16xi32>,
        %get3A_637 = vector.shape_cast %get3A_636 : vector<1x1x16xi32> to vector<16xi32>
        %min3A_638 = arith.constant 511 : i32
        %min3A_639 = vector.broadcast %min3A_638 : i32 to vector<16xi32>
        %min3A_640 = arith.minsi %get3A_637, %min3A_639 : vector<16xi32>
        %swap3A_641 = arith.constant 0 : i32
        %swap3A_642 = arith.constant 1 : i32
        %swap3A_643 = arith.index_cast %swap3A_641 : i32 to index
        %swap3A_644 = arith.index_cast %swap3A_642 : i32 to index
        %swap3A_645 = arith.constant 64 : index
        %swap3A_646 = tpu.vector_load %arg8[%swap3A_643, %swap3A_644, %swap3A_645] {strides = array<i32>} : memref<5x2x80xi32, #tpu.memory_space<vmem>>, vector<1x1x16xi32>,
        %swap3A_647 = vector.shape_cast %swap3A_646 : vector<1x1x16xi32> to vector<16xi32>
        %swap3A_648 = vector.shape_cast %min3A_640 : vector<16xi32> to vector<1x1x16xi32>
        tpu.vector_store %arg8[%swap3A_643, %swap3A_644, %swap3A_645], %swap3A_648 {strides = array<i32>} : memref<5x2x80xi32, #tpu.memory_space<vmem>>, vector<1x1x16xi32>,
        %get3A_649 = arith.constant 0 : i32
        %get3A_650 = arith.constant 1 : i32
        %get3A_651 = arith.index_cast %get3A_649 : i32 to index
        %get3A_652 = arith.index_cast %get3A_650 : i32 to index
        %get3A_653 = arith.constant 64 : index
        %get3A_654 = tpu.vector_load %arg9[%get3A_651, %get3A_652, %get3A_653] {strides = array<i32>} : memref<5x2x80xi32, #tpu.memory_space<vmem>>, vector<1x1x16xi32>,
        %get3A_655 = vector.shape_cast %get3A_654 : vector<1x1x16xi32> to vector<16xi32>
        %min3A_656 = arith.constant 511 : i32
        %min3A_657 = vector.broadcast %min3A_656 : i32 to vector<16xi32>
        %min3A_658 = arith.minsi %get3A_655, %min3A_657 : vector<16xi32>
        %swap3A_659 = arith.constant 0 : i32
        %swap3A_660 = arith.constant 1 : i32
        %swap3A_661 = arith.index_cast %swap3A_659 : i32 to index
        %swap3A_662 = arith.index_cast %swap3A_660 : i32 to index
        %swap3A_663 = arith.constant 64 : index
        %swap3A_664 = tpu.vector_load %arg9[%swap3A_661, %swap3A_662, %swap3A_663] {strides = array<i32>} : memref<5x2x80xi32, #tpu.memory_space<vmem>>, vector<1x1x16xi32>,
        %swap3A_665 = vector.shape_cast %swap3A_664 : vector<1x1x16xi32> to vector<16xi32>
        %swap3A_666 = vector.shape_cast %min3A_658 : vector<16xi32> to vector<1x1x16xi32>
        tpu.vector_store %arg9[%swap3A_661, %swap3A_662, %swap3A_663], %swap3A_666 {strides = array<i32>} : memref<5x2x80xi32, #tpu.memory_space<vmem>>, vector<1x1x16xi32>,
        %dma_wait3A_667 = arith.constant 0 : i32
        %dma_wait3A_668 = arith.constant 0 : i32
        %dma_wait3A_669 = arith.constant 0 : i32
        %dma_wait3A_670 = tpu.memref_slice %arg10[%dma_wait3A_667, %dma_wait3A_668, %dma_wait3A_669] : memref<5x160x128xf32, #tpu.memory_space<vmem>> -> memref<1x160x128xf32, #tpu.memory_space<vmem>>
        %dma_wait3A_671 = tpu.memref_squeeze %dma_wait3A_670 : memref<1x160x128xf32, #tpu.memory_space<vmem>> -> memref<160x128xf32, #tpu.memory_space<vmem>>
        %dma_wait3A_672 = arith.constant 0 : i32
        %dma_wait3A_673 = tpu.memref_slice %arg2[%mul3A_268, %dma_wait3A_672] : memref<100000x128xf32, #tpu.memory_space<hbm>> -> memref<160x128xf32, #tpu.memory_space<hbm>>
        %dma_wait3A_674 = arith.constant 0 : i32
        %dma_wait3A_675 = arith.constant 0 : i32
        %dma_wait3A_676 = tpu.memref_slice %arg10[%dma_wait3A_667, %dma_wait3A_674, %dma_wait3A_675] : memref<5x160x128xf32, #tpu.memory_space<vmem>> -> memref<1x160x128xf32, #tpu.memory_space<vmem>>
        %dma_wait3A_677 = tpu.memref_squeeze %dma_wait3A_676 : memref<1x160x128xf32, #tpu.memory_space<vmem>> -> memref<160x128xf32, #tpu.memory_space<vmem>>
        %dma_wait3A_678 = arith.constant 0 : i32
        %dma_wait3A_679 = tpu.memref_slice %arg2[%mul3A_268, %dma_wait3A_678] : memref<100000x128xf32, #tpu.memory_space<hbm>> -> memref<160x128xf32, #tpu.memory_space<hbm>>
        tpu.wait_dma2 semaphore(%arg13 : memref<!tpu.dma_semaphore, #tpu.memory_space<semaphore_mem>>) src(%dma_wait3A_679 : memref<160x128xf32, #tpu.memory_space<hbm>>) dst(%dma_wait3A_677 : memref<160x128xf32, #tpu.memory_space<vmem>>)
        %dma_start3A = arith.constant 0 : i32
        %dma_start3A_680 = arith.constant 0 : i32
        %dma_start3A_681 = arith.constant 0 : i32
        %dma_start3A_682 = arith.constant 0 : i32
        %dma_start3A_683 = arith.constant 0 : i32
        %dma_start3A_684 = tpu.memref_slice %arg10[%dma_start3A_681, %dma_start3A_682, %dma_start3A_683] : memref<5x160x128xf32, #tpu.memory_space<vmem>> -> memref<1x80x128xf32, #tpu.memory_space<vmem>>
        %dma_start3A_685 = tpu.memref_squeeze %dma_start3A_684 : memref<1x80x128xf32, #tpu.memory_space<vmem>> -> memref<80x128xf32, #tpu.memory_space<vmem>>
        %dma_start3A_686 = arith.constant 0 : i32
        %dma_start3A_687 = tpu.memref_slice %arg8[%dma_start3A, %dma_start3A_680, %dma_start3A_686] : memref<5x2x80xi32, #tpu.memory_space<vmem>> -> memref<1x1x80xi32, #tpu.memory_space<vmem>>
        %dma_start3A_688 = tpu.memref_squeeze %dma_start3A_687 : memref<1x1x80xi32, #tpu.memory_space<vmem>> -> memref<80xi32, #tpu.memory_space<vmem>>
        %dma_start3A_689 = arith.constant 0 : i32
        %dma_start3A_690 = arith.constant 0 : i32
        %dma_start3A_691 = tpu.memref_slice %arg11[%dma_start3A_689, %dma_start3A_690] : memref<512x128xf32, #tpu.memory_space<vmem_shared>> -> memref<512x128xf32, #tpu.memory_space<vmem_shared>>
        tpu.enqueue_indirect_dma source(%dma_start3A_691 : memref<512x128xf32, #tpu.memory_space<vmem_shared>>) target(%dma_start3A_685 : memref<80x128xf32, #tpu.memory_space<vmem>>) offsets(%dma_start3A_688 : memref<80xi32, #tpu.memory_space<vmem>>) semaphore(%arg23 : memref<!tpu.dma_semaphore, #tpu.memory_space<semaphore_mem>>) {add = true}
        %dma_start3A_692 = arith.constant 0 : i32
        %dma_start3A_693 = arith.constant 0 : i32
        %dma_start3A_694 = arith.constant 0 : i32
        %dma_start3A_695 = arith.constant 0 : i32
        %dma_start3A_696 = arith.constant 0 : i32
        %dma_start3A_697 = tpu.memref_slice %arg10[%dma_start3A_694, %dma_start3A_695, %dma_start3A_696] : memref<5x160x128xf32, #tpu.memory_space<vmem>> -> memref<1x80x128xf32, #tpu.memory_space<vmem>>
        %dma_start3A_698 = tpu.memref_squeeze %dma_start3A_697 : memref<1x80x128xf32, #tpu.memory_space<vmem>> -> memref<80x128xf32, #tpu.memory_space<vmem>>
        %dma_start3A_699 = arith.constant 0 : i32
        %dma_start3A_700 = tpu.memref_slice %arg9[%dma_start3A_692, %dma_start3A_693, %dma_start3A_699] : memref<5x2x80xi32, #tpu.memory_space<vmem>> -> memref<1x1x80xi32, #tpu.memory_space<vmem>>
        %dma_start3A_701 = tpu.memref_squeeze %dma_start3A_700 : memref<1x1x80xi32, #tpu.memory_space<vmem>> -> memref<80xi32, #tpu.memory_space<vmem>>
        %dma_start3A_702 = arith.constant 0 : i32
        %dma_start3A_703 = arith.constant 0 : i32
        %dma_start3A_704 = tpu.memref_slice %arg12[%dma_start3A_702, %dma_start3A_703] : memref<512x128xf32, #tpu.memory_space<vmem_shared>> -> memref<512x128xf32, #tpu.memory_space<vmem_shared>>
        tpu.enqueue_indirect_dma source(%dma_start3A_704 : memref<512x128xf32, #tpu.memory_space<vmem_shared>>) target(%dma_start3A_698 : memref<80x128xf32, #tpu.memory_space<vmem>>) offsets(%dma_start3A_701 : memref<80xi32, #tpu.memory_space<vmem>>) semaphore(%arg23 : memref<!tpu.dma_semaphore, #tpu.memory_space<semaphore_mem>>) {add = true}
        %dma_start3A_705 = arith.constant 0 : i32
        %dma_start3A_706 = arith.constant 1 : i32
        %dma_start3A_707 = arith.constant 0 : i32
        %dma_start3A_708 = arith.constant 80 : i32
        %dma_start3A_709 = arith.constant 0 : i32
        %dma_start3A_710 = tpu.memref_slice %arg10[%dma_start3A_707, %dma_start3A_708, %dma_start3A_709] : memref<5x160x128xf32, #tpu.memory_space<vmem>> -> memref<1x80x128xf32, #tpu.memory_space<vmem>>
        %dma_start3A_711 = tpu.memref_squeeze %dma_start3A_710 : memref<1x80x128xf32, #tpu.memory_space<vmem>> -> memref<80x128xf32, #tpu.memory_space<vmem>>
        %dma_start3A_712 = arith.constant 0 : i32
        %dma_start3A_713 = tpu.memref_slice %arg8[%dma_start3A_705, %dma_start3A_706, %dma_start3A_712] : memref<5x2x80xi32, #tpu.memory_space<vmem>> -> memref<1x1x80xi32, #tpu.memory_space<vmem>>
        %dma_start3A_714 = tpu.memref_squeeze %dma_start3A_713 : memref<1x1x80xi32, #tpu.memory_space<vmem>> -> memref<80xi32, #tpu.memory_space<vmem>>
        %dma_start3A_715 = arith.constant 0 : i32
        %dma_start3A_716 = arith.constant 0 : i32
        %dma_start3A_717 = tpu.memref_slice %arg11[%dma_start3A_715, %dma_start3A_716] : memref<512x128xf32, #tpu.memory_space<vmem_shared>> -> memref<512x128xf32, #tpu.memory_space<vmem_shared>>
        tpu.enqueue_indirect_dma source(%dma_start3A_717 : memref<512x128xf32, #tpu.memory_space<vmem_shared>>) target(%dma_start3A_711 : memref<80x128xf32, #tpu.memory_space<vmem>>) offsets(%dma_start3A_714 : memref<80xi32, #tpu.memory_space<vmem>>) semaphore(%arg23 : memref<!tpu.dma_semaphore, #tpu.memory_space<semaphore_mem>>) {add = true}
        %dma_start3A_718 = arith.constant 0 : i32
        %dma_start3A_719 = arith.constant 1 : i32
        %dma_start3A_720 = arith.constant 0 : i32
        %dma_start3A_721 = arith.constant 80 : i32
        %dma_start3A_722 = arith.constant 0 : i32
        %dma_start3A_723 = tpu.memref_slice %arg10[%dma_start3A_720, %dma_start3A_721, %dma_start3A_722] : memref<5x160x128xf32, #tpu.memory_space<vmem>> -> memref<1x80x128xf32, #tpu.memory_space<vmem>>
        %dma_start3A_724 = tpu.memref_squeeze %dma_start3A_723 : memref<1x80x128xf32, #tpu.memory_space<vmem>> -> memref<80x128xf32, #tpu.memory_space<vmem>>
        %dma_start3A_725 = arith.constant 0 : i32
        %dma_start3A_726 = tpu.memref_slice %arg9[%dma_start3A_718, %dma_start3A_719, %dma_start3A_725] : memref<5x2x80xi32, #tpu.memory_space<vmem>> -> memref<1x1x80xi32, #tpu.memory_space<vmem>>
        %dma_start3A_727 = tpu.memref_squeeze %dma_start3A_726 : memref<1x1x80xi32, #tpu.memory_space<vmem>> -> memref<80xi32, #tpu.memory_space<vmem>>
        %dma_start3A_728 = arith.constant 0 : i32
        %dma_start3A_729 = arith.constant 0 : i32
        %dma_start3A_730 = tpu.memref_slice %arg12[%dma_start3A_728, %dma_start3A_729] : memref<512x128xf32, #tpu.memory_space<vmem_shared>> -> memref<512x128xf32, #tpu.memory_space<vmem_shared>>
        tpu.enqueue_indirect_dma source(%dma_start3A_730 : memref<512x128xf32, #tpu.memory_space<vmem_shared>>) target(%dma_start3A_724 : memref<80x128xf32, #tpu.memory_space<vmem>>) offsets(%dma_start3A_727 : memref<80xi32, #tpu.memory_space<vmem>>) semaphore(%arg23 : memref<!tpu.dma_semaphore, #tpu.memory_space<semaphore_mem>>) {add = true}
      } else {
      }
      %sub3A_140 = arith.constant 3 : i32
      %sub3A_141 = arith.subi %add3A_118, %sub3A_140 : i32
      %mul3A_142 = arith.constant 32 : i32
      %mul3A_143 = arith.muli %sub3A_141, %mul3A_142 : i32
      %add3A_144 = arith.addi %mul3A_143, %add3A : i32
      %ge3A_145 = arith.constant 0 : i32
      %ge3A_146 = arith.cmpi sge, %sub3A_141, %ge3A_145 : i32
      %lt3A_147 = arith.constant 625 : i32
      %lt3A_148 = arith.cmpi slt, %add3A_144, %lt3A_147 : i32
      %and3A_149 = arith.andi %ge3A_146, %lt3A_148 : i1
      %convert_element_type3A_150 = arith.extui %and3A_149 : i1 to i32
      %cond3A_151 = arith.constant 0 : i32
      %cond3A_152 = arith.cmpi ne, %convert_element_type3A_150, %cond3A_151 : i32
      scf.if %cond3A_152 {
        %mul3A_267 = arith.constant 160 : i32
        %mul3A_268 = arith.muli %add3A_144, %mul3A_267 : i32
        %mul3A_269 = arith.constant 160 : i32
        %mul3A_270 = arith.muli %add3A_144, %mul3A_269 : i32
        %dma_wait3A = arith.constant 3 : i32
        %dma_wait3A_271 = arith.constant 0 : i32
        %dma_wait3A_272 = arith.constant 0 : i32
        %dma_wait3A_273 = tpu.memref_slice %arg10[%dma_wait3A, %dma_wait3A_271, %dma_wait3A_272] : memref<5x160x128xf32, #tpu.memory_space<vmem>> -> memref<1x80x128xf32, #tpu.memory_space<vmem>>
        %dma_wait3A_274 = tpu.memref_squeeze %dma_wait3A_273 : memref<1x80x128xf32, #tpu.memory_space<vmem>> -> memref<80x128xf32, #tpu.memory_space<vmem>>
        %dma_wait3A_275 = arith.constant 0 : i32
        %dma_wait3A_276 = tpu.memref_slice %arg2[%mul3A_270, %dma_wait3A_275] : memref<100000x128xf32, #tpu.memory_space<hbm>> -> memref<80x128xf32, #tpu.memory_space<hbm>>
        %dma_wait3A_277 = arith.constant 0 : i32
        %dma_wait3A_278 = arith.constant 0 : i32
        %dma_wait3A_279 = tpu.memref_slice %arg10[%dma_wait3A, %dma_wait3A_277, %dma_wait3A_278] : memref<5x160x128xf32, #tpu.memory_space<vmem>> -> memref<1x80x128xf32, #tpu.memory_space<vmem>>
        %dma_wait3A_280 = tpu.memref_squeeze %dma_wait3A_279 : memref<1x80x128xf32, #tpu.memory_space<vmem>> -> memref<80x128xf32, #tpu.memory_space<vmem>>
        %dma_wait3A_281 = arith.constant 0 : i32
        %dma_wait3A_282 = tpu.memref_slice %arg2[%mul3A_270, %dma_wait3A_281] : memref<100000x128xf32, #tpu.memory_space<hbm>> -> memref<80x128xf32, #tpu.memory_space<hbm>>
        tpu.wait_dma2 semaphore(%arg26 : memref<!tpu.dma_semaphore, #tpu.memory_space<semaphore_mem>>) src(%dma_wait3A_282 : memref<80x128xf32, #tpu.memory_space<hbm>>) dst(%dma_wait3A_280 : memref<80x128xf32, #tpu.memory_space<vmem>>)
        %dma_wait3A_283 = arith.constant 3 : i32
        %dma_wait3A_284 = arith.constant 0 : i32
        %dma_wait3A_285 = arith.constant 0 : i32
        %dma_wait3A_286 = tpu.memref_slice %arg10[%dma_wait3A_283, %dma_wait3A_284, %dma_wait3A_285] : memref<5x160x128xf32, #tpu.memory_space<vmem>> -> memref<1x80x128xf32, #tpu.memory_space<vmem>>
        %dma_wait3A_287 = tpu.memref_squeeze %dma_wait3A_286 : memref<1x80x128xf32, #tpu.memory_space<vmem>> -> memref<80x128xf32, #tpu.memory_space<vmem>>
        %dma_wait3A_288 = arith.constant 0 : i32
        %dma_wait3A_289 = tpu.memref_slice %arg2[%mul3A_270, %dma_wait3A_288] : memref<100000x128xf32, #tpu.memory_space<hbm>> -> memref<80x128xf32, #tpu.memory_space<hbm>>
        %dma_wait3A_290 = arith.constant 0 : i32
        %dma_wait3A_291 = arith.constant 0 : i32
        %dma_wait3A_292 = tpu.memref_slice %arg10[%dma_wait3A_283, %dma_wait3A_290, %dma_wait3A_291] : memref<5x160x128xf32, #tpu.memory_space<vmem>> -> memref<1x80x128xf32, #tpu.memory_space<vmem>>
        %dma_wait3A_293 = tpu.memref_squeeze %dma_wait3A_292 : memref<1x80x128xf32, #tpu.memory_space<vmem>> -> memref<80x128xf32, #tpu.memory_space<vmem>>
        %dma_wait3A_294 = arith.constant 0 : i32
        %dma_wait3A_295 = tpu.memref_slice %arg2[%mul3A_270, %dma_wait3A_294] : memref<100000x128xf32, #tpu.memory_space<hbm>> -> memref<80x128xf32, #tpu.memory_space<hbm>>
        tpu.wait_dma2 semaphore(%arg26 : memref<!tpu.dma_semaphore, #tpu.memory_space<semaphore_mem>>) src(%dma_wait3A_295 : memref<80x128xf32, #tpu.memory_space<hbm>>) dst(%dma_wait3A_293 : memref<80x128xf32, #tpu.memory_space<vmem>>)
        %dma_wait3A_296 = arith.constant 3 : i32
        %dma_wait3A_297 = arith.constant 0 : i32
        %dma_wait3A_298 = arith.constant 0 : i32
        %dma_wait3A_299 = tpu.memref_slice %arg10[%dma_wait3A_296, %dma_wait3A_297, %dma_wait3A_298] : memref<5x160x128xf32, #tpu.memory_space<vmem>> -> memref<1x80x128xf32, #tpu.memory_space<vmem>>
        %dma_wait3A_300 = tpu.memref_squeeze %dma_wait3A_299 : memref<1x80x128xf32, #tpu.memory_space<vmem>> -> memref<80x128xf32, #tpu.memory_space<vmem>>
        %dma_wait3A_301 = arith.constant 0 : i32
        %dma_wait3A_302 = tpu.memref_slice %arg2[%mul3A_270, %dma_wait3A_301] : memref<100000x128xf32, #tpu.memory_space<hbm>> -> memref<80x128xf32, #tpu.memory_space<hbm>>
        %dma_wait3A_303 = arith.constant 0 : i32
        %dma_wait3A_304 = arith.constant 0 : i32
        %dma_wait3A_305 = tpu.memref_slice %arg10[%dma_wait3A_296, %dma_wait3A_303, %dma_wait3A_304] : memref<5x160x128xf32, #tpu.memory_space<vmem>> -> memref<1x80x128xf32, #tpu.memory_space<vmem>>
        %dma_wait3A_306 = tpu.memref_squeeze %dma_wait3A_305 : memref<1x80x128xf32, #tpu.memory_space<vmem>> -> memref<80x128xf32, #tpu.memory_space<vmem>>
        %dma_wait3A_307 = arith.constant 0 : i32
        %dma_wait3A_308 = tpu.memref_slice %arg2[%mul3A_270, %dma_wait3A_307] : memref<100000x128xf32, #tpu.memory_space<hbm>> -> memref<80x128xf32, #tpu.memory_space<hbm>>
        tpu.wait_dma2 semaphore(%arg26 : memref<!tpu.dma_semaphore, #tpu.memory_space<semaphore_mem>>) src(%dma_wait3A_308 : memref<80x128xf32, #tpu.memory_space<hbm>>) dst(%dma_wait3A_306 : memref<80x128xf32, #tpu.memory_space<vmem>>)
        %dma_wait3A_309 = arith.constant 3 : i32
        %dma_wait3A_310 = arith.constant 0 : i32
        %dma_wait3A_311 = arith.constant 0 : i32
        %dma_wait3A_312 = tpu.memref_slice %arg10[%dma_wait3A_309, %dma_wait3A_310, %dma_wait3A_311] : memref<5x160x128xf32, #tpu.memory_space<vmem>> -> memref<1x80x128xf32, #tpu.memory_space<vmem>>
        %dma_wait3A_313 = tpu.memref_squeeze %dma_wait3A_312 : memref<1x80x128xf32, #tpu.memory_space<vmem>> -> memref<80x128xf32, #tpu.memory_space<vmem>>
        %dma_wait3A_314 = arith.constant 0 : i32
        %dma_wait3A_315 = tpu.memref_slice %arg2[%mul3A_270, %dma_wait3A_314] : memref<100000x128xf32, #tpu.memory_space<hbm>> -> memref<80x128xf32, #tpu.memory_space<hbm>>
        %dma_wait3A_316 = arith.constant 0 : i32
        %dma_wait3A_317 = arith.constant 0 : i32
        %dma_wait3A_318 = tpu.memref_slice %arg10[%dma_wait3A_309, %dma_wait3A_316, %dma_wait3A_317] : memref<5x160x128xf32, #tpu.memory_space<vmem>> -> memref<1x80x128xf32, #tpu.memory_space<vmem>>
        %dma_wait3A_319 = tpu.memref_squeeze %dma_wait3A_318 : memref<1x80x128xf32, #tpu.memory_space<vmem>> -> memref<80x128xf32, #tpu.memory_space<vmem>>
        %dma_wait3A_320 = arith.constant 0 : i32
        %dma_wait3A_321 = tpu.memref_slice %arg2[%mul3A_270, %dma_wait3A_320] : memref<100000x128xf32, #tpu.memory_space<hbm>> -> memref<80x128xf32, #tpu.memory_space<hbm>>
        tpu.wait_dma2 semaphore(%arg26 : memref<!tpu.dma_semaphore, #tpu.memory_space<semaphore_mem>>) src(%dma_wait3A_321 : memref<80x128xf32, #tpu.memory_space<hbm>>) dst(%dma_wait3A_319 : memref<80x128xf32, #tpu.memory_space<vmem>>)
        %dma_start3A = arith.constant 3 : i32
        %dma_start3A_322 = arith.constant 0 : i32
        %dma_start3A_323 = arith.constant 0 : i32
        %dma_start3A_324 = tpu.memref_slice %arg10[%dma_start3A, %dma_start3A_322, %dma_start3A_323] : memref<5x160x128xf32, #tpu.memory_space<vmem>> -> memref<1x160x128xf32, #tpu.memory_space<vmem>>
        %dma_start3A_325 = tpu.memref_squeeze %dma_start3A_324 : memref<1x160x128xf32, #tpu.memory_space<vmem>> -> memref<160x128xf32, #tpu.memory_space<vmem>>
        %dma_start3A_326 = arith.constant 0 : i32
        %dma_start3A_327 = tpu.memref_slice %arg7[%mul3A_268, %dma_start3A_326] : memref<100000x128xf32, #tpu.memory_space<hbm>> -> memref<160x128xf32, #tpu.memory_space<hbm>>
        %dma_start3A_328 = arith.constant 0 : i32
        %dma_start3A_329 = tpu.memref_slice %arg7[%mul3A_268, %dma_start3A_328] : memref<100000x128xf32, #tpu.memory_space<hbm>> -> memref<160x128xf32, #tpu.memory_space<hbm>>
        %dma_start3A_330 = arith.constant 0 : i32
        %dma_start3A_331 = arith.constant 0 : i32
        %dma_start3A_332 = tpu.memref_slice %arg10[%dma_start3A, %dma_start3A_330, %dma_start3A_331] : memref<5x160x128xf32, #tpu.memory_space<vmem>> -> memref<1x160x128xf32, #tpu.memory_space<vmem>>
        %dma_start3A_333 = tpu.memref_squeeze %dma_start3A_332 : memref<1x160x128xf32, #tpu.memory_space<vmem>> -> memref<160x128xf32, #tpu.memory_space<vmem>>
        tpu.enqueue_dma source(%dma_start3A_333 : memref<160x128xf32, #tpu.memory_space<vmem>>) target(%dma_start3A_329 : memref<160x128xf32, #tpu.memory_space<hbm>>) target_semaphore(%arg31 : memref<!tpu.dma_semaphore, #tpu.memory_space<semaphore_mem>>)
      } else {
      }
      %mul3A_153 = arith.constant 5 : i32
      %mul3A_154 = arith.muli %scan3A_77, %mul3A_153 : i32
      %add3A_155 = arith.constant 2 : i32
      %add3A_156 = arith.addi %mul3A_154, %add3A_155 : i32
      %mul3A_157 = arith.constant 32 : i32
      %mul3A_158 = arith.muli %add3A_156, %mul3A_157 : i32
      %add3A_159 = arith.addi %mul3A_158, %add3A : i32
      %lt3A_160 = arith.constant 625 : i32
      %lt3A_161 = arith.cmpi slt, %add3A_159, %lt3A_160 : i32
      %convert_element_type3A_162 = arith.extui %lt3A_161 : i1 to i32
      %cond3A_163 = arith.constant 0 : i32
      %cond3A_164 = arith.cmpi ne, %convert_element_type3A_162, %cond3A_163 : i32
      scf.if %cond3A_164 {
        %mul3A_267 = arith.constant 160 : i32
        %mul3A_268 = arith.muli %add3A_159, %mul3A_267 : i32
        %ge3A_269 = arith.constant 5 : i32
        %ge3A_270 = arith.cmpi sge, %add3A_156, %ge3A_269 : i32
        %convert_element_type3A_271 = arith.extui %ge3A_270 : i1 to i32
        %cond3A_272 = arith.constant 0 : i32
        %cond3A_273 = arith.cmpi ne, %convert_element_type3A_271, %cond3A_272 : i32
        scf.if %cond3A_273 {
          %sub3A_334 = arith.constant 160 : i32
          %sub3A_335 = arith.subi %add3A_159, %sub3A_334 : i32
          %mul3A_336 = arith.constant 160 : i32
          %mul3A_337 = arith.muli %sub3A_335, %mul3A_336 : i32
          %dma_wait3A = arith.constant 2 : i32
          %dma_wait3A_338 = arith.constant 0 : i32
          %dma_wait3A_339 = arith.constant 0 : i32
          %dma_wait3A_340 = tpu.memref_slice %arg10[%dma_wait3A, %dma_wait3A_338, %dma_wait3A_339] : memref<5x160x128xf32, #tpu.memory_space<vmem>> -> memref<1x160x128xf32, #tpu.memory_space<vmem>>
          %dma_wait3A_341 = tpu.memref_squeeze %dma_wait3A_340 : memref<1x160x128xf32, #tpu.memory_space<vmem>> -> memref<160x128xf32, #tpu.memory_space<vmem>>
          %dma_wait3A_342 = arith.constant 0 : i32
          %dma_wait3A_343 = tpu.memref_slice %arg7[%mul3A_337, %dma_wait3A_342] : memref<100000x128xf32, #tpu.memory_space<hbm>> -> memref<160x128xf32, #tpu.memory_space<hbm>>
          %dma_wait3A_344 = arith.constant 0 : i32
          %dma_wait3A_345 = tpu.memref_slice %arg7[%mul3A_337, %dma_wait3A_344] : memref<100000x128xf32, #tpu.memory_space<hbm>> -> memref<160x128xf32, #tpu.memory_space<hbm>>
          %dma_wait3A_346 = arith.constant 0 : i32
          %dma_wait3A_347 = arith.constant 0 : i32
          %dma_wait3A_348 = tpu.memref_slice %arg10[%dma_wait3A, %dma_wait3A_346, %dma_wait3A_347] : memref<5x160x128xf32, #tpu.memory_space<vmem>> -> memref<1x160x128xf32, #tpu.memory_space<vmem>>
          %dma_wait3A_349 = tpu.memref_squeeze %dma_wait3A_348 : memref<1x160x128xf32, #tpu.memory_space<vmem>> -> memref<160x128xf32, #tpu.memory_space<vmem>>
          tpu.wait_dma2 semaphore(%arg30 : memref<!tpu.dma_semaphore, #tpu.memory_space<semaphore_mem>>) src(%dma_wait3A_349 : memref<160x128xf32, #tpu.memory_space<vmem>>) dst(%dma_wait3A_345 : memref<160x128xf32, #tpu.memory_space<hbm>>)
        } else {
        }
        %dma_start3A = arith.constant 2 : i32
        %dma_start3A_274 = arith.constant 0 : i32
        %dma_start3A_275 = arith.constant 0 : i32
        %dma_start3A_276 = tpu.memref_slice %arg10[%dma_start3A, %dma_start3A_274, %dma_start3A_275] : memref<5x160x128xf32, #tpu.memory_space<vmem>> -> memref<1x160x128xf32, #tpu.memory_space<vmem>>
        %dma_start3A_277 = tpu.memref_squeeze %dma_start3A_276 : memref<1x160x128xf32, #tpu.memory_space<vmem>> -> memref<160x128xf32, #tpu.memory_space<vmem>>
        %dma_start3A_278 = arith.constant 0 : i32
        %dma_start3A_279 = tpu.memref_slice %arg2[%mul3A_268, %dma_start3A_278] : memref<100000x128xf32, #tpu.memory_space<hbm>> -> memref<160x128xf32, #tpu.memory_space<hbm>>
        %dma_start3A_280 = arith.constant 0 : i32
        %dma_start3A_281 = arith.constant 0 : i32
        %dma_start3A_282 = tpu.memref_slice %arg10[%dma_start3A, %dma_start3A_280, %dma_start3A_281] : memref<5x160x128xf32, #tpu.memory_space<vmem>> -> memref<1x160x128xf32, #tpu.memory_space<vmem>>
        %dma_start3A_283 = tpu.memref_squeeze %dma_start3A_282 : memref<1x160x128xf32, #tpu.memory_space<vmem>> -> memref<160x128xf32, #tpu.memory_space<vmem>>
        %dma_start3A_284 = arith.constant 0 : i32
        %dma_start3A_285 = tpu.memref_slice %arg2[%mul3A_268, %dma_start3A_284] : memref<100000x128xf32, #tpu.memory_space<hbm>> -> memref<160x128xf32, #tpu.memory_space<hbm>>
        tpu.enqueue_dma source(%dma_start3A_285 : memref<160x128xf32, #tpu.memory_space<hbm>>) target(%dma_start3A_283 : memref<160x128xf32, #tpu.memory_space<vmem>>) target_semaphore(%arg15 : memref<!tpu.dma_semaphore, #tpu.memory_space<semaphore_mem>>)
        %mul3A_286 = arith.constant 160 : i32
        %mul3A_287 = arith.muli %add3A_159, %mul3A_286 : i32
        %add3A_288 = arith.constant 0 : i32
        %add3A_289 = arith.addi %mul3A_287, %add3A_288 : i32
        %dma_start3A_290 = arith.constant 2 : i32
        %dma_start3A_291 = arith.constant 0 : i32
        %dma_start3A_292 = arith.constant 0 : i32
        %dma_start3A_293 = tpu.memref_slice %arg8[%dma_start3A_290, %dma_start3A_291, %dma_start3A_292] : memref<5x2x80xi32, #tpu.memory_space<vmem>> -> memref<1x1x80xi32, #tpu.memory_space<vmem>>
        %dma_start3A_294 = tpu.memref_squeeze %dma_start3A_293 : memref<1x1x80xi32, #tpu.memory_space<vmem>> -> memref<80xi32, #tpu.memory_space<vmem>>
        %dma_start3A_295 = tpu.memref_slice %arg3[%add3A_289] : memref<100000xi32, #tpu.memory_space<hbm>> -> memref<80xi32, #tpu.memory_space<hbm>>
        %dma_start3A_296 = arith.constant 0 : i32
        %dma_start3A_297 = tpu.memref_slice %arg8[%dma_start3A_290, %dma_start3A_291, %dma_start3A_296] : memref<5x2x80xi32, #tpu.memory_space<vmem>> -> memref<1x1x80xi32, #tpu.memory_space<vmem>>
        %dma_start3A_298 = tpu.memref_squeeze %dma_start3A_297 : memref<1x1x80xi32, #tpu.memory_space<vmem>> -> memref<80xi32, #tpu.memory_space<vmem>>
        %dma_start3A_299 = tpu.memref_slice %arg3[%add3A_289] : memref<100000xi32, #tpu.memory_space<hbm>> -> memref<80xi32, #tpu.memory_space<hbm>>
        tpu.enqueue_dma source(%dma_start3A_299 : memref<80xi32, #tpu.memory_space<hbm>>) target(%dma_start3A_298 : memref<80xi32, #tpu.memory_space<vmem>>) target_semaphore(%arg20 : memref<!tpu.dma_semaphore, #tpu.memory_space<semaphore_mem>>)
        %dma_start3A_300 = arith.constant 2 : i32
        %dma_start3A_301 = arith.constant 0 : i32
        %dma_start3A_302 = arith.constant 0 : i32
        %dma_start3A_303 = tpu.memref_slice %arg9[%dma_start3A_300, %dma_start3A_301, %dma_start3A_302] : memref<5x2x80xi32, #tpu.memory_space<vmem>> -> memref<1x1x80xi32, #tpu.memory_space<vmem>>
        %dma_start3A_304 = tpu.memref_squeeze %dma_start3A_303 : memref<1x1x80xi32, #tpu.memory_space<vmem>> -> memref<80xi32, #tpu.memory_space<vmem>>
        %dma_start3A_305 = tpu.memref_slice %arg4[%add3A_289] : memref<100000xi32, #tpu.memory_space<hbm>> -> memref<80xi32, #tpu.memory_space<hbm>>
        %dma_start3A_306 = arith.constant 0 : i32
        %dma_start3A_307 = tpu.memref_slice %arg9[%dma_start3A_300, %dma_start3A_301, %dma_start3A_306] : memref<5x2x80xi32, #tpu.memory_space<vmem>> -> memref<1x1x80xi32, #tpu.memory_space<vmem>>
        %dma_start3A_308 = tpu.memref_squeeze %dma_start3A_307 : memref<1x1x80xi32, #tpu.memory_space<vmem>> -> memref<80xi32, #tpu.memory_space<vmem>>
        %dma_start3A_309 = tpu.memref_slice %arg4[%add3A_289] : memref<100000xi32, #tpu.memory_space<hbm>> -> memref<80xi32, #tpu.memory_space<hbm>>
        tpu.enqueue_dma source(%dma_start3A_309 : memref<80xi32, #tpu.memory_space<hbm>>) target(%dma_start3A_308 : memref<80xi32, #tpu.memory_space<vmem>>) target_semaphore(%arg20 : memref<!tpu.dma_semaphore, #tpu.memory_space<semaphore_mem>>)
        %mul3A_310 = arith.constant 160 : i32
        %mul3A_311 = arith.muli %add3A_159, %mul3A_310 : i32
        %add3A_312 = arith.constant 80 : i32
        %add3A_313 = arith.addi %mul3A_311, %add3A_312 : i32
        %dma_start3A_314 = arith.constant 2 : i32
        %dma_start3A_315 = arith.constant 1 : i32
        %dma_start3A_316 = arith.constant 0 : i32
        %dma_start3A_317 = tpu.memref_slice %arg8[%dma_start3A_314, %dma_start3A_315, %dma_start3A_316] : memref<5x2x80xi32, #tpu.memory_space<vmem>> -> memref<1x1x80xi32, #tpu.memory_space<vmem>>
        %dma_start3A_318 = tpu.memref_squeeze %dma_start3A_317 : memref<1x1x80xi32, #tpu.memory_space<vmem>> -> memref<80xi32, #tpu.memory_space<vmem>>
        %dma_start3A_319 = tpu.memref_slice %arg3[%add3A_313] : memref<100000xi32, #tpu.memory_space<hbm>> -> memref<80xi32, #tpu.memory_space<hbm>>
        %dma_start3A_320 = arith.constant 0 : i32
        %dma_start3A_321 = tpu.memref_slice %arg8[%dma_start3A_314, %dma_start3A_315, %dma_start3A_320] : memref<5x2x80xi32, #tpu.memory_space<vmem>> -> memref<1x1x80xi32, #tpu.memory_space<vmem>>
        %dma_start3A_322 = tpu.memref_squeeze %dma_start3A_321 : memref<1x1x80xi32, #tpu.memory_space<vmem>> -> memref<80xi32, #tpu.memory_space<vmem>>
        %dma_start3A_323 = tpu.memref_slice %arg3[%add3A_313] : memref<100000xi32, #tpu.memory_space<hbm>> -> memref<80xi32, #tpu.memory_space<hbm>>
        tpu.enqueue_dma source(%dma_start3A_323 : memref<80xi32, #tpu.memory_space<hbm>>) target(%dma_start3A_322 : memref<80xi32, #tpu.memory_space<vmem>>) target_semaphore(%arg20 : memref<!tpu.dma_semaphore, #tpu.memory_space<semaphore_mem>>)
        %dma_start3A_324 = arith.constant 2 : i32
        %dma_start3A_325 = arith.constant 1 : i32
        %dma_start3A_326 = arith.constant 0 : i32
        %dma_start3A_327 = tpu.memref_slice %arg9[%dma_start3A_324, %dma_start3A_325, %dma_start3A_326] : memref<5x2x80xi32, #tpu.memory_space<vmem>> -> memref<1x1x80xi32, #tpu.memory_space<vmem>>
        %dma_start3A_328 = tpu.memref_squeeze %dma_start3A_327 : memref<1x1x80xi32, #tpu.memory_space<vmem>> -> memref<80xi32, #tpu.memory_space<vmem>>
        %dma_start3A_329 = tpu.memref_slice %arg4[%add3A_313] : memref<100000xi32, #tpu.memory_space<hbm>> -> memref<80xi32, #tpu.memory_space<hbm>>
        %dma_start3A_330 = arith.constant 0 : i32
        %dma_start3A_331 = tpu.memref_slice %arg9[%dma_start3A_324, %dma_start3A_325, %dma_start3A_330] : memref<5x2x80xi32, #tpu.memory_space<vmem>> -> memref<1x1x80xi32, #tpu.memory_space<vmem>>
        %dma_start3A_332 = tpu.memref_squeeze %dma_start3A_331 : memref<1x1x80xi32, #tpu.memory_space<vmem>> -> memref<80xi32, #tpu.memory_space<vmem>>
        %dma_start3A_333 = tpu.memref_slice %arg4[%add3A_313] : memref<100000xi32, #tpu.memory_space<hbm>> -> memref<80xi32, #tpu.memory_space<hbm>>
        tpu.enqueue_dma source(%dma_start3A_333 : memref<80xi32, #tpu.memory_space<hbm>>) target(%dma_start3A_332 : memref<80xi32, #tpu.memory_space<vmem>>) target_semaphore(%arg20 : memref<!tpu.dma_semaphore, #tpu.memory_space<semaphore_mem>>)
      } else {
      }
      %sub3A_165 = arith.constant 1 : i32
      %sub3A_166 = arith.subi %add3A_156, %sub3A_165 : i32
      %mul3A_167 = arith.constant 32 : i32
      %mul3A_168 = arith.muli %sub3A_166, %mul3A_167 : i32
      %add3A_169 = arith.addi %mul3A_168, %add3A : i32
      %ge3A_170 = arith.constant 0 : i32
      %ge3A_171 = arith.cmpi sge, %sub3A_166, %ge3A_170 : i32
      %lt3A_172 = arith.constant 625 : i32
      %lt3A_173 = arith.cmpi slt, %add3A_169, %lt3A_172 : i32
      %and3A_174 = arith.andi %ge3A_171, %lt3A_173 : i1
      %convert_element_type3A_175 = arith.extui %and3A_174 : i1 to i32
      %cond3A_176 = arith.constant 0 : i32
      %cond3A_177 = arith.cmpi ne, %convert_element_type3A_175, %cond3A_176 : i32
      scf.if %cond3A_177 {
        %mul3A_267 = arith.constant 160 : i32
        %mul3A_268 = arith.muli %add3A_169, %mul3A_267 : i32
        %mul3A_269 = arith.constant 160 : i32
        %mul3A_270 = arith.muli %add3A_169, %mul3A_269 : i32
        %dma_wait3A = arith.constant 1 : i32
        %dma_wait3A_271 = arith.constant 0 : i32
        %dma_wait3A_272 = arith.constant 0 : i32
        %dma_wait3A_273 = tpu.memref_slice %arg8[%dma_wait3A, %dma_wait3A_271, %dma_wait3A_272] : memref<5x2x80xi32, #tpu.memory_space<vmem>> -> memref<1x1x80xi32, #tpu.memory_space<vmem>>
        %dma_wait3A_274 = tpu.memref_squeeze %dma_wait3A_273 : memref<1x1x80xi32, #tpu.memory_space<vmem>> -> memref<80xi32, #tpu.memory_space<vmem>>
        %dma_wait3A_275 = tpu.memref_slice %arg3[%mul3A_270] : memref<100000xi32, #tpu.memory_space<hbm>> -> memref<80xi32, #tpu.memory_space<hbm>>
        %dma_wait3A_276 = arith.constant 0 : i32
        %dma_wait3A_277 = tpu.memref_slice %arg8[%dma_wait3A, %dma_wait3A_271, %dma_wait3A_276] : memref<5x2x80xi32, #tpu.memory_space<vmem>> -> memref<1x1x80xi32, #tpu.memory_space<vmem>>
        %dma_wait3A_278 = tpu.memref_squeeze %dma_wait3A_277 : memref<1x1x80xi32, #tpu.memory_space<vmem>> -> memref<80xi32, #tpu.memory_space<vmem>>
        %dma_wait3A_279 = tpu.memref_slice %arg3[%mul3A_270] : memref<100000xi32, #tpu.memory_space<hbm>> -> memref<80xi32, #tpu.memory_space<hbm>>
        tpu.wait_dma2 semaphore(%arg19 : memref<!tpu.dma_semaphore, #tpu.memory_space<semaphore_mem>>) src(%dma_wait3A_279 : memref<80xi32, #tpu.memory_space<hbm>>) dst(%dma_wait3A_278 : memref<80xi32, #tpu.memory_space<vmem>>)
        %dma_wait3A_280 = arith.constant 1 : i32
        %dma_wait3A_281 = arith.constant 0 : i32
        %dma_wait3A_282 = arith.constant 0 : i32
        %dma_wait3A_283 = tpu.memref_slice %arg8[%dma_wait3A_280, %dma_wait3A_281, %dma_wait3A_282] : memref<5x2x80xi32, #tpu.memory_space<vmem>> -> memref<1x1x80xi32, #tpu.memory_space<vmem>>
        %dma_wait3A_284 = tpu.memref_squeeze %dma_wait3A_283 : memref<1x1x80xi32, #tpu.memory_space<vmem>> -> memref<80xi32, #tpu.memory_space<vmem>>
        %dma_wait3A_285 = tpu.memref_slice %arg3[%mul3A_270] : memref<100000xi32, #tpu.memory_space<hbm>> -> memref<80xi32, #tpu.memory_space<hbm>>
        %dma_wait3A_286 = arith.constant 0 : i32
        %dma_wait3A_287 = tpu.memref_slice %arg8[%dma_wait3A_280, %dma_wait3A_281, %dma_wait3A_286] : memref<5x2x80xi32, #tpu.memory_space<vmem>> -> memref<1x1x80xi32, #tpu.memory_space<vmem>>
        %dma_wait3A_288 = tpu.memref_squeeze %dma_wait3A_287 : memref<1x1x80xi32, #tpu.memory_space<vmem>> -> memref<80xi32, #tpu.memory_space<vmem>>
        %dma_wait3A_289 = tpu.memref_slice %arg3[%mul3A_270] : memref<100000xi32, #tpu.memory_space<hbm>> -> memref<80xi32, #tpu.memory_space<hbm>>
        tpu.wait_dma2 semaphore(%arg19 : memref<!tpu.dma_semaphore, #tpu.memory_space<semaphore_mem>>) src(%dma_wait3A_289 : memref<80xi32, #tpu.memory_space<hbm>>) dst(%dma_wait3A_288 : memref<80xi32, #tpu.memory_space<vmem>>)
        %dma_wait3A_290 = arith.constant 1 : i32
        %dma_wait3A_291 = arith.constant 0 : i32
        %dma_wait3A_292 = arith.constant 0 : i32
        %dma_wait3A_293 = tpu.memref_slice %arg8[%dma_wait3A_290, %dma_wait3A_291, %dma_wait3A_292] : memref<5x2x80xi32, #tpu.memory_space<vmem>> -> memref<1x1x80xi32, #tpu.memory_space<vmem>>
        %dma_wait3A_294 = tpu.memref_squeeze %dma_wait3A_293 : memref<1x1x80xi32, #tpu.memory_space<vmem>> -> memref<80xi32, #tpu.memory_space<vmem>>
        %dma_wait3A_295 = tpu.memref_slice %arg3[%mul3A_270] : memref<100000xi32, #tpu.memory_space<hbm>> -> memref<80xi32, #tpu.memory_space<hbm>>
        %dma_wait3A_296 = arith.constant 0 : i32
        %dma_wait3A_297 = tpu.memref_slice %arg8[%dma_wait3A_290, %dma_wait3A_291, %dma_wait3A_296] : memref<5x2x80xi32, #tpu.memory_space<vmem>> -> memref<1x1x80xi32, #tpu.memory_space<vmem>>
        %dma_wait3A_298 = tpu.memref_squeeze %dma_wait3A_297 : memref<1x1x80xi32, #tpu.memory_space<vmem>> -> memref<80xi32, #tpu.memory_space<vmem>>
        %dma_wait3A_299 = tpu.memref_slice %arg3[%mul3A_270] : memref<100000xi32, #tpu.memory_space<hbm>> -> memref<80xi32, #tpu.memory_space<hbm>>
        tpu.wait_dma2 semaphore(%arg19 : memref<!tpu.dma_semaphore, #tpu.memory_space<semaphore_mem>>) src(%dma_wait3A_299 : memref<80xi32, #tpu.memory_space<hbm>>) dst(%dma_wait3A_298 : memref<80xi32, #tpu.memory_space<vmem>>)
        %dma_wait3A_300 = arith.constant 1 : i32
        %dma_wait3A_301 = arith.constant 0 : i32
        %dma_wait3A_302 = arith.constant 0 : i32
        %dma_wait3A_303 = tpu.memref_slice %arg8[%dma_wait3A_300, %dma_wait3A_301, %dma_wait3A_302] : memref<5x2x80xi32, #tpu.memory_space<vmem>> -> memref<1x1x80xi32, #tpu.memory_space<vmem>>
        %dma_wait3A_304 = tpu.memref_squeeze %dma_wait3A_303 : memref<1x1x80xi32, #tpu.memory_space<vmem>> -> memref<80xi32, #tpu.memory_space<vmem>>
        %dma_wait3A_305 = tpu.memref_slice %arg3[%mul3A_270] : memref<100000xi32, #tpu.memory_space<hbm>> -> memref<80xi32, #tpu.memory_space<hbm>>
        %dma_wait3A_306 = arith.constant 0 : i32
        %dma_wait3A_307 = tpu.memref_slice %arg8[%dma_wait3A_300, %dma_wait3A_301, %dma_wait3A_306] : memref<5x2x80xi32, #tpu.memory_space<vmem>> -> memref<1x1x80xi32, #tpu.memory_space<vmem>>
        %dma_wait3A_308 = tpu.memref_squeeze %dma_wait3A_307 : memref<1x1x80xi32, #tpu.memory_space<vmem>> -> memref<80xi32, #tpu.memory_space<vmem>>
        %dma_wait3A_309 = tpu.memref_slice %arg3[%mul3A_270] : memref<100000xi32, #tpu.memory_space<hbm>> -> memref<80xi32, #tpu.memory_space<hbm>>
        tpu.wait_dma2 semaphore(%arg19 : memref<!tpu.dma_semaphore, #tpu.memory_space<semaphore_mem>>) src(%dma_wait3A_309 : memref<80xi32, #tpu.memory_space<hbm>>) dst(%dma_wait3A_308 : memref<80xi32, #tpu.memory_space<vmem>>)
        %get3A = arith.constant 1 : i32
        %get3A_310 = arith.constant 0 : i32
        %get3A_311 = arith.index_cast %get3A : i32 to index
        %get3A_312 = arith.index_cast %get3A_310 : i32 to index
        %get3A_313 = arith.constant 0 : index
        %get3A_314 = tpu.vector_load %arg8[%get3A_311, %get3A_312, %get3A_313] {strides = array<i32>} : memref<5x2x80xi32, #tpu.memory_space<vmem>>, vector<1x1x16xi32>,
        %get3A_315 = vector.shape_cast %get3A_314 : vector<1x1x16xi32> to vector<16xi32>
        %min3A = arith.constant 511 : i32
        %min3A_316 = vector.broadcast %min3A : i32 to vector<16xi32>
        %min3A_317 = arith.minsi %get3A_315, %min3A_316 : vector<16xi32>
        %swap3A = arith.constant 1 : i32
        %swap3A_318 = arith.constant 0 : i32
        %swap3A_319 = arith.index_cast %swap3A : i32 to index
        %swap3A_320 = arith.index_cast %swap3A_318 : i32 to index
        %swap3A_321 = arith.constant 0 : index
        %swap3A_322 = tpu.vector_load %arg8[%swap3A_319, %swap3A_320, %swap3A_321] {strides = array<i32>} : memref<5x2x80xi32, #tpu.memory_space<vmem>>, vector<1x1x16xi32>,
        %swap3A_323 = vector.shape_cast %swap3A_322 : vector<1x1x16xi32> to vector<16xi32>
        %swap3A_324 = vector.shape_cast %min3A_317 : vector<16xi32> to vector<1x1x16xi32>
        tpu.vector_store %arg8[%swap3A_319, %swap3A_320, %swap3A_321], %swap3A_324 {strides = array<i32>} : memref<5x2x80xi32, #tpu.memory_space<vmem>>, vector<1x1x16xi32>,
        %get3A_325 = arith.constant 1 : i32
        %get3A_326 = arith.constant 0 : i32
        %get3A_327 = arith.index_cast %get3A_325 : i32 to index
        %get3A_328 = arith.index_cast %get3A_326 : i32 to index
        %get3A_329 = arith.constant 0 : index
        %get3A_330 = tpu.vector_load %arg9[%get3A_327, %get3A_328, %get3A_329] {strides = array<i32>} : memref<5x2x80xi32, #tpu.memory_space<vmem>>, vector<1x1x16xi32>,
        %get3A_331 = vector.shape_cast %get3A_330 : vector<1x1x16xi32> to vector<16xi32>
        %min3A_332 = arith.constant 511 : i32
        %min3A_333 = vector.broadcast %min3A_332 : i32 to vector<16xi32>
        %min3A_334 = arith.minsi %get3A_331, %min3A_333 : vector<16xi32>
        %swap3A_335 = arith.constant 1 : i32
        %swap3A_336 = arith.constant 0 : i32
        %swap3A_337 = arith.index_cast %swap3A_335 : i32 to index
        %swap3A_338 = arith.index_cast %swap3A_336 : i32 to index
        %swap3A_339 = arith.constant 0 : index
        %swap3A_340 = tpu.vector_load %arg9[%swap3A_337, %swap3A_338, %swap3A_339] {strides = array<i32>} : memref<5x2x80xi32, #tpu.memory_space<vmem>>, vector<1x1x16xi32>,
        %swap3A_341 = vector.shape_cast %swap3A_340 : vector<1x1x16xi32> to vector<16xi32>
        %swap3A_342 = vector.shape_cast %min3A_334 : vector<16xi32> to vector<1x1x16xi32>
        tpu.vector_store %arg9[%swap3A_337, %swap3A_338, %swap3A_339], %swap3A_342 {strides = array<i32>} : memref<5x2x80xi32, #tpu.memory_space<vmem>>, vector<1x1x16xi32>,
        %get3A_343 = arith.constant 1 : i32
        %get3A_344 = arith.constant 0 : i32
        %get3A_345 = arith.index_cast %get3A_343 : i32 to index
        %get3A_346 = arith.index_cast %get3A_344 : i32 to index
        %get3A_347 = arith.constant 16 : index
        %get3A_348 = tpu.vector_load %arg8[%get3A_345, %get3A_346, %get3A_347] {strides = array<i32>} : memref<5x2x80xi32, #tpu.memory_space<vmem>>, vector<1x1x16xi32>,
        %get3A_349 = vector.shape_cast %get3A_348 : vector<1x1x16xi32> to vector<16xi32>
        %min3A_350 = arith.constant 511 : i32
        %min3A_351 = vector.broadcast %min3A_350 : i32 to vector<16xi32>
        %min3A_352 = arith.minsi %get3A_349, %min3A_351 : vector<16xi32>
        %swap3A_353 = arith.constant 1 : i32
        %swap3A_354 = arith.constant 0 : i32
        %swap3A_355 = arith.index_cast %swap3A_353 : i32 to index
        %swap3A_356 = arith.index_cast %swap3A_354 : i32 to index
        %swap3A_357 = arith.constant 16 : index
        %swap3A_358 = tpu.vector_load %arg8[%swap3A_355, %swap3A_356, %swap3A_357] {strides = array<i32>} : memref<5x2x80xi32, #tpu.memory_space<vmem>>, vector<1x1x16xi32>,
        %swap3A_359 = vector.shape_cast %swap3A_358 : vector<1x1x16xi32> to vector<16xi32>
        %swap3A_360 = vector.shape_cast %min3A_352 : vector<16xi32> to vector<1x1x16xi32>
        tpu.vector_store %arg8[%swap3A_355, %swap3A_356, %swap3A_357], %swap3A_360 {strides = array<i32>} : memref<5x2x80xi32, #tpu.memory_space<vmem>>, vector<1x1x16xi32>,
        %get3A_361 = arith.constant 1 : i32
        %get3A_362 = arith.constant 0 : i32
        %get3A_363 = arith.index_cast %get3A_361 : i32 to index
        %get3A_364 = arith.index_cast %get3A_362 : i32 to index
        %get3A_365 = arith.constant 16 : index
        %get3A_366 = tpu.vector_load %arg9[%get3A_363, %get3A_364, %get3A_365] {strides = array<i32>} : memref<5x2x80xi32, #tpu.memory_space<vmem>>, vector<1x1x16xi32>,
        %get3A_367 = vector.shape_cast %get3A_366 : vector<1x1x16xi32> to vector<16xi32>
        %min3A_368 = arith.constant 511 : i32
        %min3A_369 = vector.broadcast %min3A_368 : i32 to vector<16xi32>
        %min3A_370 = arith.minsi %get3A_367, %min3A_369 : vector<16xi32>
        %swap3A_371 = arith.constant 1 : i32
        %swap3A_372 = arith.constant 0 : i32
        %swap3A_373 = arith.index_cast %swap3A_371 : i32 to index
        %swap3A_374 = arith.index_cast %swap3A_372 : i32 to index
        %swap3A_375 = arith.constant 16 : index
        %swap3A_376 = tpu.vector_load %arg9[%swap3A_373, %swap3A_374, %swap3A_375] {strides = array<i32>} : memref<5x2x80xi32, #tpu.memory_space<vmem>>, vector<1x1x16xi32>,
        %swap3A_377 = vector.shape_cast %swap3A_376 : vector<1x1x16xi32> to vector<16xi32>
        %swap3A_378 = vector.shape_cast %min3A_370 : vector<16xi32> to vector<1x1x16xi32>
        tpu.vector_store %arg9[%swap3A_373, %swap3A_374, %swap3A_375], %swap3A_378 {strides = array<i32>} : memref<5x2x80xi32, #tpu.memory_space<vmem>>, vector<1x1x16xi32>,
        %get3A_379 = arith.constant 1 : i32
        %get3A_380 = arith.constant 0 : i32
        %get3A_381 = arith.index_cast %get3A_379 : i32 to index
        %get3A_382 = arith.index_cast %get3A_380 : i32 to index
        %get3A_383 = arith.constant 32 : index
        %get3A_384 = tpu.vector_load %arg8[%get3A_381, %get3A_382, %get3A_383] {strides = array<i32>} : memref<5x2x80xi32, #tpu.memory_space<vmem>>, vector<1x1x16xi32>,
        %get3A_385 = vector.shape_cast %get3A_384 : vector<1x1x16xi32> to vector<16xi32>
        %min3A_386 = arith.constant 511 : i32
        %min3A_387 = vector.broadcast %min3A_386 : i32 to vector<16xi32>
        %min3A_388 = arith.minsi %get3A_385, %min3A_387 : vector<16xi32>
        %swap3A_389 = arith.constant 1 : i32
        %swap3A_390 = arith.constant 0 : i32
        %swap3A_391 = arith.index_cast %swap3A_389 : i32 to index
        %swap3A_392 = arith.index_cast %swap3A_390 : i32 to index
        %swap3A_393 = arith.constant 32 : index
        %swap3A_394 = tpu.vector_load %arg8[%swap3A_391, %swap3A_392, %swap3A_393] {strides = array<i32>} : memref<5x2x80xi32, #tpu.memory_space<vmem>>, vector<1x1x16xi32>,
        %swap3A_395 = vector.shape_cast %swap3A_394 : vector<1x1x16xi32> to vector<16xi32>
        %swap3A_396 = vector.shape_cast %min3A_388 : vector<16xi32> to vector<1x1x16xi32>
        tpu.vector_store %arg8[%swap3A_391, %swap3A_392, %swap3A_393], %swap3A_396 {strides = array<i32>} : memref<5x2x80xi32, #tpu.memory_space<vmem>>, vector<1x1x16xi32>,
        %get3A_397 = arith.constant 1 : i32
        %get3A_398 = arith.constant 0 : i32
        %get3A_399 = arith.index_cast %get3A_397 : i32 to index
        %get3A_400 = arith.index_cast %get3A_398 : i32 to index
        %get3A_401 = arith.constant 32 : index
        %get3A_402 = tpu.vector_load %arg9[%get3A_399, %get3A_400, %get3A_401] {strides = array<i32>} : memref<5x2x80xi32, #tpu.memory_space<vmem>>, vector<1x1x16xi32>,
        %get3A_403 = vector.shape_cast %get3A_402 : vector<1x1x16xi32> to vector<16xi32>
        %min3A_404 = arith.constant 511 : i32
        %min3A_405 = vector.broadcast %min3A_404 : i32 to vector<16xi32>
        %min3A_406 = arith.minsi %get3A_403, %min3A_405 : vector<16xi32>
        %swap3A_407 = arith.constant 1 : i32
        %swap3A_408 = arith.constant 0 : i32
        %swap3A_409 = arith.index_cast %swap3A_407 : i32 to index
        %swap3A_410 = arith.index_cast %swap3A_408 : i32 to index
        %swap3A_411 = arith.constant 32 : index
        %swap3A_412 = tpu.vector_load %arg9[%swap3A_409, %swap3A_410, %swap3A_411] {strides = array<i32>} : memref<5x2x80xi32, #tpu.memory_space<vmem>>, vector<1x1x16xi32>,
        %swap3A_413 = vector.shape_cast %swap3A_412 : vector<1x1x16xi32> to vector<16xi32>
        %swap3A_414 = vector.shape_cast %min3A_406 : vector<16xi32> to vector<1x1x16xi32>
        tpu.vector_store %arg9[%swap3A_409, %swap3A_410, %swap3A_411], %swap3A_414 {strides = array<i32>} : memref<5x2x80xi32, #tpu.memory_space<vmem>>, vector<1x1x16xi32>,
        %get3A_415 = arith.constant 1 : i32
        %get3A_416 = arith.constant 0 : i32
        %get3A_417 = arith.index_cast %get3A_415 : i32 to index
        %get3A_418 = arith.index_cast %get3A_416 : i32 to index
        %get3A_419 = arith.constant 48 : index
        %get3A_420 = tpu.vector_load %arg8[%get3A_417, %get3A_418, %get3A_419] {strides = array<i32>} : memref<5x2x80xi32, #tpu.memory_space<vmem>>, vector<1x1x16xi32>,
        %get3A_421 = vector.shape_cast %get3A_420 : vector<1x1x16xi32> to vector<16xi32>
        %min3A_422 = arith.constant 511 : i32
        %min3A_423 = vector.broadcast %min3A_422 : i32 to vector<16xi32>
        %min3A_424 = arith.minsi %get3A_421, %min3A_423 : vector<16xi32>
        %swap3A_425 = arith.constant 1 : i32
        %swap3A_426 = arith.constant 0 : i32
        %swap3A_427 = arith.index_cast %swap3A_425 : i32 to index
        %swap3A_428 = arith.index_cast %swap3A_426 : i32 to index
        %swap3A_429 = arith.constant 48 : index
        %swap3A_430 = tpu.vector_load %arg8[%swap3A_427, %swap3A_428, %swap3A_429] {strides = array<i32>} : memref<5x2x80xi32, #tpu.memory_space<vmem>>, vector<1x1x16xi32>,
        %swap3A_431 = vector.shape_cast %swap3A_430 : vector<1x1x16xi32> to vector<16xi32>
        %swap3A_432 = vector.shape_cast %min3A_424 : vector<16xi32> to vector<1x1x16xi32>
        tpu.vector_store %arg8[%swap3A_427, %swap3A_428, %swap3A_429], %swap3A_432 {strides = array<i32>} : memref<5x2x80xi32, #tpu.memory_space<vmem>>, vector<1x1x16xi32>,
        %get3A_433 = arith.constant 1 : i32
        %get3A_434 = arith.constant 0 : i32
        %get3A_435 = arith.index_cast %get3A_433 : i32 to index
        %get3A_436 = arith.index_cast %get3A_434 : i32 to index
        %get3A_437 = arith.constant 48 : index
        %get3A_438 = tpu.vector_load %arg9[%get3A_435, %get3A_436, %get3A_437] {strides = array<i32>} : memref<5x2x80xi32, #tpu.memory_space<vmem>>, vector<1x1x16xi32>,
        %get3A_439 = vector.shape_cast %get3A_438 : vector<1x1x16xi32> to vector<16xi32>
        %min3A_440 = arith.constant 511 : i32
        %min3A_441 = vector.broadcast %min3A_440 : i32 to vector<16xi32>
        %min3A_442 = arith.minsi %get3A_439, %min3A_441 : vector<16xi32>
        %swap3A_443 = arith.constant 1 : i32
        %swap3A_444 = arith.constant 0 : i32
        %swap3A_445 = arith.index_cast %swap3A_443 : i32 to index
        %swap3A_446 = arith.index_cast %swap3A_444 : i32 to index
        %swap3A_447 = arith.constant 48 : index
        %swap3A_448 = tpu.vector_load %arg9[%swap3A_445, %swap3A_446, %swap3A_447] {strides = array<i32>} : memref<5x2x80xi32, #tpu.memory_space<vmem>>, vector<1x1x16xi32>,
        %swap3A_449 = vector.shape_cast %swap3A_448 : vector<1x1x16xi32> to vector<16xi32>
        %swap3A_450 = vector.shape_cast %min3A_442 : vector<16xi32> to vector<1x1x16xi32>
        tpu.vector_store %arg9[%swap3A_445, %swap3A_446, %swap3A_447], %swap3A_450 {strides = array<i32>} : memref<5x2x80xi32, #tpu.memory_space<vmem>>, vector<1x1x16xi32>,
        %get3A_451 = arith.constant 1 : i32
        %get3A_452 = arith.constant 0 : i32
        %get3A_453 = arith.index_cast %get3A_451 : i32 to index
        %get3A_454 = arith.index_cast %get3A_452 : i32 to index
        %get3A_455 = arith.constant 64 : index
        %get3A_456 = tpu.vector_load %arg8[%get3A_453, %get3A_454, %get3A_455] {strides = array<i32>} : memref<5x2x80xi32, #tpu.memory_space<vmem>>, vector<1x1x16xi32>,
        %get3A_457 = vector.shape_cast %get3A_456 : vector<1x1x16xi32> to vector<16xi32>
        %min3A_458 = arith.constant 511 : i32
        %min3A_459 = vector.broadcast %min3A_458 : i32 to vector<16xi32>
        %min3A_460 = arith.minsi %get3A_457, %min3A_459 : vector<16xi32>
        %swap3A_461 = arith.constant 1 : i32
        %swap3A_462 = arith.constant 0 : i32
        %swap3A_463 = arith.index_cast %swap3A_461 : i32 to index
        %swap3A_464 = arith.index_cast %swap3A_462 : i32 to index
        %swap3A_465 = arith.constant 64 : index
        %swap3A_466 = tpu.vector_load %arg8[%swap3A_463, %swap3A_464, %swap3A_465] {strides = array<i32>} : memref<5x2x80xi32, #tpu.memory_space<vmem>>, vector<1x1x16xi32>,
        %swap3A_467 = vector.shape_cast %swap3A_466 : vector<1x1x16xi32> to vector<16xi32>
        %swap3A_468 = vector.shape_cast %min3A_460 : vector<16xi32> to vector<1x1x16xi32>
        tpu.vector_store %arg8[%swap3A_463, %swap3A_464, %swap3A_465], %swap3A_468 {strides = array<i32>} : memref<5x2x80xi32, #tpu.memory_space<vmem>>, vector<1x1x16xi32>,
        %get3A_469 = arith.constant 1 : i32
        %get3A_470 = arith.constant 0 : i32
        %get3A_471 = arith.index_cast %get3A_469 : i32 to index
        %get3A_472 = arith.index_cast %get3A_470 : i32 to index
        %get3A_473 = arith.constant 64 : index
        %get3A_474 = tpu.vector_load %arg9[%get3A_471, %get3A_472, %get3A_473] {strides = array<i32>} : memref<5x2x80xi32, #tpu.memory_space<vmem>>, vector<1x1x16xi32>,
        %get3A_475 = vector.shape_cast %get3A_474 : vector<1x1x16xi32> to vector<16xi32>
        %min3A_476 = arith.constant 511 : i32
        %min3A_477 = vector.broadcast %min3A_476 : i32 to vector<16xi32>
        %min3A_478 = arith.minsi %get3A_475, %min3A_477 : vector<16xi32>
        %swap3A_479 = arith.constant 1 : i32
        %swap3A_480 = arith.constant 0 : i32
        %swap3A_481 = arith.index_cast %swap3A_479 : i32 to index
        %swap3A_482 = arith.index_cast %swap3A_480 : i32 to index
        %swap3A_483 = arith.constant 64 : index
        %swap3A_484 = tpu.vector_load %arg9[%swap3A_481, %swap3A_482, %swap3A_483] {strides = array<i32>} : memref<5x2x80xi32, #tpu.memory_space<vmem>>, vector<1x1x16xi32>,
        %swap3A_485 = vector.shape_cast %swap3A_484 : vector<1x1x16xi32> to vector<16xi32>
        %swap3A_486 = vector.shape_cast %min3A_478 : vector<16xi32> to vector<1x1x16xi32>
        tpu.vector_store %arg9[%swap3A_481, %swap3A_482, %swap3A_483], %swap3A_486 {strides = array<i32>} : memref<5x2x80xi32, #tpu.memory_space<vmem>>, vector<1x1x16xi32>,
        %get3A_487 = arith.constant 1 : i32
        %get3A_488 = arith.constant 1 : i32
        %get3A_489 = arith.index_cast %get3A_487 : i32 to index
        %get3A_490 = arith.index_cast %get3A_488 : i32 to index
        %get3A_491 = arith.constant 0 : index
        %get3A_492 = tpu.vector_load %arg8[%get3A_489, %get3A_490, %get3A_491] {strides = array<i32>} : memref<5x2x80xi32, #tpu.memory_space<vmem>>, vector<1x1x16xi32>,
        %get3A_493 = vector.shape_cast %get3A_492 : vector<1x1x16xi32> to vector<16xi32>
        %min3A_494 = arith.constant 511 : i32
        %min3A_495 = vector.broadcast %min3A_494 : i32 to vector<16xi32>
        %min3A_496 = arith.minsi %get3A_493, %min3A_495 : vector<16xi32>
        %swap3A_497 = arith.constant 1 : i32
        %swap3A_498 = arith.constant 1 : i32
        %swap3A_499 = arith.index_cast %swap3A_497 : i32 to index
        %swap3A_500 = arith.index_cast %swap3A_498 : i32 to index
        %swap3A_501 = arith.constant 0 : index
        %swap3A_502 = tpu.vector_load %arg8[%swap3A_499, %swap3A_500, %swap3A_501] {strides = array<i32>} : memref<5x2x80xi32, #tpu.memory_space<vmem>>, vector<1x1x16xi32>,
        %swap3A_503 = vector.shape_cast %swap3A_502 : vector<1x1x16xi32> to vector<16xi32>
        %swap3A_504 = vector.shape_cast %min3A_496 : vector<16xi32> to vector<1x1x16xi32>
        tpu.vector_store %arg8[%swap3A_499, %swap3A_500, %swap3A_501], %swap3A_504 {strides = array<i32>} : memref<5x2x80xi32, #tpu.memory_space<vmem>>, vector<1x1x16xi32>,
        %get3A_505 = arith.constant 1 : i32
        %get3A_506 = arith.constant 1 : i32
        %get3A_507 = arith.index_cast %get3A_505 : i32 to index
        %get3A_508 = arith.index_cast %get3A_506 : i32 to index
        %get3A_509 = arith.constant 0 : index
        %get3A_510 = tpu.vector_load %arg9[%get3A_507, %get3A_508, %get3A_509] {strides = array<i32>} : memref<5x2x80xi32, #tpu.memory_space<vmem>>, vector<1x1x16xi32>,
        %get3A_511 = vector.shape_cast %get3A_510 : vector<1x1x16xi32> to vector<16xi32>
        %min3A_512 = arith.constant 511 : i32
        %min3A_513 = vector.broadcast %min3A_512 : i32 to vector<16xi32>
        %min3A_514 = arith.minsi %get3A_511, %min3A_513 : vector<16xi32>
        %swap3A_515 = arith.constant 1 : i32
        %swap3A_516 = arith.constant 1 : i32
        %swap3A_517 = arith.index_cast %swap3A_515 : i32 to index
        %swap3A_518 = arith.index_cast %swap3A_516 : i32 to index
        %swap3A_519 = arith.constant 0 : index
        %swap3A_520 = tpu.vector_load %arg9[%swap3A_517, %swap3A_518, %swap3A_519] {strides = array<i32>} : memref<5x2x80xi32, #tpu.memory_space<vmem>>, vector<1x1x16xi32>,
        %swap3A_521 = vector.shape_cast %swap3A_520 : vector<1x1x16xi32> to vector<16xi32>
        %swap3A_522 = vector.shape_cast %min3A_514 : vector<16xi32> to vector<1x1x16xi32>
        tpu.vector_store %arg9[%swap3A_517, %swap3A_518, %swap3A_519], %swap3A_522 {strides = array<i32>} : memref<5x2x80xi32, #tpu.memory_space<vmem>>, vector<1x1x16xi32>,
        %get3A_523 = arith.constant 1 : i32
        %get3A_524 = arith.constant 1 : i32
        %get3A_525 = arith.index_cast %get3A_523 : i32 to index
        %get3A_526 = arith.index_cast %get3A_524 : i32 to index
        %get3A_527 = arith.constant 16 : index
        %get3A_528 = tpu.vector_load %arg8[%get3A_525, %get3A_526, %get3A_527] {strides = array<i32>} : memref<5x2x80xi32, #tpu.memory_space<vmem>>, vector<1x1x16xi32>,
        %get3A_529 = vector.shape_cast %get3A_528 : vector<1x1x16xi32> to vector<16xi32>
        %min3A_530 = arith.constant 511 : i32
        %min3A_531 = vector.broadcast %min3A_530 : i32 to vector<16xi32>
        %min3A_532 = arith.minsi %get3A_529, %min3A_531 : vector<16xi32>
        %swap3A_533 = arith.constant 1 : i32
        %swap3A_534 = arith.constant 1 : i32
        %swap3A_535 = arith.index_cast %swap3A_533 : i32 to index
        %swap3A_536 = arith.index_cast %swap3A_534 : i32 to index
        %swap3A_537 = arith.constant 16 : index
        %swap3A_538 = tpu.vector_load %arg8[%swap3A_535, %swap3A_536, %swap3A_537] {strides = array<i32>} : memref<5x2x80xi32, #tpu.memory_space<vmem>>, vector<1x1x16xi32>,
        %swap3A_539 = vector.shape_cast %swap3A_538 : vector<1x1x16xi32> to vector<16xi32>
        %swap3A_540 = vector.shape_cast %min3A_532 : vector<16xi32> to vector<1x1x16xi32>
        tpu.vector_store %arg8[%swap3A_535, %swap3A_536, %swap3A_537], %swap3A_540 {strides = array<i32>} : memref<5x2x80xi32, #tpu.memory_space<vmem>>, vector<1x1x16xi32>,
        %get3A_541 = arith.constant 1 : i32
        %get3A_542 = arith.constant 1 : i32
        %get3A_543 = arith.index_cast %get3A_541 : i32 to index
        %get3A_544 = arith.index_cast %get3A_542 : i32 to index
        %get3A_545 = arith.constant 16 : index
        %get3A_546 = tpu.vector_load %arg9[%get3A_543, %get3A_544, %get3A_545] {strides = array<i32>} : memref<5x2x80xi32, #tpu.memory_space<vmem>>, vector<1x1x16xi32>,
        %get3A_547 = vector.shape_cast %get3A_546 : vector<1x1x16xi32> to vector<16xi32>
        %min3A_548 = arith.constant 511 : i32
        %min3A_549 = vector.broadcast %min3A_548 : i32 to vector<16xi32>
        %min3A_550 = arith.minsi %get3A_547, %min3A_549 : vector<16xi32>
        %swap3A_551 = arith.constant 1 : i32
        %swap3A_552 = arith.constant 1 : i32
        %swap3A_553 = arith.index_cast %swap3A_551 : i32 to index
        %swap3A_554 = arith.index_cast %swap3A_552 : i32 to index
        %swap3A_555 = arith.constant 16 : index
        %swap3A_556 = tpu.vector_load %arg9[%swap3A_553, %swap3A_554, %swap3A_555] {strides = array<i32>} : memref<5x2x80xi32, #tpu.memory_space<vmem>>, vector<1x1x16xi32>,
        %swap3A_557 = vector.shape_cast %swap3A_556 : vector<1x1x16xi32> to vector<16xi32>
        %swap3A_558 = vector.shape_cast %min3A_550 : vector<16xi32> to vector<1x1x16xi32>
        tpu.vector_store %arg9[%swap3A_553, %swap3A_554, %swap3A_555], %swap3A_558 {strides = array<i32>} : memref<5x2x80xi32, #tpu.memory_space<vmem>>, vector<1x1x16xi32>,
        %get3A_559 = arith.constant 1 : i32
        %get3A_560 = arith.constant 1 : i32
        %get3A_561 = arith.index_cast %get3A_559 : i32 to index
        %get3A_562 = arith.index_cast %get3A_560 : i32 to index
        %get3A_563 = arith.constant 32 : index
        %get3A_564 = tpu.vector_load %arg8[%get3A_561, %get3A_562, %get3A_563] {strides = array<i32>} : memref<5x2x80xi32, #tpu.memory_space<vmem>>, vector<1x1x16xi32>,
        %get3A_565 = vector.shape_cast %get3A_564 : vector<1x1x16xi32> to vector<16xi32>
        %min3A_566 = arith.constant 511 : i32
        %min3A_567 = vector.broadcast %min3A_566 : i32 to vector<16xi32>
        %min3A_568 = arith.minsi %get3A_565, %min3A_567 : vector<16xi32>
        %swap3A_569 = arith.constant 1 : i32
        %swap3A_570 = arith.constant 1 : i32
        %swap3A_571 = arith.index_cast %swap3A_569 : i32 to index
        %swap3A_572 = arith.index_cast %swap3A_570 : i32 to index
        %swap3A_573 = arith.constant 32 : index
        %swap3A_574 = tpu.vector_load %arg8[%swap3A_571, %swap3A_572, %swap3A_573] {strides = array<i32>} : memref<5x2x80xi32, #tpu.memory_space<vmem>>, vector<1x1x16xi32>,
        %swap3A_575 = vector.shape_cast %swap3A_574 : vector<1x1x16xi32> to vector<16xi32>
        %swap3A_576 = vector.shape_cast %min3A_568 : vector<16xi32> to vector<1x1x16xi32>
        tpu.vector_store %arg8[%swap3A_571, %swap3A_572, %swap3A_573], %swap3A_576 {strides = array<i32>} : memref<5x2x80xi32, #tpu.memory_space<vmem>>, vector<1x1x16xi32>,
        %get3A_577 = arith.constant 1 : i32
        %get3A_578 = arith.constant 1 : i32
        %get3A_579 = arith.index_cast %get3A_577 : i32 to index
        %get3A_580 = arith.index_cast %get3A_578 : i32 to index
        %get3A_581 = arith.constant 32 : index
        %get3A_582 = tpu.vector_load %arg9[%get3A_579, %get3A_580, %get3A_581] {strides = array<i32>} : memref<5x2x80xi32, #tpu.memory_space<vmem>>, vector<1x1x16xi32>,
        %get3A_583 = vector.shape_cast %get3A_582 : vector<1x1x16xi32> to vector<16xi32>
        %min3A_584 = arith.constant 511 : i32
        %min3A_585 = vector.broadcast %min3A_584 : i32 to vector<16xi32>
        %min3A_586 = arith.minsi %get3A_583, %min3A_585 : vector<16xi32>
        %swap3A_587 = arith.constant 1 : i32
        %swap3A_588 = arith.constant 1 : i32
        %swap3A_589 = arith.index_cast %swap3A_587 : i32 to index
        %swap3A_590 = arith.index_cast %swap3A_588 : i32 to index
        %swap3A_591 = arith.constant 32 : index
        %swap3A_592 = tpu.vector_load %arg9[%swap3A_589, %swap3A_590, %swap3A_591] {strides = array<i32>} : memref<5x2x80xi32, #tpu.memory_space<vmem>>, vector<1x1x16xi32>,
        %swap3A_593 = vector.shape_cast %swap3A_592 : vector<1x1x16xi32> to vector<16xi32>
        %swap3A_594 = vector.shape_cast %min3A_586 : vector<16xi32> to vector<1x1x16xi32>
        tpu.vector_store %arg9[%swap3A_589, %swap3A_590, %swap3A_591], %swap3A_594 {strides = array<i32>} : memref<5x2x80xi32, #tpu.memory_space<vmem>>, vector<1x1x16xi32>,
        %get3A_595 = arith.constant 1 : i32
        %get3A_596 = arith.constant 1 : i32
        %get3A_597 = arith.index_cast %get3A_595 : i32 to index
        %get3A_598 = arith.index_cast %get3A_596 : i32 to index
        %get3A_599 = arith.constant 48 : index
        %get3A_600 = tpu.vector_load %arg8[%get3A_597, %get3A_598, %get3A_599] {strides = array<i32>} : memref<5x2x80xi32, #tpu.memory_space<vmem>>, vector<1x1x16xi32>,
        %get3A_601 = vector.shape_cast %get3A_600 : vector<1x1x16xi32> to vector<16xi32>
        %min3A_602 = arith.constant 511 : i32
        %min3A_603 = vector.broadcast %min3A_602 : i32 to vector<16xi32>
        %min3A_604 = arith.minsi %get3A_601, %min3A_603 : vector<16xi32>
        %swap3A_605 = arith.constant 1 : i32
        %swap3A_606 = arith.constant 1 : i32
        %swap3A_607 = arith.index_cast %swap3A_605 : i32 to index
        %swap3A_608 = arith.index_cast %swap3A_606 : i32 to index
        %swap3A_609 = arith.constant 48 : index
        %swap3A_610 = tpu.vector_load %arg8[%swap3A_607, %swap3A_608, %swap3A_609] {strides = array<i32>} : memref<5x2x80xi32, #tpu.memory_space<vmem>>, vector<1x1x16xi32>,
        %swap3A_611 = vector.shape_cast %swap3A_610 : vector<1x1x16xi32> to vector<16xi32>
        %swap3A_612 = vector.shape_cast %min3A_604 : vector<16xi32> to vector<1x1x16xi32>
        tpu.vector_store %arg8[%swap3A_607, %swap3A_608, %swap3A_609], %swap3A_612 {strides = array<i32>} : memref<5x2x80xi32, #tpu.memory_space<vmem>>, vector<1x1x16xi32>,
        %get3A_613 = arith.constant 1 : i32
        %get3A_614 = arith.constant 1 : i32
        %get3A_615 = arith.index_cast %get3A_613 : i32 to index
        %get3A_616 = arith.index_cast %get3A_614 : i32 to index
        %get3A_617 = arith.constant 48 : index
        %get3A_618 = tpu.vector_load %arg9[%get3A_615, %get3A_616, %get3A_617] {strides = array<i32>} : memref<5x2x80xi32, #tpu.memory_space<vmem>>, vector<1x1x16xi32>,
        %get3A_619 = vector.shape_cast %get3A_618 : vector<1x1x16xi32> to vector<16xi32>
        %min3A_620 = arith.constant 511 : i32
        %min3A_621 = vector.broadcast %min3A_620 : i32 to vector<16xi32>
        %min3A_622 = arith.minsi %get3A_619, %min3A_621 : vector<16xi32>
        %swap3A_623 = arith.constant 1 : i32
        %swap3A_624 = arith.constant 1 : i32
        %swap3A_625 = arith.index_cast %swap3A_623 : i32 to index
        %swap3A_626 = arith.index_cast %swap3A_624 : i32 to index
        %swap3A_627 = arith.constant 48 : index
        %swap3A_628 = tpu.vector_load %arg9[%swap3A_625, %swap3A_626, %swap3A_627] {strides = array<i32>} : memref<5x2x80xi32, #tpu.memory_space<vmem>>, vector<1x1x16xi32>,
        %swap3A_629 = vector.shape_cast %swap3A_628 : vector<1x1x16xi32> to vector<16xi32>
        %swap3A_630 = vector.shape_cast %min3A_622 : vector<16xi32> to vector<1x1x16xi32>
        tpu.vector_store %arg9[%swap3A_625, %swap3A_626, %swap3A_627], %swap3A_630 {strides = array<i32>} : memref<5x2x80xi32, #tpu.memory_space<vmem>>, vector<1x1x16xi32>,
        %get3A_631 = arith.constant 1 : i32
        %get3A_632 = arith.constant 1 : i32
        %get3A_633 = arith.index_cast %get3A_631 : i32 to index
        %get3A_634 = arith.index_cast %get3A_632 : i32 to index
        %get3A_635 = arith.constant 64 : index
        %get3A_636 = tpu.vector_load %arg8[%get3A_633, %get3A_634, %get3A_635] {strides = array<i32>} : memref<5x2x80xi32, #tpu.memory_space<vmem>>, vector<1x1x16xi32>,
        %get3A_637 = vector.shape_cast %get3A_636 : vector<1x1x16xi32> to vector<16xi32>
        %min3A_638 = arith.constant 511 : i32
        %min3A_639 = vector.broadcast %min3A_638 : i32 to vector<16xi32>
        %min3A_640 = arith.minsi %get3A_637, %min3A_639 : vector<16xi32>
        %swap3A_641 = arith.constant 1 : i32
        %swap3A_642 = arith.constant 1 : i32
        %swap3A_643 = arith.index_cast %swap3A_641 : i32 to index
        %swap3A_644 = arith.index_cast %swap3A_642 : i32 to index
        %swap3A_645 = arith.constant 64 : index
        %swap3A_646 = tpu.vector_load %arg8[%swap3A_643, %swap3A_644, %swap3A_645] {strides = array<i32>} : memref<5x2x80xi32, #tpu.memory_space<vmem>>, vector<1x1x16xi32>,
        %swap3A_647 = vector.shape_cast %swap3A_646 : vector<1x1x16xi32> to vector<16xi32>
        %swap3A_648 = vector.shape_cast %min3A_640 : vector<16xi32> to vector<1x1x16xi32>
        tpu.vector_store %arg8[%swap3A_643, %swap3A_644, %swap3A_645], %swap3A_648 {strides = array<i32>} : memref<5x2x80xi32, #tpu.memory_space<vmem>>, vector<1x1x16xi32>,
        %get3A_649 = arith.constant 1 : i32
        %get3A_650 = arith.constant 1 : i32
        %get3A_651 = arith.index_cast %get3A_649 : i32 to index
        %get3A_652 = arith.index_cast %get3A_650 : i32 to index
        %get3A_653 = arith.constant 64 : index
        %get3A_654 = tpu.vector_load %arg9[%get3A_651, %get3A_652, %get3A_653] {strides = array<i32>} : memref<5x2x80xi32, #tpu.memory_space<vmem>>, vector<1x1x16xi32>,
        %get3A_655 = vector.shape_cast %get3A_654 : vector<1x1x16xi32> to vector<16xi32>
        %min3A_656 = arith.constant 511 : i32
        %min3A_657 = vector.broadcast %min3A_656 : i32 to vector<16xi32>
        %min3A_658 = arith.minsi %get3A_655, %min3A_657 : vector<16xi32>
        %swap3A_659 = arith.constant 1 : i32
        %swap3A_660 = arith.constant 1 : i32
        %swap3A_661 = arith.index_cast %swap3A_659 : i32 to index
        %swap3A_662 = arith.index_cast %swap3A_660 : i32 to index
        %swap3A_663 = arith.constant 64 : index
        %swap3A_664 = tpu.vector_load %arg9[%swap3A_661, %swap3A_662, %swap3A_663] {strides = array<i32>} : memref<5x2x80xi32, #tpu.memory_space<vmem>>, vector<1x1x16xi32>,
        %swap3A_665 = vector.shape_cast %swap3A_664 : vector<1x1x16xi32> to vector<16xi32>
        %swap3A_666 = vector.shape_cast %min3A_658 : vector<16xi32> to vector<1x1x16xi32>
        tpu.vector_store %arg9[%swap3A_661, %swap3A_662, %swap3A_663], %swap3A_666 {strides = array<i32>} : memref<5x2x80xi32, #tpu.memory_space<vmem>>, vector<1x1x16xi32>,
        %dma_wait3A_667 = arith.constant 1 : i32
        %dma_wait3A_668 = arith.constant 0 : i32
        %dma_wait3A_669 = arith.constant 0 : i32
        %dma_wait3A_670 = tpu.memref_slice %arg10[%dma_wait3A_667, %dma_wait3A_668, %dma_wait3A_669] : memref<5x160x128xf32, #tpu.memory_space<vmem>> -> memref<1x160x128xf32, #tpu.memory_space<vmem>>
        %dma_wait3A_671 = tpu.memref_squeeze %dma_wait3A_670 : memref<1x160x128xf32, #tpu.memory_space<vmem>> -> memref<160x128xf32, #tpu.memory_space<vmem>>
        %dma_wait3A_672 = arith.constant 0 : i32
        %dma_wait3A_673 = tpu.memref_slice %arg2[%mul3A_268, %dma_wait3A_672] : memref<100000x128xf32, #tpu.memory_space<hbm>> -> memref<160x128xf32, #tpu.memory_space<hbm>>
        %dma_wait3A_674 = arith.constant 0 : i32
        %dma_wait3A_675 = arith.constant 0 : i32
        %dma_wait3A_676 = tpu.memref_slice %arg10[%dma_wait3A_667, %dma_wait3A_674, %dma_wait3A_675] : memref<5x160x128xf32, #tpu.memory_space<vmem>> -> memref<1x160x128xf32, #tpu.memory_space<vmem>>
        %dma_wait3A_677 = tpu.memref_squeeze %dma_wait3A_676 : memref<1x160x128xf32, #tpu.memory_space<vmem>> -> memref<160x128xf32, #tpu.memory_space<vmem>>
        %dma_wait3A_678 = arith.constant 0 : i32
        %dma_wait3A_679 = tpu.memref_slice %arg2[%mul3A_268, %dma_wait3A_678] : memref<100000x128xf32, #tpu.memory_space<hbm>> -> memref<160x128xf32, #tpu.memory_space<hbm>>
        tpu.wait_dma2 semaphore(%arg14 : memref<!tpu.dma_semaphore, #tpu.memory_space<semaphore_mem>>) src(%dma_wait3A_679 : memref<160x128xf32, #tpu.memory_space<hbm>>) dst(%dma_wait3A_677 : memref<160x128xf32, #tpu.memory_space<vmem>>)
        %dma_start3A = arith.constant 1 : i32
        %dma_start3A_680 = arith.constant 0 : i32
        %dma_start3A_681 = arith.constant 1 : i32
        %dma_start3A_682 = arith.constant 0 : i32
        %dma_start3A_683 = arith.constant 0 : i32
        %dma_start3A_684 = tpu.memref_slice %arg10[%dma_start3A_681, %dma_start3A_682, %dma_start3A_683] : memref<5x160x128xf32, #tpu.memory_space<vmem>> -> memref<1x80x128xf32, #tpu.memory_space<vmem>>
        %dma_start3A_685 = tpu.memref_squeeze %dma_start3A_684 : memref<1x80x128xf32, #tpu.memory_space<vmem>> -> memref<80x128xf32, #tpu.memory_space<vmem>>
        %dma_start3A_686 = arith.constant 0 : i32
        %dma_start3A_687 = tpu.memref_slice %arg8[%dma_start3A, %dma_start3A_680, %dma_start3A_686] : memref<5x2x80xi32, #tpu.memory_space<vmem>> -> memref<1x1x80xi32, #tpu.memory_space<vmem>>
        %dma_start3A_688 = tpu.memref_squeeze %dma_start3A_687 : memref<1x1x80xi32, #tpu.memory_space<vmem>> -> memref<80xi32, #tpu.memory_space<vmem>>
        %dma_start3A_689 = arith.constant 0 : i32
        %dma_start3A_690 = arith.constant 0 : i32
        %dma_start3A_691 = tpu.memref_slice %arg11[%dma_start3A_689, %dma_start3A_690] : memref<512x128xf32, #tpu.memory_space<vmem_shared>> -> memref<512x128xf32, #tpu.memory_space<vmem_shared>>
        tpu.enqueue_indirect_dma source(%dma_start3A_691 : memref<512x128xf32, #tpu.memory_space<vmem_shared>>) target(%dma_start3A_685 : memref<80x128xf32, #tpu.memory_space<vmem>>) offsets(%dma_start3A_688 : memref<80xi32, #tpu.memory_space<vmem>>) semaphore(%arg24 : memref<!tpu.dma_semaphore, #tpu.memory_space<semaphore_mem>>) {add = true}
        %dma_start3A_692 = arith.constant 1 : i32
        %dma_start3A_693 = arith.constant 0 : i32
        %dma_start3A_694 = arith.constant 1 : i32
        %dma_start3A_695 = arith.constant 0 : i32
        %dma_start3A_696 = arith.constant 0 : i32
        %dma_start3A_697 = tpu.memref_slice %arg10[%dma_start3A_694, %dma_start3A_695, %dma_start3A_696] : memref<5x160x128xf32, #tpu.memory_space<vmem>> -> memref<1x80x128xf32, #tpu.memory_space<vmem>>
        %dma_start3A_698 = tpu.memref_squeeze %dma_start3A_697 : memref<1x80x128xf32, #tpu.memory_space<vmem>> -> memref<80x128xf32, #tpu.memory_space<vmem>>
        %dma_start3A_699 = arith.constant 0 : i32
        %dma_start3A_700 = tpu.memref_slice %arg9[%dma_start3A_692, %dma_start3A_693, %dma_start3A_699] : memref<5x2x80xi32, #tpu.memory_space<vmem>> -> memref<1x1x80xi32, #tpu.memory_space<vmem>>
        %dma_start3A_701 = tpu.memref_squeeze %dma_start3A_700 : memref<1x1x80xi32, #tpu.memory_space<vmem>> -> memref<80xi32, #tpu.memory_space<vmem>>
        %dma_start3A_702 = arith.constant 0 : i32
        %dma_start3A_703 = arith.constant 0 : i32
        %dma_start3A_704 = tpu.memref_slice %arg12[%dma_start3A_702, %dma_start3A_703] : memref<512x128xf32, #tpu.memory_space<vmem_shared>> -> memref<512x128xf32, #tpu.memory_space<vmem_shared>>
        tpu.enqueue_indirect_dma source(%dma_start3A_704 : memref<512x128xf32, #tpu.memory_space<vmem_shared>>) target(%dma_start3A_698 : memref<80x128xf32, #tpu.memory_space<vmem>>) offsets(%dma_start3A_701 : memref<80xi32, #tpu.memory_space<vmem>>) semaphore(%arg24 : memref<!tpu.dma_semaphore, #tpu.memory_space<semaphore_mem>>) {add = true}
        %dma_start3A_705 = arith.constant 1 : i32
        %dma_start3A_706 = arith.constant 1 : i32
        %dma_start3A_707 = arith.constant 1 : i32
        %dma_start3A_708 = arith.constant 80 : i32
        %dma_start3A_709 = arith.constant 0 : i32
        %dma_start3A_710 = tpu.memref_slice %arg10[%dma_start3A_707, %dma_start3A_708, %dma_start3A_709] : memref<5x160x128xf32, #tpu.memory_space<vmem>> -> memref<1x80x128xf32, #tpu.memory_space<vmem>>
        %dma_start3A_711 = tpu.memref_squeeze %dma_start3A_710 : memref<1x80x128xf32, #tpu.memory_space<vmem>> -> memref<80x128xf32, #tpu.memory_space<vmem>>
        %dma_start3A_712 = arith.constant 0 : i32
        %dma_start3A_713 = tpu.memref_slice %arg8[%dma_start3A_705, %dma_start3A_706, %dma_start3A_712] : memref<5x2x80xi32, #tpu.memory_space<vmem>> -> memref<1x1x80xi32, #tpu.memory_space<vmem>>
        %dma_start3A_714 = tpu.memref_squeeze %dma_start3A_713 : memref<1x1x80xi32, #tpu.memory_space<vmem>> -> memref<80xi32, #tpu.memory_space<vmem>>
        %dma_start3A_715 = arith.constant 0 : i32
        %dma_start3A_716 = arith.constant 0 : i32
        %dma_start3A_717 = tpu.memref_slice %arg11[%dma_start3A_715, %dma_start3A_716] : memref<512x128xf32, #tpu.memory_space<vmem_shared>> -> memref<512x128xf32, #tpu.memory_space<vmem_shared>>
        tpu.enqueue_indirect_dma source(%dma_start3A_717 : memref<512x128xf32, #tpu.memory_space<vmem_shared>>) target(%dma_start3A_711 : memref<80x128xf32, #tpu.memory_space<vmem>>) offsets(%dma_start3A_714 : memref<80xi32, #tpu.memory_space<vmem>>) semaphore(%arg24 : memref<!tpu.dma_semaphore, #tpu.memory_space<semaphore_mem>>) {add = true}
        %dma_start3A_718 = arith.constant 1 : i32
        %dma_start3A_719 = arith.constant 1 : i32
        %dma_start3A_720 = arith.constant 1 : i32
        %dma_start3A_721 = arith.constant 80 : i32
        %dma_start3A_722 = arith.constant 0 : i32
        %dma_start3A_723 = tpu.memref_slice %arg10[%dma_start3A_720, %dma_start3A_721, %dma_start3A_722] : memref<5x160x128xf32, #tpu.memory_space<vmem>> -> memref<1x80x128xf32, #tpu.memory_space<vmem>>
        %dma_start3A_724 = tpu.memref_squeeze %dma_start3A_723 : memref<1x80x128xf32, #tpu.memory_space<vmem>> -> memref<80x128xf32, #tpu.memory_space<vmem>>
        %dma_start3A_725 = arith.constant 0 : i32
        %dma_start3A_726 = tpu.memref_slice %arg9[%dma_start3A_718, %dma_start3A_719, %dma_start3A_725] : memref<5x2x80xi32, #tpu.memory_space<vmem>> -> memref<1x1x80xi32, #tpu.memory_space<vmem>>
        %dma_start3A_727 = tpu.memref_squeeze %dma_start3A_726 : memref<1x1x80xi32, #tpu.memory_space<vmem>> -> memref<80xi32, #tpu.memory_space<vmem>>
        %dma_start3A_728 = arith.constant 0 : i32
        %dma_start3A_729 = arith.constant 0 : i32
        %dma_start3A_730 = tpu.memref_slice %arg12[%dma_start3A_728, %dma_start3A_729] : memref<512x128xf32, #tpu.memory_space<vmem_shared>> -> memref<512x128xf32, #tpu.memory_space<vmem_shared>>
        tpu.enqueue_indirect_dma source(%dma_start3A_730 : memref<512x128xf32, #tpu.memory_space<vmem_shared>>) target(%dma_start3A_724 : memref<80x128xf32, #tpu.memory_space<vmem>>) offsets(%dma_start3A_727 : memref<80xi32, #tpu.memory_space<vmem>>) semaphore(%arg24 : memref<!tpu.dma_semaphore, #tpu.memory_space<semaphore_mem>>) {add = true}
      } else {
      }
      %sub3A_178 = arith.constant 3 : i32
      %sub3A_179 = arith.subi %add3A_156, %sub3A_178 : i32
      %mul3A_180 = arith.constant 32 : i32
      %mul3A_181 = arith.muli %sub3A_179, %mul3A_180 : i32
      %add3A_182 = arith.addi %mul3A_181, %add3A : i32
      %ge3A_183 = arith.constant 0 : i32
      %ge3A_184 = arith.cmpi sge, %sub3A_179, %ge3A_183 : i32
      %lt3A_185 = arith.constant 625 : i32
      %lt3A_186 = arith.cmpi slt, %add3A_182, %lt3A_185 : i32
      %and3A_187 = arith.andi %ge3A_184, %lt3A_186 : i1
      %convert_element_type3A_188 = arith.extui %and3A_187 : i1 to i32
      %cond3A_189 = arith.constant 0 : i32
      %cond3A_190 = arith.cmpi ne, %convert_element_type3A_188, %cond3A_189 : i32
      scf.if %cond3A_190 {
        %mul3A_267 = arith.constant 160 : i32
        %mul3A_268 = arith.muli %add3A_182, %mul3A_267 : i32
        %mul3A_269 = arith.constant 160 : i32
        %mul3A_270 = arith.muli %add3A_182, %mul3A_269 : i32
        %dma_wait3A = arith.constant 4 : i32
        %dma_wait3A_271 = arith.constant 0 : i32
        %dma_wait3A_272 = arith.constant 0 : i32
        %dma_wait3A_273 = tpu.memref_slice %arg10[%dma_wait3A, %dma_wait3A_271, %dma_wait3A_272] : memref<5x160x128xf32, #tpu.memory_space<vmem>> -> memref<1x80x128xf32, #tpu.memory_space<vmem>>
        %dma_wait3A_274 = tpu.memref_squeeze %dma_wait3A_273 : memref<1x80x128xf32, #tpu.memory_space<vmem>> -> memref<80x128xf32, #tpu.memory_space<vmem>>
        %dma_wait3A_275 = arith.constant 0 : i32
        %dma_wait3A_276 = tpu.memref_slice %arg2[%mul3A_270, %dma_wait3A_275] : memref<100000x128xf32, #tpu.memory_space<hbm>> -> memref<80x128xf32, #tpu.memory_space<hbm>>
        %dma_wait3A_277 = arith.constant 0 : i32
        %dma_wait3A_278 = arith.constant 0 : i32
        %dma_wait3A_279 = tpu.memref_slice %arg10[%dma_wait3A, %dma_wait3A_277, %dma_wait3A_278] : memref<5x160x128xf32, #tpu.memory_space<vmem>> -> memref<1x80x128xf32, #tpu.memory_space<vmem>>
        %dma_wait3A_280 = tpu.memref_squeeze %dma_wait3A_279 : memref<1x80x128xf32, #tpu.memory_space<vmem>> -> memref<80x128xf32, #tpu.memory_space<vmem>>
        %dma_wait3A_281 = arith.constant 0 : i32
        %dma_wait3A_282 = tpu.memref_slice %arg2[%mul3A_270, %dma_wait3A_281] : memref<100000x128xf32, #tpu.memory_space<hbm>> -> memref<80x128xf32, #tpu.memory_space<hbm>>
        tpu.wait_dma2 semaphore(%arg27 : memref<!tpu.dma_semaphore, #tpu.memory_space<semaphore_mem>>) src(%dma_wait3A_282 : memref<80x128xf32, #tpu.memory_space<hbm>>) dst(%dma_wait3A_280 : memref<80x128xf32, #tpu.memory_space<vmem>>)
        %dma_wait3A_283 = arith.constant 4 : i32
        %dma_wait3A_284 = arith.constant 0 : i32
        %dma_wait3A_285 = arith.constant 0 : i32
        %dma_wait3A_286 = tpu.memref_slice %arg10[%dma_wait3A_283, %dma_wait3A_284, %dma_wait3A_285] : memref<5x160x128xf32, #tpu.memory_space<vmem>> -> memref<1x80x128xf32, #tpu.memory_space<vmem>>
        %dma_wait3A_287 = tpu.memref_squeeze %dma_wait3A_286 : memref<1x80x128xf32, #tpu.memory_space<vmem>> -> memref<80x128xf32, #tpu.memory_space<vmem>>
        %dma_wait3A_288 = arith.constant 0 : i32
        %dma_wait3A_289 = tpu.memref_slice %arg2[%mul3A_270, %dma_wait3A_288] : memref<100000x128xf32, #tpu.memory_space<hbm>> -> memref<80x128xf32, #tpu.memory_space<hbm>>
        %dma_wait3A_290 = arith.constant 0 : i32
        %dma_wait3A_291 = arith.constant 0 : i32
        %dma_wait3A_292 = tpu.memref_slice %arg10[%dma_wait3A_283, %dma_wait3A_290, %dma_wait3A_291] : memref<5x160x128xf32, #tpu.memory_space<vmem>> -> memref<1x80x128xf32, #tpu.memory_space<vmem>>
        %dma_wait3A_293 = tpu.memref_squeeze %dma_wait3A_292 : memref<1x80x128xf32, #tpu.memory_space<vmem>> -> memref<80x128xf32, #tpu.memory_space<vmem>>
        %dma_wait3A_294 = arith.constant 0 : i32
        %dma_wait3A_295 = tpu.memref_slice %arg2[%mul3A_270, %dma_wait3A_294] : memref<100000x128xf32, #tpu.memory_space<hbm>> -> memref<80x128xf32, #tpu.memory_space<hbm>>
        tpu.wait_dma2 semaphore(%arg27 : memref<!tpu.dma_semaphore, #tpu.memory_space<semaphore_mem>>) src(%dma_wait3A_295 : memref<80x128xf32, #tpu.memory_space<hbm>>) dst(%dma_wait3A_293 : memref<80x128xf32, #tpu.memory_space<vmem>>)
        %dma_wait3A_296 = arith.constant 4 : i32
        %dma_wait3A_297 = arith.constant 0 : i32
        %dma_wait3A_298 = arith.constant 0 : i32
        %dma_wait3A_299 = tpu.memref_slice %arg10[%dma_wait3A_296, %dma_wait3A_297, %dma_wait3A_298] : memref<5x160x128xf32, #tpu.memory_space<vmem>> -> memref<1x80x128xf32, #tpu.memory_space<vmem>>
        %dma_wait3A_300 = tpu.memref_squeeze %dma_wait3A_299 : memref<1x80x128xf32, #tpu.memory_space<vmem>> -> memref<80x128xf32, #tpu.memory_space<vmem>>
        %dma_wait3A_301 = arith.constant 0 : i32
        %dma_wait3A_302 = tpu.memref_slice %arg2[%mul3A_270, %dma_wait3A_301] : memref<100000x128xf32, #tpu.memory_space<hbm>> -> memref<80x128xf32, #tpu.memory_space<hbm>>
        %dma_wait3A_303 = arith.constant 0 : i32
        %dma_wait3A_304 = arith.constant 0 : i32
        %dma_wait3A_305 = tpu.memref_slice %arg10[%dma_wait3A_296, %dma_wait3A_303, %dma_wait3A_304] : memref<5x160x128xf32, #tpu.memory_space<vmem>> -> memref<1x80x128xf32, #tpu.memory_space<vmem>>
        %dma_wait3A_306 = tpu.memref_squeeze %dma_wait3A_305 : memref<1x80x128xf32, #tpu.memory_space<vmem>> -> memref<80x128xf32, #tpu.memory_space<vmem>>
        %dma_wait3A_307 = arith.constant 0 : i32
        %dma_wait3A_308 = tpu.memref_slice %arg2[%mul3A_270, %dma_wait3A_307] : memref<100000x128xf32, #tpu.memory_space<hbm>> -> memref<80x128xf32, #tpu.memory_space<hbm>>
        tpu.wait_dma2 semaphore(%arg27 : memref<!tpu.dma_semaphore, #tpu.memory_space<semaphore_mem>>) src(%dma_wait3A_308 : memref<80x128xf32, #tpu.memory_space<hbm>>) dst(%dma_wait3A_306 : memref<80x128xf32, #tpu.memory_space<vmem>>)
        %dma_wait3A_309 = arith.constant 4 : i32
        %dma_wait3A_310 = arith.constant 0 : i32
        %dma_wait3A_311 = arith.constant 0 : i32
        %dma_wait3A_312 = tpu.memref_slice %arg10[%dma_wait3A_309, %dma_wait3A_310, %dma_wait3A_311] : memref<5x160x128xf32, #tpu.memory_space<vmem>> -> memref<1x80x128xf32, #tpu.memory_space<vmem>>
        %dma_wait3A_313 = tpu.memref_squeeze %dma_wait3A_312 : memref<1x80x128xf32, #tpu.memory_space<vmem>> -> memref<80x128xf32, #tpu.memory_space<vmem>>
        %dma_wait3A_314 = arith.constant 0 : i32
        %dma_wait3A_315 = tpu.memref_slice %arg2[%mul3A_270, %dma_wait3A_314] : memref<100000x128xf32, #tpu.memory_space<hbm>> -> memref<80x128xf32, #tpu.memory_space<hbm>>
        %dma_wait3A_316 = arith.constant 0 : i32
        %dma_wait3A_317 = arith.constant 0 : i32
        %dma_wait3A_318 = tpu.memref_slice %arg10[%dma_wait3A_309, %dma_wait3A_316, %dma_wait3A_317] : memref<5x160x128xf32, #tpu.memory_space<vmem>> -> memref<1x80x128xf32, #tpu.memory_space<vmem>>
        %dma_wait3A_319 = tpu.memref_squeeze %dma_wait3A_318 : memref<1x80x128xf32, #tpu.memory_space<vmem>> -> memref<80x128xf32, #tpu.memory_space<vmem>>
        %dma_wait3A_320 = arith.constant 0 : i32
        %dma_wait3A_321 = tpu.memref_slice %arg2[%mul3A_270, %dma_wait3A_320] : memref<100000x128xf32, #tpu.memory_space<hbm>> -> memref<80x128xf32, #tpu.memory_space<hbm>>
        tpu.wait_dma2 semaphore(%arg27 : memref<!tpu.dma_semaphore, #tpu.memory_space<semaphore_mem>>) src(%dma_wait3A_321 : memref<80x128xf32, #tpu.memory_space<hbm>>) dst(%dma_wait3A_319 : memref<80x128xf32, #tpu.memory_space<vmem>>)
        %dma_start3A = arith.constant 4 : i32
        %dma_start3A_322 = arith.constant 0 : i32
        %dma_start3A_323 = arith.constant 0 : i32
        %dma_start3A_324 = tpu.memref_slice %arg10[%dma_start3A, %dma_start3A_322, %dma_start3A_323] : memref<5x160x128xf32, #tpu.memory_space<vmem>> -> memref<1x160x128xf32, #tpu.memory_space<vmem>>
        %dma_start3A_325 = tpu.memref_squeeze %dma_start3A_324 : memref<1x160x128xf32, #tpu.memory_space<vmem>> -> memref<160x128xf32, #tpu.memory_space<vmem>>
        %dma_start3A_326 = arith.constant 0 : i32
        %dma_start3A_327 = tpu.memref_slice %arg7[%mul3A_268, %dma_start3A_326] : memref<100000x128xf32, #tpu.memory_space<hbm>> -> memref<160x128xf32, #tpu.memory_space<hbm>>
        %dma_start3A_328 = arith.constant 0 : i32
        %dma_start3A_329 = tpu.memref_slice %arg7[%mul3A_268, %dma_start3A_328] : memref<100000x128xf32, #tpu.memory_space<hbm>> -> memref<160x128xf32, #tpu.memory_space<hbm>>
        %dma_start3A_330 = arith.constant 0 : i32
        %dma_start3A_331 = arith.constant 0 : i32
        %dma_start3A_332 = tpu.memref_slice %arg10[%dma_start3A, %dma_start3A_330, %dma_start3A_331] : memref<5x160x128xf32, #tpu.memory_space<vmem>> -> memref<1x160x128xf32, #tpu.memory_space<vmem>>
        %dma_start3A_333 = tpu.memref_squeeze %dma_start3A_332 : memref<1x160x128xf32, #tpu.memory_space<vmem>> -> memref<160x128xf32, #tpu.memory_space<vmem>>
        tpu.enqueue_dma source(%dma_start3A_333 : memref<160x128xf32, #tpu.memory_space<vmem>>) target(%dma_start3A_329 : memref<160x128xf32, #tpu.memory_space<hbm>>) target_semaphore(%arg32 : memref<!tpu.dma_semaphore, #tpu.memory_space<semaphore_mem>>)
      } else {
      }
      %mul3A_191 = arith.constant 5 : i32
      %mul3A_192 = arith.muli %scan3A_77, %mul3A_191 : i32
      %add3A_193 = arith.constant 3 : i32
      %add3A_194 = arith.addi %mul3A_192, %add3A_193 : i32
      %mul3A_195 = arith.constant 32 : i32
      %mul3A_196 = arith.muli %add3A_194, %mul3A_195 : i32
      %add3A_197 = arith.addi %mul3A_196, %add3A : i32
      %lt3A_198 = arith.constant 625 : i32
      %lt3A_199 = arith.cmpi slt, %add3A_197, %lt3A_198 : i32
      %convert_element_type3A_200 = arith.extui %lt3A_199 : i1 to i32
      %cond3A_201 = arith.constant 0 : i32
      %cond3A_202 = arith.cmpi ne, %convert_element_type3A_200, %cond3A_201 : i32
      scf.if %cond3A_202 {
        %mul3A_267 = arith.constant 160 : i32
        %mul3A_268 = arith.muli %add3A_197, %mul3A_267 : i32
        %ge3A_269 = arith.constant 5 : i32
        %ge3A_270 = arith.cmpi sge, %add3A_194, %ge3A_269 : i32
        %convert_element_type3A_271 = arith.extui %ge3A_270 : i1 to i32
        %cond3A_272 = arith.constant 0 : i32
        %cond3A_273 = arith.cmpi ne, %convert_element_type3A_271, %cond3A_272 : i32
        scf.if %cond3A_273 {
          %sub3A_334 = arith.constant 160 : i32
          %sub3A_335 = arith.subi %add3A_197, %sub3A_334 : i32
          %mul3A_336 = arith.constant 160 : i32
          %mul3A_337 = arith.muli %sub3A_335, %mul3A_336 : i32
          %dma_wait3A = arith.constant 3 : i32
          %dma_wait3A_338 = arith.constant 0 : i32
          %dma_wait3A_339 = arith.constant 0 : i32
          %dma_wait3A_340 = tpu.memref_slice %arg10[%dma_wait3A, %dma_wait3A_338, %dma_wait3A_339] : memref<5x160x128xf32, #tpu.memory_space<vmem>> -> memref<1x160x128xf32, #tpu.memory_space<vmem>>
          %dma_wait3A_341 = tpu.memref_squeeze %dma_wait3A_340 : memref<1x160x128xf32, #tpu.memory_space<vmem>> -> memref<160x128xf32, #tpu.memory_space<vmem>>
          %dma_wait3A_342 = arith.constant 0 : i32
          %dma_wait3A_343 = tpu.memref_slice %arg7[%mul3A_337, %dma_wait3A_342] : memref<100000x128xf32, #tpu.memory_space<hbm>> -> memref<160x128xf32, #tpu.memory_space<hbm>>
          %dma_wait3A_344 = arith.constant 0 : i32
          %dma_wait3A_345 = tpu.memref_slice %arg7[%mul3A_337, %dma_wait3A_344] : memref<100000x128xf32, #tpu.memory_space<hbm>> -> memref<160x128xf32, #tpu.memory_space<hbm>>
          %dma_wait3A_346 = arith.constant 0 : i32
          %dma_wait3A_347 = arith.constant 0 : i32
          %dma_wait3A_348 = tpu.memref_slice %arg10[%dma_wait3A, %dma_wait3A_346, %dma_wait3A_347] : memref<5x160x128xf32, #tpu.memory_space<vmem>> -> memref<1x160x128xf32, #tpu.memory_space<vmem>>
          %dma_wait3A_349 = tpu.memref_squeeze %dma_wait3A_348 : memref<1x160x128xf32, #tpu.memory_space<vmem>> -> memref<160x128xf32, #tpu.memory_space<vmem>>
          tpu.wait_dma2 semaphore(%arg31 : memref<!tpu.dma_semaphore, #tpu.memory_space<semaphore_mem>>) src(%dma_wait3A_349 : memref<160x128xf32, #tpu.memory_space<vmem>>) dst(%dma_wait3A_345 : memref<160x128xf32, #tpu.memory_space<hbm>>)
        } else {
        }
        %dma_start3A = arith.constant 3 : i32
        %dma_start3A_274 = arith.constant 0 : i32
        %dma_start3A_275 = arith.constant 0 : i32
        %dma_start3A_276 = tpu.memref_slice %arg10[%dma_start3A, %dma_start3A_274, %dma_start3A_275] : memref<5x160x128xf32, #tpu.memory_space<vmem>> -> memref<1x160x128xf32, #tpu.memory_space<vmem>>
        %dma_start3A_277 = tpu.memref_squeeze %dma_start3A_276 : memref<1x160x128xf32, #tpu.memory_space<vmem>> -> memref<160x128xf32, #tpu.memory_space<vmem>>
        %dma_start3A_278 = arith.constant 0 : i32
        %dma_start3A_279 = tpu.memref_slice %arg2[%mul3A_268, %dma_start3A_278] : memref<100000x128xf32, #tpu.memory_space<hbm>> -> memref<160x128xf32, #tpu.memory_space<hbm>>
        %dma_start3A_280 = arith.constant 0 : i32
        %dma_start3A_281 = arith.constant 0 : i32
        %dma_start3A_282 = tpu.memref_slice %arg10[%dma_start3A, %dma_start3A_280, %dma_start3A_281] : memref<5x160x128xf32, #tpu.memory_space<vmem>> -> memref<1x160x128xf32, #tpu.memory_space<vmem>>
        %dma_start3A_283 = tpu.memref_squeeze %dma_start3A_282 : memref<1x160x128xf32, #tpu.memory_space<vmem>> -> memref<160x128xf32, #tpu.memory_space<vmem>>
        %dma_start3A_284 = arith.constant 0 : i32
        %dma_start3A_285 = tpu.memref_slice %arg2[%mul3A_268, %dma_start3A_284] : memref<100000x128xf32, #tpu.memory_space<hbm>> -> memref<160x128xf32, #tpu.memory_space<hbm>>
        tpu.enqueue_dma source(%dma_start3A_285 : memref<160x128xf32, #tpu.memory_space<hbm>>) target(%dma_start3A_283 : memref<160x128xf32, #tpu.memory_space<vmem>>) target_semaphore(%arg16 : memref<!tpu.dma_semaphore, #tpu.memory_space<semaphore_mem>>)
        %mul3A_286 = arith.constant 160 : i32
        %mul3A_287 = arith.muli %add3A_197, %mul3A_286 : i32
        %add3A_288 = arith.constant 0 : i32
        %add3A_289 = arith.addi %mul3A_287, %add3A_288 : i32
        %dma_start3A_290 = arith.constant 3 : i32
        %dma_start3A_291 = arith.constant 0 : i32
        %dma_start3A_292 = arith.constant 0 : i32
        %dma_start3A_293 = tpu.memref_slice %arg8[%dma_start3A_290, %dma_start3A_291, %dma_start3A_292] : memref<5x2x80xi32, #tpu.memory_space<vmem>> -> memref<1x1x80xi32, #tpu.memory_space<vmem>>
        %dma_start3A_294 = tpu.memref_squeeze %dma_start3A_293 : memref<1x1x80xi32, #tpu.memory_space<vmem>> -> memref<80xi32, #tpu.memory_space<vmem>>
        %dma_start3A_295 = tpu.memref_slice %arg3[%add3A_289] : memref<100000xi32, #tpu.memory_space<hbm>> -> memref<80xi32, #tpu.memory_space<hbm>>
        %dma_start3A_296 = arith.constant 0 : i32
        %dma_start3A_297 = tpu.memref_slice %arg8[%dma_start3A_290, %dma_start3A_291, %dma_start3A_296] : memref<5x2x80xi32, #tpu.memory_space<vmem>> -> memref<1x1x80xi32, #tpu.memory_space<vmem>>
        %dma_start3A_298 = tpu.memref_squeeze %dma_start3A_297 : memref<1x1x80xi32, #tpu.memory_space<vmem>> -> memref<80xi32, #tpu.memory_space<vmem>>
        %dma_start3A_299 = tpu.memref_slice %arg3[%add3A_289] : memref<100000xi32, #tpu.memory_space<hbm>> -> memref<80xi32, #tpu.memory_space<hbm>>
        tpu.enqueue_dma source(%dma_start3A_299 : memref<80xi32, #tpu.memory_space<hbm>>) target(%dma_start3A_298 : memref<80xi32, #tpu.memory_space<vmem>>) target_semaphore(%arg21 : memref<!tpu.dma_semaphore, #tpu.memory_space<semaphore_mem>>)
        %dma_start3A_300 = arith.constant 3 : i32
        %dma_start3A_301 = arith.constant 0 : i32
        %dma_start3A_302 = arith.constant 0 : i32
        %dma_start3A_303 = tpu.memref_slice %arg9[%dma_start3A_300, %dma_start3A_301, %dma_start3A_302] : memref<5x2x80xi32, #tpu.memory_space<vmem>> -> memref<1x1x80xi32, #tpu.memory_space<vmem>>
        %dma_start3A_304 = tpu.memref_squeeze %dma_start3A_303 : memref<1x1x80xi32, #tpu.memory_space<vmem>> -> memref<80xi32, #tpu.memory_space<vmem>>
        %dma_start3A_305 = tpu.memref_slice %arg4[%add3A_289] : memref<100000xi32, #tpu.memory_space<hbm>> -> memref<80xi32, #tpu.memory_space<hbm>>
        %dma_start3A_306 = arith.constant 0 : i32
        %dma_start3A_307 = tpu.memref_slice %arg9[%dma_start3A_300, %dma_start3A_301, %dma_start3A_306] : memref<5x2x80xi32, #tpu.memory_space<vmem>> -> memref<1x1x80xi32, #tpu.memory_space<vmem>>
        %dma_start3A_308 = tpu.memref_squeeze %dma_start3A_307 : memref<1x1x80xi32, #tpu.memory_space<vmem>> -> memref<80xi32, #tpu.memory_space<vmem>>
        %dma_start3A_309 = tpu.memref_slice %arg4[%add3A_289] : memref<100000xi32, #tpu.memory_space<hbm>> -> memref<80xi32, #tpu.memory_space<hbm>>
        tpu.enqueue_dma source(%dma_start3A_309 : memref<80xi32, #tpu.memory_space<hbm>>) target(%dma_start3A_308 : memref<80xi32, #tpu.memory_space<vmem>>) target_semaphore(%arg21 : memref<!tpu.dma_semaphore, #tpu.memory_space<semaphore_mem>>)
        %mul3A_310 = arith.constant 160 : i32
        %mul3A_311 = arith.muli %add3A_197, %mul3A_310 : i32
        %add3A_312 = arith.constant 80 : i32
        %add3A_313 = arith.addi %mul3A_311, %add3A_312 : i32
        %dma_start3A_314 = arith.constant 3 : i32
        %dma_start3A_315 = arith.constant 1 : i32
        %dma_start3A_316 = arith.constant 0 : i32
        %dma_start3A_317 = tpu.memref_slice %arg8[%dma_start3A_314, %dma_start3A_315, %dma_start3A_316] : memref<5x2x80xi32, #tpu.memory_space<vmem>> -> memref<1x1x80xi32, #tpu.memory_space<vmem>>
        %dma_start3A_318 = tpu.memref_squeeze %dma_start3A_317 : memref<1x1x80xi32, #tpu.memory_space<vmem>> -> memref<80xi32, #tpu.memory_space<vmem>>
        %dma_start3A_319 = tpu.memref_slice %arg3[%add3A_313] : memref<100000xi32, #tpu.memory_space<hbm>> -> memref<80xi32, #tpu.memory_space<hbm>>
        %dma_start3A_320 = arith.constant 0 : i32
        %dma_start3A_321 = tpu.memref_slice %arg8[%dma_start3A_314, %dma_start3A_315, %dma_start3A_320] : memref<5x2x80xi32, #tpu.memory_space<vmem>> -> memref<1x1x80xi32, #tpu.memory_space<vmem>>
        %dma_start3A_322 = tpu.memref_squeeze %dma_start3A_321 : memref<1x1x80xi32, #tpu.memory_space<vmem>> -> memref<80xi32, #tpu.memory_space<vmem>>
        %dma_start3A_323 = tpu.memref_slice %arg3[%add3A_313] : memref<100000xi32, #tpu.memory_space<hbm>> -> memref<80xi32, #tpu.memory_space<hbm>>
        tpu.enqueue_dma source(%dma_start3A_323 : memref<80xi32, #tpu.memory_space<hbm>>) target(%dma_start3A_322 : memref<80xi32, #tpu.memory_space<vmem>>) target_semaphore(%arg21 : memref<!tpu.dma_semaphore, #tpu.memory_space<semaphore_mem>>)
        %dma_start3A_324 = arith.constant 3 : i32
        %dma_start3A_325 = arith.constant 1 : i32
        %dma_start3A_326 = arith.constant 0 : i32
        %dma_start3A_327 = tpu.memref_slice %arg9[%dma_start3A_324, %dma_start3A_325, %dma_start3A_326] : memref<5x2x80xi32, #tpu.memory_space<vmem>> -> memref<1x1x80xi32, #tpu.memory_space<vmem>>
        %dma_start3A_328 = tpu.memref_squeeze %dma_start3A_327 : memref<1x1x80xi32, #tpu.memory_space<vmem>> -> memref<80xi32, #tpu.memory_space<vmem>>
        %dma_start3A_329 = tpu.memref_slice %arg4[%add3A_313] : memref<100000xi32, #tpu.memory_space<hbm>> -> memref<80xi32, #tpu.memory_space<hbm>>
        %dma_start3A_330 = arith.constant 0 : i32
        %dma_start3A_331 = tpu.memref_slice %arg9[%dma_start3A_324, %dma_start3A_325, %dma_start3A_330] : memref<5x2x80xi32, #tpu.memory_space<vmem>> -> memref<1x1x80xi32, #tpu.memory_space<vmem>>
        %dma_start3A_332 = tpu.memref_squeeze %dma_start3A_331 : memref<1x1x80xi32, #tpu.memory_space<vmem>> -> memref<80xi32, #tpu.memory_space<vmem>>
        %dma_start3A_333 = tpu.memref_slice %arg4[%add3A_313] : memref<100000xi32, #tpu.memory_space<hbm>> -> memref<80xi32, #tpu.memory_space<hbm>>
        tpu.enqueue_dma source(%dma_start3A_333 : memref<80xi32, #tpu.memory_space<hbm>>) target(%dma_start3A_332 : memref<80xi32, #tpu.memory_space<vmem>>) target_semaphore(%arg21 : memref<!tpu.dma_semaphore, #tpu.memory_space<semaphore_mem>>)
      } else {
      }
      %sub3A_203 = arith.constant 1 : i32
      %sub3A_204 = arith.subi %add3A_194, %sub3A_203 : i32
      %mul3A_205 = arith.constant 32 : i32
      %mul3A_206 = arith.muli %sub3A_204, %mul3A_205 : i32
      %add3A_207 = arith.addi %mul3A_206, %add3A : i32
      %ge3A_208 = arith.constant 0 : i32
      %ge3A_209 = arith.cmpi sge, %sub3A_204, %ge3A_208 : i32
      %lt3A_210 = arith.constant 625 : i32
      %lt3A_211 = arith.cmpi slt, %add3A_207, %lt3A_210 : i32
      %and3A_212 = arith.andi %ge3A_209, %lt3A_211 : i1
      %convert_element_type3A_213 = arith.extui %and3A_212 : i1 to i32
      %cond3A_214 = arith.constant 0 : i32
      %cond3A_215 = arith.cmpi ne, %convert_element_type3A_213, %cond3A_214 : i32
      scf.if %cond3A_215 {
        %mul3A_267 = arith.constant 160 : i32
        %mul3A_268 = arith.muli %add3A_207, %mul3A_267 : i32
        %mul3A_269 = arith.constant 160 : i32
        %mul3A_270 = arith.muli %add3A_207, %mul3A_269 : i32
        %dma_wait3A = arith.constant 2 : i32
        %dma_wait3A_271 = arith.constant 0 : i32
        %dma_wait3A_272 = arith.constant 0 : i32
        %dma_wait3A_273 = tpu.memref_slice %arg8[%dma_wait3A, %dma_wait3A_271, %dma_wait3A_272] : memref<5x2x80xi32, #tpu.memory_space<vmem>> -> memref<1x1x80xi32, #tpu.memory_space<vmem>>
        %dma_wait3A_274 = tpu.memref_squeeze %dma_wait3A_273 : memref<1x1x80xi32, #tpu.memory_space<vmem>> -> memref<80xi32, #tpu.memory_space<vmem>>
        %dma_wait3A_275 = tpu.memref_slice %arg3[%mul3A_270] : memref<100000xi32, #tpu.memory_space<hbm>> -> memref<80xi32, #tpu.memory_space<hbm>>
        %dma_wait3A_276 = arith.constant 0 : i32
        %dma_wait3A_277 = tpu.memref_slice %arg8[%dma_wait3A, %dma_wait3A_271, %dma_wait3A_276] : memref<5x2x80xi32, #tpu.memory_space<vmem>> -> memref<1x1x80xi32, #tpu.memory_space<vmem>>
        %dma_wait3A_278 = tpu.memref_squeeze %dma_wait3A_277 : memref<1x1x80xi32, #tpu.memory_space<vmem>> -> memref<80xi32, #tpu.memory_space<vmem>>
        %dma_wait3A_279 = tpu.memref_slice %arg3[%mul3A_270] : memref<100000xi32, #tpu.memory_space<hbm>> -> memref<80xi32, #tpu.memory_space<hbm>>
        tpu.wait_dma2 semaphore(%arg20 : memref<!tpu.dma_semaphore, #tpu.memory_space<semaphore_mem>>) src(%dma_wait3A_279 : memref<80xi32, #tpu.memory_space<hbm>>) dst(%dma_wait3A_278 : memref<80xi32, #tpu.memory_space<vmem>>)
        %dma_wait3A_280 = arith.constant 2 : i32
        %dma_wait3A_281 = arith.constant 0 : i32
        %dma_wait3A_282 = arith.constant 0 : i32
        %dma_wait3A_283 = tpu.memref_slice %arg8[%dma_wait3A_280, %dma_wait3A_281, %dma_wait3A_282] : memref<5x2x80xi32, #tpu.memory_space<vmem>> -> memref<1x1x80xi32, #tpu.memory_space<vmem>>
        %dma_wait3A_284 = tpu.memref_squeeze %dma_wait3A_283 : memref<1x1x80xi32, #tpu.memory_space<vmem>> -> memref<80xi32, #tpu.memory_space<vmem>>
        %dma_wait3A_285 = tpu.memref_slice %arg3[%mul3A_270] : memref<100000xi32, #tpu.memory_space<hbm>> -> memref<80xi32, #tpu.memory_space<hbm>>
        %dma_wait3A_286 = arith.constant 0 : i32
        %dma_wait3A_287 = tpu.memref_slice %arg8[%dma_wait3A_280, %dma_wait3A_281, %dma_wait3A_286] : memref<5x2x80xi32, #tpu.memory_space<vmem>> -> memref<1x1x80xi32, #tpu.memory_space<vmem>>
        %dma_wait3A_288 = tpu.memref_squeeze %dma_wait3A_287 : memref<1x1x80xi32, #tpu.memory_space<vmem>> -> memref<80xi32, #tpu.memory_space<vmem>>
        %dma_wait3A_289 = tpu.memref_slice %arg3[%mul3A_270] : memref<100000xi32, #tpu.memory_space<hbm>> -> memref<80xi32, #tpu.memory_space<hbm>>
        tpu.wait_dma2 semaphore(%arg20 : memref<!tpu.dma_semaphore, #tpu.memory_space<semaphore_mem>>) src(%dma_wait3A_289 : memref<80xi32, #tpu.memory_space<hbm>>) dst(%dma_wait3A_288 : memref<80xi32, #tpu.memory_space<vmem>>)
        %dma_wait3A_290 = arith.constant 2 : i32
        %dma_wait3A_291 = arith.constant 0 : i32
        %dma_wait3A_292 = arith.constant 0 : i32
        %dma_wait3A_293 = tpu.memref_slice %arg8[%dma_wait3A_290, %dma_wait3A_291, %dma_wait3A_292] : memref<5x2x80xi32, #tpu.memory_space<vmem>> -> memref<1x1x80xi32, #tpu.memory_space<vmem>>
        %dma_wait3A_294 = tpu.memref_squeeze %dma_wait3A_293 : memref<1x1x80xi32, #tpu.memory_space<vmem>> -> memref<80xi32, #tpu.memory_space<vmem>>
        %dma_wait3A_295 = tpu.memref_slice %arg3[%mul3A_270] : memref<100000xi32, #tpu.memory_space<hbm>> -> memref<80xi32, #tpu.memory_space<hbm>>
        %dma_wait3A_296 = arith.constant 0 : i32
        %dma_wait3A_297 = tpu.memref_slice %arg8[%dma_wait3A_290, %dma_wait3A_291, %dma_wait3A_296] : memref<5x2x80xi32, #tpu.memory_space<vmem>> -> memref<1x1x80xi32, #tpu.memory_space<vmem>>
        %dma_wait3A_298 = tpu.memref_squeeze %dma_wait3A_297 : memref<1x1x80xi32, #tpu.memory_space<vmem>> -> memref<80xi32, #tpu.memory_space<vmem>>
        %dma_wait3A_299 = tpu.memref_slice %arg3[%mul3A_270] : memref<100000xi32, #tpu.memory_space<hbm>> -> memref<80xi32, #tpu.memory_space<hbm>>
        tpu.wait_dma2 semaphore(%arg20 : memref<!tpu.dma_semaphore, #tpu.memory_space<semaphore_mem>>) src(%dma_wait3A_299 : memref<80xi32, #tpu.memory_space<hbm>>) dst(%dma_wait3A_298 : memref<80xi32, #tpu.memory_space<vmem>>)
        %dma_wait3A_300 = arith.constant 2 : i32
        %dma_wait3A_301 = arith.constant 0 : i32
        %dma_wait3A_302 = arith.constant 0 : i32
        %dma_wait3A_303 = tpu.memref_slice %arg8[%dma_wait3A_300, %dma_wait3A_301, %dma_wait3A_302] : memref<5x2x80xi32, #tpu.memory_space<vmem>> -> memref<1x1x80xi32, #tpu.memory_space<vmem>>
        %dma_wait3A_304 = tpu.memref_squeeze %dma_wait3A_303 : memref<1x1x80xi32, #tpu.memory_space<vmem>> -> memref<80xi32, #tpu.memory_space<vmem>>
        %dma_wait3A_305 = tpu.memref_slice %arg3[%mul3A_270] : memref<100000xi32, #tpu.memory_space<hbm>> -> memref<80xi32, #tpu.memory_space<hbm>>
        %dma_wait3A_306 = arith.constant 0 : i32
        %dma_wait3A_307 = tpu.memref_slice %arg8[%dma_wait3A_300, %dma_wait3A_301, %dma_wait3A_306] : memref<5x2x80xi32, #tpu.memory_space<vmem>> -> memref<1x1x80xi32, #tpu.memory_space<vmem>>
        %dma_wait3A_308 = tpu.memref_squeeze %dma_wait3A_307 : memref<1x1x80xi32, #tpu.memory_space<vmem>> -> memref<80xi32, #tpu.memory_space<vmem>>
        %dma_wait3A_309 = tpu.memref_slice %arg3[%mul3A_270] : memref<100000xi32, #tpu.memory_space<hbm>> -> memref<80xi32, #tpu.memory_space<hbm>>
        tpu.wait_dma2 semaphore(%arg20 : memref<!tpu.dma_semaphore, #tpu.memory_space<semaphore_mem>>) src(%dma_wait3A_309 : memref<80xi32, #tpu.memory_space<hbm>>) dst(%dma_wait3A_308 : memref<80xi32, #tpu.memory_space<vmem>>)
        %get3A = arith.constant 2 : i32
        %get3A_310 = arith.constant 0 : i32
        %get3A_311 = arith.index_cast %get3A : i32 to index
        %get3A_312 = arith.index_cast %get3A_310 : i32 to index
        %get3A_313 = arith.constant 0 : index
        %get3A_314 = tpu.vector_load %arg8[%get3A_311, %get3A_312, %get3A_313] {strides = array<i32>} : memref<5x2x80xi32, #tpu.memory_space<vmem>>, vector<1x1x16xi32>,
        %get3A_315 = vector.shape_cast %get3A_314 : vector<1x1x16xi32> to vector<16xi32>
        %min3A = arith.constant 511 : i32
        %min3A_316 = vector.broadcast %min3A : i32 to vector<16xi32>
        %min3A_317 = arith.minsi %get3A_315, %min3A_316 : vector<16xi32>
        %swap3A = arith.constant 2 : i32
        %swap3A_318 = arith.constant 0 : i32
        %swap3A_319 = arith.index_cast %swap3A : i32 to index
        %swap3A_320 = arith.index_cast %swap3A_318 : i32 to index
        %swap3A_321 = arith.constant 0 : index
        %swap3A_322 = tpu.vector_load %arg8[%swap3A_319, %swap3A_320, %swap3A_321] {strides = array<i32>} : memref<5x2x80xi32, #tpu.memory_space<vmem>>, vector<1x1x16xi32>,
        %swap3A_323 = vector.shape_cast %swap3A_322 : vector<1x1x16xi32> to vector<16xi32>
        %swap3A_324 = vector.shape_cast %min3A_317 : vector<16xi32> to vector<1x1x16xi32>
        tpu.vector_store %arg8[%swap3A_319, %swap3A_320, %swap3A_321], %swap3A_324 {strides = array<i32>} : memref<5x2x80xi32, #tpu.memory_space<vmem>>, vector<1x1x16xi32>,
        %get3A_325 = arith.constant 2 : i32
        %get3A_326 = arith.constant 0 : i32
        %get3A_327 = arith.index_cast %get3A_325 : i32 to index
        %get3A_328 = arith.index_cast %get3A_326 : i32 to index
        %get3A_329 = arith.constant 0 : index
        %get3A_330 = tpu.vector_load %arg9[%get3A_327, %get3A_328, %get3A_329] {strides = array<i32>} : memref<5x2x80xi32, #tpu.memory_space<vmem>>, vector<1x1x16xi32>,
        %get3A_331 = vector.shape_cast %get3A_330 : vector<1x1x16xi32> to vector<16xi32>
        %min3A_332 = arith.constant 511 : i32
        %min3A_333 = vector.broadcast %min3A_332 : i32 to vector<16xi32>
        %min3A_334 = arith.minsi %get3A_331, %min3A_333 : vector<16xi32>
        %swap3A_335 = arith.constant 2 : i32
        %swap3A_336 = arith.constant 0 : i32
        %swap3A_337 = arith.index_cast %swap3A_335 : i32 to index
        %swap3A_338 = arith.index_cast %swap3A_336 : i32 to index
        %swap3A_339 = arith.constant 0 : index
        %swap3A_340 = tpu.vector_load %arg9[%swap3A_337, %swap3A_338, %swap3A_339] {strides = array<i32>} : memref<5x2x80xi32, #tpu.memory_space<vmem>>, vector<1x1x16xi32>,
        %swap3A_341 = vector.shape_cast %swap3A_340 : vector<1x1x16xi32> to vector<16xi32>
        %swap3A_342 = vector.shape_cast %min3A_334 : vector<16xi32> to vector<1x1x16xi32>
        tpu.vector_store %arg9[%swap3A_337, %swap3A_338, %swap3A_339], %swap3A_342 {strides = array<i32>} : memref<5x2x80xi32, #tpu.memory_space<vmem>>, vector<1x1x16xi32>,
        %get3A_343 = arith.constant 2 : i32
        %get3A_344 = arith.constant 0 : i32
        %get3A_345 = arith.index_cast %get3A_343 : i32 to index
        %get3A_346 = arith.index_cast %get3A_344 : i32 to index
        %get3A_347 = arith.constant 16 : index
        %get3A_348 = tpu.vector_load %arg8[%get3A_345, %get3A_346, %get3A_347] {strides = array<i32>} : memref<5x2x80xi32, #tpu.memory_space<vmem>>, vector<1x1x16xi32>,
        %get3A_349 = vector.shape_cast %get3A_348 : vector<1x1x16xi32> to vector<16xi32>
        %min3A_350 = arith.constant 511 : i32
        %min3A_351 = vector.broadcast %min3A_350 : i32 to vector<16xi32>
        %min3A_352 = arith.minsi %get3A_349, %min3A_351 : vector<16xi32>
        %swap3A_353 = arith.constant 2 : i32
        %swap3A_354 = arith.constant 0 : i32
        %swap3A_355 = arith.index_cast %swap3A_353 : i32 to index
        %swap3A_356 = arith.index_cast %swap3A_354 : i32 to index
        %swap3A_357 = arith.constant 16 : index
        %swap3A_358 = tpu.vector_load %arg8[%swap3A_355, %swap3A_356, %swap3A_357] {strides = array<i32>} : memref<5x2x80xi32, #tpu.memory_space<vmem>>, vector<1x1x16xi32>,
        %swap3A_359 = vector.shape_cast %swap3A_358 : vector<1x1x16xi32> to vector<16xi32>
        %swap3A_360 = vector.shape_cast %min3A_352 : vector<16xi32> to vector<1x1x16xi32>
        tpu.vector_store %arg8[%swap3A_355, %swap3A_356, %swap3A_357], %swap3A_360 {strides = array<i32>} : memref<5x2x80xi32, #tpu.memory_space<vmem>>, vector<1x1x16xi32>,
        %get3A_361 = arith.constant 2 : i32
        %get3A_362 = arith.constant 0 : i32
        %get3A_363 = arith.index_cast %get3A_361 : i32 to index
        %get3A_364 = arith.index_cast %get3A_362 : i32 to index
        %get3A_365 = arith.constant 16 : index
        %get3A_366 = tpu.vector_load %arg9[%get3A_363, %get3A_364, %get3A_365] {strides = array<i32>} : memref<5x2x80xi32, #tpu.memory_space<vmem>>, vector<1x1x16xi32>,
        %get3A_367 = vector.shape_cast %get3A_366 : vector<1x1x16xi32> to vector<16xi32>
        %min3A_368 = arith.constant 511 : i32
        %min3A_369 = vector.broadcast %min3A_368 : i32 to vector<16xi32>
        %min3A_370 = arith.minsi %get3A_367, %min3A_369 : vector<16xi32>
        %swap3A_371 = arith.constant 2 : i32
        %swap3A_372 = arith.constant 0 : i32
        %swap3A_373 = arith.index_cast %swap3A_371 : i32 to index
        %swap3A_374 = arith.index_cast %swap3A_372 : i32 to index
        %swap3A_375 = arith.constant 16 : index
        %swap3A_376 = tpu.vector_load %arg9[%swap3A_373, %swap3A_374, %swap3A_375] {strides = array<i32>} : memref<5x2x80xi32, #tpu.memory_space<vmem>>, vector<1x1x16xi32>,
        %swap3A_377 = vector.shape_cast %swap3A_376 : vector<1x1x16xi32> to vector<16xi32>
        %swap3A_378 = vector.shape_cast %min3A_370 : vector<16xi32> to vector<1x1x16xi32>
        tpu.vector_store %arg9[%swap3A_373, %swap3A_374, %swap3A_375], %swap3A_378 {strides = array<i32>} : memref<5x2x80xi32, #tpu.memory_space<vmem>>, vector<1x1x16xi32>,
        %get3A_379 = arith.constant 2 : i32
        %get3A_380 = arith.constant 0 : i32
        %get3A_381 = arith.index_cast %get3A_379 : i32 to index
        %get3A_382 = arith.index_cast %get3A_380 : i32 to index
        %get3A_383 = arith.constant 32 : index
        %get3A_384 = tpu.vector_load %arg8[%get3A_381, %get3A_382, %get3A_383] {strides = array<i32>} : memref<5x2x80xi32, #tpu.memory_space<vmem>>, vector<1x1x16xi32>,
        %get3A_385 = vector.shape_cast %get3A_384 : vector<1x1x16xi32> to vector<16xi32>
        %min3A_386 = arith.constant 511 : i32
        %min3A_387 = vector.broadcast %min3A_386 : i32 to vector<16xi32>
        %min3A_388 = arith.minsi %get3A_385, %min3A_387 : vector<16xi32>
        %swap3A_389 = arith.constant 2 : i32
        %swap3A_390 = arith.constant 0 : i32
        %swap3A_391 = arith.index_cast %swap3A_389 : i32 to index
        %swap3A_392 = arith.index_cast %swap3A_390 : i32 to index
        %swap3A_393 = arith.constant 32 : index
        %swap3A_394 = tpu.vector_load %arg8[%swap3A_391, %swap3A_392, %swap3A_393] {strides = array<i32>} : memref<5x2x80xi32, #tpu.memory_space<vmem>>, vector<1x1x16xi32>,
        %swap3A_395 = vector.shape_cast %swap3A_394 : vector<1x1x16xi32> to vector<16xi32>
        %swap3A_396 = vector.shape_cast %min3A_388 : vector<16xi32> to vector<1x1x16xi32>
        tpu.vector_store %arg8[%swap3A_391, %swap3A_392, %swap3A_393], %swap3A_396 {strides = array<i32>} : memref<5x2x80xi32, #tpu.memory_space<vmem>>, vector<1x1x16xi32>,
        %get3A_397 = arith.constant 2 : i32
        %get3A_398 = arith.constant 0 : i32
        %get3A_399 = arith.index_cast %get3A_397 : i32 to index
        %get3A_400 = arith.index_cast %get3A_398 : i32 to index
        %get3A_401 = arith.constant 32 : index
        %get3A_402 = tpu.vector_load %arg9[%get3A_399, %get3A_400, %get3A_401] {strides = array<i32>} : memref<5x2x80xi32, #tpu.memory_space<vmem>>, vector<1x1x16xi32>,
        %get3A_403 = vector.shape_cast %get3A_402 : vector<1x1x16xi32> to vector<16xi32>
        %min3A_404 = arith.constant 511 : i32
        %min3A_405 = vector.broadcast %min3A_404 : i32 to vector<16xi32>
        %min3A_406 = arith.minsi %get3A_403, %min3A_405 : vector<16xi32>
        %swap3A_407 = arith.constant 2 : i32
        %swap3A_408 = arith.constant 0 : i32
        %swap3A_409 = arith.index_cast %swap3A_407 : i32 to index
        %swap3A_410 = arith.index_cast %swap3A_408 : i32 to index
        %swap3A_411 = arith.constant 32 : index
        %swap3A_412 = tpu.vector_load %arg9[%swap3A_409, %swap3A_410, %swap3A_411] {strides = array<i32>} : memref<5x2x80xi32, #tpu.memory_space<vmem>>, vector<1x1x16xi32>,
        %swap3A_413 = vector.shape_cast %swap3A_412 : vector<1x1x16xi32> to vector<16xi32>
        %swap3A_414 = vector.shape_cast %min3A_406 : vector<16xi32> to vector<1x1x16xi32>
        tpu.vector_store %arg9[%swap3A_409, %swap3A_410, %swap3A_411], %swap3A_414 {strides = array<i32>} : memref<5x2x80xi32, #tpu.memory_space<vmem>>, vector<1x1x16xi32>,
        %get3A_415 = arith.constant 2 : i32
        %get3A_416 = arith.constant 0 : i32
        %get3A_417 = arith.index_cast %get3A_415 : i32 to index
        %get3A_418 = arith.index_cast %get3A_416 : i32 to index
        %get3A_419 = arith.constant 48 : index
        %get3A_420 = tpu.vector_load %arg8[%get3A_417, %get3A_418, %get3A_419] {strides = array<i32>} : memref<5x2x80xi32, #tpu.memory_space<vmem>>, vector<1x1x16xi32>,
        %get3A_421 = vector.shape_cast %get3A_420 : vector<1x1x16xi32> to vector<16xi32>
        %min3A_422 = arith.constant 511 : i32
        %min3A_423 = vector.broadcast %min3A_422 : i32 to vector<16xi32>
        %min3A_424 = arith.minsi %get3A_421, %min3A_423 : vector<16xi32>
        %swap3A_425 = arith.constant 2 : i32
        %swap3A_426 = arith.constant 0 : i32
        %swap3A_427 = arith.index_cast %swap3A_425 : i32 to index
        %swap3A_428 = arith.index_cast %swap3A_426 : i32 to index
        %swap3A_429 = arith.constant 48 : index
        %swap3A_430 = tpu.vector_load %arg8[%swap3A_427, %swap3A_428, %swap3A_429] {strides = array<i32>} : memref<5x2x80xi32, #tpu.memory_space<vmem>>, vector<1x1x16xi32>,
        %swap3A_431 = vector.shape_cast %swap3A_430 : vector<1x1x16xi32> to vector<16xi32>
        %swap3A_432 = vector.shape_cast %min3A_424 : vector<16xi32> to vector<1x1x16xi32>
        tpu.vector_store %arg8[%swap3A_427, %swap3A_428, %swap3A_429], %swap3A_432 {strides = array<i32>} : memref<5x2x80xi32, #tpu.memory_space<vmem>>, vector<1x1x16xi32>,
        %get3A_433 = arith.constant 2 : i32
        %get3A_434 = arith.constant 0 : i32
        %get3A_435 = arith.index_cast %get3A_433 : i32 to index
        %get3A_436 = arith.index_cast %get3A_434 : i32 to index
        %get3A_437 = arith.constant 48 : index
        %get3A_438 = tpu.vector_load %arg9[%get3A_435, %get3A_436, %get3A_437] {strides = array<i32>} : memref<5x2x80xi32, #tpu.memory_space<vmem>>, vector<1x1x16xi32>,
        %get3A_439 = vector.shape_cast %get3A_438 : vector<1x1x16xi32> to vector<16xi32>
        %min3A_440 = arith.constant 511 : i32
        %min3A_441 = vector.broadcast %min3A_440 : i32 to vector<16xi32>
        %min3A_442 = arith.minsi %get3A_439, %min3A_441 : vector<16xi32>
        %swap3A_443 = arith.constant 2 : i32
        %swap3A_444 = arith.constant 0 : i32
        %swap3A_445 = arith.index_cast %swap3A_443 : i32 to index
        %swap3A_446 = arith.index_cast %swap3A_444 : i32 to index
        %swap3A_447 = arith.constant 48 : index
        %swap3A_448 = tpu.vector_load %arg9[%swap3A_445, %swap3A_446, %swap3A_447] {strides = array<i32>} : memref<5x2x80xi32, #tpu.memory_space<vmem>>, vector<1x1x16xi32>,
        %swap3A_449 = vector.shape_cast %swap3A_448 : vector<1x1x16xi32> to vector<16xi32>
        %swap3A_450 = vector.shape_cast %min3A_442 : vector<16xi32> to vector<1x1x16xi32>
        tpu.vector_store %arg9[%swap3A_445, %swap3A_446, %swap3A_447], %swap3A_450 {strides = array<i32>} : memref<5x2x80xi32, #tpu.memory_space<vmem>>, vector<1x1x16xi32>,
        %get3A_451 = arith.constant 2 : i32
        %get3A_452 = arith.constant 0 : i32
        %get3A_453 = arith.index_cast %get3A_451 : i32 to index
        %get3A_454 = arith.index_cast %get3A_452 : i32 to index
        %get3A_455 = arith.constant 64 : index
        %get3A_456 = tpu.vector_load %arg8[%get3A_453, %get3A_454, %get3A_455] {strides = array<i32>} : memref<5x2x80xi32, #tpu.memory_space<vmem>>, vector<1x1x16xi32>,
        %get3A_457 = vector.shape_cast %get3A_456 : vector<1x1x16xi32> to vector<16xi32>
        %min3A_458 = arith.constant 511 : i32
        %min3A_459 = vector.broadcast %min3A_458 : i32 to vector<16xi32>
        %min3A_460 = arith.minsi %get3A_457, %min3A_459 : vector<16xi32>
        %swap3A_461 = arith.constant 2 : i32
        %swap3A_462 = arith.constant 0 : i32
        %swap3A_463 = arith.index_cast %swap3A_461 : i32 to index
        %swap3A_464 = arith.index_cast %swap3A_462 : i32 to index
        %swap3A_465 = arith.constant 64 : index
        %swap3A_466 = tpu.vector_load %arg8[%swap3A_463, %swap3A_464, %swap3A_465] {strides = array<i32>} : memref<5x2x80xi32, #tpu.memory_space<vmem>>, vector<1x1x16xi32>,
        %swap3A_467 = vector.shape_cast %swap3A_466 : vector<1x1x16xi32> to vector<16xi32>
        %swap3A_468 = vector.shape_cast %min3A_460 : vector<16xi32> to vector<1x1x16xi32>
        tpu.vector_store %arg8[%swap3A_463, %swap3A_464, %swap3A_465], %swap3A_468 {strides = array<i32>} : memref<5x2x80xi32, #tpu.memory_space<vmem>>, vector<1x1x16xi32>,
        %get3A_469 = arith.constant 2 : i32
        %get3A_470 = arith.constant 0 : i32
        %get3A_471 = arith.index_cast %get3A_469 : i32 to index
        %get3A_472 = arith.index_cast %get3A_470 : i32 to index
        %get3A_473 = arith.constant 64 : index
        %get3A_474 = tpu.vector_load %arg9[%get3A_471, %get3A_472, %get3A_473] {strides = array<i32>} : memref<5x2x80xi32, #tpu.memory_space<vmem>>, vector<1x1x16xi32>,
        %get3A_475 = vector.shape_cast %get3A_474 : vector<1x1x16xi32> to vector<16xi32>
        %min3A_476 = arith.constant 511 : i32
        %min3A_477 = vector.broadcast %min3A_476 : i32 to vector<16xi32>
        %min3A_478 = arith.minsi %get3A_475, %min3A_477 : vector<16xi32>
        %swap3A_479 = arith.constant 2 : i32
        %swap3A_480 = arith.constant 0 : i32
        %swap3A_481 = arith.index_cast %swap3A_479 : i32 to index
        %swap3A_482 = arith.index_cast %swap3A_480 : i32 to index
        %swap3A_483 = arith.constant 64 : index
        %swap3A_484 = tpu.vector_load %arg9[%swap3A_481, %swap3A_482, %swap3A_483] {strides = array<i32>} : memref<5x2x80xi32, #tpu.memory_space<vmem>>, vector<1x1x16xi32>,
        %swap3A_485 = vector.shape_cast %swap3A_484 : vector<1x1x16xi32> to vector<16xi32>
        %swap3A_486 = vector.shape_cast %min3A_478 : vector<16xi32> to vector<1x1x16xi32>
        tpu.vector_store %arg9[%swap3A_481, %swap3A_482, %swap3A_483], %swap3A_486 {strides = array<i32>} : memref<5x2x80xi32, #tpu.memory_space<vmem>>, vector<1x1x16xi32>,
        %get3A_487 = arith.constant 2 : i32
        %get3A_488 = arith.constant 1 : i32
        %get3A_489 = arith.index_cast %get3A_487 : i32 to index
        %get3A_490 = arith.index_cast %get3A_488 : i32 to index
        %get3A_491 = arith.constant 0 : index
        %get3A_492 = tpu.vector_load %arg8[%get3A_489, %get3A_490, %get3A_491] {strides = array<i32>} : memref<5x2x80xi32, #tpu.memory_space<vmem>>, vector<1x1x16xi32>,
        %get3A_493 = vector.shape_cast %get3A_492 : vector<1x1x16xi32> to vector<16xi32>
        %min3A_494 = arith.constant 511 : i32
        %min3A_495 = vector.broadcast %min3A_494 : i32 to vector<16xi32>
        %min3A_496 = arith.minsi %get3A_493, %min3A_495 : vector<16xi32>
        %swap3A_497 = arith.constant 2 : i32
        %swap3A_498 = arith.constant 1 : i32
        %swap3A_499 = arith.index_cast %swap3A_497 : i32 to index
        %swap3A_500 = arith.index_cast %swap3A_498 : i32 to index
        %swap3A_501 = arith.constant 0 : index
        %swap3A_502 = tpu.vector_load %arg8[%swap3A_499, %swap3A_500, %swap3A_501] {strides = array<i32>} : memref<5x2x80xi32, #tpu.memory_space<vmem>>, vector<1x1x16xi32>,
        %swap3A_503 = vector.shape_cast %swap3A_502 : vector<1x1x16xi32> to vector<16xi32>
        %swap3A_504 = vector.shape_cast %min3A_496 : vector<16xi32> to vector<1x1x16xi32>
        tpu.vector_store %arg8[%swap3A_499, %swap3A_500, %swap3A_501], %swap3A_504 {strides = array<i32>} : memref<5x2x80xi32, #tpu.memory_space<vmem>>, vector<1x1x16xi32>,
        %get3A_505 = arith.constant 2 : i32
        %get3A_506 = arith.constant 1 : i32
        %get3A_507 = arith.index_cast %get3A_505 : i32 to index
        %get3A_508 = arith.index_cast %get3A_506 : i32 to index
        %get3A_509 = arith.constant 0 : index
        %get3A_510 = tpu.vector_load %arg9[%get3A_507, %get3A_508, %get3A_509] {strides = array<i32>} : memref<5x2x80xi32, #tpu.memory_space<vmem>>, vector<1x1x16xi32>,
        %get3A_511 = vector.shape_cast %get3A_510 : vector<1x1x16xi32> to vector<16xi32>
        %min3A_512 = arith.constant 511 : i32
        %min3A_513 = vector.broadcast %min3A_512 : i32 to vector<16xi32>
        %min3A_514 = arith.minsi %get3A_511, %min3A_513 : vector<16xi32>
        %swap3A_515 = arith.constant 2 : i32
        %swap3A_516 = arith.constant 1 : i32
        %swap3A_517 = arith.index_cast %swap3A_515 : i32 to index
        %swap3A_518 = arith.index_cast %swap3A_516 : i32 to index
        %swap3A_519 = arith.constant 0 : index
        %swap3A_520 = tpu.vector_load %arg9[%swap3A_517, %swap3A_518, %swap3A_519] {strides = array<i32>} : memref<5x2x80xi32, #tpu.memory_space<vmem>>, vector<1x1x16xi32>,
        %swap3A_521 = vector.shape_cast %swap3A_520 : vector<1x1x16xi32> to vector<16xi32>
        %swap3A_522 = vector.shape_cast %min3A_514 : vector<16xi32> to vector<1x1x16xi32>
        tpu.vector_store %arg9[%swap3A_517, %swap3A_518, %swap3A_519], %swap3A_522 {strides = array<i32>} : memref<5x2x80xi32, #tpu.memory_space<vmem>>, vector<1x1x16xi32>,
        %get3A_523 = arith.constant 2 : i32
        %get3A_524 = arith.constant 1 : i32
        %get3A_525 = arith.index_cast %get3A_523 : i32 to index
        %get3A_526 = arith.index_cast %get3A_524 : i32 to index
        %get3A_527 = arith.constant 16 : index
        %get3A_528 = tpu.vector_load %arg8[%get3A_525, %get3A_526, %get3A_527] {strides = array<i32>} : memref<5x2x80xi32, #tpu.memory_space<vmem>>, vector<1x1x16xi32>,
        %get3A_529 = vector.shape_cast %get3A_528 : vector<1x1x16xi32> to vector<16xi32>
        %min3A_530 = arith.constant 511 : i32
        %min3A_531 = vector.broadcast %min3A_530 : i32 to vector<16xi32>
        %min3A_532 = arith.minsi %get3A_529, %min3A_531 : vector<16xi32>
        %swap3A_533 = arith.constant 2 : i32
        %swap3A_534 = arith.constant 1 : i32
        %swap3A_535 = arith.index_cast %swap3A_533 : i32 to index
        %swap3A_536 = arith.index_cast %swap3A_534 : i32 to index
        %swap3A_537 = arith.constant 16 : index
        %swap3A_538 = tpu.vector_load %arg8[%swap3A_535, %swap3A_536, %swap3A_537] {strides = array<i32>} : memref<5x2x80xi32, #tpu.memory_space<vmem>>, vector<1x1x16xi32>,
        %swap3A_539 = vector.shape_cast %swap3A_538 : vector<1x1x16xi32> to vector<16xi32>
        %swap3A_540 = vector.shape_cast %min3A_532 : vector<16xi32> to vector<1x1x16xi32>
        tpu.vector_store %arg8[%swap3A_535, %swap3A_536, %swap3A_537], %swap3A_540 {strides = array<i32>} : memref<5x2x80xi32, #tpu.memory_space<vmem>>, vector<1x1x16xi32>,
        %get3A_541 = arith.constant 2 : i32
        %get3A_542 = arith.constant 1 : i32
        %get3A_543 = arith.index_cast %get3A_541 : i32 to index
        %get3A_544 = arith.index_cast %get3A_542 : i32 to index
        %get3A_545 = arith.constant 16 : index
        %get3A_546 = tpu.vector_load %arg9[%get3A_543, %get3A_544, %get3A_545] {strides = array<i32>} : memref<5x2x80xi32, #tpu.memory_space<vmem>>, vector<1x1x16xi32>,
        %get3A_547 = vector.shape_cast %get3A_546 : vector<1x1x16xi32> to vector<16xi32>
        %min3A_548 = arith.constant 511 : i32
        %min3A_549 = vector.broadcast %min3A_548 : i32 to vector<16xi32>
        %min3A_550 = arith.minsi %get3A_547, %min3A_549 : vector<16xi32>
        %swap3A_551 = arith.constant 2 : i32
        %swap3A_552 = arith.constant 1 : i32
        %swap3A_553 = arith.index_cast %swap3A_551 : i32 to index
        %swap3A_554 = arith.index_cast %swap3A_552 : i32 to index
        %swap3A_555 = arith.constant 16 : index
        %swap3A_556 = tpu.vector_load %arg9[%swap3A_553, %swap3A_554, %swap3A_555] {strides = array<i32>} : memref<5x2x80xi32, #tpu.memory_space<vmem>>, vector<1x1x16xi32>,
        %swap3A_557 = vector.shape_cast %swap3A_556 : vector<1x1x16xi32> to vector<16xi32>
        %swap3A_558 = vector.shape_cast %min3A_550 : vector<16xi32> to vector<1x1x16xi32>
        tpu.vector_store %arg9[%swap3A_553, %swap3A_554, %swap3A_555], %swap3A_558 {strides = array<i32>} : memref<5x2x80xi32, #tpu.memory_space<vmem>>, vector<1x1x16xi32>,
        %get3A_559 = arith.constant 2 : i32
        %get3A_560 = arith.constant 1 : i32
        %get3A_561 = arith.index_cast %get3A_559 : i32 to index
        %get3A_562 = arith.index_cast %get3A_560 : i32 to index
        %get3A_563 = arith.constant 32 : index
        %get3A_564 = tpu.vector_load %arg8[%get3A_561, %get3A_562, %get3A_563] {strides = array<i32>} : memref<5x2x80xi32, #tpu.memory_space<vmem>>, vector<1x1x16xi32>,
        %get3A_565 = vector.shape_cast %get3A_564 : vector<1x1x16xi32> to vector<16xi32>
        %min3A_566 = arith.constant 511 : i32
        %min3A_567 = vector.broadcast %min3A_566 : i32 to vector<16xi32>
        %min3A_568 = arith.minsi %get3A_565, %min3A_567 : vector<16xi32>
        %swap3A_569 = arith.constant 2 : i32
        %swap3A_570 = arith.constant 1 : i32
        %swap3A_571 = arith.index_cast %swap3A_569 : i32 to index
        %swap3A_572 = arith.index_cast %swap3A_570 : i32 to index
        %swap3A_573 = arith.constant 32 : index
        %swap3A_574 = tpu.vector_load %arg8[%swap3A_571, %swap3A_572, %swap3A_573] {strides = array<i32>} : memref<5x2x80xi32, #tpu.memory_space<vmem>>, vector<1x1x16xi32>,
        %swap3A_575 = vector.shape_cast %swap3A_574 : vector<1x1x16xi32> to vector<16xi32>
        %swap3A_576 = vector.shape_cast %min3A_568 : vector<16xi32> to vector<1x1x16xi32>
        tpu.vector_store %arg8[%swap3A_571, %swap3A_572, %swap3A_573], %swap3A_576 {strides = array<i32>} : memref<5x2x80xi32, #tpu.memory_space<vmem>>, vector<1x1x16xi32>,
        %get3A_577 = arith.constant 2 : i32
        %get3A_578 = arith.constant 1 : i32
        %get3A_579 = arith.index_cast %get3A_577 : i32 to index
        %get3A_580 = arith.index_cast %get3A_578 : i32 to index
        %get3A_581 = arith.constant 32 : index
        %get3A_582 = tpu.vector_load %arg9[%get3A_579, %get3A_580, %get3A_581] {strides = array<i32>} : memref<5x2x80xi32, #tpu.memory_space<vmem>>, vector<1x1x16xi32>,
        %get3A_583 = vector.shape_cast %get3A_582 : vector<1x1x16xi32> to vector<16xi32>
        %min3A_584 = arith.constant 511 : i32
        %min3A_585 = vector.broadcast %min3A_584 : i32 to vector<16xi32>
        %min3A_586 = arith.minsi %get3A_583, %min3A_585 : vector<16xi32>
        %swap3A_587 = arith.constant 2 : i32
        %swap3A_588 = arith.constant 1 : i32
        %swap3A_589 = arith.index_cast %swap3A_587 : i32 to index
        %swap3A_590 = arith.index_cast %swap3A_588 : i32 to index
        %swap3A_591 = arith.constant 32 : index
        %swap3A_592 = tpu.vector_load %arg9[%swap3A_589, %swap3A_590, %swap3A_591] {strides = array<i32>} : memref<5x2x80xi32, #tpu.memory_space<vmem>>, vector<1x1x16xi32>,
        %swap3A_593 = vector.shape_cast %swap3A_592 : vector<1x1x16xi32> to vector<16xi32>
        %swap3A_594 = vector.shape_cast %min3A_586 : vector<16xi32> to vector<1x1x16xi32>
        tpu.vector_store %arg9[%swap3A_589, %swap3A_590, %swap3A_591], %swap3A_594 {strides = array<i32>} : memref<5x2x80xi32, #tpu.memory_space<vmem>>, vector<1x1x16xi32>,
        %get3A_595 = arith.constant 2 : i32
        %get3A_596 = arith.constant 1 : i32
        %get3A_597 = arith.index_cast %get3A_595 : i32 to index
        %get3A_598 = arith.index_cast %get3A_596 : i32 to index
        %get3A_599 = arith.constant 48 : index
        %get3A_600 = tpu.vector_load %arg8[%get3A_597, %get3A_598, %get3A_599] {strides = array<i32>} : memref<5x2x80xi32, #tpu.memory_space<vmem>>, vector<1x1x16xi32>,
        %get3A_601 = vector.shape_cast %get3A_600 : vector<1x1x16xi32> to vector<16xi32>
        %min3A_602 = arith.constant 511 : i32
        %min3A_603 = vector.broadcast %min3A_602 : i32 to vector<16xi32>
        %min3A_604 = arith.minsi %get3A_601, %min3A_603 : vector<16xi32>
        %swap3A_605 = arith.constant 2 : i32
        %swap3A_606 = arith.constant 1 : i32
        %swap3A_607 = arith.index_cast %swap3A_605 : i32 to index
        %swap3A_608 = arith.index_cast %swap3A_606 : i32 to index
        %swap3A_609 = arith.constant 48 : index
        %swap3A_610 = tpu.vector_load %arg8[%swap3A_607, %swap3A_608, %swap3A_609] {strides = array<i32>} : memref<5x2x80xi32, #tpu.memory_space<vmem>>, vector<1x1x16xi32>,
        %swap3A_611 = vector.shape_cast %swap3A_610 : vector<1x1x16xi32> to vector<16xi32>
        %swap3A_612 = vector.shape_cast %min3A_604 : vector<16xi32> to vector<1x1x16xi32>
        tpu.vector_store %arg8[%swap3A_607, %swap3A_608, %swap3A_609], %swap3A_612 {strides = array<i32>} : memref<5x2x80xi32, #tpu.memory_space<vmem>>, vector<1x1x16xi32>,
        %get3A_613 = arith.constant 2 : i32
        %get3A_614 = arith.constant 1 : i32
        %get3A_615 = arith.index_cast %get3A_613 : i32 to index
        %get3A_616 = arith.index_cast %get3A_614 : i32 to index
        %get3A_617 = arith.constant 48 : index
        %get3A_618 = tpu.vector_load %arg9[%get3A_615, %get3A_616, %get3A_617] {strides = array<i32>} : memref<5x2x80xi32, #tpu.memory_space<vmem>>, vector<1x1x16xi32>,
        %get3A_619 = vector.shape_cast %get3A_618 : vector<1x1x16xi32> to vector<16xi32>
        %min3A_620 = arith.constant 511 : i32
        %min3A_621 = vector.broadcast %min3A_620 : i32 to vector<16xi32>
        %min3A_622 = arith.minsi %get3A_619, %min3A_621 : vector<16xi32>
        %swap3A_623 = arith.constant 2 : i32
        %swap3A_624 = arith.constant 1 : i32
        %swap3A_625 = arith.index_cast %swap3A_623 : i32 to index
        %swap3A_626 = arith.index_cast %swap3A_624 : i32 to index
        %swap3A_627 = arith.constant 48 : index
        %swap3A_628 = tpu.vector_load %arg9[%swap3A_625, %swap3A_626, %swap3A_627] {strides = array<i32>} : memref<5x2x80xi32, #tpu.memory_space<vmem>>, vector<1x1x16xi32>,
        %swap3A_629 = vector.shape_cast %swap3A_628 : vector<1x1x16xi32> to vector<16xi32>
        %swap3A_630 = vector.shape_cast %min3A_622 : vector<16xi32> to vector<1x1x16xi32>
        tpu.vector_store %arg9[%swap3A_625, %swap3A_626, %swap3A_627], %swap3A_630 {strides = array<i32>} : memref<5x2x80xi32, #tpu.memory_space<vmem>>, vector<1x1x16xi32>,
        %get3A_631 = arith.constant 2 : i32
        %get3A_632 = arith.constant 1 : i32
        %get3A_633 = arith.index_cast %get3A_631 : i32 to index
        %get3A_634 = arith.index_cast %get3A_632 : i32 to index
        %get3A_635 = arith.constant 64 : index
        %get3A_636 = tpu.vector_load %arg8[%get3A_633, %get3A_634, %get3A_635] {strides = array<i32>} : memref<5x2x80xi32, #tpu.memory_space<vmem>>, vector<1x1x16xi32>,
        %get3A_637 = vector.shape_cast %get3A_636 : vector<1x1x16xi32> to vector<16xi32>
        %min3A_638 = arith.constant 511 : i32
        %min3A_639 = vector.broadcast %min3A_638 : i32 to vector<16xi32>
        %min3A_640 = arith.minsi %get3A_637, %min3A_639 : vector<16xi32>
        %swap3A_641 = arith.constant 2 : i32
        %swap3A_642 = arith.constant 1 : i32
        %swap3A_643 = arith.index_cast %swap3A_641 : i32 to index
        %swap3A_644 = arith.index_cast %swap3A_642 : i32 to index
        %swap3A_645 = arith.constant 64 : index
        %swap3A_646 = tpu.vector_load %arg8[%swap3A_643, %swap3A_644, %swap3A_645] {strides = array<i32>} : memref<5x2x80xi32, #tpu.memory_space<vmem>>, vector<1x1x16xi32>,
        %swap3A_647 = vector.shape_cast %swap3A_646 : vector<1x1x16xi32> to vector<16xi32>
        %swap3A_648 = vector.shape_cast %min3A_640 : vector<16xi32> to vector<1x1x16xi32>
        tpu.vector_store %arg8[%swap3A_643, %swap3A_644, %swap3A_645], %swap3A_648 {strides = array<i32>} : memref<5x2x80xi32, #tpu.memory_space<vmem>>, vector<1x1x16xi32>,
        %get3A_649 = arith.constant 2 : i32
        %get3A_650 = arith.constant 1 : i32
        %get3A_651 = arith.index_cast %get3A_649 : i32 to index
        %get3A_652 = arith.index_cast %get3A_650 : i32 to index
        %get3A_653 = arith.constant 64 : index
        %get3A_654 = tpu.vector_load %arg9[%get3A_651, %get3A_652, %get3A_653] {strides = array<i32>} : memref<5x2x80xi32, #tpu.memory_space<vmem>>, vector<1x1x16xi32>,
        %get3A_655 = vector.shape_cast %get3A_654 : vector<1x1x16xi32> to vector<16xi32>
        %min3A_656 = arith.constant 511 : i32
        %min3A_657 = vector.broadcast %min3A_656 : i32 to vector<16xi32>
        %min3A_658 = arith.minsi %get3A_655, %min3A_657 : vector<16xi32>
        %swap3A_659 = arith.constant 2 : i32
        %swap3A_660 = arith.constant 1 : i32
        %swap3A_661 = arith.index_cast %swap3A_659 : i32 to index
        %swap3A_662 = arith.index_cast %swap3A_660 : i32 to index
        %swap3A_663 = arith.constant 64 : index
        %swap3A_664 = tpu.vector_load %arg9[%swap3A_661, %swap3A_662, %swap3A_663] {strides = array<i32>} : memref<5x2x80xi32, #tpu.memory_space<vmem>>, vector<1x1x16xi32>,
        %swap3A_665 = vector.shape_cast %swap3A_664 : vector<1x1x16xi32> to vector<16xi32>
        %swap3A_666 = vector.shape_cast %min3A_658 : vector<16xi32> to vector<1x1x16xi32>
        tpu.vector_store %arg9[%swap3A_661, %swap3A_662, %swap3A_663], %swap3A_666 {strides = array<i32>} : memref<5x2x80xi32, #tpu.memory_space<vmem>>, vector<1x1x16xi32>,
        %dma_wait3A_667 = arith.constant 2 : i32
        %dma_wait3A_668 = arith.constant 0 : i32
        %dma_wait3A_669 = arith.constant 0 : i32
        %dma_wait3A_670 = tpu.memref_slice %arg10[%dma_wait3A_667, %dma_wait3A_668, %dma_wait3A_669] : memref<5x160x128xf32, #tpu.memory_space<vmem>> -> memref<1x160x128xf32, #tpu.memory_space<vmem>>
        %dma_wait3A_671 = tpu.memref_squeeze %dma_wait3A_670 : memref<1x160x128xf32, #tpu.memory_space<vmem>> -> memref<160x128xf32, #tpu.memory_space<vmem>>
        %dma_wait3A_672 = arith.constant 0 : i32
        %dma_wait3A_673 = tpu.memref_slice %arg2[%mul3A_268, %dma_wait3A_672] : memref<100000x128xf32, #tpu.memory_space<hbm>> -> memref<160x128xf32, #tpu.memory_space<hbm>>
        %dma_wait3A_674 = arith.constant 0 : i32
        %dma_wait3A_675 = arith.constant 0 : i32
        %dma_wait3A_676 = tpu.memref_slice %arg10[%dma_wait3A_667, %dma_wait3A_674, %dma_wait3A_675] : memref<5x160x128xf32, #tpu.memory_space<vmem>> -> memref<1x160x128xf32, #tpu.memory_space<vmem>>
        %dma_wait3A_677 = tpu.memref_squeeze %dma_wait3A_676 : memref<1x160x128xf32, #tpu.memory_space<vmem>> -> memref<160x128xf32, #tpu.memory_space<vmem>>
        %dma_wait3A_678 = arith.constant 0 : i32
        %dma_wait3A_679 = tpu.memref_slice %arg2[%mul3A_268, %dma_wait3A_678] : memref<100000x128xf32, #tpu.memory_space<hbm>> -> memref<160x128xf32, #tpu.memory_space<hbm>>
        tpu.wait_dma2 semaphore(%arg15 : memref<!tpu.dma_semaphore, #tpu.memory_space<semaphore_mem>>) src(%dma_wait3A_679 : memref<160x128xf32, #tpu.memory_space<hbm>>) dst(%dma_wait3A_677 : memref<160x128xf32, #tpu.memory_space<vmem>>)
        %dma_start3A = arith.constant 2 : i32
        %dma_start3A_680 = arith.constant 0 : i32
        %dma_start3A_681 = arith.constant 2 : i32
        %dma_start3A_682 = arith.constant 0 : i32
        %dma_start3A_683 = arith.constant 0 : i32
        %dma_start3A_684 = tpu.memref_slice %arg10[%dma_start3A_681, %dma_start3A_682, %dma_start3A_683] : memref<5x160x128xf32, #tpu.memory_space<vmem>> -> memref<1x80x128xf32, #tpu.memory_space<vmem>>
        %dma_start3A_685 = tpu.memref_squeeze %dma_start3A_684 : memref<1x80x128xf32, #tpu.memory_space<vmem>> -> memref<80x128xf32, #tpu.memory_space<vmem>>
        %dma_start3A_686 = arith.constant 0 : i32
        %dma_start3A_687 = tpu.memref_slice %arg8[%dma_start3A, %dma_start3A_680, %dma_start3A_686] : memref<5x2x80xi32, #tpu.memory_space<vmem>> -> memref<1x1x80xi32, #tpu.memory_space<vmem>>
        %dma_start3A_688 = tpu.memref_squeeze %dma_start3A_687 : memref<1x1x80xi32, #tpu.memory_space<vmem>> -> memref<80xi32, #tpu.memory_space<vmem>>
        %dma_start3A_689 = arith.constant 0 : i32
        %dma_start3A_690 = arith.constant 0 : i32
        %dma_start3A_691 = tpu.memref_slice %arg11[%dma_start3A_689, %dma_start3A_690] : memref<512x128xf32, #tpu.memory_space<vmem_shared>> -> memref<512x128xf32, #tpu.memory_space<vmem_shared>>
        tpu.enqueue_indirect_dma source(%dma_start3A_691 : memref<512x128xf32, #tpu.memory_space<vmem_shared>>) target(%dma_start3A_685 : memref<80x128xf32, #tpu.memory_space<vmem>>) offsets(%dma_start3A_688 : memref<80xi32, #tpu.memory_space<vmem>>) semaphore(%arg25 : memref<!tpu.dma_semaphore, #tpu.memory_space<semaphore_mem>>) {add = true}
        %dma_start3A_692 = arith.constant 2 : i32
        %dma_start3A_693 = arith.constant 0 : i32
        %dma_start3A_694 = arith.constant 2 : i32
        %dma_start3A_695 = arith.constant 0 : i32
        %dma_start3A_696 = arith.constant 0 : i32
        %dma_start3A_697 = tpu.memref_slice %arg10[%dma_start3A_694, %dma_start3A_695, %dma_start3A_696] : memref<5x160x128xf32, #tpu.memory_space<vmem>> -> memref<1x80x128xf32, #tpu.memory_space<vmem>>
        %dma_start3A_698 = tpu.memref_squeeze %dma_start3A_697 : memref<1x80x128xf32, #tpu.memory_space<vmem>> -> memref<80x128xf32, #tpu.memory_space<vmem>>
        %dma_start3A_699 = arith.constant 0 : i32
        %dma_start3A_700 = tpu.memref_slice %arg9[%dma_start3A_692, %dma_start3A_693, %dma_start3A_699] : memref<5x2x80xi32, #tpu.memory_space<vmem>> -> memref<1x1x80xi32, #tpu.memory_space<vmem>>
        %dma_start3A_701 = tpu.memref_squeeze %dma_start3A_700 : memref<1x1x80xi32, #tpu.memory_space<vmem>> -> memref<80xi32, #tpu.memory_space<vmem>>
        %dma_start3A_702 = arith.constant 0 : i32
        %dma_start3A_703 = arith.constant 0 : i32
        %dma_start3A_704 = tpu.memref_slice %arg12[%dma_start3A_702, %dma_start3A_703] : memref<512x128xf32, #tpu.memory_space<vmem_shared>> -> memref<512x128xf32, #tpu.memory_space<vmem_shared>>
        tpu.enqueue_indirect_dma source(%dma_start3A_704 : memref<512x128xf32, #tpu.memory_space<vmem_shared>>) target(%dma_start3A_698 : memref<80x128xf32, #tpu.memory_space<vmem>>) offsets(%dma_start3A_701 : memref<80xi32, #tpu.memory_space<vmem>>) semaphore(%arg25 : memref<!tpu.dma_semaphore, #tpu.memory_space<semaphore_mem>>) {add = true}
        %dma_start3A_705 = arith.constant 2 : i32
        %dma_start3A_706 = arith.constant 1 : i32
        %dma_start3A_707 = arith.constant 2 : i32
        %dma_start3A_708 = arith.constant 80 : i32
        %dma_start3A_709 = arith.constant 0 : i32
        %dma_start3A_710 = tpu.memref_slice %arg10[%dma_start3A_707, %dma_start3A_708, %dma_start3A_709] : memref<5x160x128xf32, #tpu.memory_space<vmem>> -> memref<1x80x128xf32, #tpu.memory_space<vmem>>
        %dma_start3A_711 = tpu.memref_squeeze %dma_start3A_710 : memref<1x80x128xf32, #tpu.memory_space<vmem>> -> memref<80x128xf32, #tpu.memory_space<vmem>>
        %dma_start3A_712 = arith.constant 0 : i32
        %dma_start3A_713 = tpu.memref_slice %arg8[%dma_start3A_705, %dma_start3A_706, %dma_start3A_712] : memref<5x2x80xi32, #tpu.memory_space<vmem>> -> memref<1x1x80xi32, #tpu.memory_space<vmem>>
        %dma_start3A_714 = tpu.memref_squeeze %dma_start3A_713 : memref<1x1x80xi32, #tpu.memory_space<vmem>> -> memref<80xi32, #tpu.memory_space<vmem>>
        %dma_start3A_715 = arith.constant 0 : i32
        %dma_start3A_716 = arith.constant 0 : i32
        %dma_start3A_717 = tpu.memref_slice %arg11[%dma_start3A_715, %dma_start3A_716] : memref<512x128xf32, #tpu.memory_space<vmem_shared>> -> memref<512x128xf32, #tpu.memory_space<vmem_shared>>
        tpu.enqueue_indirect_dma source(%dma_start3A_717 : memref<512x128xf32, #tpu.memory_space<vmem_shared>>) target(%dma_start3A_711 : memref<80x128xf32, #tpu.memory_space<vmem>>) offsets(%dma_start3A_714 : memref<80xi32, #tpu.memory_space<vmem>>) semaphore(%arg25 : memref<!tpu.dma_semaphore, #tpu.memory_space<semaphore_mem>>) {add = true}
        %dma_start3A_718 = arith.constant 2 : i32
        %dma_start3A_719 = arith.constant 1 : i32
        %dma_start3A_720 = arith.constant 2 : i32
        %dma_start3A_721 = arith.constant 80 : i32
        %dma_start3A_722 = arith.constant 0 : i32
        %dma_start3A_723 = tpu.memref_slice %arg10[%dma_start3A_720, %dma_start3A_721, %dma_start3A_722] : memref<5x160x128xf32, #tpu.memory_space<vmem>> -> memref<1x80x128xf32, #tpu.memory_space<vmem>>
        %dma_start3A_724 = tpu.memref_squeeze %dma_start3A_723 : memref<1x80x128xf32, #tpu.memory_space<vmem>> -> memref<80x128xf32, #tpu.memory_space<vmem>>
        %dma_start3A_725 = arith.constant 0 : i32
        %dma_start3A_726 = tpu.memref_slice %arg9[%dma_start3A_718, %dma_start3A_719, %dma_start3A_725] : memref<5x2x80xi32, #tpu.memory_space<vmem>> -> memref<1x1x80xi32, #tpu.memory_space<vmem>>
        %dma_start3A_727 = tpu.memref_squeeze %dma_start3A_726 : memref<1x1x80xi32, #tpu.memory_space<vmem>> -> memref<80xi32, #tpu.memory_space<vmem>>
        %dma_start3A_728 = arith.constant 0 : i32
        %dma_start3A_729 = arith.constant 0 : i32
        %dma_start3A_730 = tpu.memref_slice %arg12[%dma_start3A_728, %dma_start3A_729] : memref<512x128xf32, #tpu.memory_space<vmem_shared>> -> memref<512x128xf32, #tpu.memory_space<vmem_shared>>
        tpu.enqueue_indirect_dma source(%dma_start3A_730 : memref<512x128xf32, #tpu.memory_space<vmem_shared>>) target(%dma_start3A_724 : memref<80x128xf32, #tpu.memory_space<vmem>>) offsets(%dma_start3A_727 : memref<80xi32, #tpu.memory_space<vmem>>) semaphore(%arg25 : memref<!tpu.dma_semaphore, #tpu.memory_space<semaphore_mem>>) {add = true}
      } else {
      }
      %sub3A_216 = arith.constant 3 : i32
      %sub3A_217 = arith.subi %add3A_194, %sub3A_216 : i32
      %mul3A_218 = arith.constant 32 : i32
      %mul3A_219 = arith.muli %sub3A_217, %mul3A_218 : i32
      %add3A_220 = arith.addi %mul3A_219, %add3A : i32
      %ge3A_221 = arith.constant 0 : i32
      %ge3A_222 = arith.cmpi sge, %sub3A_217, %ge3A_221 : i32
      %lt3A_223 = arith.constant 625 : i32
      %lt3A_224 = arith.cmpi slt, %add3A_220, %lt3A_223 : i32
      %and3A_225 = arith.andi %ge3A_222, %lt3A_224 : i1
      %convert_element_type3A_226 = arith.extui %and3A_225 : i1 to i32
      %cond3A_227 = arith.constant 0 : i32
      %cond3A_228 = arith.cmpi ne, %convert_element_type3A_226, %cond3A_227 : i32
      scf.if %cond3A_228 {
        %mul3A_267 = arith.constant 160 : i32
        %mul3A_268 = arith.muli %add3A_220, %mul3A_267 : i32
        %mul3A_269 = arith.constant 160 : i32
        %mul3A_270 = arith.muli %add3A_220, %mul3A_269 : i32
        %dma_wait3A = arith.constant 0 : i32
        %dma_wait3A_271 = arith.constant 0 : i32
        %dma_wait3A_272 = arith.constant 0 : i32
        %dma_wait3A_273 = tpu.memref_slice %arg10[%dma_wait3A, %dma_wait3A_271, %dma_wait3A_272] : memref<5x160x128xf32, #tpu.memory_space<vmem>> -> memref<1x80x128xf32, #tpu.memory_space<vmem>>
        %dma_wait3A_274 = tpu.memref_squeeze %dma_wait3A_273 : memref<1x80x128xf32, #tpu.memory_space<vmem>> -> memref<80x128xf32, #tpu.memory_space<vmem>>
        %dma_wait3A_275 = arith.constant 0 : i32
        %dma_wait3A_276 = tpu.memref_slice %arg2[%mul3A_270, %dma_wait3A_275] : memref<100000x128xf32, #tpu.memory_space<hbm>> -> memref<80x128xf32, #tpu.memory_space<hbm>>
        %dma_wait3A_277 = arith.constant 0 : i32
        %dma_wait3A_278 = arith.constant 0 : i32
        %dma_wait3A_279 = tpu.memref_slice %arg10[%dma_wait3A, %dma_wait3A_277, %dma_wait3A_278] : memref<5x160x128xf32, #tpu.memory_space<vmem>> -> memref<1x80x128xf32, #tpu.memory_space<vmem>>
        %dma_wait3A_280 = tpu.memref_squeeze %dma_wait3A_279 : memref<1x80x128xf32, #tpu.memory_space<vmem>> -> memref<80x128xf32, #tpu.memory_space<vmem>>
        %dma_wait3A_281 = arith.constant 0 : i32
        %dma_wait3A_282 = tpu.memref_slice %arg2[%mul3A_270, %dma_wait3A_281] : memref<100000x128xf32, #tpu.memory_space<hbm>> -> memref<80x128xf32, #tpu.memory_space<hbm>>
        tpu.wait_dma2 semaphore(%arg23 : memref<!tpu.dma_semaphore, #tpu.memory_space<semaphore_mem>>) src(%dma_wait3A_282 : memref<80x128xf32, #tpu.memory_space<hbm>>) dst(%dma_wait3A_280 : memref<80x128xf32, #tpu.memory_space<vmem>>)
        %dma_wait3A_283 = arith.constant 0 : i32
        %dma_wait3A_284 = arith.constant 0 : i32
        %dma_wait3A_285 = arith.constant 0 : i32
        %dma_wait3A_286 = tpu.memref_slice %arg10[%dma_wait3A_283, %dma_wait3A_284, %dma_wait3A_285] : memref<5x160x128xf32, #tpu.memory_space<vmem>> -> memref<1x80x128xf32, #tpu.memory_space<vmem>>
        %dma_wait3A_287 = tpu.memref_squeeze %dma_wait3A_286 : memref<1x80x128xf32, #tpu.memory_space<vmem>> -> memref<80x128xf32, #tpu.memory_space<vmem>>
        %dma_wait3A_288 = arith.constant 0 : i32
        %dma_wait3A_289 = tpu.memref_slice %arg2[%mul3A_270, %dma_wait3A_288] : memref<100000x128xf32, #tpu.memory_space<hbm>> -> memref<80x128xf32, #tpu.memory_space<hbm>>
        %dma_wait3A_290 = arith.constant 0 : i32
        %dma_wait3A_291 = arith.constant 0 : i32
        %dma_wait3A_292 = tpu.memref_slice %arg10[%dma_wait3A_283, %dma_wait3A_290, %dma_wait3A_291] : memref<5x160x128xf32, #tpu.memory_space<vmem>> -> memref<1x80x128xf32, #tpu.memory_space<vmem>>
        %dma_wait3A_293 = tpu.memref_squeeze %dma_wait3A_292 : memref<1x80x128xf32, #tpu.memory_space<vmem>> -> memref<80x128xf32, #tpu.memory_space<vmem>>
        %dma_wait3A_294 = arith.constant 0 : i32
        %dma_wait3A_295 = tpu.memref_slice %arg2[%mul3A_270, %dma_wait3A_294] : memref<100000x128xf32, #tpu.memory_space<hbm>> -> memref<80x128xf32, #tpu.memory_space<hbm>>
        tpu.wait_dma2 semaphore(%arg23 : memref<!tpu.dma_semaphore, #tpu.memory_space<semaphore_mem>>) src(%dma_wait3A_295 : memref<80x128xf32, #tpu.memory_space<hbm>>) dst(%dma_wait3A_293 : memref<80x128xf32, #tpu.memory_space<vmem>>)
        %dma_wait3A_296 = arith.constant 0 : i32
        %dma_wait3A_297 = arith.constant 0 : i32
        %dma_wait3A_298 = arith.constant 0 : i32
        %dma_wait3A_299 = tpu.memref_slice %arg10[%dma_wait3A_296, %dma_wait3A_297, %dma_wait3A_298] : memref<5x160x128xf32, #tpu.memory_space<vmem>> -> memref<1x80x128xf32, #tpu.memory_space<vmem>>
        %dma_wait3A_300 = tpu.memref_squeeze %dma_wait3A_299 : memref<1x80x128xf32, #tpu.memory_space<vmem>> -> memref<80x128xf32, #tpu.memory_space<vmem>>
        %dma_wait3A_301 = arith.constant 0 : i32
        %dma_wait3A_302 = tpu.memref_slice %arg2[%mul3A_270, %dma_wait3A_301] : memref<100000x128xf32, #tpu.memory_space<hbm>> -> memref<80x128xf32, #tpu.memory_space<hbm>>
        %dma_wait3A_303 = arith.constant 0 : i32
        %dma_wait3A_304 = arith.constant 0 : i32
        %dma_wait3A_305 = tpu.memref_slice %arg10[%dma_wait3A_296, %dma_wait3A_303, %dma_wait3A_304] : memref<5x160x128xf32, #tpu.memory_space<vmem>> -> memref<1x80x128xf32, #tpu.memory_space<vmem>>
        %dma_wait3A_306 = tpu.memref_squeeze %dma_wait3A_305 : memref<1x80x128xf32, #tpu.memory_space<vmem>> -> memref<80x128xf32, #tpu.memory_space<vmem>>
        %dma_wait3A_307 = arith.constant 0 : i32
        %dma_wait3A_308 = tpu.memref_slice %arg2[%mul3A_270, %dma_wait3A_307] : memref<100000x128xf32, #tpu.memory_space<hbm>> -> memref<80x128xf32, #tpu.memory_space<hbm>>
        tpu.wait_dma2 semaphore(%arg23 : memref<!tpu.dma_semaphore, #tpu.memory_space<semaphore_mem>>) src(%dma_wait3A_308 : memref<80x128xf32, #tpu.memory_space<hbm>>) dst(%dma_wait3A_306 : memref<80x128xf32, #tpu.memory_space<vmem>>)
        %dma_wait3A_309 = arith.constant 0 : i32
        %dma_wait3A_310 = arith.constant 0 : i32
        %dma_wait3A_311 = arith.constant 0 : i32
        %dma_wait3A_312 = tpu.memref_slice %arg10[%dma_wait3A_309, %dma_wait3A_310, %dma_wait3A_311] : memref<5x160x128xf32, #tpu.memory_space<vmem>> -> memref<1x80x128xf32, #tpu.memory_space<vmem>>
        %dma_wait3A_313 = tpu.memref_squeeze %dma_wait3A_312 : memref<1x80x128xf32, #tpu.memory_space<vmem>> -> memref<80x128xf32, #tpu.memory_space<vmem>>
        %dma_wait3A_314 = arith.constant 0 : i32
        %dma_wait3A_315 = tpu.memref_slice %arg2[%mul3A_270, %dma_wait3A_314] : memref<100000x128xf32, #tpu.memory_space<hbm>> -> memref<80x128xf32, #tpu.memory_space<hbm>>
        %dma_wait3A_316 = arith.constant 0 : i32
        %dma_wait3A_317 = arith.constant 0 : i32
        %dma_wait3A_318 = tpu.memref_slice %arg10[%dma_wait3A_309, %dma_wait3A_316, %dma_wait3A_317] : memref<5x160x128xf32, #tpu.memory_space<vmem>> -> memref<1x80x128xf32, #tpu.memory_space<vmem>>
        %dma_wait3A_319 = tpu.memref_squeeze %dma_wait3A_318 : memref<1x80x128xf32, #tpu.memory_space<vmem>> -> memref<80x128xf32, #tpu.memory_space<vmem>>
        %dma_wait3A_320 = arith.constant 0 : i32
        %dma_wait3A_321 = tpu.memref_slice %arg2[%mul3A_270, %dma_wait3A_320] : memref<100000x128xf32, #tpu.memory_space<hbm>> -> memref<80x128xf32, #tpu.memory_space<hbm>>
        tpu.wait_dma2 semaphore(%arg23 : memref<!tpu.dma_semaphore, #tpu.memory_space<semaphore_mem>>) src(%dma_wait3A_321 : memref<80x128xf32, #tpu.memory_space<hbm>>) dst(%dma_wait3A_319 : memref<80x128xf32, #tpu.memory_space<vmem>>)
        %dma_start3A = arith.constant 0 : i32
        %dma_start3A_322 = arith.constant 0 : i32
        %dma_start3A_323 = arith.constant 0 : i32
        %dma_start3A_324 = tpu.memref_slice %arg10[%dma_start3A, %dma_start3A_322, %dma_start3A_323] : memref<5x160x128xf32, #tpu.memory_space<vmem>> -> memref<1x160x128xf32, #tpu.memory_space<vmem>>
        %dma_start3A_325 = tpu.memref_squeeze %dma_start3A_324 : memref<1x160x128xf32, #tpu.memory_space<vmem>> -> memref<160x128xf32, #tpu.memory_space<vmem>>
        %dma_start3A_326 = arith.constant 0 : i32
        %dma_start3A_327 = tpu.memref_slice %arg7[%mul3A_268, %dma_start3A_326] : memref<100000x128xf32, #tpu.memory_space<hbm>> -> memref<160x128xf32, #tpu.memory_space<hbm>>
        %dma_start3A_328 = arith.constant 0 : i32
        %dma_start3A_329 = tpu.memref_slice %arg7[%mul3A_268, %dma_start3A_328] : memref<100000x128xf32, #tpu.memory_space<hbm>> -> memref<160x128xf32, #tpu.memory_space<hbm>>
        %dma_start3A_330 = arith.constant 0 : i32
        %dma_start3A_331 = arith.constant 0 : i32
        %dma_start3A_332 = tpu.memref_slice %arg10[%dma_start3A, %dma_start3A_330, %dma_start3A_331] : memref<5x160x128xf32, #tpu.memory_space<vmem>> -> memref<1x160x128xf32, #tpu.memory_space<vmem>>
        %dma_start3A_333 = tpu.memref_squeeze %dma_start3A_332 : memref<1x160x128xf32, #tpu.memory_space<vmem>> -> memref<160x128xf32, #tpu.memory_space<vmem>>
        tpu.enqueue_dma source(%dma_start3A_333 : memref<160x128xf32, #tpu.memory_space<vmem>>) target(%dma_start3A_329 : memref<160x128xf32, #tpu.memory_space<hbm>>) target_semaphore(%arg28 : memref<!tpu.dma_semaphore, #tpu.memory_space<semaphore_mem>>)
      } else {
      }
      %mul3A_229 = arith.constant 5 : i32
      %mul3A_230 = arith.muli %scan3A_77, %mul3A_229 : i32
      %add3A_231 = arith.constant 4 : i32
      %add3A_232 = arith.addi %mul3A_230, %add3A_231 : i32
      %mul3A_233 = arith.constant 32 : i32
      %mul3A_234 = arith.muli %add3A_232, %mul3A_233 : i32
      %add3A_235 = arith.addi %mul3A_234, %add3A : i32
      %lt3A_236 = arith.constant 625 : i32
      %lt3A_237 = arith.cmpi slt, %add3A_235, %lt3A_236 : i32
      %convert_element_type3A_238 = arith.extui %lt3A_237 : i1 to i32
      %cond3A_239 = arith.constant 0 : i32
      %cond3A_240 = arith.cmpi ne, %convert_element_type3A_238, %cond3A_239 : i32
      scf.if %cond3A_240 {
        %mul3A_267 = arith.constant 160 : i32
        %mul3A_268 = arith.muli %add3A_235, %mul3A_267 : i32
        %ge3A_269 = arith.constant 5 : i32
        %ge3A_270 = arith.cmpi sge, %add3A_232, %ge3A_269 : i32
        %convert_element_type3A_271 = arith.extui %ge3A_270 : i1 to i32
        %cond3A_272 = arith.constant 0 : i32
        %cond3A_273 = arith.cmpi ne, %convert_element_type3A_271, %cond3A_272 : i32
        scf.if %cond3A_273 {
          %sub3A_334 = arith.constant 160 : i32
          %sub3A_335 = arith.subi %add3A_235, %sub3A_334 : i32
          %mul3A_336 = arith.constant 160 : i32
          %mul3A_337 = arith.muli %sub3A_335, %mul3A_336 : i32
          %dma_wait3A = arith.constant 4 : i32
          %dma_wait3A_338 = arith.constant 0 : i32
          %dma_wait3A_339 = arith.constant 0 : i32
          %dma_wait3A_340 = tpu.memref_slice %arg10[%dma_wait3A, %dma_wait3A_338, %dma_wait3A_339] : memref<5x160x128xf32, #tpu.memory_space<vmem>> -> memref<1x160x128xf32, #tpu.memory_space<vmem>>
          %dma_wait3A_341 = tpu.memref_squeeze %dma_wait3A_340 : memref<1x160x128xf32, #tpu.memory_space<vmem>> -> memref<160x128xf32, #tpu.memory_space<vmem>>
          %dma_wait3A_342 = arith.constant 0 : i32
          %dma_wait3A_343 = tpu.memref_slice %arg7[%mul3A_337, %dma_wait3A_342] : memref<100000x128xf32, #tpu.memory_space<hbm>> -> memref<160x128xf32, #tpu.memory_space<hbm>>
          %dma_wait3A_344 = arith.constant 0 : i32
          %dma_wait3A_345 = tpu.memref_slice %arg7[%mul3A_337, %dma_wait3A_344] : memref<100000x128xf32, #tpu.memory_space<hbm>> -> memref<160x128xf32, #tpu.memory_space<hbm>>
          %dma_wait3A_346 = arith.constant 0 : i32
          %dma_wait3A_347 = arith.constant 0 : i32
          %dma_wait3A_348 = tpu.memref_slice %arg10[%dma_wait3A, %dma_wait3A_346, %dma_wait3A_347] : memref<5x160x128xf32, #tpu.memory_space<vmem>> -> memref<1x160x128xf32, #tpu.memory_space<vmem>>
          %dma_wait3A_349 = tpu.memref_squeeze %dma_wait3A_348 : memref<1x160x128xf32, #tpu.memory_space<vmem>> -> memref<160x128xf32, #tpu.memory_space<vmem>>
          tpu.wait_dma2 semaphore(%arg32 : memref<!tpu.dma_semaphore, #tpu.memory_space<semaphore_mem>>) src(%dma_wait3A_349 : memref<160x128xf32, #tpu.memory_space<vmem>>) dst(%dma_wait3A_345 : memref<160x128xf32, #tpu.memory_space<hbm>>)
        } else {
        }
        %dma_start3A = arith.constant 4 : i32
        %dma_start3A_274 = arith.constant 0 : i32
        %dma_start3A_275 = arith.constant 0 : i32
        %dma_start3A_276 = tpu.memref_slice %arg10[%dma_start3A, %dma_start3A_274, %dma_start3A_275] : memref<5x160x128xf32, #tpu.memory_space<vmem>> -> memref<1x160x128xf32, #tpu.memory_space<vmem>>
        %dma_start3A_277 = tpu.memref_squeeze %dma_start3A_276 : memref<1x160x128xf32, #tpu.memory_space<vmem>> -> memref<160x128xf32, #tpu.memory_space<vmem>>
        %dma_start3A_278 = arith.constant 0 : i32
        %dma_start3A_279 = tpu.memref_slice %arg2[%mul3A_268, %dma_start3A_278] : memref<100000x128xf32, #tpu.memory_space<hbm>> -> memref<160x128xf32, #tpu.memory_space<hbm>>
        %dma_start3A_280 = arith.constant 0 : i32
        %dma_start3A_281 = arith.constant 0 : i32
        %dma_start3A_282 = tpu.memref_slice %arg10[%dma_start3A, %dma_start3A_280, %dma_start3A_281] : memref<5x160x128xf32, #tpu.memory_space<vmem>> -> memref<1x160x128xf32, #tpu.memory_space<vmem>>
        %dma_start3A_283 = tpu.memref_squeeze %dma_start3A_282 : memref<1x160x128xf32, #tpu.memory_space<vmem>> -> memref<160x128xf32, #tpu.memory_space<vmem>>
        %dma_start3A_284 = arith.constant 0 : i32
        %dma_start3A_285 = tpu.memref_slice %arg2[%mul3A_268, %dma_start3A_284] : memref<100000x128xf32, #tpu.memory_space<hbm>> -> memref<160x128xf32, #tpu.memory_space<hbm>>
        tpu.enqueue_dma source(%dma_start3A_285 : memref<160x128xf32, #tpu.memory_space<hbm>>) target(%dma_start3A_283 : memref<160x128xf32, #tpu.memory_space<vmem>>) target_semaphore(%arg17 : memref<!tpu.dma_semaphore, #tpu.memory_space<semaphore_mem>>)
        %mul3A_286 = arith.constant 160 : i32
        %mul3A_287 = arith.muli %add3A_235, %mul3A_286 : i32
        %add3A_288 = arith.constant 0 : i32
        %add3A_289 = arith.addi %mul3A_287, %add3A_288 : i32
        %dma_start3A_290 = arith.constant 4 : i32
        %dma_start3A_291 = arith.constant 0 : i32
        %dma_start3A_292 = arith.constant 0 : i32
        %dma_start3A_293 = tpu.memref_slice %arg8[%dma_start3A_290, %dma_start3A_291, %dma_start3A_292] : memref<5x2x80xi32, #tpu.memory_space<vmem>> -> memref<1x1x80xi32, #tpu.memory_space<vmem>>
        %dma_start3A_294 = tpu.memref_squeeze %dma_start3A_293 : memref<1x1x80xi32, #tpu.memory_space<vmem>> -> memref<80xi32, #tpu.memory_space<vmem>>
        %dma_start3A_295 = tpu.memref_slice %arg3[%add3A_289] : memref<100000xi32, #tpu.memory_space<hbm>> -> memref<80xi32, #tpu.memory_space<hbm>>
        %dma_start3A_296 = arith.constant 0 : i32
        %dma_start3A_297 = tpu.memref_slice %arg8[%dma_start3A_290, %dma_start3A_291, %dma_start3A_296] : memref<5x2x80xi32, #tpu.memory_space<vmem>> -> memref<1x1x80xi32, #tpu.memory_space<vmem>>
        %dma_start3A_298 = tpu.memref_squeeze %dma_start3A_297 : memref<1x1x80xi32, #tpu.memory_space<vmem>> -> memref<80xi32, #tpu.memory_space<vmem>>
        %dma_start3A_299 = tpu.memref_slice %arg3[%add3A_289] : memref<100000xi32, #tpu.memory_space<hbm>> -> memref<80xi32, #tpu.memory_space<hbm>>
        tpu.enqueue_dma source(%dma_start3A_299 : memref<80xi32, #tpu.memory_space<hbm>>) target(%dma_start3A_298 : memref<80xi32, #tpu.memory_space<vmem>>) target_semaphore(%arg22 : memref<!tpu.dma_semaphore, #tpu.memory_space<semaphore_mem>>)
        %dma_start3A_300 = arith.constant 4 : i32
        %dma_start3A_301 = arith.constant 0 : i32
        %dma_start3A_302 = arith.constant 0 : i32
        %dma_start3A_303 = tpu.memref_slice %arg9[%dma_start3A_300, %dma_start3A_301, %dma_start3A_302] : memref<5x2x80xi32, #tpu.memory_space<vmem>> -> memref<1x1x80xi32, #tpu.memory_space<vmem>>
        %dma_start3A_304 = tpu.memref_squeeze %dma_start3A_303 : memref<1x1x80xi32, #tpu.memory_space<vmem>> -> memref<80xi32, #tpu.memory_space<vmem>>
        %dma_start3A_305 = tpu.memref_slice %arg4[%add3A_289] : memref<100000xi32, #tpu.memory_space<hbm>> -> memref<80xi32, #tpu.memory_space<hbm>>
        %dma_start3A_306 = arith.constant 0 : i32
        %dma_start3A_307 = tpu.memref_slice %arg9[%dma_start3A_300, %dma_start3A_301, %dma_start3A_306] : memref<5x2x80xi32, #tpu.memory_space<vmem>> -> memref<1x1x80xi32, #tpu.memory_space<vmem>>
        %dma_start3A_308 = tpu.memref_squeeze %dma_start3A_307 : memref<1x1x80xi32, #tpu.memory_space<vmem>> -> memref<80xi32, #tpu.memory_space<vmem>>
        %dma_start3A_309 = tpu.memref_slice %arg4[%add3A_289] : memref<100000xi32, #tpu.memory_space<hbm>> -> memref<80xi32, #tpu.memory_space<hbm>>
        tpu.enqueue_dma source(%dma_start3A_309 : memref<80xi32, #tpu.memory_space<hbm>>) target(%dma_start3A_308 : memref<80xi32, #tpu.memory_space<vmem>>) target_semaphore(%arg22 : memref<!tpu.dma_semaphore, #tpu.memory_space<semaphore_mem>>)
        %mul3A_310 = arith.constant 160 : i32
        %mul3A_311 = arith.muli %add3A_235, %mul3A_310 : i32
        %add3A_312 = arith.constant 80 : i32
        %add3A_313 = arith.addi %mul3A_311, %add3A_312 : i32
        %dma_start3A_314 = arith.constant 4 : i32
        %dma_start3A_315 = arith.constant 1 : i32
        %dma_start3A_316 = arith.constant 0 : i32
        %dma_start3A_317 = tpu.memref_slice %arg8[%dma_start3A_314, %dma_start3A_315, %dma_start3A_316] : memref<5x2x80xi32, #tpu.memory_space<vmem>> -> memref<1x1x80xi32, #tpu.memory_space<vmem>>
        %dma_start3A_318 = tpu.memref_squeeze %dma_start3A_317 : memref<1x1x80xi32, #tpu.memory_space<vmem>> -> memref<80xi32, #tpu.memory_space<vmem>>
        %dma_start3A_319 = tpu.memref_slice %arg3[%add3A_313] : memref<100000xi32, #tpu.memory_space<hbm>> -> memref<80xi32, #tpu.memory_space<hbm>>
        %dma_start3A_320 = arith.constant 0 : i32
        %dma_start3A_321 = tpu.memref_slice %arg8[%dma_start3A_314, %dma_start3A_315, %dma_start3A_320] : memref<5x2x80xi32, #tpu.memory_space<vmem>> -> memref<1x1x80xi32, #tpu.memory_space<vmem>>
        %dma_start3A_322 = tpu.memref_squeeze %dma_start3A_321 : memref<1x1x80xi32, #tpu.memory_space<vmem>> -> memref<80xi32, #tpu.memory_space<vmem>>
        %dma_start3A_323 = tpu.memref_slice %arg3[%add3A_313] : memref<100000xi32, #tpu.memory_space<hbm>> -> memref<80xi32, #tpu.memory_space<hbm>>
        tpu.enqueue_dma source(%dma_start3A_323 : memref<80xi32, #tpu.memory_space<hbm>>) target(%dma_start3A_322 : memref<80xi32, #tpu.memory_space<vmem>>) target_semaphore(%arg22 : memref<!tpu.dma_semaphore, #tpu.memory_space<semaphore_mem>>)
        %dma_start3A_324 = arith.constant 4 : i32
        %dma_start3A_325 = arith.constant 1 : i32
        %dma_start3A_326 = arith.constant 0 : i32
        %dma_start3A_327 = tpu.memref_slice %arg9[%dma_start3A_324, %dma_start3A_325, %dma_start3A_326] : memref<5x2x80xi32, #tpu.memory_space<vmem>> -> memref<1x1x80xi32, #tpu.memory_space<vmem>>
        %dma_start3A_328 = tpu.memref_squeeze %dma_start3A_327 : memref<1x1x80xi32, #tpu.memory_space<vmem>> -> memref<80xi32, #tpu.memory_space<vmem>>
        %dma_start3A_329 = tpu.memref_slice %arg4[%add3A_313] : memref<100000xi32, #tpu.memory_space<hbm>> -> memref<80xi32, #tpu.memory_space<hbm>>
        %dma_start3A_330 = arith.constant 0 : i32
        %dma_start3A_331 = tpu.memref_slice %arg9[%dma_start3A_324, %dma_start3A_325, %dma_start3A_330] : memref<5x2x80xi32, #tpu.memory_space<vmem>> -> memref<1x1x80xi32, #tpu.memory_space<vmem>>
        %dma_start3A_332 = tpu.memref_squeeze %dma_start3A_331 : memref<1x1x80xi32, #tpu.memory_space<vmem>> -> memref<80xi32, #tpu.memory_space<vmem>>
        %dma_start3A_333 = tpu.memref_slice %arg4[%add3A_313] : memref<100000xi32, #tpu.memory_space<hbm>> -> memref<80xi32, #tpu.memory_space<hbm>>
        tpu.enqueue_dma source(%dma_start3A_333 : memref<80xi32, #tpu.memory_space<hbm>>) target(%dma_start3A_332 : memref<80xi32, #tpu.memory_space<vmem>>) target_semaphore(%arg22 : memref<!tpu.dma_semaphore, #tpu.memory_space<semaphore_mem>>)
      } else {
      }
      %sub3A_241 = arith.constant 1 : i32
      %sub3A_242 = arith.subi %add3A_232, %sub3A_241 : i32
      %mul3A_243 = arith.constant 32 : i32
      %mul3A_244 = arith.muli %sub3A_242, %mul3A_243 : i32
      %add3A_245 = arith.addi %mul3A_244, %add3A : i32
      %ge3A_246 = arith.constant 0 : i32
      %ge3A_247 = arith.cmpi sge, %sub3A_242, %ge3A_246 : i32
      %lt3A_248 = arith.constant 625 : i32
      %lt3A_249 = arith.cmpi slt, %add3A_245, %lt3A_248 : i32
      %and3A_250 = arith.andi %ge3A_247, %lt3A_249 : i1
      %convert_element_type3A_251 = arith.extui %and3A_250 : i1 to i32
      %cond3A_252 = arith.constant 0 : i32
      %cond3A_253 = arith.cmpi ne, %convert_element_type3A_251, %cond3A_252 : i32
      scf.if %cond3A_253 {
        %mul3A_267 = arith.constant 160 : i32
        %mul3A_268 = arith.muli %add3A_245, %mul3A_267 : i32
        %mul3A_269 = arith.constant 160 : i32
        %mul3A_270 = arith.muli %add3A_245, %mul3A_269 : i32
        %dma_wait3A = arith.constant 3 : i32
        %dma_wait3A_271 = arith.constant 0 : i32
        %dma_wait3A_272 = arith.constant 0 : i32
        %dma_wait3A_273 = tpu.memref_slice %arg8[%dma_wait3A, %dma_wait3A_271, %dma_wait3A_272] : memref<5x2x80xi32, #tpu.memory_space<vmem>> -> memref<1x1x80xi32, #tpu.memory_space<vmem>>
        %dma_wait3A_274 = tpu.memref_squeeze %dma_wait3A_273 : memref<1x1x80xi32, #tpu.memory_space<vmem>> -> memref<80xi32, #tpu.memory_space<vmem>>
        %dma_wait3A_275 = tpu.memref_slice %arg3[%mul3A_270] : memref<100000xi32, #tpu.memory_space<hbm>> -> memref<80xi32, #tpu.memory_space<hbm>>
        %dma_wait3A_276 = arith.constant 0 : i32
        %dma_wait3A_277 = tpu.memref_slice %arg8[%dma_wait3A, %dma_wait3A_271, %dma_wait3A_276] : memref<5x2x80xi32, #tpu.memory_space<vmem>> -> memref<1x1x80xi32, #tpu.memory_space<vmem>>
        %dma_wait3A_278 = tpu.memref_squeeze %dma_wait3A_277 : memref<1x1x80xi32, #tpu.memory_space<vmem>> -> memref<80xi32, #tpu.memory_space<vmem>>
        %dma_wait3A_279 = tpu.memref_slice %arg3[%mul3A_270] : memref<100000xi32, #tpu.memory_space<hbm>> -> memref<80xi32, #tpu.memory_space<hbm>>
        tpu.wait_dma2 semaphore(%arg21 : memref<!tpu.dma_semaphore, #tpu.memory_space<semaphore_mem>>) src(%dma_wait3A_279 : memref<80xi32, #tpu.memory_space<hbm>>) dst(%dma_wait3A_278 : memref<80xi32, #tpu.memory_space<vmem>>)
        %dma_wait3A_280 = arith.constant 3 : i32
        %dma_wait3A_281 = arith.constant 0 : i32
        %dma_wait3A_282 = arith.constant 0 : i32
        %dma_wait3A_283 = tpu.memref_slice %arg8[%dma_wait3A_280, %dma_wait3A_281, %dma_wait3A_282] : memref<5x2x80xi32, #tpu.memory_space<vmem>> -> memref<1x1x80xi32, #tpu.memory_space<vmem>>
        %dma_wait3A_284 = tpu.memref_squeeze %dma_wait3A_283 : memref<1x1x80xi32, #tpu.memory_space<vmem>> -> memref<80xi32, #tpu.memory_space<vmem>>
        %dma_wait3A_285 = tpu.memref_slice %arg3[%mul3A_270] : memref<100000xi32, #tpu.memory_space<hbm>> -> memref<80xi32, #tpu.memory_space<hbm>>
        %dma_wait3A_286 = arith.constant 0 : i32
        %dma_wait3A_287 = tpu.memref_slice %arg8[%dma_wait3A_280, %dma_wait3A_281, %dma_wait3A_286] : memref<5x2x80xi32, #tpu.memory_space<vmem>> -> memref<1x1x80xi32, #tpu.memory_space<vmem>>
        %dma_wait3A_288 = tpu.memref_squeeze %dma_wait3A_287 : memref<1x1x80xi32, #tpu.memory_space<vmem>> -> memref<80xi32, #tpu.memory_space<vmem>>
        %dma_wait3A_289 = tpu.memref_slice %arg3[%mul3A_270] : memref<100000xi32, #tpu.memory_space<hbm>> -> memref<80xi32, #tpu.memory_space<hbm>>
        tpu.wait_dma2 semaphore(%arg21 : memref<!tpu.dma_semaphore, #tpu.memory_space<semaphore_mem>>) src(%dma_wait3A_289 : memref<80xi32, #tpu.memory_space<hbm>>) dst(%dma_wait3A_288 : memref<80xi32, #tpu.memory_space<vmem>>)
        %dma_wait3A_290 = arith.constant 3 : i32
        %dma_wait3A_291 = arith.constant 0 : i32
        %dma_wait3A_292 = arith.constant 0 : i32
        %dma_wait3A_293 = tpu.memref_slice %arg8[%dma_wait3A_290, %dma_wait3A_291, %dma_wait3A_292] : memref<5x2x80xi32, #tpu.memory_space<vmem>> -> memref<1x1x80xi32, #tpu.memory_space<vmem>>
        %dma_wait3A_294 = tpu.memref_squeeze %dma_wait3A_293 : memref<1x1x80xi32, #tpu.memory_space<vmem>> -> memref<80xi32, #tpu.memory_space<vmem>>
        %dma_wait3A_295 = tpu.memref_slice %arg3[%mul3A_270] : memref<100000xi32, #tpu.memory_space<hbm>> -> memref<80xi32, #tpu.memory_space<hbm>>
        %dma_wait3A_296 = arith.constant 0 : i32
        %dma_wait3A_297 = tpu.memref_slice %arg8[%dma_wait3A_290, %dma_wait3A_291, %dma_wait3A_296] : memref<5x2x80xi32, #tpu.memory_space<vmem>> -> memref<1x1x80xi32, #tpu.memory_space<vmem>>
        %dma_wait3A_298 = tpu.memref_squeeze %dma_wait3A_297 : memref<1x1x80xi32, #tpu.memory_space<vmem>> -> memref<80xi32, #tpu.memory_space<vmem>>
        %dma_wait3A_299 = tpu.memref_slice %arg3[%mul3A_270] : memref<100000xi32, #tpu.memory_space<hbm>> -> memref<80xi32, #tpu.memory_space<hbm>>
        tpu.wait_dma2 semaphore(%arg21 : memref<!tpu.dma_semaphore, #tpu.memory_space<semaphore_mem>>) src(%dma_wait3A_299 : memref<80xi32, #tpu.memory_space<hbm>>) dst(%dma_wait3A_298 : memref<80xi32, #tpu.memory_space<vmem>>)
        %dma_wait3A_300 = arith.constant 3 : i32
        %dma_wait3A_301 = arith.constant 0 : i32
        %dma_wait3A_302 = arith.constant 0 : i32
        %dma_wait3A_303 = tpu.memref_slice %arg8[%dma_wait3A_300, %dma_wait3A_301, %dma_wait3A_302] : memref<5x2x80xi32, #tpu.memory_space<vmem>> -> memref<1x1x80xi32, #tpu.memory_space<vmem>>
        %dma_wait3A_304 = tpu.memref_squeeze %dma_wait3A_303 : memref<1x1x80xi32, #tpu.memory_space<vmem>> -> memref<80xi32, #tpu.memory_space<vmem>>
        %dma_wait3A_305 = tpu.memref_slice %arg3[%mul3A_270] : memref<100000xi32, #tpu.memory_space<hbm>> -> memref<80xi32, #tpu.memory_space<hbm>>
        %dma_wait3A_306 = arith.constant 0 : i32
        %dma_wait3A_307 = tpu.memref_slice %arg8[%dma_wait3A_300, %dma_wait3A_301, %dma_wait3A_306] : memref<5x2x80xi32, #tpu.memory_space<vmem>> -> memref<1x1x80xi32, #tpu.memory_space<vmem>>
        %dma_wait3A_308 = tpu.memref_squeeze %dma_wait3A_307 : memref<1x1x80xi32, #tpu.memory_space<vmem>> -> memref<80xi32, #tpu.memory_space<vmem>>
        %dma_wait3A_309 = tpu.memref_slice %arg3[%mul3A_270] : memref<100000xi32, #tpu.memory_space<hbm>> -> memref<80xi32, #tpu.memory_space<hbm>>
        tpu.wait_dma2 semaphore(%arg21 : memref<!tpu.dma_semaphore, #tpu.memory_space<semaphore_mem>>) src(%dma_wait3A_309 : memref<80xi32, #tpu.memory_space<hbm>>) dst(%dma_wait3A_308 : memref<80xi32, #tpu.memory_space<vmem>>)
        %get3A = arith.constant 3 : i32
        %get3A_310 = arith.constant 0 : i32
        %get3A_311 = arith.index_cast %get3A : i32 to index
        %get3A_312 = arith.index_cast %get3A_310 : i32 to index
        %get3A_313 = arith.constant 0 : index
        %get3A_314 = tpu.vector_load %arg8[%get3A_311, %get3A_312, %get3A_313] {strides = array<i32>} : memref<5x2x80xi32, #tpu.memory_space<vmem>>, vector<1x1x16xi32>,
        %get3A_315 = vector.shape_cast %get3A_314 : vector<1x1x16xi32> to vector<16xi32>
        %min3A = arith.constant 511 : i32
        %min3A_316 = vector.broadcast %min3A : i32 to vector<16xi32>
        %min3A_317 = arith.minsi %get3A_315, %min3A_316 : vector<16xi32>
        %swap3A = arith.constant 3 : i32
        %swap3A_318 = arith.constant 0 : i32
        %swap3A_319 = arith.index_cast %swap3A : i32 to index
        %swap3A_320 = arith.index_cast %swap3A_318 : i32 to index
        %swap3A_321 = arith.constant 0 : index
        %swap3A_322 = tpu.vector_load %arg8[%swap3A_319, %swap3A_320, %swap3A_321] {strides = array<i32>} : memref<5x2x80xi32, #tpu.memory_space<vmem>>, vector<1x1x16xi32>,
        %swap3A_323 = vector.shape_cast %swap3A_322 : vector<1x1x16xi32> to vector<16xi32>
        %swap3A_324 = vector.shape_cast %min3A_317 : vector<16xi32> to vector<1x1x16xi32>
        tpu.vector_store %arg8[%swap3A_319, %swap3A_320, %swap3A_321], %swap3A_324 {strides = array<i32>} : memref<5x2x80xi32, #tpu.memory_space<vmem>>, vector<1x1x16xi32>,
        %get3A_325 = arith.constant 3 : i32
        %get3A_326 = arith.constant 0 : i32
        %get3A_327 = arith.index_cast %get3A_325 : i32 to index
        %get3A_328 = arith.index_cast %get3A_326 : i32 to index
        %get3A_329 = arith.constant 0 : index
        %get3A_330 = tpu.vector_load %arg9[%get3A_327, %get3A_328, %get3A_329] {strides = array<i32>} : memref<5x2x80xi32, #tpu.memory_space<vmem>>, vector<1x1x16xi32>,
        %get3A_331 = vector.shape_cast %get3A_330 : vector<1x1x16xi32> to vector<16xi32>
        %min3A_332 = arith.constant 511 : i32
        %min3A_333 = vector.broadcast %min3A_332 : i32 to vector<16xi32>
        %min3A_334 = arith.minsi %get3A_331, %min3A_333 : vector<16xi32>
        %swap3A_335 = arith.constant 3 : i32
        %swap3A_336 = arith.constant 0 : i32
        %swap3A_337 = arith.index_cast %swap3A_335 : i32 to index
        %swap3A_338 = arith.index_cast %swap3A_336 : i32 to index
        %swap3A_339 = arith.constant 0 : index
        %swap3A_340 = tpu.vector_load %arg9[%swap3A_337, %swap3A_338, %swap3A_339] {strides = array<i32>} : memref<5x2x80xi32, #tpu.memory_space<vmem>>, vector<1x1x16xi32>,
        %swap3A_341 = vector.shape_cast %swap3A_340 : vector<1x1x16xi32> to vector<16xi32>
        %swap3A_342 = vector.shape_cast %min3A_334 : vector<16xi32> to vector<1x1x16xi32>
        tpu.vector_store %arg9[%swap3A_337, %swap3A_338, %swap3A_339], %swap3A_342 {strides = array<i32>} : memref<5x2x80xi32, #tpu.memory_space<vmem>>, vector<1x1x16xi32>,
        %get3A_343 = arith.constant 3 : i32
        %get3A_344 = arith.constant 0 : i32
        %get3A_345 = arith.index_cast %get3A_343 : i32 to index
        %get3A_346 = arith.index_cast %get3A_344 : i32 to index
        %get3A_347 = arith.constant 16 : index
        %get3A_348 = tpu.vector_load %arg8[%get3A_345, %get3A_346, %get3A_347] {strides = array<i32>} : memref<5x2x80xi32, #tpu.memory_space<vmem>>, vector<1x1x16xi32>,
        %get3A_349 = vector.shape_cast %get3A_348 : vector<1x1x16xi32> to vector<16xi32>
        %min3A_350 = arith.constant 511 : i32
        %min3A_351 = vector.broadcast %min3A_350 : i32 to vector<16xi32>
        %min3A_352 = arith.minsi %get3A_349, %min3A_351 : vector<16xi32>
        %swap3A_353 = arith.constant 3 : i32
        %swap3A_354 = arith.constant 0 : i32
        %swap3A_355 = arith.index_cast %swap3A_353 : i32 to index
        %swap3A_356 = arith.index_cast %swap3A_354 : i32 to index
        %swap3A_357 = arith.constant 16 : index
        %swap3A_358 = tpu.vector_load %arg8[%swap3A_355, %swap3A_356, %swap3A_357] {strides = array<i32>} : memref<5x2x80xi32, #tpu.memory_space<vmem>>, vector<1x1x16xi32>,
        %swap3A_359 = vector.shape_cast %swap3A_358 : vector<1x1x16xi32> to vector<16xi32>
        %swap3A_360 = vector.shape_cast %min3A_352 : vector<16xi32> to vector<1x1x16xi32>
        tpu.vector_store %arg8[%swap3A_355, %swap3A_356, %swap3A_357], %swap3A_360 {strides = array<i32>} : memref<5x2x80xi32, #tpu.memory_space<vmem>>, vector<1x1x16xi32>,
        %get3A_361 = arith.constant 3 : i32
        %get3A_362 = arith.constant 0 : i32
        %get3A_363 = arith.index_cast %get3A_361 : i32 to index
        %get3A_364 = arith.index_cast %get3A_362 : i32 to index
        %get3A_365 = arith.constant 16 : index
        %get3A_366 = tpu.vector_load %arg9[%get3A_363, %get3A_364, %get3A_365] {strides = array<i32>} : memref<5x2x80xi32, #tpu.memory_space<vmem>>, vector<1x1x16xi32>,
        %get3A_367 = vector.shape_cast %get3A_366 : vector<1x1x16xi32> to vector<16xi32>
        %min3A_368 = arith.constant 511 : i32
        %min3A_369 = vector.broadcast %min3A_368 : i32 to vector<16xi32>
        %min3A_370 = arith.minsi %get3A_367, %min3A_369 : vector<16xi32>
        %swap3A_371 = arith.constant 3 : i32
        %swap3A_372 = arith.constant 0 : i32
        %swap3A_373 = arith.index_cast %swap3A_371 : i32 to index
        %swap3A_374 = arith.index_cast %swap3A_372 : i32 to index
        %swap3A_375 = arith.constant 16 : index
        %swap3A_376 = tpu.vector_load %arg9[%swap3A_373, %swap3A_374, %swap3A_375] {strides = array<i32>} : memref<5x2x80xi32, #tpu.memory_space<vmem>>, vector<1x1x16xi32>,
        %swap3A_377 = vector.shape_cast %swap3A_376 : vector<1x1x16xi32> to vector<16xi32>
        %swap3A_378 = vector.shape_cast %min3A_370 : vector<16xi32> to vector<1x1x16xi32>
        tpu.vector_store %arg9[%swap3A_373, %swap3A_374, %swap3A_375], %swap3A_378 {strides = array<i32>} : memref<5x2x80xi32, #tpu.memory_space<vmem>>, vector<1x1x16xi32>,
        %get3A_379 = arith.constant 3 : i32
        %get3A_380 = arith.constant 0 : i32
        %get3A_381 = arith.index_cast %get3A_379 : i32 to index
        %get3A_382 = arith.index_cast %get3A_380 : i32 to index
        %get3A_383 = arith.constant 32 : index
        %get3A_384 = tpu.vector_load %arg8[%get3A_381, %get3A_382, %get3A_383] {strides = array<i32>} : memref<5x2x80xi32, #tpu.memory_space<vmem>>, vector<1x1x16xi32>,
        %get3A_385 = vector.shape_cast %get3A_384 : vector<1x1x16xi32> to vector<16xi32>
        %min3A_386 = arith.constant 511 : i32
        %min3A_387 = vector.broadcast %min3A_386 : i32 to vector<16xi32>
        %min3A_388 = arith.minsi %get3A_385, %min3A_387 : vector<16xi32>
        %swap3A_389 = arith.constant 3 : i32
        %swap3A_390 = arith.constant 0 : i32
        %swap3A_391 = arith.index_cast %swap3A_389 : i32 to index
        %swap3A_392 = arith.index_cast %swap3A_390 : i32 to index
        %swap3A_393 = arith.constant 32 : index
        %swap3A_394 = tpu.vector_load %arg8[%swap3A_391, %swap3A_392, %swap3A_393] {strides = array<i32>} : memref<5x2x80xi32, #tpu.memory_space<vmem>>, vector<1x1x16xi32>,
        %swap3A_395 = vector.shape_cast %swap3A_394 : vector<1x1x16xi32> to vector<16xi32>
        %swap3A_396 = vector.shape_cast %min3A_388 : vector<16xi32> to vector<1x1x16xi32>
        tpu.vector_store %arg8[%swap3A_391, %swap3A_392, %swap3A_393], %swap3A_396 {strides = array<i32>} : memref<5x2x80xi32, #tpu.memory_space<vmem>>, vector<1x1x16xi32>,
        %get3A_397 = arith.constant 3 : i32
        %get3A_398 = arith.constant 0 : i32
        %get3A_399 = arith.index_cast %get3A_397 : i32 to index
        %get3A_400 = arith.index_cast %get3A_398 : i32 to index
        %get3A_401 = arith.constant 32 : index
        %get3A_402 = tpu.vector_load %arg9[%get3A_399, %get3A_400, %get3A_401] {strides = array<i32>} : memref<5x2x80xi32, #tpu.memory_space<vmem>>, vector<1x1x16xi32>,
        %get3A_403 = vector.shape_cast %get3A_402 : vector<1x1x16xi32> to vector<16xi32>
        %min3A_404 = arith.constant 511 : i32
        %min3A_405 = vector.broadcast %min3A_404 : i32 to vector<16xi32>
        %min3A_406 = arith.minsi %get3A_403, %min3A_405 : vector<16xi32>
        %swap3A_407 = arith.constant 3 : i32
        %swap3A_408 = arith.constant 0 : i32
        %swap3A_409 = arith.index_cast %swap3A_407 : i32 to index
        %swap3A_410 = arith.index_cast %swap3A_408 : i32 to index
        %swap3A_411 = arith.constant 32 : index
        %swap3A_412 = tpu.vector_load %arg9[%swap3A_409, %swap3A_410, %swap3A_411] {strides = array<i32>} : memref<5x2x80xi32, #tpu.memory_space<vmem>>, vector<1x1x16xi32>,
        %swap3A_413 = vector.shape_cast %swap3A_412 : vector<1x1x16xi32> to vector<16xi32>
        %swap3A_414 = vector.shape_cast %min3A_406 : vector<16xi32> to vector<1x1x16xi32>
        tpu.vector_store %arg9[%swap3A_409, %swap3A_410, %swap3A_411], %swap3A_414 {strides = array<i32>} : memref<5x2x80xi32, #tpu.memory_space<vmem>>, vector<1x1x16xi32>,
        %get3A_415 = arith.constant 3 : i32
        %get3A_416 = arith.constant 0 : i32
        %get3A_417 = arith.index_cast %get3A_415 : i32 to index
        %get3A_418 = arith.index_cast %get3A_416 : i32 to index
        %get3A_419 = arith.constant 48 : index
        %get3A_420 = tpu.vector_load %arg8[%get3A_417, %get3A_418, %get3A_419] {strides = array<i32>} : memref<5x2x80xi32, #tpu.memory_space<vmem>>, vector<1x1x16xi32>,
        %get3A_421 = vector.shape_cast %get3A_420 : vector<1x1x16xi32> to vector<16xi32>
        %min3A_422 = arith.constant 511 : i32
        %min3A_423 = vector.broadcast %min3A_422 : i32 to vector<16xi32>
        %min3A_424 = arith.minsi %get3A_421, %min3A_423 : vector<16xi32>
        %swap3A_425 = arith.constant 3 : i32
        %swap3A_426 = arith.constant 0 : i32
        %swap3A_427 = arith.index_cast %swap3A_425 : i32 to index
        %swap3A_428 = arith.index_cast %swap3A_426 : i32 to index
        %swap3A_429 = arith.constant 48 : index
        %swap3A_430 = tpu.vector_load %arg8[%swap3A_427, %swap3A_428, %swap3A_429] {strides = array<i32>} : memref<5x2x80xi32, #tpu.memory_space<vmem>>, vector<1x1x16xi32>,
        %swap3A_431 = vector.shape_cast %swap3A_430 : vector<1x1x16xi32> to vector<16xi32>
        %swap3A_432 = vector.shape_cast %min3A_424 : vector<16xi32> to vector<1x1x16xi32>
        tpu.vector_store %arg8[%swap3A_427, %swap3A_428, %swap3A_429], %swap3A_432 {strides = array<i32>} : memref<5x2x80xi32, #tpu.memory_space<vmem>>, vector<1x1x16xi32>,
        %get3A_433 = arith.constant 3 : i32
        %get3A_434 = arith.constant 0 : i32
        %get3A_435 = arith.index_cast %get3A_433 : i32 to index
        %get3A_436 = arith.index_cast %get3A_434 : i32 to index
        %get3A_437 = arith.constant 48 : index
        %get3A_438 = tpu.vector_load %arg9[%get3A_435, %get3A_436, %get3A_437] {strides = array<i32>} : memref<5x2x80xi32, #tpu.memory_space<vmem>>, vector<1x1x16xi32>,
        %get3A_439 = vector.shape_cast %get3A_438 : vector<1x1x16xi32> to vector<16xi32>
        %min3A_440 = arith.constant 511 : i32
        %min3A_441 = vector.broadcast %min3A_440 : i32 to vector<16xi32>
        %min3A_442 = arith.minsi %get3A_439, %min3A_441 : vector<16xi32>
        %swap3A_443 = arith.constant 3 : i32
        %swap3A_444 = arith.constant 0 : i32
        %swap3A_445 = arith.index_cast %swap3A_443 : i32 to index
        %swap3A_446 = arith.index_cast %swap3A_444 : i32 to index
        %swap3A_447 = arith.constant 48 : index
        %swap3A_448 = tpu.vector_load %arg9[%swap3A_445, %swap3A_446, %swap3A_447] {strides = array<i32>} : memref<5x2x80xi32, #tpu.memory_space<vmem>>, vector<1x1x16xi32>,
        %swap3A_449 = vector.shape_cast %swap3A_448 : vector<1x1x16xi32> to vector<16xi32>
        %swap3A_450 = vector.shape_cast %min3A_442 : vector<16xi32> to vector<1x1x16xi32>
        tpu.vector_store %arg9[%swap3A_445, %swap3A_446, %swap3A_447], %swap3A_450 {strides = array<i32>} : memref<5x2x80xi32, #tpu.memory_space<vmem>>, vector<1x1x16xi32>,
        %get3A_451 = arith.constant 3 : i32
        %get3A_452 = arith.constant 0 : i32
        %get3A_453 = arith.index_cast %get3A_451 : i32 to index
        %get3A_454 = arith.index_cast %get3A_452 : i32 to index
        %get3A_455 = arith.constant 64 : index
        %get3A_456 = tpu.vector_load %arg8[%get3A_453, %get3A_454, %get3A_455] {strides = array<i32>} : memref<5x2x80xi32, #tpu.memory_space<vmem>>, vector<1x1x16xi32>,
        %get3A_457 = vector.shape_cast %get3A_456 : vector<1x1x16xi32> to vector<16xi32>
        %min3A_458 = arith.constant 511 : i32
        %min3A_459 = vector.broadcast %min3A_458 : i32 to vector<16xi32>
        %min3A_460 = arith.minsi %get3A_457, %min3A_459 : vector<16xi32>
        %swap3A_461 = arith.constant 3 : i32
        %swap3A_462 = arith.constant 0 : i32
        %swap3A_463 = arith.index_cast %swap3A_461 : i32 to index
        %swap3A_464 = arith.index_cast %swap3A_462 : i32 to index
        %swap3A_465 = arith.constant 64 : index
        %swap3A_466 = tpu.vector_load %arg8[%swap3A_463, %swap3A_464, %swap3A_465] {strides = array<i32>} : memref<5x2x80xi32, #tpu.memory_space<vmem>>, vector<1x1x16xi32>,
        %swap3A_467 = vector.shape_cast %swap3A_466 : vector<1x1x16xi32> to vector<16xi32>
        %swap3A_468 = vector.shape_cast %min3A_460 : vector<16xi32> to vector<1x1x16xi32>
        tpu.vector_store %arg8[%swap3A_463, %swap3A_464, %swap3A_465], %swap3A_468 {strides = array<i32>} : memref<5x2x80xi32, #tpu.memory_space<vmem>>, vector<1x1x16xi32>,
        %get3A_469 = arith.constant 3 : i32
        %get3A_470 = arith.constant 0 : i32
        %get3A_471 = arith.index_cast %get3A_469 : i32 to index
        %get3A_472 = arith.index_cast %get3A_470 : i32 to index
        %get3A_473 = arith.constant 64 : index
        %get3A_474 = tpu.vector_load %arg9[%get3A_471, %get3A_472, %get3A_473] {strides = array<i32>} : memref<5x2x80xi32, #tpu.memory_space<vmem>>, vector<1x1x16xi32>,
        %get3A_475 = vector.shape_cast %get3A_474 : vector<1x1x16xi32> to vector<16xi32>
        %min3A_476 = arith.constant 511 : i32
        %min3A_477 = vector.broadcast %min3A_476 : i32 to vector<16xi32>
        %min3A_478 = arith.minsi %get3A_475, %min3A_477 : vector<16xi32>
        %swap3A_479 = arith.constant 3 : i32
        %swap3A_480 = arith.constant 0 : i32
        %swap3A_481 = arith.index_cast %swap3A_479 : i32 to index
        %swap3A_482 = arith.index_cast %swap3A_480 : i32 to index
        %swap3A_483 = arith.constant 64 : index
        %swap3A_484 = tpu.vector_load %arg9[%swap3A_481, %swap3A_482, %swap3A_483] {strides = array<i32>} : memref<5x2x80xi32, #tpu.memory_space<vmem>>, vector<1x1x16xi32>,
        %swap3A_485 = vector.shape_cast %swap3A_484 : vector<1x1x16xi32> to vector<16xi32>
        %swap3A_486 = vector.shape_cast %min3A_478 : vector<16xi32> to vector<1x1x16xi32>
        tpu.vector_store %arg9[%swap3A_481, %swap3A_482, %swap3A_483], %swap3A_486 {strides = array<i32>} : memref<5x2x80xi32, #tpu.memory_space<vmem>>, vector<1x1x16xi32>,
        %get3A_487 = arith.constant 3 : i32
        %get3A_488 = arith.constant 1 : i32
        %get3A_489 = arith.index_cast %get3A_487 : i32 to index
        %get3A_490 = arith.index_cast %get3A_488 : i32 to index
        %get3A_491 = arith.constant 0 : index
        %get3A_492 = tpu.vector_load %arg8[%get3A_489, %get3A_490, %get3A_491] {strides = array<i32>} : memref<5x2x80xi32, #tpu.memory_space<vmem>>, vector<1x1x16xi32>,
        %get3A_493 = vector.shape_cast %get3A_492 : vector<1x1x16xi32> to vector<16xi32>
        %min3A_494 = arith.constant 511 : i32
        %min3A_495 = vector.broadcast %min3A_494 : i32 to vector<16xi32>
        %min3A_496 = arith.minsi %get3A_493, %min3A_495 : vector<16xi32>
        %swap3A_497 = arith.constant 3 : i32
        %swap3A_498 = arith.constant 1 : i32
        %swap3A_499 = arith.index_cast %swap3A_497 : i32 to index
        %swap3A_500 = arith.index_cast %swap3A_498 : i32 to index
        %swap3A_501 = arith.constant 0 : index
        %swap3A_502 = tpu.vector_load %arg8[%swap3A_499, %swap3A_500, %swap3A_501] {strides = array<i32>} : memref<5x2x80xi32, #tpu.memory_space<vmem>>, vector<1x1x16xi32>,
        %swap3A_503 = vector.shape_cast %swap3A_502 : vector<1x1x16xi32> to vector<16xi32>
        %swap3A_504 = vector.shape_cast %min3A_496 : vector<16xi32> to vector<1x1x16xi32>
        tpu.vector_store %arg8[%swap3A_499, %swap3A_500, %swap3A_501], %swap3A_504 {strides = array<i32>} : memref<5x2x80xi32, #tpu.memory_space<vmem>>, vector<1x1x16xi32>,
        %get3A_505 = arith.constant 3 : i32
        %get3A_506 = arith.constant 1 : i32
        %get3A_507 = arith.index_cast %get3A_505 : i32 to index
        %get3A_508 = arith.index_cast %get3A_506 : i32 to index
        %get3A_509 = arith.constant 0 : index
        %get3A_510 = tpu.vector_load %arg9[%get3A_507, %get3A_508, %get3A_509] {strides = array<i32>} : memref<5x2x80xi32, #tpu.memory_space<vmem>>, vector<1x1x16xi32>,
        %get3A_511 = vector.shape_cast %get3A_510 : vector<1x1x16xi32> to vector<16xi32>
        %min3A_512 = arith.constant 511 : i32
        %min3A_513 = vector.broadcast %min3A_512 : i32 to vector<16xi32>
        %min3A_514 = arith.minsi %get3A_511, %min3A_513 : vector<16xi32>
        %swap3A_515 = arith.constant 3 : i32
        %swap3A_516 = arith.constant 1 : i32
        %swap3A_517 = arith.index_cast %swap3A_515 : i32 to index
        %swap3A_518 = arith.index_cast %swap3A_516 : i32 to index
        %swap3A_519 = arith.constant 0 : index
        %swap3A_520 = tpu.vector_load %arg9[%swap3A_517, %swap3A_518, %swap3A_519] {strides = array<i32>} : memref<5x2x80xi32, #tpu.memory_space<vmem>>, vector<1x1x16xi32>,
        %swap3A_521 = vector.shape_cast %swap3A_520 : vector<1x1x16xi32> to vector<16xi32>
        %swap3A_522 = vector.shape_cast %min3A_514 : vector<16xi32> to vector<1x1x16xi32>
        tpu.vector_store %arg9[%swap3A_517, %swap3A_518, %swap3A_519], %swap3A_522 {strides = array<i32>} : memref<5x2x80xi32, #tpu.memory_space<vmem>>, vector<1x1x16xi32>,
        %get3A_523 = arith.constant 3 : i32
        %get3A_524 = arith.constant 1 : i32
        %get3A_525 = arith.index_cast %get3A_523 : i32 to index
        %get3A_526 = arith.index_cast %get3A_524 : i32 to index
        %get3A_527 = arith.constant 16 : index
        %get3A_528 = tpu.vector_load %arg8[%get3A_525, %get3A_526, %get3A_527] {strides = array<i32>} : memref<5x2x80xi32, #tpu.memory_space<vmem>>, vector<1x1x16xi32>,
        %get3A_529 = vector.shape_cast %get3A_528 : vector<1x1x16xi32> to vector<16xi32>
        %min3A_530 = arith.constant 511 : i32
        %min3A_531 = vector.broadcast %min3A_530 : i32 to vector<16xi32>
        %min3A_532 = arith.minsi %get3A_529, %min3A_531 : vector<16xi32>
        %swap3A_533 = arith.constant 3 : i32
        %swap3A_534 = arith.constant 1 : i32
        %swap3A_535 = arith.index_cast %swap3A_533 : i32 to index
        %swap3A_536 = arith.index_cast %swap3A_534 : i32 to index
        %swap3A_537 = arith.constant 16 : index
        %swap3A_538 = tpu.vector_load %arg8[%swap3A_535, %swap3A_536, %swap3A_537] {strides = array<i32>} : memref<5x2x80xi32, #tpu.memory_space<vmem>>, vector<1x1x16xi32>,
        %swap3A_539 = vector.shape_cast %swap3A_538 : vector<1x1x16xi32> to vector<16xi32>
        %swap3A_540 = vector.shape_cast %min3A_532 : vector<16xi32> to vector<1x1x16xi32>
        tpu.vector_store %arg8[%swap3A_535, %swap3A_536, %swap3A_537], %swap3A_540 {strides = array<i32>} : memref<5x2x80xi32, #tpu.memory_space<vmem>>, vector<1x1x16xi32>,
        %get3A_541 = arith.constant 3 : i32
        %get3A_542 = arith.constant 1 : i32
        %get3A_543 = arith.index_cast %get3A_541 : i32 to index
        %get3A_544 = arith.index_cast %get3A_542 : i32 to index
        %get3A_545 = arith.constant 16 : index
        %get3A_546 = tpu.vector_load %arg9[%get3A_543, %get3A_544, %get3A_545] {strides = array<i32>} : memref<5x2x80xi32, #tpu.memory_space<vmem>>, vector<1x1x16xi32>,
        %get3A_547 = vector.shape_cast %get3A_546 : vector<1x1x16xi32> to vector<16xi32>
        %min3A_548 = arith.constant 511 : i32
        %min3A_549 = vector.broadcast %min3A_548 : i32 to vector<16xi32>
        %min3A_550 = arith.minsi %get3A_547, %min3A_549 : vector<16xi32>
        %swap3A_551 = arith.constant 3 : i32
        %swap3A_552 = arith.constant 1 : i32
        %swap3A_553 = arith.index_cast %swap3A_551 : i32 to index
        %swap3A_554 = arith.index_cast %swap3A_552 : i32 to index
        %swap3A_555 = arith.constant 16 : index
        %swap3A_556 = tpu.vector_load %arg9[%swap3A_553, %swap3A_554, %swap3A_555] {strides = array<i32>} : memref<5x2x80xi32, #tpu.memory_space<vmem>>, vector<1x1x16xi32>,
        %swap3A_557 = vector.shape_cast %swap3A_556 : vector<1x1x16xi32> to vector<16xi32>
        %swap3A_558 = vector.shape_cast %min3A_550 : vector<16xi32> to vector<1x1x16xi32>
        tpu.vector_store %arg9[%swap3A_553, %swap3A_554, %swap3A_555], %swap3A_558 {strides = array<i32>} : memref<5x2x80xi32, #tpu.memory_space<vmem>>, vector<1x1x16xi32>,
        %get3A_559 = arith.constant 3 : i32
        %get3A_560 = arith.constant 1 : i32
        %get3A_561 = arith.index_cast %get3A_559 : i32 to index
        %get3A_562 = arith.index_cast %get3A_560 : i32 to index
        %get3A_563 = arith.constant 32 : index
        %get3A_564 = tpu.vector_load %arg8[%get3A_561, %get3A_562, %get3A_563] {strides = array<i32>} : memref<5x2x80xi32, #tpu.memory_space<vmem>>, vector<1x1x16xi32>,
        %get3A_565 = vector.shape_cast %get3A_564 : vector<1x1x16xi32> to vector<16xi32>
        %min3A_566 = arith.constant 511 : i32
        %min3A_567 = vector.broadcast %min3A_566 : i32 to vector<16xi32>
        %min3A_568 = arith.minsi %get3A_565, %min3A_567 : vector<16xi32>
        %swap3A_569 = arith.constant 3 : i32
        %swap3A_570 = arith.constant 1 : i32
        %swap3A_571 = arith.index_cast %swap3A_569 : i32 to index
        %swap3A_572 = arith.index_cast %swap3A_570 : i32 to index
        %swap3A_573 = arith.constant 32 : index
        %swap3A_574 = tpu.vector_load %arg8[%swap3A_571, %swap3A_572, %swap3A_573] {strides = array<i32>} : memref<5x2x80xi32, #tpu.memory_space<vmem>>, vector<1x1x16xi32>,
        %swap3A_575 = vector.shape_cast %swap3A_574 : vector<1x1x16xi32> to vector<16xi32>
        %swap3A_576 = vector.shape_cast %min3A_568 : vector<16xi32> to vector<1x1x16xi32>
        tpu.vector_store %arg8[%swap3A_571, %swap3A_572, %swap3A_573], %swap3A_576 {strides = array<i32>} : memref<5x2x80xi32, #tpu.memory_space<vmem>>, vector<1x1x16xi32>,
        %get3A_577 = arith.constant 3 : i32
        %get3A_578 = arith.constant 1 : i32
        %get3A_579 = arith.index_cast %get3A_577 : i32 to index
        %get3A_580 = arith.index_cast %get3A_578 : i32 to index
        %get3A_581 = arith.constant 32 : index
        %get3A_582 = tpu.vector_load %arg9[%get3A_579, %get3A_580, %get3A_581] {strides = array<i32>} : memref<5x2x80xi32, #tpu.memory_space<vmem>>, vector<1x1x16xi32>,
        %get3A_583 = vector.shape_cast %get3A_582 : vector<1x1x16xi32> to vector<16xi32>
        %min3A_584 = arith.constant 511 : i32
        %min3A_585 = vector.broadcast %min3A_584 : i32 to vector<16xi32>
        %min3A_586 = arith.minsi %get3A_583, %min3A_585 : vector<16xi32>
        %swap3A_587 = arith.constant 3 : i32
        %swap3A_588 = arith.constant 1 : i32
        %swap3A_589 = arith.index_cast %swap3A_587 : i32 to index
        %swap3A_590 = arith.index_cast %swap3A_588 : i32 to index
        %swap3A_591 = arith.constant 32 : index
        %swap3A_592 = tpu.vector_load %arg9[%swap3A_589, %swap3A_590, %swap3A_591] {strides = array<i32>} : memref<5x2x80xi32, #tpu.memory_space<vmem>>, vector<1x1x16xi32>,
        %swap3A_593 = vector.shape_cast %swap3A_592 : vector<1x1x16xi32> to vector<16xi32>
        %swap3A_594 = vector.shape_cast %min3A_586 : vector<16xi32> to vector<1x1x16xi32>
        tpu.vector_store %arg9[%swap3A_589, %swap3A_590, %swap3A_591], %swap3A_594 {strides = array<i32>} : memref<5x2x80xi32, #tpu.memory_space<vmem>>, vector<1x1x16xi32>,
        %get3A_595 = arith.constant 3 : i32
        %get3A_596 = arith.constant 1 : i32
        %get3A_597 = arith.index_cast %get3A_595 : i32 to index
        %get3A_598 = arith.index_cast %get3A_596 : i32 to index
        %get3A_599 = arith.constant 48 : index
        %get3A_600 = tpu.vector_load %arg8[%get3A_597, %get3A_598, %get3A_599] {strides = array<i32>} : memref<5x2x80xi32, #tpu.memory_space<vmem>>, vector<1x1x16xi32>,
        %get3A_601 = vector.shape_cast %get3A_600 : vector<1x1x16xi32> to vector<16xi32>
        %min3A_602 = arith.constant 511 : i32
        %min3A_603 = vector.broadcast %min3A_602 : i32 to vector<16xi32>
        %min3A_604 = arith.minsi %get3A_601, %min3A_603 : vector<16xi32>
        %swap3A_605 = arith.constant 3 : i32
        %swap3A_606 = arith.constant 1 : i32
        %swap3A_607 = arith.index_cast %swap3A_605 : i32 to index
        %swap3A_608 = arith.index_cast %swap3A_606 : i32 to index
        %swap3A_609 = arith.constant 48 : index
        %swap3A_610 = tpu.vector_load %arg8[%swap3A_607, %swap3A_608, %swap3A_609] {strides = array<i32>} : memref<5x2x80xi32, #tpu.memory_space<vmem>>, vector<1x1x16xi32>,
        %swap3A_611 = vector.shape_cast %swap3A_610 : vector<1x1x16xi32> to vector<16xi32>
        %swap3A_612 = vector.shape_cast %min3A_604 : vector<16xi32> to vector<1x1x16xi32>
        tpu.vector_store %arg8[%swap3A_607, %swap3A_608, %swap3A_609], %swap3A_612 {strides = array<i32>} : memref<5x2x80xi32, #tpu.memory_space<vmem>>, vector<1x1x16xi32>,
        %get3A_613 = arith.constant 3 : i32
        %get3A_614 = arith.constant 1 : i32
        %get3A_615 = arith.index_cast %get3A_613 : i32 to index
        %get3A_616 = arith.index_cast %get3A_614 : i32 to index
        %get3A_617 = arith.constant 48 : index
        %get3A_618 = tpu.vector_load %arg9[%get3A_615, %get3A_616, %get3A_617] {strides = array<i32>} : memref<5x2x80xi32, #tpu.memory_space<vmem>>, vector<1x1x16xi32>,
        %get3A_619 = vector.shape_cast %get3A_618 : vector<1x1x16xi32> to vector<16xi32>
        %min3A_620 = arith.constant 511 : i32
        %min3A_621 = vector.broadcast %min3A_620 : i32 to vector<16xi32>
        %min3A_622 = arith.minsi %get3A_619, %min3A_621 : vector<16xi32>
        %swap3A_623 = arith.constant 3 : i32
        %swap3A_624 = arith.constant 1 : i32
        %swap3A_625 = arith.index_cast %swap3A_623 : i32 to index
        %swap3A_626 = arith.index_cast %swap3A_624 : i32 to index
        %swap3A_627 = arith.constant 48 : index
        %swap3A_628 = tpu.vector_load %arg9[%swap3A_625, %swap3A_626, %swap3A_627] {strides = array<i32>} : memref<5x2x80xi32, #tpu.memory_space<vmem>>, vector<1x1x16xi32>,
        %swap3A_629 = vector.shape_cast %swap3A_628 : vector<1x1x16xi32> to vector<16xi32>
        %swap3A_630 = vector.shape_cast %min3A_622 : vector<16xi32> to vector<1x1x16xi32>
        tpu.vector_store %arg9[%swap3A_625, %swap3A_626, %swap3A_627], %swap3A_630 {strides = array<i32>} : memref<5x2x80xi32, #tpu.memory_space<vmem>>, vector<1x1x16xi32>,
        %get3A_631 = arith.constant 3 : i32
        %get3A_632 = arith.constant 1 : i32
        %get3A_633 = arith.index_cast %get3A_631 : i32 to index
        %get3A_634 = arith.index_cast %get3A_632 : i32 to index
        %get3A_635 = arith.constant 64 : index
        %get3A_636 = tpu.vector_load %arg8[%get3A_633, %get3A_634, %get3A_635] {strides = array<i32>} : memref<5x2x80xi32, #tpu.memory_space<vmem>>, vector<1x1x16xi32>,
        %get3A_637 = vector.shape_cast %get3A_636 : vector<1x1x16xi32> to vector<16xi32>
        %min3A_638 = arith.constant 511 : i32
        %min3A_639 = vector.broadcast %min3A_638 : i32 to vector<16xi32>
        %min3A_640 = arith.minsi %get3A_637, %min3A_639 : vector<16xi32>
        %swap3A_641 = arith.constant 3 : i32
        %swap3A_642 = arith.constant 1 : i32
        %swap3A_643 = arith.index_cast %swap3A_641 : i32 to index
        %swap3A_644 = arith.index_cast %swap3A_642 : i32 to index
        %swap3A_645 = arith.constant 64 : index
        %swap3A_646 = tpu.vector_load %arg8[%swap3A_643, %swap3A_644, %swap3A_645] {strides = array<i32>} : memref<5x2x80xi32, #tpu.memory_space<vmem>>, vector<1x1x16xi32>,
        %swap3A_647 = vector.shape_cast %swap3A_646 : vector<1x1x16xi32> to vector<16xi32>
        %swap3A_648 = vector.shape_cast %min3A_640 : vector<16xi32> to vector<1x1x16xi32>
        tpu.vector_store %arg8[%swap3A_643, %swap3A_644, %swap3A_645], %swap3A_648 {strides = array<i32>} : memref<5x2x80xi32, #tpu.memory_space<vmem>>, vector<1x1x16xi32>,
        %get3A_649 = arith.constant 3 : i32
        %get3A_650 = arith.constant 1 : i32
        %get3A_651 = arith.index_cast %get3A_649 : i32 to index
        %get3A_652 = arith.index_cast %get3A_650 : i32 to index
        %get3A_653 = arith.constant 64 : index
        %get3A_654 = tpu.vector_load %arg9[%get3A_651, %get3A_652, %get3A_653] {strides = array<i32>} : memref<5x2x80xi32, #tpu.memory_space<vmem>>, vector<1x1x16xi32>,
        %get3A_655 = vector.shape_cast %get3A_654 : vector<1x1x16xi32> to vector<16xi32>
        %min3A_656 = arith.constant 511 : i32
        %min3A_657 = vector.broadcast %min3A_656 : i32 to vector<16xi32>
        %min3A_658 = arith.minsi %get3A_655, %min3A_657 : vector<16xi32>
        %swap3A_659 = arith.constant 3 : i32
        %swap3A_660 = arith.constant 1 : i32
        %swap3A_661 = arith.index_cast %swap3A_659 : i32 to index
        %swap3A_662 = arith.index_cast %swap3A_660 : i32 to index
        %swap3A_663 = arith.constant 64 : index
        %swap3A_664 = tpu.vector_load %arg9[%swap3A_661, %swap3A_662, %swap3A_663] {strides = array<i32>} : memref<5x2x80xi32, #tpu.memory_space<vmem>>, vector<1x1x16xi32>,
        %swap3A_665 = vector.shape_cast %swap3A_664 : vector<1x1x16xi32> to vector<16xi32>
        %swap3A_666 = vector.shape_cast %min3A_658 : vector<16xi32> to vector<1x1x16xi32>
        tpu.vector_store %arg9[%swap3A_661, %swap3A_662, %swap3A_663], %swap3A_666 {strides = array<i32>} : memref<5x2x80xi32, #tpu.memory_space<vmem>>, vector<1x1x16xi32>,
        %dma_wait3A_667 = arith.constant 3 : i32
        %dma_wait3A_668 = arith.constant 0 : i32
        %dma_wait3A_669 = arith.constant 0 : i32
        %dma_wait3A_670 = tpu.memref_slice %arg10[%dma_wait3A_667, %dma_wait3A_668, %dma_wait3A_669] : memref<5x160x128xf32, #tpu.memory_space<vmem>> -> memref<1x160x128xf32, #tpu.memory_space<vmem>>
        %dma_wait3A_671 = tpu.memref_squeeze %dma_wait3A_670 : memref<1x160x128xf32, #tpu.memory_space<vmem>> -> memref<160x128xf32, #tpu.memory_space<vmem>>
        %dma_wait3A_672 = arith.constant 0 : i32
        %dma_wait3A_673 = tpu.memref_slice %arg2[%mul3A_268, %dma_wait3A_672] : memref<100000x128xf32, #tpu.memory_space<hbm>> -> memref<160x128xf32, #tpu.memory_space<hbm>>
        %dma_wait3A_674 = arith.constant 0 : i32
        %dma_wait3A_675 = arith.constant 0 : i32
        %dma_wait3A_676 = tpu.memref_slice %arg10[%dma_wait3A_667, %dma_wait3A_674, %dma_wait3A_675] : memref<5x160x128xf32, #tpu.memory_space<vmem>> -> memref<1x160x128xf32, #tpu.memory_space<vmem>>
        %dma_wait3A_677 = tpu.memref_squeeze %dma_wait3A_676 : memref<1x160x128xf32, #tpu.memory_space<vmem>> -> memref<160x128xf32, #tpu.memory_space<vmem>>
        %dma_wait3A_678 = arith.constant 0 : i32
        %dma_wait3A_679 = tpu.memref_slice %arg2[%mul3A_268, %dma_wait3A_678] : memref<100000x128xf32, #tpu.memory_space<hbm>> -> memref<160x128xf32, #tpu.memory_space<hbm>>
        tpu.wait_dma2 semaphore(%arg16 : memref<!tpu.dma_semaphore, #tpu.memory_space<semaphore_mem>>) src(%dma_wait3A_679 : memref<160x128xf32, #tpu.memory_space<hbm>>) dst(%dma_wait3A_677 : memref<160x128xf32, #tpu.memory_space<vmem>>)
        %dma_start3A = arith.constant 3 : i32
        %dma_start3A_680 = arith.constant 0 : i32
        %dma_start3A_681 = arith.constant 3 : i32
        %dma_start3A_682 = arith.constant 0 : i32
        %dma_start3A_683 = arith.constant 0 : i32
        %dma_start3A_684 = tpu.memref_slice %arg10[%dma_start3A_681, %dma_start3A_682, %dma_start3A_683] : memref<5x160x128xf32, #tpu.memory_space<vmem>> -> memref<1x80x128xf32, #tpu.memory_space<vmem>>
        %dma_start3A_685 = tpu.memref_squeeze %dma_start3A_684 : memref<1x80x128xf32, #tpu.memory_space<vmem>> -> memref<80x128xf32, #tpu.memory_space<vmem>>
        %dma_start3A_686 = arith.constant 0 : i32
        %dma_start3A_687 = tpu.memref_slice %arg8[%dma_start3A, %dma_start3A_680, %dma_start3A_686] : memref<5x2x80xi32, #tpu.memory_space<vmem>> -> memref<1x1x80xi32, #tpu.memory_space<vmem>>
        %dma_start3A_688 = tpu.memref_squeeze %dma_start3A_687 : memref<1x1x80xi32, #tpu.memory_space<vmem>> -> memref<80xi32, #tpu.memory_space<vmem>>
        %dma_start3A_689 = arith.constant 0 : i32
        %dma_start3A_690 = arith.constant 0 : i32
        %dma_start3A_691 = tpu.memref_slice %arg11[%dma_start3A_689, %dma_start3A_690] : memref<512x128xf32, #tpu.memory_space<vmem_shared>> -> memref<512x128xf32, #tpu.memory_space<vmem_shared>>
        tpu.enqueue_indirect_dma source(%dma_start3A_691 : memref<512x128xf32, #tpu.memory_space<vmem_shared>>) target(%dma_start3A_685 : memref<80x128xf32, #tpu.memory_space<vmem>>) offsets(%dma_start3A_688 : memref<80xi32, #tpu.memory_space<vmem>>) semaphore(%arg26 : memref<!tpu.dma_semaphore, #tpu.memory_space<semaphore_mem>>) {add = true}
        %dma_start3A_692 = arith.constant 3 : i32
        %dma_start3A_693 = arith.constant 0 : i32
        %dma_start3A_694 = arith.constant 3 : i32
        %dma_start3A_695 = arith.constant 0 : i32
        %dma_start3A_696 = arith.constant 0 : i32
        %dma_start3A_697 = tpu.memref_slice %arg10[%dma_start3A_694, %dma_start3A_695, %dma_start3A_696] : memref<5x160x128xf32, #tpu.memory_space<vmem>> -> memref<1x80x128xf32, #tpu.memory_space<vmem>>
        %dma_start3A_698 = tpu.memref_squeeze %dma_start3A_697 : memref<1x80x128xf32, #tpu.memory_space<vmem>> -> memref<80x128xf32, #tpu.memory_space<vmem>>
        %dma_start3A_699 = arith.constant 0 : i32
        %dma_start3A_700 = tpu.memref_slice %arg9[%dma_start3A_692, %dma_start3A_693, %dma_start3A_699] : memref<5x2x80xi32, #tpu.memory_space<vmem>> -> memref<1x1x80xi32, #tpu.memory_space<vmem>>
        %dma_start3A_701 = tpu.memref_squeeze %dma_start3A_700 : memref<1x1x80xi32, #tpu.memory_space<vmem>> -> memref<80xi32, #tpu.memory_space<vmem>>
        %dma_start3A_702 = arith.constant 0 : i32
        %dma_start3A_703 = arith.constant 0 : i32
        %dma_start3A_704 = tpu.memref_slice %arg12[%dma_start3A_702, %dma_start3A_703] : memref<512x128xf32, #tpu.memory_space<vmem_shared>> -> memref<512x128xf32, #tpu.memory_space<vmem_shared>>
        tpu.enqueue_indirect_dma source(%dma_start3A_704 : memref<512x128xf32, #tpu.memory_space<vmem_shared>>) target(%dma_start3A_698 : memref<80x128xf32, #tpu.memory_space<vmem>>) offsets(%dma_start3A_701 : memref<80xi32, #tpu.memory_space<vmem>>) semaphore(%arg26 : memref<!tpu.dma_semaphore, #tpu.memory_space<semaphore_mem>>) {add = true}
        %dma_start3A_705 = arith.constant 3 : i32
        %dma_start3A_706 = arith.constant 1 : i32
        %dma_start3A_707 = arith.constant 3 : i32
        %dma_start3A_708 = arith.constant 80 : i32
        %dma_start3A_709 = arith.constant 0 : i32
        %dma_start3A_710 = tpu.memref_slice %arg10[%dma_start3A_707, %dma_start3A_708, %dma_start3A_709] : memref<5x160x128xf32, #tpu.memory_space<vmem>> -> memref<1x80x128xf32, #tpu.memory_space<vmem>>
        %dma_start3A_711 = tpu.memref_squeeze %dma_start3A_710 : memref<1x80x128xf32, #tpu.memory_space<vmem>> -> memref<80x128xf32, #tpu.memory_space<vmem>>
        %dma_start3A_712 = arith.constant 0 : i32
        %dma_start3A_713 = tpu.memref_slice %arg8[%dma_start3A_705, %dma_start3A_706, %dma_start3A_712] : memref<5x2x80xi32, #tpu.memory_space<vmem>> -> memref<1x1x80xi32, #tpu.memory_space<vmem>>
        %dma_start3A_714 = tpu.memref_squeeze %dma_start3A_713 : memref<1x1x80xi32, #tpu.memory_space<vmem>> -> memref<80xi32, #tpu.memory_space<vmem>>
        %dma_start3A_715 = arith.constant 0 : i32
        %dma_start3A_716 = arith.constant 0 : i32
        %dma_start3A_717 = tpu.memref_slice %arg11[%dma_start3A_715, %dma_start3A_716] : memref<512x128xf32, #tpu.memory_space<vmem_shared>> -> memref<512x128xf32, #tpu.memory_space<vmem_shared>>
        tpu.enqueue_indirect_dma source(%dma_start3A_717 : memref<512x128xf32, #tpu.memory_space<vmem_shared>>) target(%dma_start3A_711 : memref<80x128xf32, #tpu.memory_space<vmem>>) offsets(%dma_start3A_714 : memref<80xi32, #tpu.memory_space<vmem>>) semaphore(%arg26 : memref<!tpu.dma_semaphore, #tpu.memory_space<semaphore_mem>>) {add = true}
        %dma_start3A_718 = arith.constant 3 : i32
        %dma_start3A_719 = arith.constant 1 : i32
        %dma_start3A_720 = arith.constant 3 : i32
        %dma_start3A_721 = arith.constant 80 : i32
        %dma_start3A_722 = arith.constant 0 : i32
        %dma_start3A_723 = tpu.memref_slice %arg10[%dma_start3A_720, %dma_start3A_721, %dma_start3A_722] : memref<5x160x128xf32, #tpu.memory_space<vmem>> -> memref<1x80x128xf32, #tpu.memory_space<vmem>>
        %dma_start3A_724 = tpu.memref_squeeze %dma_start3A_723 : memref<1x80x128xf32, #tpu.memory_space<vmem>> -> memref<80x128xf32, #tpu.memory_space<vmem>>
        %dma_start3A_725 = arith.constant 0 : i32
        %dma_start3A_726 = tpu.memref_slice %arg9[%dma_start3A_718, %dma_start3A_719, %dma_start3A_725] : memref<5x2x80xi32, #tpu.memory_space<vmem>> -> memref<1x1x80xi32, #tpu.memory_space<vmem>>
        %dma_start3A_727 = tpu.memref_squeeze %dma_start3A_726 : memref<1x1x80xi32, #tpu.memory_space<vmem>> -> memref<80xi32, #tpu.memory_space<vmem>>
        %dma_start3A_728 = arith.constant 0 : i32
        %dma_start3A_729 = arith.constant 0 : i32
        %dma_start3A_730 = tpu.memref_slice %arg12[%dma_start3A_728, %dma_start3A_729] : memref<512x128xf32, #tpu.memory_space<vmem_shared>> -> memref<512x128xf32, #tpu.memory_space<vmem_shared>>
        tpu.enqueue_indirect_dma source(%dma_start3A_730 : memref<512x128xf32, #tpu.memory_space<vmem_shared>>) target(%dma_start3A_724 : memref<80x128xf32, #tpu.memory_space<vmem>>) offsets(%dma_start3A_727 : memref<80xi32, #tpu.memory_space<vmem>>) semaphore(%arg26 : memref<!tpu.dma_semaphore, #tpu.memory_space<semaphore_mem>>) {add = true}
      } else {
      }
      %sub3A_254 = arith.constant 3 : i32
      %sub3A_255 = arith.subi %add3A_232, %sub3A_254 : i32
      %mul3A_256 = arith.constant 32 : i32
      %mul3A_257 = arith.muli %sub3A_255, %mul3A_256 : i32
      %add3A_258 = arith.addi %mul3A_257, %add3A : i32
      %ge3A_259 = arith.constant 0 : i32
      %ge3A_260 = arith.cmpi sge, %sub3A_255, %ge3A_259 : i32
      %lt3A_261 = arith.constant 625 : i32
      %lt3A_262 = arith.cmpi slt, %add3A_258, %lt3A_261 : i32
      %and3A_263 = arith.andi %ge3A_260, %lt3A_262 : i1
      %convert_element_type3A_264 = arith.extui %and3A_263 : i1 to i32
      %cond3A_265 = arith.constant 0 : i32
      %cond3A_266 = arith.cmpi ne, %convert_element_type3A_264, %cond3A_265 : i32
      scf.if %cond3A_266 {
        %mul3A_267 = arith.constant 160 : i32
        %mul3A_268 = arith.muli %add3A_258, %mul3A_267 : i32
        %mul3A_269 = arith.constant 160 : i32
        %mul3A_270 = arith.muli %add3A_258, %mul3A_269 : i32
        %dma_wait3A = arith.constant 1 : i32
        %dma_wait3A_271 = arith.constant 0 : i32
        %dma_wait3A_272 = arith.constant 0 : i32
        %dma_wait3A_273 = tpu.memref_slice %arg10[%dma_wait3A, %dma_wait3A_271, %dma_wait3A_272] : memref<5x160x128xf32, #tpu.memory_space<vmem>> -> memref<1x80x128xf32, #tpu.memory_space<vmem>>
        %dma_wait3A_274 = tpu.memref_squeeze %dma_wait3A_273 : memref<1x80x128xf32, #tpu.memory_space<vmem>> -> memref<80x128xf32, #tpu.memory_space<vmem>>
        %dma_wait3A_275 = arith.constant 0 : i32
        %dma_wait3A_276 = tpu.memref_slice %arg2[%mul3A_270, %dma_wait3A_275] : memref<100000x128xf32, #tpu.memory_space<hbm>> -> memref<80x128xf32, #tpu.memory_space<hbm>>
        %dma_wait3A_277 = arith.constant 0 : i32
        %dma_wait3A_278 = arith.constant 0 : i32
        %dma_wait3A_279 = tpu.memref_slice %arg10[%dma_wait3A, %dma_wait3A_277, %dma_wait3A_278] : memref<5x160x128xf32, #tpu.memory_space<vmem>> -> memref<1x80x128xf32, #tpu.memory_space<vmem>>
        %dma_wait3A_280 = tpu.memref_squeeze %dma_wait3A_279 : memref<1x80x128xf32, #tpu.memory_space<vmem>> -> memref<80x128xf32, #tpu.memory_space<vmem>>
        %dma_wait3A_281 = arith.constant 0 : i32
        %dma_wait3A_282 = tpu.memref_slice %arg2[%mul3A_270, %dma_wait3A_281] : memref<100000x128xf32, #tpu.memory_space<hbm>> -> memref<80x128xf32, #tpu.memory_space<hbm>>
        tpu.wait_dma2 semaphore(%arg24 : memref<!tpu.dma_semaphore, #tpu.memory_space<semaphore_mem>>) src(%dma_wait3A_282 : memref<80x128xf32, #tpu.memory_space<hbm>>) dst(%dma_wait3A_280 : memref<80x128xf32, #tpu.memory_space<vmem>>)
        %dma_wait3A_283 = arith.constant 1 : i32
        %dma_wait3A_284 = arith.constant 0 : i32
        %dma_wait3A_285 = arith.constant 0 : i32
        %dma_wait3A_286 = tpu.memref_slice %arg10[%dma_wait3A_283, %dma_wait3A_284, %dma_wait3A_285] : memref<5x160x128xf32, #tpu.memory_space<vmem>> -> memref<1x80x128xf32, #tpu.memory_space<vmem>>
        %dma_wait3A_287 = tpu.memref_squeeze %dma_wait3A_286 : memref<1x80x128xf32, #tpu.memory_space<vmem>> -> memref<80x128xf32, #tpu.memory_space<vmem>>
        %dma_wait3A_288 = arith.constant 0 : i32
        %dma_wait3A_289 = tpu.memref_slice %arg2[%mul3A_270, %dma_wait3A_288] : memref<100000x128xf32, #tpu.memory_space<hbm>> -> memref<80x128xf32, #tpu.memory_space<hbm>>
        %dma_wait3A_290 = arith.constant 0 : i32
        %dma_wait3A_291 = arith.constant 0 : i32
        %dma_wait3A_292 = tpu.memref_slice %arg10[%dma_wait3A_283, %dma_wait3A_290, %dma_wait3A_291] : memref<5x160x128xf32, #tpu.memory_space<vmem>> -> memref<1x80x128xf32, #tpu.memory_space<vmem>>
        %dma_wait3A_293 = tpu.memref_squeeze %dma_wait3A_292 : memref<1x80x128xf32, #tpu.memory_space<vmem>> -> memref<80x128xf32, #tpu.memory_space<vmem>>
        %dma_wait3A_294 = arith.constant 0 : i32
        %dma_wait3A_295 = tpu.memref_slice %arg2[%mul3A_270, %dma_wait3A_294] : memref<100000x128xf32, #tpu.memory_space<hbm>> -> memref<80x128xf32, #tpu.memory_space<hbm>>
        tpu.wait_dma2 semaphore(%arg24 : memref<!tpu.dma_semaphore, #tpu.memory_space<semaphore_mem>>) src(%dma_wait3A_295 : memref<80x128xf32, #tpu.memory_space<hbm>>) dst(%dma_wait3A_293 : memref<80x128xf32, #tpu.memory_space<vmem>>)
        %dma_wait3A_296 = arith.constant 1 : i32
        %dma_wait3A_297 = arith.constant 0 : i32
        %dma_wait3A_298 = arith.constant 0 : i32
        %dma_wait3A_299 = tpu.memref_slice %arg10[%dma_wait3A_296, %dma_wait3A_297, %dma_wait3A_298] : memref<5x160x128xf32, #tpu.memory_space<vmem>> -> memref<1x80x128xf32, #tpu.memory_space<vmem>>
        %dma_wait3A_300 = tpu.memref_squeeze %dma_wait3A_299 : memref<1x80x128xf32, #tpu.memory_space<vmem>> -> memref<80x128xf32, #tpu.memory_space<vmem>>
        %dma_wait3A_301 = arith.constant 0 : i32
        %dma_wait3A_302 = tpu.memref_slice %arg2[%mul3A_270, %dma_wait3A_301] : memref<100000x128xf32, #tpu.memory_space<hbm>> -> memref<80x128xf32, #tpu.memory_space<hbm>>
        %dma_wait3A_303 = arith.constant 0 : i32
        %dma_wait3A_304 = arith.constant 0 : i32
        %dma_wait3A_305 = tpu.memref_slice %arg10[%dma_wait3A_296, %dma_wait3A_303, %dma_wait3A_304] : memref<5x160x128xf32, #tpu.memory_space<vmem>> -> memref<1x80x128xf32, #tpu.memory_space<vmem>>
        %dma_wait3A_306 = tpu.memref_squeeze %dma_wait3A_305 : memref<1x80x128xf32, #tpu.memory_space<vmem>> -> memref<80x128xf32, #tpu.memory_space<vmem>>
        %dma_wait3A_307 = arith.constant 0 : i32
        %dma_wait3A_308 = tpu.memref_slice %arg2[%mul3A_270, %dma_wait3A_307] : memref<100000x128xf32, #tpu.memory_space<hbm>> -> memref<80x128xf32, #tpu.memory_space<hbm>>
        tpu.wait_dma2 semaphore(%arg24 : memref<!tpu.dma_semaphore, #tpu.memory_space<semaphore_mem>>) src(%dma_wait3A_308 : memref<80x128xf32, #tpu.memory_space<hbm>>) dst(%dma_wait3A_306 : memref<80x128xf32, #tpu.memory_space<vmem>>)
        %dma_wait3A_309 = arith.constant 1 : i32
        %dma_wait3A_310 = arith.constant 0 : i32
        %dma_wait3A_311 = arith.constant 0 : i32
        %dma_wait3A_312 = tpu.memref_slice %arg10[%dma_wait3A_309, %dma_wait3A_310, %dma_wait3A_311] : memref<5x160x128xf32, #tpu.memory_space<vmem>> -> memref<1x80x128xf32, #tpu.memory_space<vmem>>
        %dma_wait3A_313 = tpu.memref_squeeze %dma_wait3A_312 : memref<1x80x128xf32, #tpu.memory_space<vmem>> -> memref<80x128xf32, #tpu.memory_space<vmem>>
        %dma_wait3A_314 = arith.constant 0 : i32
        %dma_wait3A_315 = tpu.memref_slice %arg2[%mul3A_270, %dma_wait3A_314] : memref<100000x128xf32, #tpu.memory_space<hbm>> -> memref<80x128xf32, #tpu.memory_space<hbm>>
        %dma_wait3A_316 = arith.constant 0 : i32
        %dma_wait3A_317 = arith.constant 0 : i32
        %dma_wait3A_318 = tpu.memref_slice %arg10[%dma_wait3A_309, %dma_wait3A_316, %dma_wait3A_317] : memref<5x160x128xf32, #tpu.memory_space<vmem>> -> memref<1x80x128xf32, #tpu.memory_space<vmem>>
        %dma_wait3A_319 = tpu.memref_squeeze %dma_wait3A_318 : memref<1x80x128xf32, #tpu.memory_space<vmem>> -> memref<80x128xf32, #tpu.memory_space<vmem>>
        %dma_wait3A_320 = arith.constant 0 : i32
        %dma_wait3A_321 = tpu.memref_slice %arg2[%mul3A_270, %dma_wait3A_320] : memref<100000x128xf32, #tpu.memory_space<hbm>> -> memref<80x128xf32, #tpu.memory_space<hbm>>
        tpu.wait_dma2 semaphore(%arg24 : memref<!tpu.dma_semaphore, #tpu.memory_space<semaphore_mem>>) src(%dma_wait3A_321 : memref<80x128xf32, #tpu.memory_space<hbm>>) dst(%dma_wait3A_319 : memref<80x128xf32, #tpu.memory_space<vmem>>)
        %dma_start3A = arith.constant 1 : i32
        %dma_start3A_322 = arith.constant 0 : i32
        %dma_start3A_323 = arith.constant 0 : i32
        %dma_start3A_324 = tpu.memref_slice %arg10[%dma_start3A, %dma_start3A_322, %dma_start3A_323] : memref<5x160x128xf32, #tpu.memory_space<vmem>> -> memref<1x160x128xf32, #tpu.memory_space<vmem>>
        %dma_start3A_325 = tpu.memref_squeeze %dma_start3A_324 : memref<1x160x128xf32, #tpu.memory_space<vmem>> -> memref<160x128xf32, #tpu.memory_space<vmem>>
        %dma_start3A_326 = arith.constant 0 : i32
        %dma_start3A_327 = tpu.memref_slice %arg7[%mul3A_268, %dma_start3A_326] : memref<100000x128xf32, #tpu.memory_space<hbm>> -> memref<160x128xf32, #tpu.memory_space<hbm>>
        %dma_start3A_328 = arith.constant 0 : i32
        %dma_start3A_329 = tpu.memref_slice %arg7[%mul3A_268, %dma_start3A_328] : memref<100000x128xf32, #tpu.memory_space<hbm>> -> memref<160x128xf32, #tpu.memory_space<hbm>>
        %dma_start3A_330 = arith.constant 0 : i32
        %dma_start3A_331 = arith.constant 0 : i32
        %dma_start3A_332 = tpu.memref_slice %arg10[%dma_start3A, %dma_start3A_330, %dma_start3A_331] : memref<5x160x128xf32, #tpu.memory_space<vmem>> -> memref<1x160x128xf32, #tpu.memory_space<vmem>>
        %dma_start3A_333 = tpu.memref_squeeze %dma_start3A_332 : memref<1x160x128xf32, #tpu.memory_space<vmem>> -> memref<160x128xf32, #tpu.memory_space<vmem>>
        tpu.enqueue_dma source(%dma_start3A_333 : memref<160x128xf32, #tpu.memory_space<vmem>>) target(%dma_start3A_329 : memref<160x128xf32, #tpu.memory_space<hbm>>) target_semaphore(%arg29 : memref<!tpu.dma_semaphore, #tpu.memory_space<semaphore_mem>>)
      } else {
      }
    }
    %scan3A_7 = arith.constant 5 : i32
    %add3A_8 = arith.constant 448 : i32
    %add3A_9 = arith.addi %add3A_8, %add3A : i32
    %lt3A = arith.constant 625 : i32
    %lt3A_10 = arith.cmpi slt, %add3A_9, %lt3A : i32
    %add3A_11 = arith.constant 160 : i32
    %add3A_12 = arith.addi %add3A_9, %add3A_11 : i32
    %ge3A = arith.constant 625 : i32
    %ge3A_13 = arith.cmpi sge, %add3A_12, %ge3A : i32
    %and3A = arith.andi %lt3A_10, %ge3A_13 : i1
    %convert_element_type3A_14 = arith.extui %and3A : i1 to i32
    %cond3A_15 = arith.constant 0 : i32
    %cond3A_16 = arith.cmpi ne, %convert_element_type3A_14, %cond3A_15 : i32
    scf.if %cond3A_16 {
      %mul3A_77 = arith.constant 160 : i32
      %mul3A_78 = arith.muli %add3A_9, %mul3A_77 : i32
      %dma_wait3A = arith.constant 4 : i32
      %dma_wait3A_79 = arith.constant 0 : i32
      %dma_wait3A_80 = arith.constant 0 : i32
      %dma_wait3A_81 = tpu.memref_slice %arg10[%dma_wait3A, %dma_wait3A_79, %dma_wait3A_80] : memref<5x160x128xf32, #tpu.memory_space<vmem>> -> memref<1x160x128xf32, #tpu.memory_space<vmem>>
      %dma_wait3A_82 = tpu.memref_squeeze %dma_wait3A_81 : memref<1x160x128xf32, #tpu.memory_space<vmem>> -> memref<160x128xf32, #tpu.memory_space<vmem>>
      %dma_wait3A_83 = arith.constant 0 : i32
      %dma_wait3A_84 = tpu.memref_slice %arg7[%mul3A_78, %dma_wait3A_83] : memref<100000x128xf32, #tpu.memory_space<hbm>> -> memref<160x128xf32, #tpu.memory_space<hbm>>
      %dma_wait3A_85 = arith.constant 0 : i32
      %dma_wait3A_86 = tpu.memref_slice %arg7[%mul3A_78, %dma_wait3A_85] : memref<100000x128xf32, #tpu.memory_space<hbm>> -> memref<160x128xf32, #tpu.memory_space<hbm>>
      %dma_wait3A_87 = arith.constant 0 : i32
      %dma_wait3A_88 = arith.constant 0 : i32
      %dma_wait3A_89 = tpu.memref_slice %arg10[%dma_wait3A, %dma_wait3A_87, %dma_wait3A_88] : memref<5x160x128xf32, #tpu.memory_space<vmem>> -> memref<1x160x128xf32, #tpu.memory_space<vmem>>
      %dma_wait3A_90 = tpu.memref_squeeze %dma_wait3A_89 : memref<1x160x128xf32, #tpu.memory_space<vmem>> -> memref<160x128xf32, #tpu.memory_space<vmem>>
      tpu.wait_dma2 semaphore(%arg32 : memref<!tpu.dma_semaphore, #tpu.memory_space<semaphore_mem>>) src(%dma_wait3A_90 : memref<160x128xf32, #tpu.memory_space<vmem>>) dst(%dma_wait3A_86 : memref<160x128xf32, #tpu.memory_space<hbm>>)
    } else {
    }
    %add3A_17 = arith.constant 480 : i32
    %add3A_18 = arith.addi %add3A_17, %add3A : i32
    %lt3A_19 = arith.constant 625 : i32
    %lt3A_20 = arith.cmpi slt, %add3A_18, %lt3A_19 : i32
    %add3A_21 = arith.constant 160 : i32
    %add3A_22 = arith.addi %add3A_18, %add3A_21 : i32
    %ge3A_23 = arith.constant 625 : i32
    %ge3A_24 = arith.cmpi sge, %add3A_22, %ge3A_23 : i32
    %and3A_25 = arith.andi %lt3A_20, %ge3A_24 : i1
    %convert_element_type3A_26 = arith.extui %and3A_25 : i1 to i32
    %cond3A_27 = arith.constant 0 : i32
    %cond3A_28 = arith.cmpi ne, %convert_element_type3A_26, %cond3A_27 : i32
    scf.if %cond3A_28 {
      %mul3A_77 = arith.constant 160 : i32
      %mul3A_78 = arith.muli %add3A_18, %mul3A_77 : i32
      %dma_wait3A = arith.constant 0 : i32
      %dma_wait3A_79 = arith.constant 0 : i32
      %dma_wait3A_80 = arith.constant 0 : i32
      %dma_wait3A_81 = tpu.memref_slice %arg10[%dma_wait3A, %dma_wait3A_79, %dma_wait3A_80] : memref<5x160x128xf32, #tpu.memory_space<vmem>> -> memref<1x160x128xf32, #tpu.memory_space<vmem>>
      %dma_wait3A_82 = tpu.memref_squeeze %dma_wait3A_81 : memref<1x160x128xf32, #tpu.memory_space<vmem>> -> memref<160x128xf32, #tpu.memory_space<vmem>>
      %dma_wait3A_83 = arith.constant 0 : i32
      %dma_wait3A_84 = tpu.memref_slice %arg7[%mul3A_78, %dma_wait3A_83] : memref<100000x128xf32, #tpu.memory_space<hbm>> -> memref<160x128xf32, #tpu.memory_space<hbm>>
      %dma_wait3A_85 = arith.constant 0 : i32
      %dma_wait3A_86 = tpu.memref_slice %arg7[%mul3A_78, %dma_wait3A_85] : memref<100000x128xf32, #tpu.memory_space<hbm>> -> memref<160x128xf32, #tpu.memory_space<hbm>>
      %dma_wait3A_87 = arith.constant 0 : i32
      %dma_wait3A_88 = arith.constant 0 : i32
      %dma_wait3A_89 = tpu.memref_slice %arg10[%dma_wait3A, %dma_wait3A_87, %dma_wait3A_88] : memref<5x160x128xf32, #tpu.memory_space<vmem>> -> memref<1x160x128xf32, #tpu.memory_space<vmem>>
      %dma_wait3A_90 = tpu.memref_squeeze %dma_wait3A_89 : memref<1x160x128xf32, #tpu.memory_space<vmem>> -> memref<160x128xf32, #tpu.memory_space<vmem>>
      tpu.wait_dma2 semaphore(%arg28 : memref<!tpu.dma_semaphore, #tpu.memory_space<semaphore_mem>>) src(%dma_wait3A_90 : memref<160x128xf32, #tpu.memory_space<vmem>>) dst(%dma_wait3A_86 : memref<160x128xf32, #tpu.memory_space<hbm>>)
    } else {
    }
    %add3A_29 = arith.constant 512 : i32
    %add3A_30 = arith.addi %add3A_29, %add3A : i32
    %lt3A_31 = arith.constant 625 : i32
    %lt3A_32 = arith.cmpi slt, %add3A_30, %lt3A_31 : i32
    %add3A_33 = arith.constant 160 : i32
    %add3A_34 = arith.addi %add3A_30, %add3A_33 : i32
    %ge3A_35 = arith.constant 625 : i32
    %ge3A_36 = arith.cmpi sge, %add3A_34, %ge3A_35 : i32
    %and3A_37 = arith.andi %lt3A_32, %ge3A_36 : i1
    %convert_element_type3A_38 = arith.extui %and3A_37 : i1 to i32
    %cond3A_39 = arith.constant 0 : i32
    %cond3A_40 = arith.cmpi ne, %convert_element_type3A_38, %cond3A_39 : i32
    scf.if %cond3A_40 {
      %mul3A_77 = arith.constant 160 : i32
      %mul3A_78 = arith.muli %add3A_30, %mul3A_77 : i32
      %dma_wait3A = arith.constant 1 : i32
      %dma_wait3A_79 = arith.constant 0 : i32
      %dma_wait3A_80 = arith.constant 0 : i32
      %dma_wait3A_81 = tpu.memref_slice %arg10[%dma_wait3A, %dma_wait3A_79, %dma_wait3A_80] : memref<5x160x128xf32, #tpu.memory_space<vmem>> -> memref<1x160x128xf32, #tpu.memory_space<vmem>>
      %dma_wait3A_82 = tpu.memref_squeeze %dma_wait3A_81 : memref<1x160x128xf32, #tpu.memory_space<vmem>> -> memref<160x128xf32, #tpu.memory_space<vmem>>
      %dma_wait3A_83 = arith.constant 0 : i32
      %dma_wait3A_84 = tpu.memref_slice %arg7[%mul3A_78, %dma_wait3A_83] : memref<100000x128xf32, #tpu.memory_space<hbm>> -> memref<160x128xf32, #tpu.memory_space<hbm>>
      %dma_wait3A_85 = arith.constant 0 : i32
      %dma_wait3A_86 = tpu.memref_slice %arg7[%mul3A_78, %dma_wait3A_85] : memref<100000x128xf32, #tpu.memory_space<hbm>> -> memref<160x128xf32, #tpu.memory_space<hbm>>
      %dma_wait3A_87 = arith.constant 0 : i32
      %dma_wait3A_88 = arith.constant 0 : i32
      %dma_wait3A_89 = tpu.memref_slice %arg10[%dma_wait3A, %dma_wait3A_87, %dma_wait3A_88] : memref<5x160x128xf32, #tpu.memory_space<vmem>> -> memref<1x160x128xf32, #tpu.memory_space<vmem>>
      %dma_wait3A_90 = tpu.memref_squeeze %dma_wait3A_89 : memref<1x160x128xf32, #tpu.memory_space<vmem>> -> memref<160x128xf32, #tpu.memory_space<vmem>>
      tpu.wait_dma2 semaphore(%arg29 : memref<!tpu.dma_semaphore, #tpu.memory_space<semaphore_mem>>) src(%dma_wait3A_90 : memref<160x128xf32, #tpu.memory_space<vmem>>) dst(%dma_wait3A_86 : memref<160x128xf32, #tpu.memory_space<hbm>>)
    } else {
    }
    %add3A_41 = arith.constant 544 : i32
    %add3A_42 = arith.addi %add3A_41, %add3A : i32
    %lt3A_43 = arith.constant 625 : i32
    %lt3A_44 = arith.cmpi slt, %add3A_42, %lt3A_43 : i32
    %add3A_45 = arith.constant 160 : i32
    %add3A_46 = arith.addi %add3A_42, %add3A_45 : i32
    %ge3A_47 = arith.constant 625 : i32
    %ge3A_48 = arith.cmpi sge, %add3A_46, %ge3A_47 : i32
    %and3A_49 = arith.andi %lt3A_44, %ge3A_48 : i1
    %convert_element_type3A_50 = arith.extui %and3A_49 : i1 to i32
    %cond3A_51 = arith.constant 0 : i32
    %cond3A_52 = arith.cmpi ne, %convert_element_type3A_50, %cond3A_51 : i32
    scf.if %cond3A_52 {
      %mul3A_77 = arith.constant 160 : i32
      %mul3A_78 = arith.muli %add3A_42, %mul3A_77 : i32
      %dma_wait3A = arith.constant 2 : i32
      %dma_wait3A_79 = arith.constant 0 : i32
      %dma_wait3A_80 = arith.constant 0 : i32
      %dma_wait3A_81 = tpu.memref_slice %arg10[%dma_wait3A, %dma_wait3A_79, %dma_wait3A_80] : memref<5x160x128xf32, #tpu.memory_space<vmem>> -> memref<1x160x128xf32, #tpu.memory_space<vmem>>
      %dma_wait3A_82 = tpu.memref_squeeze %dma_wait3A_81 : memref<1x160x128xf32, #tpu.memory_space<vmem>> -> memref<160x128xf32, #tpu.memory_space<vmem>>
      %dma_wait3A_83 = arith.constant 0 : i32
      %dma_wait3A_84 = tpu.memref_slice %arg7[%mul3A_78, %dma_wait3A_83] : memref<100000x128xf32, #tpu.memory_space<hbm>> -> memref<160x128xf32, #tpu.memory_space<hbm>>
      %dma_wait3A_85 = arith.constant 0 : i32
      %dma_wait3A_86 = tpu.memref_slice %arg7[%mul3A_78, %dma_wait3A_85] : memref<100000x128xf32, #tpu.memory_space<hbm>> -> memref<160x128xf32, #tpu.memory_space<hbm>>
      %dma_wait3A_87 = arith.constant 0 : i32
      %dma_wait3A_88 = arith.constant 0 : i32
      %dma_wait3A_89 = tpu.memref_slice %arg10[%dma_wait3A, %dma_wait3A_87, %dma_wait3A_88] : memref<5x160x128xf32, #tpu.memory_space<vmem>> -> memref<1x160x128xf32, #tpu.memory_space<vmem>>
      %dma_wait3A_90 = tpu.memref_squeeze %dma_wait3A_89 : memref<1x160x128xf32, #tpu.memory_space<vmem>> -> memref<160x128xf32, #tpu.memory_space<vmem>>
      tpu.wait_dma2 semaphore(%arg30 : memref<!tpu.dma_semaphore, #tpu.memory_space<semaphore_mem>>) src(%dma_wait3A_90 : memref<160x128xf32, #tpu.memory_space<vmem>>) dst(%dma_wait3A_86 : memref<160x128xf32, #tpu.memory_space<hbm>>)
    } else {
    }
    %add3A_53 = arith.constant 576 : i32
    %add3A_54 = arith.addi %add3A_53, %add3A : i32
    %lt3A_55 = arith.constant 625 : i32
    %lt3A_56 = arith.cmpi slt, %add3A_54, %lt3A_55 : i32
    %add3A_57 = arith.constant 160 : i32
    %add3A_58 = arith.addi %add3A_54, %add3A_57 : i32
    %ge3A_59 = arith.constant 625 : i32
    %ge3A_60 = arith.cmpi sge, %add3A_58, %ge3A_59 : i32
    %and3A_61 = arith.andi %lt3A_56, %ge3A_60 : i1
    %convert_element_type3A_62 = arith.extui %and3A_61 : i1 to i32
    %cond3A_63 = arith.constant 0 : i32
    %cond3A_64 = arith.cmpi ne, %convert_element_type3A_62, %cond3A_63 : i32
    scf.if %cond3A_64 {
      %mul3A_77 = arith.constant 160 : i32
      %mul3A_78 = arith.muli %add3A_54, %mul3A_77 : i32
      %dma_wait3A = arith.constant 3 : i32
      %dma_wait3A_79 = arith.constant 0 : i32
      %dma_wait3A_80 = arith.constant 0 : i32
      %dma_wait3A_81 = tpu.memref_slice %arg10[%dma_wait3A, %dma_wait3A_79, %dma_wait3A_80] : memref<5x160x128xf32, #tpu.memory_space<vmem>> -> memref<1x160x128xf32, #tpu.memory_space<vmem>>
      %dma_wait3A_82 = tpu.memref_squeeze %dma_wait3A_81 : memref<1x160x128xf32, #tpu.memory_space<vmem>> -> memref<160x128xf32, #tpu.memory_space<vmem>>
      %dma_wait3A_83 = arith.constant 0 : i32
      %dma_wait3A_84 = tpu.memref_slice %arg7[%mul3A_78, %dma_wait3A_83] : memref<100000x128xf32, #tpu.memory_space<hbm>> -> memref<160x128xf32, #tpu.memory_space<hbm>>
      %dma_wait3A_85 = arith.constant 0 : i32
      %dma_wait3A_86 = tpu.memref_slice %arg7[%mul3A_78, %dma_wait3A_85] : memref<100000x128xf32, #tpu.memory_space<hbm>> -> memref<160x128xf32, #tpu.memory_space<hbm>>
      %dma_wait3A_87 = arith.constant 0 : i32
      %dma_wait3A_88 = arith.constant 0 : i32
      %dma_wait3A_89 = tpu.memref_slice %arg10[%dma_wait3A, %dma_wait3A_87, %dma_wait3A_88] : memref<5x160x128xf32, #tpu.memory_space<vmem>> -> memref<1x160x128xf32, #tpu.memory_space<vmem>>
      %dma_wait3A_90 = tpu.memref_squeeze %dma_wait3A_89 : memref<1x160x128xf32, #tpu.memory_space<vmem>> -> memref<160x128xf32, #tpu.memory_space<vmem>>
      tpu.wait_dma2 semaphore(%arg31 : memref<!tpu.dma_semaphore, #tpu.memory_space<semaphore_mem>>) src(%dma_wait3A_90 : memref<160x128xf32, #tpu.memory_space<vmem>>) dst(%dma_wait3A_86 : memref<160x128xf32, #tpu.memory_space<hbm>>)
    } else {
    }
    %add3A_65 = arith.constant 608 : i32
    %add3A_66 = arith.addi %add3A_65, %add3A : i32
    %lt3A_67 = arith.constant 625 : i32
    %lt3A_68 = arith.cmpi slt, %add3A_66, %lt3A_67 : i32
    %add3A_69 = arith.constant 160 : i32
    %add3A_70 = arith.addi %add3A_66, %add3A_69 : i32
    %ge3A_71 = arith.constant 625 : i32
    %ge3A_72 = arith.cmpi sge, %add3A_70, %ge3A_71 : i32
    %and3A_73 = arith.andi %lt3A_68, %ge3A_72 : i1
    %convert_element_type3A_74 = arith.extui %and3A_73 : i1 to i32
    %cond3A_75 = arith.constant 0 : i32
    %cond3A_76 = arith.cmpi ne, %convert_element_type3A_74, %cond3A_75 : i32
    scf.if %cond3A_76 {
      %mul3A_77 = arith.constant 160 : i32
      %mul3A_78 = arith.muli %add3A_66, %mul3A_77 : i32
      %dma_wait3A = arith.constant 4 : i32
      %dma_wait3A_79 = arith.constant 0 : i32
      %dma_wait3A_80 = arith.constant 0 : i32
      %dma_wait3A_81 = tpu.memref_slice %arg10[%dma_wait3A, %dma_wait3A_79, %dma_wait3A_80] : memref<5x160x128xf32, #tpu.memory_space<vmem>> -> memref<1x160x128xf32, #tpu.memory_space<vmem>>
      %dma_wait3A_82 = tpu.memref_squeeze %dma_wait3A_81 : memref<1x160x128xf32, #tpu.memory_space<vmem>> -> memref<160x128xf32, #tpu.memory_space<vmem>>
      %dma_wait3A_83 = arith.constant 0 : i32
      %dma_wait3A_84 = tpu.memref_slice %arg7[%mul3A_78, %dma_wait3A_83] : memref<100000x128xf32, #tpu.memory_space<hbm>> -> memref<160x128xf32, #tpu.memory_space<hbm>>
      %dma_wait3A_85 = arith.constant 0 : i32
      %dma_wait3A_86 = tpu.memref_slice %arg7[%mul3A_78, %dma_wait3A_85] : memref<100000x128xf32, #tpu.memory_space<hbm>> -> memref<160x128xf32, #tpu.memory_space<hbm>>
      %dma_wait3A_87 = arith.constant 0 : i32
      %dma_wait3A_88 = arith.constant 0 : i32
      %dma_wait3A_89 = tpu.memref_slice %arg10[%dma_wait3A, %dma_wait3A_87, %dma_wait3A_88] : memref<5x160x128xf32, #tpu.memory_space<vmem>> -> memref<1x160x128xf32, #tpu.memory_space<vmem>>
      %dma_wait3A_90 = tpu.memref_squeeze %dma_wait3A_89 : memref<1x160x128xf32, #tpu.memory_space<vmem>> -> memref<160x128xf32, #tpu.memory_space<vmem>>
      tpu.wait_dma2 semaphore(%arg32 : memref<!tpu.dma_semaphore, #tpu.memory_space<semaphore_mem>>) src(%dma_wait3A_90 : memref<160x128xf32, #tpu.memory_space<vmem>>) dst(%dma_wait3A_86 : memref<160x128xf32, #tpu.memory_space<hbm>>)
    } else {
    }
    return
  }
}

</mosaic_0001>

<sc_bundles>
// kernel: kernel.3.cloned.1.call-start
scs
__scs_entry_jumppad:
0x0: {  	(pc) =	sbr.rel $0x88, $3  }
0x1: {  	(tag) =	ssettag $0x0;
	lr =	simm.s32 $0x1  }
0x2: {  	[smem:$0x3F9C] =	sst lr;
	_ =	strace $0xD0000000  }
0x3: {  	_ = 	snop  }
0x4: {  	_ = 	snop  }
0x5: {  	_ = 	snop  }
0x6: {  	_ = 	snop  }
0x7: {  	_ = 	snop  }
__scs_overlays_trampoline_lowered:
0x8: {  	[smem:$0x3FAB] =	sst s0  }
0x9: {  	[smem:$0x3FAC] =	sst s1  }
0xa: {  	[smem:$0x3FAD] =	sst s2  }
0xb: {  	[smem:$0x3FAE] =	sst s3  }
0xc: {  	[smem:$0x3FAF] =	sst s4  }
0xd: {  	[smem:$0x3FB0] =	sst s5  }
0xe: {  	[smem:$0x3FB1] =	sst s6  }
0xf: {  	[smem:$0x3FB2] =	sst s7  }
0x10: {  	[smem:$0x3FB3] =	sst s8  }
0x11: {  	[smem:$0x3FB4] =	sst s9;
	s0 =	simm.s32 @!p0 $0x0  }
0x12: {  	s1 =	sld [smem:$0x3F9A];
	s0 =	simm.s32 @p0 $0x1  }
0x13: {  	[smem:$0x3FB5] =	sst s0;
	s0 =	simm.s32 @!p1 $0x0  }
0x14: {  	s2 =	sld [smem:$0x3F99];
	s0 =	simm.s32 @p1 $0x1  }
0x15: {  	[smem:$0x3FB6] =	sst s0;
	s0 =	simm.s32 @!p2 $0x0  }
0x16: {  	s3 =	sld [smem:$0x3FDB];
	s0 =	simm.s32 @p2 $0x1  }
0x17: {  	s4 =	simm.s32 $0x1BF5;
	[smem:$0x3FB8] =	sst s0  }
0x18: {  	s0 =	sld [smem:$0x3F9B];
	_ =	swait.ge [sflag:s4], $0x0  }
0x19: {  	s7 =	sld [smem:$0x3F9C]  }
0x1a: {  	s8 =	sadd.s32 $0xFFFFE003, lr  }
0x1b: {  	s9 =	sadd.s32 $0xFFFFFEF7, lr;
	s5 =	simm.s32 $0xFFFFFFFF;
	p2 =	slt.u32 s8, $0xFFFFF086  }
0x1c: {  	p1 =	slt.u32 s9, $0xF7A;
	s5 =	simm.s32 @!p2 $0x0  }
0x1d: {  	s5 =	simm.s32 @p1 $0x1;
	p0 =	seq.s32 s7, s2  }
0x1e: {  	s7 =	smul.u32 @!p0 $0xF7A, s2;
	p2 =	seq.s32 @!p0 s5, $0x0  }
0x1f: {  	s9 =	smul.u32 $0xF7A, s1;
	s8 =	simm.s32 @!p0 $0x1BF5;
	p2 =	por !p2, p0  }
0x20: {  	[sflag:s8] =	ssyncset.s32 @!p0 $0xFFFFF086;
	s6 =	sadd.s32 @!p0 s3, s7;
	s7 =	simm.s32 @!p0 $0x108  }
0x21: {  	s3 =	sadd.s32 s3, s9;
	s6 =	sadd.s32 @!p0 $0x88, s6;
	s7 =	simm.s32 @p2 $0x1082  }
0x22: {  	[simem:s7], [sflag:s8] =	dma.local @!p0 [hbm:s6], $0xF7A  }
0x23: {  	s9 =	sor.u32 $0xD0000000, s2;
	s6 =	simm.s32 $0x108;
	_ =	swait.ge @!p0 [sflag:s8], $0x0  }
0x24: {  	s3 =	sadd.s32 $0x88, s3;
	s6 =	simm.s32 @!p1 $0x1082;
	[sflag:s4] =	ssyncset.s32 $0xFFFFF086  }
0x25: {  	[simem:s6], [sflag:s4] =	dma.local [hbm:s3], $0xF7A  }
0x26: {  	[smem:$0x3F9C] =	sst s1;
	(tag) =	ssettag s2;
	_ =	strace s9  }
0x27: {  	s1 =	sld [smem:$0x3FAC]  }
0x28: {  	s2 =	sld [smem:$0x3FAD]  }
0x29: {  	s4 =	sld [smem:$0x3FAF]  }
0x2a: {  	p0 =	seq.s32 s5, $0x0;
	s5 =	sld [smem:$0x3FB0]  }
0x2b: {  	s6 =	sld [smem:$0x3FB1]  }
0x2c: {  	s7 =	sld [smem:$0x3FB2]  }
0x2d: {  	s3 =	simm.s32 $0x108;
	s8 =	sld [smem:$0x3FB3]  }
0x2e: {  	s3 =	simm.s32 @!p0 $0x1082;
	s9 =	sld [smem:$0x3FB4]  }
0x2f: {  	lr =	sadd.s32 s0, s3;
	s0 =	sld [smem:$0x3FAB]  }
0x30: {  	s3 =	sld [smem:$0x3FAE]  }
0x31: {  	[smem:$0x3FB7] =	sst s10  }
0x32: {  	s10 =	sld [smem:$0x3FB5];
	_ =	sdelay $0x3  }
0x33: {  	p0 =	seq.s32 s10, $0x1;
	s10 =	sld [smem:$0x3FB7];
	_ =	sdelay $0x3  }
0x34: {  	[smem:$0x3FB7] =	sst s10  }
0x35: {  	s10 =	sld [smem:$0x3FB6];
	_ =	sdelay $0x3  }
0x36: {  	p1 =	seq.s32 s10, $0x1;
	s10 =	sld [smem:$0x3FB7];
	_ =	sdelay $0x3  }
0x37: {  	[smem:$0x3FB7] =	sst s10  }
0x38: {  	s10 =	sld [smem:$0x3FB8]  }
0x39: {  	_ = 	snop;
	(pc) =	sbr.ind lr, $3  }
0x3a: {  	_ = 	snop  }
0x3b: {  	_ = 	snop  }
0x3c: {  	p2 =	seq.s32 s10, $0x1;
	s10 =	sld [smem:$0x3FB7]  }
0x3d: {  	_ =	shalt  }
0x3e: {  	_ =	shalt  }
0x3f: {  	_ =	shalt  }
0x40: {  	_ =	shalt  }
0x41: {  	_ =	shalt  }
0x42: {  	_ =	shalt  }
0x43: {  	_ =	shalt  }
0x44: {  	_ =	shalt  }
0x45: {  	_ =	shalt  }
0x46: {  	_ =	shalt  }
0x47: {  	_ =	shalt  }
0x48: {  	_ =	shalt  }
0x49: {  	_ =	shalt  }
0x4a: {  	_ =	shalt  }
0x4b: {  	_ =	shalt  }
0x4c: {  	_ =	shalt  }
0x4d: {  	_ =	shalt  }
0x4e: {  	_ =	shalt  }
0x4f: {  	_ =	shalt  }
0x50: {  	_ =	shalt  }
0x51: {  	_ =	shalt  }
0x52: {  	_ =	shalt  }
0x53: {  	_ =	shalt  }
0x54: {  	_ =	shalt  }
0x55: {  	_ =	shalt  }
0x56: {  	_ =	shalt  }
0x57: {  	_ =	shalt  }
0x58: {  	_ =	shalt  }
0x59: {  	_ =	shalt  }
0x5a: {  	_ =	shalt  }
0x5b: {  	_ =	shalt  }
0x5c: {  	_ =	shalt  }
0x5d: {  	_ =	shalt  }
0x5e: {  	_ =	shalt  }
0x5f: {  	_ =	shalt  }
0x60: {  	_ =	shalt  }
0x61: {  	_ =	shalt  }
0x62: {  	_ =	shalt  }
0x63: {  	_ =	shalt  }
0x64: {  	_ =	shalt  }
0x65: {  	_ =	shalt  }
0x66: {  	_ =	shalt  }
0x67: {  	_ =	shalt  }
0x68: {  	_ =	shalt  }
0x69: {  	_ =	shalt  }
0x6a: {  	_ =	shalt  }
0x6b: {  	_ =	shalt  }
0x6c: {  	_ =	shalt  }
0x6d: {  	_ =	shalt  }
0x6e: {  	_ =	shalt  }
0x6f: {  	_ =	shalt  }
0x70: {  	_ =	shalt  }
0x71: {  	_ =	shalt  }
0x72: {  	_ =	shalt  }
0x73: {  	_ =	shalt  }
0x74: {  	_ =	shalt  }
0x75: {  	_ =	shalt  }
0x76: {  	_ =	shalt  }
0x77: {  	_ =	shalt  }
0x78: {  	_ =	shalt  }
0x79: {  	_ =	shalt  }
0x7a: {  	_ =	shalt  }
0x7b: {  	_ =	shalt  }
0x7c: {  	_ =	shalt  }
0x7d: {  	_ =	shalt  }
0x7e: {  	_ =	shalt  }
0x7f: {  	_ =	shalt  }
0x80: {  	_ =	shalt  }
0x81: {  	_ =	shalt  }
0x82: {  	_ =	shalt  }
0x83: {  	_ =	shalt  }
0x84: {  	_ =	shalt  }
0x85: {  	_ =	shalt  }
0x86: {  	_ =	shalt  }
0x87: {  	_ =	shalt  }
.Lfunc_end0:
.L_simem_size_0:
called_computation_lowered:
.L_overlay_start_0:
0x88: {  	s2 =	sld [smem:$0x3FD9]  }
0x89: {  	s3 =	sld [smem:$0x3FFE];
	_ =	sdelay $0x1  }
0x8a: {  	s1 =	srdreg.scid  }
0x8b: {  	s0 =	sand.u32 $0x1, s1  }
0x8c: {  	s18 =	sshll.u32 s0, $0xA;
	s2 =	sadd.s32 s3, s2  }
0x8d: {  	s2 =	sadd.s32 s2, s18  }
0x8e: {  	[smem:$0x3FC3] =	sst s2  }
0x8f: {  	_ = 	snop  }
0x90: {  	s2 =	sld [smem:$0x3FC9]  }
0x91: {  	s19 =	sld [smem:$0x3FC8]  }
0x92: {  	s4 =	sld [smem:$0x3FC7]  }
0x93: {  	s5 =	sld [smem:$0x3FC6]  }
0x94: {  	s6 =	sld [smem:$0x3FC5]  }
0x95: {  	s7 =	sld [smem:$0x3FD0];
	(tm) =	ssettm $0x1  }
0x96: {  	s8 =	sld [smem:$0x3FFB];
	_ =	sdelay $0x3  }
0x97: {  	_ =	strace s8  }
0x98: {  	s8 =	sld [smem:$0x3FFC];
	_ =	sdelay $0x3  }
0x99: {  	_ =	strace s8  }
0x9a: {  	s8 =	sld [smem:$0x3FFD];
	_ =	sdelay $0x3  }
0x9b: {  	_ =	strace s8  }
0x9c: {  	_ =	strace $0x8FFFFFFF  }
0x9d: {  	s20 =	sld [smem:$0x3FDB];
	_ =	sdelay $0x1  }
0x9e: {  	s9 =	simm.s32 $_scs_section_size  }
0x9f: {  	s10 =	simm.s32 $_size__tile_overlayer_lowered;
	s11 =	simm.s32 $_tile_overlayer_lowered  }
0xa0: {  	s23 =	simm.s32 $0x1BFF;
	s22 =	sshll.u32 s11, $0x1;
	s8 =	sadd.s32 s9, s20  }
0xa1: {  	s12 =	simm.s32 $0x0;
	s21 =	sshll.u32 s10, $0x1;
	s10 =	sadd.s32 s22, s8  }
0xa2: {  	[timem:s12], [sflag:s23] =	dma.local [hbm:s10], s21  }
0xa3: {  	_ =	swait.ge [sflag:s23], s21  }
0xa4: {  	s9 =	ssub.s32 $0x0, s21;
	[sflag:s23] =	ssyncset.done $0x0  }
0xa5: {  	[sflag:s23] =	ssyncadd.s32 s9;
	_ =	sdelay $0x1  }
0xa6: {  	s24 =	simm.s32 $0x1B8B  }
0xa7: {  	_ =	swait.ge [sflag:s24], $0x1  }
0xa8: {  	[sflag:s24] =	ssyncset.done $0x0  }
0xa9: {  	s25 =	simm.s32 $0x1B8E;
	[sflag:s24] =	ssyncadd.s32 $0xFFFFFFFF  }
0xaa: {  	s26 =	simm.s32 $execute0_lowered;
	[smem:$0x3FD2] =	sst s25  }
0xab: {  	s9 =	sshll.u32 s26, $0x1;
	_ =	strace $0x80000046;
	[dreg:$0x1] =	wrdreg $0xFFFFFFFF  }
0xac: {  	s28 =	simm.s32 $_size_execute0_lowered;
	s8 =	sadd.s32 s8, s9;
	[dreg:$0x0] =	wrdreg $0x0  }
0xad: {  	s9 =	sshll.u32 s28, $0x1;
	[dreg:$0x2] =	wrdreg s8  }
0xae: {  	[dreg:$0x3] =	wrdreg s9  }
0xaf: {  	[dreg:$0x4] =	wrdreg $0xC0  }
0xb0: {  	_ =	task [dreg:s12], $0x5FFFF  }
0xb1: {  	[dreg:$0x1] =	wrdreg $0xFFFFFFFF  }
0xb2: {  	[dreg:$0x0] =	wrdreg $0x60  }
0xb3: {  	[dreg:$0x2] =	wrdreg s2  }
0xb4: {  	[dreg:$0x3] =	wrdreg s19  }
0xb5: {  	[dreg:$0x4] =	wrdreg s4  }
0xb6: {  	[dreg:$0x5] =	wrdreg s5  }
0xb7: {  	[dreg:$0x6] =	wrdreg s6  }
0xb8: {  	[dreg:$0x7] =	wrdreg s7  }
0xb9: {  	[dreg:$0x8] =	wrdreg $0x19A000  }
0xba: {  	[dreg:$0x9] =	wrdreg $0x1AA000  }
0xbb: {  	[dreg:$0xa] =	wrdreg $0x9  }
0xbc: {  	_ =	task.clear_ibuf [dreg:s12], $0xBFFFF;
	_ =	strace $0x90000046  }
0xbd: {  	s29 =	simm.s32 $0x9;
	_ =	strace $0x80000048  }
0xbe: {  	_ =	swait.ge [sflag:s29], $0x1  }
0xbf: {  	[sflag:s29] =	ssyncadd.s32 $0xFFFFFFFF  }
0xc0: {  	_ =	strace $0x90000048  }
0xc1: {  	_ =	sfence  }
0xc2: {  	s30 =	sld [smem:$0x0];
	_ =	sdelay $0x2  }
0xc3: {  	s31 =	sshll.u32 s1, $0xD;
	s1 =	sshrl.u32 s1, $0x2  }
0xc4: {  	s3 =	sand.u32 $0x4000, s31;
	s1 =	sadd.s32 s1, s30  }
0xc5: {  	s0 =	sor.u32 s3, s0;
	s1 =	sshll.u32 s1, $0x11  }
0xc6: {  	s0 =	sor.u32 s1, s0  }
0xc7: {  	s0 =	sadd.s32 $0x8F2B, s0  }
0xc8: {  	[sflag:s0] =	ssyncadd.remote.s32 $0x1  }
0xc9: {  	_ =	sfence.sel $0xFFFF  }
0xca: {  	[dreg:$0x0] =	wrdreg $0xFFFFFFFF;
	(pc) =	sbr.abs _section_cstart, $3  }
0xcb: {  	[dreg:$0x1] =	wrdreg $0xFFFFFFFF  }
0xcc: {  	_ =	task.clear_ibuf [dreg:s12], $0x2FFFF;
	_ =	strace $0x9FFFFFFF  }
0xcd: {  	(tm) =	ssettm $0x7FFFFFFF  }
tec
execute0_lowered:
.L_overlay_start_1:
0x0: {  	(tag) =	ssettag $0x1  }
0x1: {  	s16 =	rddreg [dreg:$0x0]  }
0x2: {  	s1 =	rddreg [dreg:$0x1]  }
0x3: {  	s2 =	rddreg [dreg:$0x2]  }
0x4: {  	s6 =	rddreg [dreg:$0x5];
	s3 =	stileid.u32  }
0x5: {  	s7 =	rddreg [dreg:$0x6];
	s4 =	smul.u32 $0x28, s3  }
0x6: {  	s8 =	rddreg [dreg:$0x7];
	s14 =	smul.u32 $0x140, s3  }
0x7: {  	s9 =	simm.s32 $0x0;
	s0 =	srdreg.scid;
	s15 =	smul.u32 $0x1400, s3  }
0x8: {  	s29 =	simm.s32 $0xA;
	s0 =	sand.u32 $0x1, s0;
	s18 =	smul.u32 $0xA000, s3  }
0x9: {  	s31 =	simm.s32 $0x50;
	[smem:$0x7FF] =	sst s9;
	s10 =	smul.u32 $0x14, s0  }
0xa: {  	s12 =	sshll.u32 s3, $0x1;
	p0 =	sne.s32 s3, $0x0;
	s24 =	smul.u32 $0xA0, s0  }
0xb: {  	_ =	strace $0x80000047;
	s5 =	ssub.s32 $0x2, s0;
	s19 =	smul.u32 $0x5000, s0  }
0xc: {  	s11 =	sshrl.u32 s5, $0x1;
	s26 =	sadd.s32 s4, s2;
	s4 =	sadd.s32 s4, s1  }
0xd: {  	s20 =	sadd.s32 s15, s16;
	s5 =	ssub.s32 s5, s11;
	s11 =	sor.u32 s0, s12  }
0xe: {  	s30 =	sadd.s32 s24, s14;
	s14 =	sadd.s32 s10, s4;
	[dreg:$0xe] =	wrdreg s20  }
0xf: {  	s20 =	simm.s32 $0xD;
	s13 =	sor.u32 $0x20, s11;
	s25 =	sor.u32 $0x40, s11  }
0x10: {  	s5 =	smax.u32 s5, $0x1;
	s12 =	sadd.s32 $0x5050, s30;
	s21 =	sadd.s32 $0x3C50, s30  }
0x11: {  	s22 =	sor.u32 $0x80, s11;
	p1 =	slt.u32 s11, $0x11;
	[dreg:$0x9] =	wrdreg s13  }
0x12: {  	p2 =	sgt.u32 s11, $0x10;
	s24 =	sadd.s32 $0x50, s30;
	[dreg:$0xa] =	wrdreg s25  }
0x13: {  	[dreg:$0xb] =	wrdreg s5;
	s13 =	sadd.s32 s10, s26;
	s17 =	sshrl.u32 s12, $0x3  }
0x14: {  	[dreg:$0x10] =	wrdreg s22;
	s25 =	sadd.s32 s15, s6;
	s26 =	sshrl.u32 s30, $0x3  }
0x15: {  	s10 =	simm.s32 $0x0;
	s12 =	sadd.s32 s17, s2;
	s4 =	sadd.s32 s17, s1  }
0x16: {  	s17 =	smul.u32 $0xA00, s0;
	s0 =	sshrl.u32 s21, $0x3;
	[dreg:$0x13] =	wrdreg s25  }
0x17: {  	s30 =	sadd.s32 s26, s2;
	s3 =	sadd.s32 s26, s1;
	[dreg:$0xc] =	wrdreg s12  }
0x18: {  	s25 =	simm.s32 $0xFA00;
	[dreg:$0xd] =	wrdreg s4;
	s4 =	sadd.s32 s19, s18  }
0x19: {  	s23 =	sadd.s32 s0, s2;
	s0 =	sadd.s32 s0, s1;
	[dreg:$0x14] =	wrdreg s30  }
0x1a: {  	[dreg:$0x15] =	wrdreg s3;
	s18 =	simm.s32 $0x6;
	s19 =	simm.s32 $0xE  }
.Ltmp0:
0x1b: {  	s3 =	simm.s32 $0x8;
	[dreg:$0xf] =	wrdreg s4;
	(pc) =	sbr.rel .LBB2_1-.Ltmp0, $4  }
0x1c: {  	s12 =	simm.s32 $0x9;
	[dreg:$0x12] =	wrdreg s0;
	s0 =	simm.s32 @!p1 $0x0  }
0x1d: {  	[dreg:$0x11] =	wrdreg s23;
	s23 =	simm.s32 $0xAA00;
	s0 =	simm.s32 @p1 $0x1  }
0x1e: {  	s4 =	simm.s32 $0x7;
	[smem:$0x7FD] =	sst s0;
	s0 =	sshrl.u32 s24, $0x3  }
0x1f: {  	s24 =	simm.s32 $0x5A00;
	s26 =	sadd.s32 s0, s2;
	s28 =	sadd.s32 s0, s1  }
.LBB2_21:
0x20: {  	s0 =	sld [smem:$0x7FD];
	_ =	sdelay $0x2  }
0x21: {  	p1 =	seq.s32 s0, $0x1  }
0x22: {  	s0 =	simm.s32 @!p1 $0x14  }
0x23: {  	_ =	swait.ge @!p1 [sflag:s0], $0x5000  }
0x24: {  	[sflag:s0] =	ssyncset.done @!p1 $0x0  }
0x25: {  	s16 =	simm.s32 $0x10;
	[sflag:s0] =	ssyncadd.s32 @!p1 $0xFFFFB000  }
0x26: {  	_ =	swait.ge [sflag:s16], $0x5000  }
0x27: {  	[sflag:s16] =	ssyncset.done $0x0  }
0x28: {  	s21 =	simm.s32 $0x11;
	[sflag:s16] =	ssyncadd.s32 $0xFFFFB000  }
0x29: {  	_ =	swait.ge [sflag:s21], $0x5000  }
0x2a: {  	[sflag:s21] =	ssyncset.done $0x0  }
0x2b: {  	s22 =	simm.s32 $0x12;
	[sflag:s21] =	ssyncadd.s32 $0xFFFFB000  }
0x2c: {  	_ =	swait.ge [sflag:s22], $0x5000  }
0x2d: {  	[sflag:s22] =	ssyncset.done $0x0  }
0x2e: {  	s30 =	simm.s32 $0x13;
	[sflag:s22] =	ssyncadd.s32 $0xFFFFB000  }
0x2f: {  	_ =	swait.ge [sflag:s30], $0x5000  }
0x30: {  	[sflag:s30] =	ssyncset.done $0x0  }
0x31: {  	s0 =	simm.s32 @!p2 $0x14;
	[sflag:s30] =	ssyncadd.s32 $0xFFFFB000  }
0x32: {  	_ =	swait.ge @!p2 [sflag:s0], $0x5000  }
0x33: {  	s10 =	rddreg [dreg:$0x16]  }
0x34: {  	s5 =	rddreg [dreg:$0xb];
	s10 =	sadd.s32 $0x1, s10  }
0x35: {  	p1 =	sne.s32 s10, s5  }
.Ltmp1:
0x36: {  	_ = 	snop;
	(pc) =	sbr.rel @!p1 .LBB2_22-.Ltmp1, $3  }
0x37: {  	_ =	sdelay $0x1  }
0x38: {  	[sflag:s0] =	ssyncset.done @!p2 $0x0  }
0x39: {  	[sflag:s0] =	ssyncadd.s32 @!p2 $0xFFFFB000  }
.LBB2_1:
0x3a: {  	[dreg:$0x16] =	wrdreg s10  }
0x3b: {  	s0 =	sshrl.u32 @!p0 s7, $0x3;
	s5 =	simm.s32 @!p0 $0x1C15;
	s10 =	rddreg [dreg:$0x3]  }
0x3c: {  	[spmem:s0], [sflag:s5] =	dma.local @!p0 [hbm:s10], $0x2000  }
0x3d: {  	s0 =	simm.s32 @!p0 $0x15  }
0x3e: {  	_ =	swait.ge @!p0 [sflag:s0], $0x2000  }
0x3f: {  	[sflag:s0] =	ssyncset.done @!p0 $0x0  }
0x40: {  	[sflag:s0] =	ssyncadd.s32 @!p0 $0xFFFFE000  }
0x41: {  	s10 =	sshrl.u32 @!p0 s8, $0x3;
	s11 =	rddreg [dreg:$0x4]  }
0x42: {  	[spmem:s10], [sflag:s5] =	dma.local @!p0 [hbm:s11], $0x2000  }
0x43: {  	_ =	swait.ge @!p0 [sflag:s0], $0x2000  }
0x44: {  	[sflag:s0] =	ssyncset.done @!p0 $0x0  }
0x45: {  	[sflag:s0] =	ssyncadd.s32 @!p0 $0xFFFFE000  }
.Ltmp2:
0x46: {  	[bflag:$0x0] =	sbarrier.arrive $0xFFFF;
	(pc) =	sbr.rel .LBB2_2-.Ltmp2, $4  }
0x47: {  	s30 =	rddreg [dreg:$0x13]  }
0x48: {  	s0 =	rddreg [dreg:$0xf]  }
0x49: {  	s5 =	rddreg [dreg:$0x10]  }
0x4a: {  	s11 =	simm.s32 $0x0;
	s10 =	rddreg [dreg:$0xe]  }
.LBB2_20:
0x4b: {  	s16 =	simm.s32 @p4 $0xC  }
0x4c: {  	_ =	swait.ge @p4 [sflag:s16], $0x2800  }
0x4d: {  	[sflag:s16] =	ssyncset.done @p4 $0x0  }
0x4e: {  	[sflag:s16] =	ssyncadd.s32 @p4 $0xFFFFD800  }
0x4f: {  	_ =	swait.ge @p4 [sflag:s16], $0x2800  }
0x50: {  	[sflag:s16] =	ssyncset.done @p4 $0x0  }
0x51: {  	[sflag:s16] =	ssyncadd.s32 @p4 $0xFFFFD800  }
0x52: {  	s11 =	sadd.s32 $0xC80, s11;
	_ =	swait.ge @p4 [sflag:s16], $0x2800  }
0x53: {  	s15 =	smul.u32 @p4 $0xA00, s15;
	p1 =	sne.s32 s11, $0x3E80;
	[sflag:s16] =	ssyncset.done @p4 $0x0  }
.Ltmp3:
0x54: {  	s21 =	simm.s32 @p4 $0x5A00;
	[sflag:s16] =	ssyncadd.s32 @p4 $0xFFFFD800;
	(pc) =	sbr.rel @!p1 .LBB2_21-.Ltmp3, $4  }
0x55: {  	s10 =	sadd.s32 $0x64000, s10;
	s5 =	sadd.s32 $0xA0, s5;
	_ =	swait.ge @p4 [sflag:s16], $0x2800  }
0x56: {  	s0 =	sadd.s32 $0x320000, s0;
	s30 =	sadd.s32 $0x64000, s30;
	[sflag:s16] =	ssyncset.done @p4 $0x0  }
0x57: {  	s15 =	sadd.s32 @p4 s6, s15;
	[sflag:s16] =	ssyncadd.s32 @p4 $0xFFFFD800;
	s16 =	simm.s32 @p4 $0x0  }
0x58: {  	[hbm4b:s15+s16] =	stream.linear.scatter @p4 [tilespmem:s21], [sflag:$0x11], $0x5000, $0x38;
	[tilespmem:$0x1BA00] =	vst v63  }
.LBB2_2:
0x59: {  	s15 =	sadd.s32 $0xFFFFFF80, s5  }
0x5a: {  	p3 =	sgt.u32 s15, $0x270  }
0x5b: {  	p4 =	seq.s32 @!p3 s11, $0x0  }
0x5c: {  	p4 =	por p4, p3  }
0x5d: {  	s15 =	simm.s32 @!p4 $0x10  }
0x5e: {  	_ =	swait.ge @!p4 [sflag:s15], $0x5000  }
0x5f: {  	s16 =	simm.s32 @!p3 $0x0;
	[sflag:s15] =	ssyncset.done @!p4 $0x0  }
0x60: {  	s21 =	simm.s32 @!p3 $0xA00;
	[sflag:s15] =	ssyncadd.s32 @!p4 $0xFFFFB000;
	s15 =	sadd.s32 @!p3 s10, s17  }
0x61: {  	[tilespmem:s21], [sflag:$0x1] =	stream.linear.gather @!p3 [hbm4b:s15+s16], $0x5000, $0x38;
	[tilespmem:$0x1BA00] =	vst v63  }
0x62: {  	s22 =	sadd.s32 $0xFFFFFF60, s5;
	s15 =	rddreg [dreg:$0x15]  }
0x63: {  	p6 =	sne.s32 s11, $0x0;
	p5 =	slt.s32 s22, $0x271;
	s15 =	sadd.s32 @!p3 s11, s15  }
0x64: {  	[tilespmem:s16], [sflag:$0x6] =	stream.linear.gather @!p3 [hbm4b:s15+s16], $0x50, $0x38;
	[tilespmem:$0x1BA00] =	vst v63  }
0x65: {  	p4 =	por !p6, !p5;
	s15 =	rddreg [dreg:$0x14]  }
0x66: {  	s21 =	simm.s32 @!p3 $0x500;
	p5 =	por !p4, !p4;
	s15 =	sadd.s32 @!p3 s11, s15  }
0x67: {  	[tilespmem:s21], [sflag:$0x6] =	stream.linear.gather @!p3 [hbm4b:s15+s16], $0x50, $0x38;
	[tilespmem:$0x1BA00] =	vst v63  }
.Ltmp4:
0x68: {  	_ = 	snop;
	(pc) =	sbr.rel @!p5 .LBB2_4-.Ltmp4, $4  }
0x69: {  	s15 =	sadd.s32 @!p3 s11, s28;
	s21 =	simm.s32 @!p3 $0x80  }
0x6a: {  	[tilespmem:s21], [sflag:$0x6] =	stream.linear.gather @!p3 [hbm4b:s15+s16], $0x50, $0x38;
	[tilespmem:$0x1BA00] =	vst v63  }
0x6b: {  	s15 =	sadd.s32 @!p3 s11, s26;
	s21 =	simm.s32 @!p3 $0x580  }
0x6c: {  	[tilespmem:s21], [sflag:$0x6] =	stream.linear.gather @!p3 [hbm4b:s15+s16], $0x50, $0x38;
	[tilespmem:$0x1BA00] =	vst v63  }
0x6d: {  	_ =	swait.ge [sflag:s29], $0x50  }
0x6e: {  	[sflag:s29] =	ssyncset.done $0x0  }
0x6f: {  	[sflag:s29] =	ssyncadd.s32 $0xFFFFFFB0  }
0x70: {  	_ =	swait.ge [sflag:s29], $0x50  }
0x71: {  	[sflag:s29] =	ssyncset.done $0x0  }
0x72: {  	[sflag:s29] =	ssyncadd.s32 $0xFFFFFFB0  }
0x73: {  	_ =	swait.ge [sflag:s29], $0x50  }
0x74: {  	[sflag:s29] =	ssyncset.done $0x0  }
0x75: {  	[sflag:s29] =	ssyncadd.s32 $0xFFFFFFB0  }
0x76: {  	_ =	swait.ge [sflag:s29], $0x50  }
0x77: {  	[sflag:s29] =	ssyncset.done $0x0  }
0x78: {  	[sflag:s29] =	ssyncadd.s32 $0xFFFFFFB0  }
0x79: {  	v0 =	vld [tilespmem:$0x400]  }
0x7a: {  	v1 =	vld [tilespmem:$0x900]  }
0x7b: {  	v2 =	vld [tilespmem:$0x410]  }
0x7c: {  	v3 =	vld [tilespmem:$0x910]  }
0x7d: {  	v4 =	vld [tilespmem:$0x420]  }
0x7e: {  	v5 =	vld [tilespmem:$0x920];
	vm0 =	vlt.s32 v0, $0x1FF  }
0x7f: {  	v6 =	vld [tilespmem:$0x430];
	vm9 =	vlt.s32 v1, $0x1FF;
	v0 =	vnsel vm0, $0x1FF, v0  }
0x80: {  	v33 =	vld [tilespmem:$0x930];
	vm10 =	vlt.s32 v2, $0x1FF;
	v32 =	vnsel vm9, $0x1FF, v1;
	[tilespmem:$0x400] =	vst v0  }
0x81: {  	v35 =	vld [tilespmem:$0x440];
	vm11 =	vlt.s32 v3, $0x1FF;
	v34 =	vnsel vm10, $0x1FF, v2;
	[tilespmem:$0x900] =	vst v32  }
0x82: {  	v37 =	vld [tilespmem:$0x940];
	vm12 =	vlt.s32 v4, $0x1FF;
	v36 =	vnsel vm11, $0x1FF, v3;
	[tilespmem:$0x410] =	vst v34  }
0x83: {  	v39 =	vld [tilespmem:$0x480];
	vm13 =	vlt.s32 v5, $0x1FF;
	v38 =	vnsel vm12, $0x1FF, v4;
	[tilespmem:$0x910] =	vst v36  }
0x84: {  	v41 =	vld [tilespmem:$0x980];
	vm14 =	vlt.s32 v6, $0x1FF;
	v40 =	vnsel vm13, $0x1FF, v5;
	[tilespmem:$0x420] =	vst v38  }
0x85: {  	v43 =	vld [tilespmem:$0x490];
	vm15 =	vlt.s32 v33, $0x1FF;
	v42 =	vnsel vm14, $0x1FF, v6;
	[tilespmem:$0x920] =	vst v40  }
0x86: {  	v45 =	vld [tilespmem:$0x990];
	vm4 =	vlt.s32 v35, $0x1FF;
	v44 =	vnsel vm15, $0x1FF, v33;
	[tilespmem:$0x430] =	vst v42  }
0x87: {  	v47 =	vld [tilespmem:$0x4A0];
	vm5 =	vlt.s32 v37, $0x1FF;
	v46 =	vnsel vm4, $0x1FF, v35;
	[tilespmem:$0x930] =	vst v44  }
0x88: {  	v49 =	vld [tilespmem:$0x9A0];
	vm6 =	vlt.s32 v39, $0x1FF;
	v48 =	vnsel vm5, $0x1FF, v37;
	[tilespmem:$0x440] =	vst v46  }
0x89: {  	v51 =	vld [tilespmem:$0x4B0];
	vm7 =	vlt.s32 v41, $0x1FF;
	v50 =	vnsel vm6, $0x1FF, v39;
	[tilespmem:$0x940] =	vst v48  }
0x8a: {  	v53 =	vld [tilespmem:$0x9B0];
	vm8 =	vlt.s32 v43, $0x1FF;
	v52 =	vnsel vm7, $0x1FF, v41;
	[tilespmem:$0x480] =	vst v50  }
0x8b: {  	v55 =	vld [tilespmem:$0x4C0];
	v54 =	vnsel vm8, $0x1FF, v43;
	vm9 =	vlt.s32 v45, $0x1FF;
	[tilespmem:$0x980] =	vst v52  }
0x8c: {  	v57 =	vld [tilespmem:$0x9C0];
	vm10 =	vlt.s32 v47, $0x1FF;
	[tilespmem:$0x490] =	vst v54;
	v56 =	vnsel vm9, $0x1FF, v45  }
0x8d: {  	vm11 =	vlt.s32 v49, $0x1FF;
	v58 =	vnsel vm10, $0x1FF, v47;
	[tilespmem:$0x990] =	vst v56  }
0x8e: {  	vm12 =	vlt.s32 v51, $0x1FF;
	v59 =	vnsel vm11, $0x1FF, v49;
	[tilespmem:$0x4A0] =	vst v58  }
0x8f: {  	vm13 =	vlt.s32 v53, $0x1FF;
	v60 =	vnsel vm12, $0x1FF, v51;
	[tilespmem:$0x9A0] =	vst v59  }
0x90: {  	vm14 =	vlt.s32 v55, $0x1FF;
	v61 =	vnsel vm13, $0x1FF, v53;
	[tilespmem:$0x4B0] =	vst v60  }
0x91: {  	vm15 =	vlt.s32 v57, $0x1FF;
	v62 =	vnsel vm14, $0x1FF, v55;
	[tilespmem:$0x9B0] =	vst v61  }
0x92: {  	v63 =	vnsel vm15, $0x1FF, v57;
	[tilespmem:$0x4C0] =	vst v62  }
0x93: {  	s15 =	simm.s32 $0x5;
	[tilespmem:$0x9C0] =	vst v63  }
0x94: {  	_ =	swait.ge [sflag:s15], $0x5000  }
0x95: {  	[sflag:s15] =	ssyncset.done $0x0  }
0x96: {  	s21 =	simm.s32 $0x400;
	s16 =	simm.s32 $0x14A00;
	[sflag:s15] =	ssyncadd.s32 $0xFFFFB000  }
0x97: {  	[tilespmem:s16], [sflag:$0xF] =	stream.indirect.gather.add.f32 [spmem:s7], $0x80, s21, s31, $0xb8;
	[tilespmem:$0x1BA00] =	vst v63  }
0x98: {  	s22 =	simm.s32 $0x900  }
0x99: {  	[tilespmem:s16], [sflag:$0xF] =	stream.indirect.gather.add.f32 [spmem:s8], $0x80, s22, s31, $0xb8;
	[tilespmem:$0x1BA00] =	vst v63  }
.Ltmp5:
0x9a: {  	_ = 	snop;
	(pc) =	sbr.rel .LBB2_5-.Ltmp5, $4  }
0x9b: {  	s21 =	simm.s32 $0x17200;
	s16 =	simm.s32 $0x480  }
0x9c: {  	[tilespmem:s21], [sflag:$0xF] =	stream.indirect.gather.add.f32 [spmem:s7], $0x80, s16, s31, $0xb8;
	[tilespmem:$0x1BA00] =	vst v63  }
0x9d: {  	s22 =	simm.s32 $0x980  }
0x9e: {  	[tilespmem:s21], [sflag:$0xF] =	stream.indirect.gather.add.f32 [spmem:s8], $0x80, s22, s31, $0xb8;
	[tilespmem:$0x1BA00] =	vst v63  }
.LBB2_4:
0x9f: {  	p4 =	seq.s32 s11, $0x0  }
.Ltmp6:
0xa0: {  	_ = 	snop;
	(pc) =	sbr.rel @p4 .LBB2_7-.Ltmp6, $2  }
0xa1: {  	_ =	sdelay $0x2  }
0xa2: {  	s15 =	rddreg [dreg:$0x9]  }
.LBB2_5:
0xa3: {  	_ =	swait.ge [sflag:s20], $0x2800  }
0xa4: {  	[sflag:s20] =	ssyncset.done $0x0  }
0xa5: {  	[sflag:s20] =	ssyncadd.s32 $0xFFFFD800  }
0xa6: {  	_ =	swait.ge [sflag:s20], $0x2800  }
0xa7: {  	[sflag:s20] =	ssyncset.done $0x0  }
0xa8: {  	[sflag:s20] =	ssyncadd.s32 $0xFFFFD800  }
0xa9: {  	_ =	swait.ge [sflag:s20], $0x2800  }
0xaa: {  	[sflag:s20] =	ssyncset.done $0x0  }
0xab: {  	[sflag:s20] =	ssyncadd.s32 $0xFFFFD800  }
0xac: {  	s15 =	sadd.s32 $0xFFE20000, s0;
	_ =	swait.ge [sflag:s20], $0x2800  }
0xad: {  	s15 =	sshrl.u32 s15, $0x3;
	[sflag:s20] =	ssyncset.done $0x0  }
0xae: {  	s15 =	sadd.s32 s6, s15;
	[sflag:s20] =	ssyncadd.s32 $0xFFFFD800  }
0xaf: {  	[hbm4b:s15+s9] =	stream.linear.scatter [tilespmem:s23], [sflag:$0x12], $0x5000, $0x38;
	[tilespmem:$0x1BA00] =	vst v63  }
0xb0: {  	s15 =	sadd.s32 $0xFFFFFFA0, s5  }
0xb1: {  	p6 =	sgt.u32 s15, $0x270  }
.Ltmp7:
0xb2: {  	_ = 	snop;
	(pc) =	sbr.rel @p6 .LBB2_8-.Ltmp7, $2  }
0xb3: {  	_ =	sdelay $0x2  }
0xb4: {  	p4 =	por $0x0, $0x0  }
0xb5: {  	s16 =	simm.s32 $0x11  }
0xb6: {  	_ =	swait.ge [sflag:s16], $0x5000  }
0xb7: {  	[sflag:s16] =	ssyncset.done $0x0  }
0xb8: {  	[sflag:s16] =	ssyncadd.s32 $0xFFFFB000  }
.LBB2_7:
0xb9: {  	s16 =	smul.u32 $0xA00, s15  }
0xba: {  	s22 =	rddreg [dreg:$0x0]  }
0xbb: {  	s21 =	smul.u32 $0xA0, s15;
	s16 =	sadd.s32 s22, s16  }
0xbc: {  	[tilespmem:s24], [sflag:$0x2] =	stream.linear.gather [hbm4b:s16+s9], $0x5000, $0x38;
	[tilespmem:$0x1BA00] =	vst v63  }
0xbd: {  	s16 =	sshrl.u32 s21, $0x3  }
0xbe: {  	s22 =	simm.s32 $0x100;
	s21 =	sadd.s32 s1, s16  }
0xbf: {  	[tilespmem:s22], [sflag:$0x7] =	stream.linear.gather [hbm4b:s21+s9], $0x50, $0x38;
	[tilespmem:$0x1BA00] =	vst v63  }
0xc0: {  	s21 =	sadd.s32 s2, s16;
	s22 =	simm.s32 $0x600;
	s16 =	sadd.s32 $0xA, s16  }
0xc1: {  	[tilespmem:s22], [sflag:$0x7] =	stream.linear.gather [hbm4b:s21+s9], $0x50, $0x38;
	[tilespmem:$0x1BA00] =	vst v63  }
0xc2: {  	s21 =	sadd.s32 s1, s16;
	s22 =	simm.s32 $0x180  }
0xc3: {  	[tilespmem:s22], [sflag:$0x7] =	stream.linear.gather [hbm4b:s21+s9], $0x50, $0x38;
	[tilespmem:$0x1BA00] =	vst v63  }
0xc4: {  	p4 =	por $0x1, $0x1;
	s16 =	sadd.s32 s2, s16;
	s22 =	simm.s32 $0x680  }
0xc5: {  	[tilespmem:s22], [sflag:$0x7] =	stream.linear.gather [hbm4b:s16+s9], $0x50, $0x38;
	[tilespmem:$0x1BA00] =	vst v63  }
.LBB2_8:
.Ltmp8:
0xc6: {  	(pc) =	sbr.rel @p3 .LBB2_10-.Ltmp8, $1  }
0xc7: {  	_ =	sdelay $0x3  }
0xc8: {  	_ =	swait.ge [sflag:s18], $0x50  }
0xc9: {  	[sflag:s18] =	ssyncset.done $0x0  }
0xca: {  	[sflag:s18] =	ssyncadd.s32 $0xFFFFFFB0  }
0xcb: {  	_ =	swait.ge [sflag:s18], $0x50  }
0xcc: {  	[sflag:s18] =	ssyncset.done $0x0  }
0xcd: {  	[sflag:s18] =	ssyncadd.s32 $0xFFFFFFB0  }
0xce: {  	_ =	swait.ge [sflag:s18], $0x50  }
0xcf: {  	[sflag:s18] =	ssyncset.done $0x0  }
0xd0: {  	[sflag:s18] =	ssyncadd.s32 $0xFFFFFFB0  }
0xd1: {  	_ =	swait.ge [sflag:s18], $0x50  }
0xd2: {  	[sflag:s18] =	ssyncset.done $0x0  }
0xd3: {  	[sflag:s18] =	ssyncadd.s32 $0xFFFFFFB0  }
0xd4: {  	v0 =	vld [tilespmem:$0x0]  }
0xd5: {  	v1 =	vld [tilespmem:$0x500]  }
0xd6: {  	v2 =	vld [tilespmem:$0x10]  }
0xd7: {  	v3 =	vld [tilespmem:$0x510]  }
0xd8: {  	v4 =	vld [tilespmem:$0x20]  }
0xd9: {  	v5 =	vld [tilespmem:$0x520];
	vm0 =	vlt.s32 v0, $0x1FF  }
0xda: {  	v6 =	vld [tilespmem:$0x30];
	vm9 =	vlt.s32 v1, $0x1FF;
	v0 =	vnsel vm0, $0x1FF, v0  }
0xdb: {  	v33 =	vld [tilespmem:$0x530];
	vm10 =	vlt.s32 v2, $0x1FF;
	v32 =	vnsel vm9, $0x1FF, v1;
	[tilespmem:$0x0] =	vst v0  }
0xdc: {  	v35 =	vld [tilespmem:$0x40];
	vm11 =	vlt.s32 v3, $0x1FF;
	v34 =	vnsel vm10, $0x1FF, v2;
	[tilespmem:$0x500] =	vst v32  }
0xdd: {  	v37 =	vld [tilespmem:$0x540];
	vm12 =	vlt.s32 v4, $0x1FF;
	v36 =	vnsel vm11, $0x1FF, v3;
	[tilespmem:$0x10] =	vst v34  }
0xde: {  	v39 =	vld [tilespmem:$0x80];
	vm13 =	vlt.s32 v5, $0x1FF;
	v38 =	vnsel vm12, $0x1FF, v4;
	[tilespmem:$0x510] =	vst v36  }
0xdf: {  	v41 =	vld [tilespmem:$0x580];
	vm14 =	vlt.s32 v6, $0x1FF;
	v40 =	vnsel vm13, $0x1FF, v5;
	[tilespmem:$0x20] =	vst v38  }
0xe0: {  	v43 =	vld [tilespmem:$0x90];
	vm15 =	vlt.s32 v33, $0x1FF;
	v42 =	vnsel vm14, $0x1FF, v6;
	[tilespmem:$0x520] =	vst v40  }
0xe1: {  	v45 =	vld [tilespmem:$0x590];
	vm4 =	vlt.s32 v35, $0x1FF;
	v44 =	vnsel vm15, $0x1FF, v33;
	[tilespmem:$0x30] =	vst v42  }
0xe2: {  	v47 =	vld [tilespmem:$0xA0];
	vm5 =	vlt.s32 v37, $0x1FF;
	v46 =	vnsel vm4, $0x1FF, v35;
	[tilespmem:$0x530] =	vst v44  }
0xe3: {  	v49 =	vld [tilespmem:$0x5A0];
	vm6 =	vlt.s32 v39, $0x1FF;
	v48 =	vnsel vm5, $0x1FF, v37;
	[tilespmem:$0x40] =	vst v46  }
0xe4: {  	v51 =	vld [tilespmem:$0xB0];
	vm7 =	vlt.s32 v41, $0x1FF;
	v50 =	vnsel vm6, $0x1FF, v39;
	[tilespmem:$0x540] =	vst v48  }
0xe5: {  	v53 =	vld [tilespmem:$0x5B0];
	vm8 =	vlt.s32 v43, $0x1FF;
	v52 =	vnsel vm7, $0x1FF, v41;
	[tilespmem:$0x80] =	vst v50  }
0xe6: {  	v55 =	vld [tilespmem:$0xC0];
	v54 =	vnsel vm8, $0x1FF, v43;
	vm9 =	vlt.s32 v45, $0x1FF;
	[tilespmem:$0x580] =	vst v52  }
0xe7: {  	v57 =	vld [tilespmem:$0x5C0];
	vm10 =	vlt.s32 v47, $0x1FF;
	[tilespmem:$0x90] =	vst v54;
	v56 =	vnsel vm9, $0x1FF, v45  }
0xe8: {  	vm11 =	vlt.s32 v49, $0x1FF;
	v58 =	vnsel vm10, $0x1FF, v47;
	[tilespmem:$0x590] =	vst v56  }
0xe9: {  	vm12 =	vlt.s32 v51, $0x1FF;
	v59 =	vnsel vm11, $0x1FF, v49;
	[tilespmem:$0xA0] =	vst v58  }
0xea: {  	vm13 =	vlt.s32 v53, $0x1FF;
	v60 =	vnsel vm12, $0x1FF, v51;
	[tilespmem:$0x5A0] =	vst v59  }
0xeb: {  	vm14 =	vlt.s32 v55, $0x1FF;
	v61 =	vnsel vm13, $0x1FF, v53;
	[tilespmem:$0xB0] =	vst v60  }
0xec: {  	vm15 =	vlt.s32 v57, $0x1FF;
	v62 =	vnsel vm14, $0x1FF, v55;
	[tilespmem:$0x5B0] =	vst v61  }
0xed: {  	v63 =	vnsel vm15, $0x1FF, v57;
	[tilespmem:$0xC0] =	vst v62  }
0xee: {  	s16 =	simm.s32 $0x1;
	[tilespmem:$0x5C0] =	vst v63  }
0xef: {  	_ =	swait.ge [sflag:s16], $0x5000  }
0xf0: {  	[sflag:s16] =	ssyncset.done $0x0  }
0xf1: {  	s22 =	simm.s32 $0xA00;
	[sflag:s16] =	ssyncadd.s32 $0xFFFFB000  }
0xf2: {  	[tilespmem:s22], [sflag:$0xB] =	stream.indirect.gather.add.f32 [spmem:s7], $0x80, s9, s31, $0xb8;
	[tilespmem:$0x1BA00] =	vst v63  }
0xf3: {  	s21 =	simm.s32 $0x500  }
0xf4: {  	[tilespmem:s22], [sflag:$0xB] =	stream.indirect.gather.add.f32 [spmem:s8], $0x80, s21, s31, $0xb8;
	[tilespmem:$0x1BA00] =	vst v63  }
0xf5: {  	s22 =	simm.s32 $0x80;
	s21 =	simm.s32 $0x3200  }
0xf6: {  	[tilespmem:s21], [sflag:$0xB] =	stream.indirect.gather.add.f32 [spmem:s7], $0x80, s22, s31, $0xb8;
	[tilespmem:$0x1BA00] =	vst v63  }
0xf7: {  	s22 =	simm.s32 $0x580  }
0xf8: {  	[tilespmem:s21], [sflag:$0xB] =	stream.indirect.gather.add.f32 [spmem:s8], $0x80, s22, s31, $0xb8;
	[tilespmem:$0x1BA00] =	vst v63  }
.LBB2_10:
0xf9: {  	p6 =	seq.s32 s11, $0x0  }
.Ltmp9:
0xfa: {  	_ = 	snop;
	(pc) =	sbr.rel @p6 .LBB2_13-.Ltmp9, $2  }
0xfb: {  	_ =	sdelay $0x2  }
0xfc: {  	s16 =	rddreg [dreg:$0xa]  }
0xfd: {  	_ =	swait.ge [sflag:s19], $0x2800  }
0xfe: {  	[sflag:s19] =	ssyncset.done $0x0  }
0xff: {  	[sflag:s19] =	ssyncadd.s32 $0xFFFFD800  }
0x100: {  	_ =	swait.ge [sflag:s19], $0x2800  }
0x101: {  	[sflag:s19] =	ssyncset.done $0x0  }
0x102: {  	[sflag:s19] =	ssyncadd.s32 $0xFFFFD800  }
0x103: {  	_ =	swait.ge [sflag:s19], $0x2800  }
0x104: {  	[sflag:s19] =	ssyncset.done $0x0  }
0x105: {  	[sflag:s19] =	ssyncadd.s32 $0xFFFFD800  }
0x106: {  	s16 =	sadd.s32 $0xFFEC0000, s0;
	_ =	swait.ge [sflag:s19], $0x2800  }
0x107: {  	s16 =	sshrl.u32 s16, $0x3;
	[sflag:s19] =	ssyncset.done $0x0  }
0x108: {  	s16 =	sadd.s32 s6, s16;
	[sflag:s19] =	ssyncadd.s32 $0xFFFFD800  }
0x109: {  	[hbm4b:s16+s9] =	stream.linear.scatter [tilespmem:s25], [sflag:$0x13], $0x5000, $0x38;
	[tilespmem:$0x1BA00] =	vst v63  }
0x10a: {  	s16 =	sadd.s32 $0xFFFFFFC0, s5  }
0x10b: {  	p1 =	sgt.u32 s16, $0x270  }
.Ltmp10:
0x10c: {  	_ = 	snop;
	(pc) =	sbr.rel @p1 .LBB2_14-.Ltmp10, $2  }
0x10d: {  	_ =	sdelay $0x2  }
0x10e: {  	p6 =	por $0x0, $0x0  }
0x10f: {  	s21 =	simm.s32 $0x12  }
0x110: {  	_ =	swait.ge [sflag:s21], $0x5000  }
0x111: {  	[sflag:s21] =	ssyncset.done $0x0  }
0x112: {  	[sflag:s21] =	ssyncadd.s32 $0xFFFFB000  }
.LBB2_13:
0x113: {  	s21 =	smul.u32 $0xA00, s16  }
0x114: {  	s16 =	smul.u32 $0xA0, s16  }
0x115: {  	s22 =	rddreg [dreg:$0x0]  }
0x116: {  	s21 =	sadd.s32 s22, s21;
	s16 =	sshrl.u32 s16, $0x3  }
0x117: {  	[tilespmem:s23], [sflag:$0x3] =	stream.linear.gather [hbm4b:s21+s9], $0x5000, $0x38;
	[tilespmem:$0x1BA00] =	vst v63  }
0x118: {  	s22 =	simm.s32 $0x200;
	s21 =	sadd.s32 s1, s16  }
0x119: {  	[tilespmem:s22], [sflag:$0x8] =	stream.linear.gather [hbm4b:s21+s9], $0x50, $0x38;
	[tilespmem:$0x1BA00] =	vst v63  }
0x11a: {  	s21 =	sadd.s32 s2, s16;
	s22 =	simm.s32 $0x700;
	s16 =	sadd.s32 $0xA, s16  }
0x11b: {  	[tilespmem:s22], [sflag:$0x8] =	stream.linear.gather [hbm4b:s21+s9], $0x50, $0x38;
	[tilespmem:$0x1BA00] =	vst v63  }
0x11c: {  	s21 =	sadd.s32 s1, s16;
	s22 =	simm.s32 $0x280  }
0x11d: {  	[tilespmem:s22], [sflag:$0x8] =	stream.linear.gather [hbm4b:s21+s9], $0x50, $0x38;
	[tilespmem:$0x1BA00] =	vst v63  }
0x11e: {  	p6 =	por $0x1, $0x1;
	s16 =	sadd.s32 s2, s16;
	s22 =	simm.s32 $0x780  }
0x11f: {  	[tilespmem:s22], [sflag:$0x8] =	stream.linear.gather [hbm4b:s16+s9], $0x50, $0x38;
	[tilespmem:$0x1BA00] =	vst v63  }
.LBB2_14:
.Ltmp11:
0x120: {  	(pc) =	sbr.rel @!p4 .LBB2_16-.Ltmp11, $1  }
0x121: {  	_ =	sdelay $0x3  }
0x122: {  	_ =	swait.ge [sflag:s4], $0x50  }
0x123: {  	[sflag:s4] =	ssyncset.done $0x0  }
0x124: {  	[sflag:s4] =	ssyncadd.s32 $0xFFFFFFB0  }
0x125: {  	_ =	swait.ge [sflag:s4], $0x50  }
0x126: {  	[sflag:s4] =	ssyncset.done $0x0  }
0x127: {  	[sflag:s4] =	ssyncadd.s32 $0xFFFFFFB0  }
0x128: {  	_ =	swait.ge [sflag:s4], $0x50  }
0x129: {  	[sflag:s4] =	ssyncset.done $0x0  }
0x12a: {  	[sflag:s4] =	ssyncadd.s32 $0xFFFFFFB0  }
0x12b: {  	_ =	swait.ge [sflag:s4], $0x50  }
0x12c: {  	[sflag:s4] =	ssyncset.done $0x0  }
0x12d: {  	[sflag:s4] =	ssyncadd.s32 $0xFFFFFFB0  }
0x12e: {  	v0 =	vld [tilespmem:$0x100]  }
0x12f: {  	v1 =	vld [tilespmem:$0x600]  }
0x130: {  	v2 =	vld [tilespmem:$0x110]  }
0x131: {  	v3 =	vld [tilespmem:$0x610]  }
0x132: {  	v4 =	vld [tilespmem:$0x120]  }
0x133: {  	v5 =	vld [tilespmem:$0x620];
	vm0 =	vlt.s32 v0, $0x1FF  }
0x134: {  	v6 =	vld [tilespmem:$0x130];
	vm9 =	vlt.s32 v1, $0x1FF;
	v0 =	vnsel vm0, $0x1FF, v0  }
0x135: {  	v33 =	vld [tilespmem:$0x630];
	vm10 =	vlt.s32 v2, $0x1FF;
	v32 =	vnsel vm9, $0x1FF, v1;
	[tilespmem:$0x100] =	vst v0  }
0x136: {  	v35 =	vld [tilespmem:$0x140];
	vm11 =	vlt.s32 v3, $0x1FF;
	v34 =	vnsel vm10, $0x1FF, v2;
	[tilespmem:$0x600] =	vst v32  }
0x137: {  	v37 =	vld [tilespmem:$0x640];
	vm12 =	vlt.s32 v4, $0x1FF;
	v36 =	vnsel vm11, $0x1FF, v3;
	[tilespmem:$0x110] =	vst v34  }
0x138: {  	v39 =	vld [tilespmem:$0x180];
	vm13 =	vlt.s32 v5, $0x1FF;
	v38 =	vnsel vm12, $0x1FF, v4;
	[tilespmem:$0x610] =	vst v36  }
0x139: {  	v41 =	vld [tilespmem:$0x680];
	vm14 =	vlt.s32 v6, $0x1FF;
	v40 =	vnsel vm13, $0x1FF, v5;
	[tilespmem:$0x120] =	vst v38  }
0x13a: {  	v43 =	vld [tilespmem:$0x190];
	vm15 =	vlt.s32 v33, $0x1FF;
	v42 =	vnsel vm14, $0x1FF, v6;
	[tilespmem:$0x620] =	vst v40  }
0x13b: {  	v45 =	vld [tilespmem:$0x690];
	vm4 =	vlt.s32 v35, $0x1FF;
	v44 =	vnsel vm15, $0x1FF, v33;
	[tilespmem:$0x130] =	vst v42  }
0x13c: {  	v47 =	vld [tilespmem:$0x1A0];
	vm5 =	vlt.s32 v37, $0x1FF;
	v46 =	vnsel vm4, $0x1FF, v35;
	[tilespmem:$0x630] =	vst v44  }
0x13d: {  	v49 =	vld [tilespmem:$0x6A0];
	vm6 =	vlt.s32 v39, $0x1FF;
	v48 =	vnsel vm5, $0x1FF, v37;
	[tilespmem:$0x140] =	vst v46  }
0x13e: {  	v51 =	vld [tilespmem:$0x1B0];
	vm7 =	vlt.s32 v41, $0x1FF;
	v50 =	vnsel vm6, $0x1FF, v39;
	[tilespmem:$0x640] =	vst v48  }
0x13f: {  	v53 =	vld [tilespmem:$0x6B0];
	vm8 =	vlt.s32 v43, $0x1FF;
	v52 =	vnsel vm7, $0x1FF, v41;
	[tilespmem:$0x180] =	vst v50  }
0x140: {  	v55 =	vld [tilespmem:$0x1C0];
	v54 =	vnsel vm8, $0x1FF, v43;
	vm9 =	vlt.s32 v45, $0x1FF;
	[tilespmem:$0x680] =	vst v52  }
0x141: {  	v57 =	vld [tilespmem:$0x6C0];
	vm10 =	vlt.s32 v47, $0x1FF;
	[tilespmem:$0x190] =	vst v54;
	v56 =	vnsel vm9, $0x1FF, v45  }
0x142: {  	vm11 =	vlt.s32 v49, $0x1FF;
	v58 =	vnsel vm10, $0x1FF, v47;
	[tilespmem:$0x690] =	vst v56  }
0x143: {  	vm12 =	vlt.s32 v51, $0x1FF;
	v59 =	vnsel vm11, $0x1FF, v49;
	[tilespmem:$0x1A0] =	vst v58  }
0x144: {  	vm13 =	vlt.s32 v53, $0x1FF;
	v60 =	vnsel vm12, $0x1FF, v51;
	[tilespmem:$0x6A0] =	vst v59  }
0x145: {  	vm14 =	vlt.s32 v55, $0x1FF;
	v61 =	vnsel vm13, $0x1FF, v53;
	[tilespmem:$0x1B0] =	vst v60  }
0x146: {  	vm15 =	vlt.s32 v57, $0x1FF;
	v62 =	vnsel vm14, $0x1FF, v55;
	[tilespmem:$0x6B0] =	vst v61  }
0x147: {  	v63 =	vnsel vm15, $0x1FF, v57;
	[tilespmem:$0x1C0] =	vst v62  }
0x148: {  	s16 =	simm.s32 $0x2;
	[tilespmem:$0x6C0] =	vst v63  }
0x149: {  	_ =	swait.ge [sflag:s16], $0x5000  }
0x14a: {  	[sflag:s16] =	ssyncset.done $0x0  }
0x14b: {  	s21 =	simm.s32 $0x100;
	[sflag:s16] =	ssyncadd.s32 $0xFFFFB000;
	s16 =	simm.s32 $0x5A00  }
0x14c: {  	[tilespmem:s16], [sflag:$0xC] =	stream.indirect.gather.add.f32 [spmem:s7], $0x80, s21, s31, $0xb8;
	[tilespmem:$0x1BA00] =	vst v63  }
0x14d: {  	s22 =	simm.s32 $0x600  }
0x14e: {  	[tilespmem:s16], [sflag:$0xC] =	stream.indirect.gather.add.f32 [spmem:s8], $0x80, s22, s31, $0xb8;
	[tilespmem:$0x1BA00] =	vst v63  }
0x14f: {  	s21 =	simm.s32 $0x8200;
	s22 =	simm.s32 $0x180  }
0x150: {  	[tilespmem:s21], [sflag:$0xC] =	stream.indirect.gather.add.f32 [spmem:s7], $0x80, s22, s31, $0xb8;
	[tilespmem:$0x1BA00] =	vst v63  }
0x151: {  	s24 =	simm.s32 $0x5A00;
	s22 =	simm.s32 $0x680  }
0x152: {  	[tilespmem:s21], [sflag:$0xC] =	stream.indirect.gather.add.f32 [spmem:s8], $0x80, s22, s31, $0xb8;
	[tilespmem:$0x1BA00] =	vst v63  }
.LBB2_16:
0x153: {  	s16 =	simm.s32 @p5 $0xF  }
0x154: {  	_ =	swait.ge @p5 [sflag:s16], $0x2800  }
0x155: {  	[sflag:s16] =	ssyncset.done @p5 $0x0  }
0x156: {  	[sflag:s16] =	ssyncadd.s32 @p5 $0xFFFFD800  }
0x157: {  	_ =	swait.ge @p5 [sflag:s16], $0x2800  }
0x158: {  	[sflag:s16] =	ssyncset.done @p5 $0x0  }
0x159: {  	[sflag:s16] =	ssyncadd.s32 @p5 $0xFFFFD800  }
0x15a: {  	_ =	swait.ge @p5 [sflag:s16], $0x2800  }
0x15b: {  	[sflag:s16] =	ssyncset.done @p5 $0x0  }
0x15c: {  	[sflag:s16] =	ssyncadd.s32 @p5 $0xFFFFD800  }
0x15d: {  	_ =	swait.ge @p5 [sflag:s16], $0x2800  }
0x15e: {  	s21 =	sadd.s32 @p5 $0xFFF60000, s0;
	[sflag:s16] =	ssyncset.done @p5 $0x0  }
0x15f: {  	[sflag:s16] =	ssyncadd.s32 @p5 $0xFFFFD800;
	s16 =	sshrl.u32 @p5 s21, $0x3  }
0x160: {  	s22 =	simm.s32 @p5 $0x14A00;
	s21 =	simm.s32 @p5 $0x0;
	s16 =	sadd.s32 @p5 s6, s16  }
0x161: {  	[hbm4b:s16+s21] =	stream.linear.scatter @p5 [tilespmem:s22], [sflag:$0x14], $0x5000, $0x38;
	[tilespmem:$0x1BA00] =	vst v63  }
0x162: {  	s22 =	sadd.s32 $0xFFFFFFE0, s5  }
0x163: {  	p5 =	sgt.u32 s22, $0x270  }
0x164: {  	p1 =	seq.s32 @!p5 s11, $0x0  }
0x165: {  	p1 =	por p1, p5  }
0x166: {  	s16 =	simm.s32 @!p1 $0x13  }
0x167: {  	_ =	swait.ge @!p1 [sflag:s16], $0x5000  }
0x168: {  	[sflag:s16] =	ssyncset.done @!p1 $0x0  }
0x169: {  	[sflag:s16] =	ssyncadd.s32 @!p1 $0xFFFFB000;
	s16 =	sadd.s32 @!p5 s10, s17  }
0x16a: {  	s21 =	simm.s32 @!p5 $0x0;
	s22 =	simm.s32 @!p5 $0xFA00;
	s16 =	sadd.s32 @!p5 $0x3C000, s16  }
0x16b: {  	[tilespmem:s22], [sflag:$0x4] =	stream.linear.gather @!p5 [hbm4b:s16+s21], $0x5000, $0x38;
	[tilespmem:$0x1BA00] =	vst v63  }
0x16c: {  	s16 =	sadd.s32 @!p5 s11, s14  }
0x16d: {  	s22 =	simm.s32 @!p5 $0x300;
	s16 =	sadd.s32 @!p5 $0x780, s16  }
0x16e: {  	[tilespmem:s22], [sflag:$0x9] =	stream.linear.gather @!p5 [hbm4b:s16+s21], $0x50, $0x38;
	[tilespmem:$0x1BA00] =	vst v63  }
0x16f: {  	s16 =	sadd.s32 @!p5 s11, s13  }
0x170: {  	s22 =	simm.s32 @!p5 $0x800;
	s16 =	sadd.s32 @!p5 $0x780, s16  }
0x171: {  	[tilespmem:s22], [sflag:$0x9] =	stream.linear.gather @!p5 [hbm4b:s16+s21], $0x50, $0x38;
	[tilespmem:$0x1BA00] =	vst v63  }
0x172: {  	s16 =	rddreg [dreg:$0x12]  }
.Ltmp12:
0x173: {  	s22 =	simm.s32 @!p5 $0x380;
	s16 =	sadd.s32 @!p5 s11, s16;
	(pc) =	sbr.rel @!p6 .LBB2_18-.Ltmp12, $4  }
0x174: {  	[tilespmem:s22], [sflag:$0x9] =	stream.linear.gather @!p5 [hbm4b:s16+s21], $0x50, $0x38;
	[tilespmem:$0x1BA00] =	vst v63  }
0x175: {  	s16 =	rddreg [dreg:$0x11]  }
0x176: {  	s22 =	simm.s32 @!p5 $0x880;
	s16 =	sadd.s32 @!p5 s11, s16  }
0x177: {  	[tilespmem:s22], [sflag:$0x9] =	stream.linear.gather @!p5 [hbm4b:s16+s21], $0x50, $0x38;
	[tilespmem:$0x1BA00] =	vst v63  }
0x178: {  	_ =	swait.ge [sflag:s3], $0x50  }
0x179: {  	[sflag:s3] =	ssyncset.done $0x0  }
0x17a: {  	[sflag:s3] =	ssyncadd.s32 $0xFFFFFFB0  }
0x17b: {  	_ =	swait.ge [sflag:s3], $0x50  }
0x17c: {  	[sflag:s3] =	ssyncset.done $0x0  }
0x17d: {  	[sflag:s3] =	ssyncadd.s32 $0xFFFFFFB0  }
0x17e: {  	_ =	swait.ge [sflag:s3], $0x50  }
0x17f: {  	[sflag:s3] =	ssyncset.done $0x0  }
0x180: {  	[sflag:s3] =	ssyncadd.s32 $0xFFFFFFB0  }
0x181: {  	_ =	swait.ge [sflag:s3], $0x50  }
0x182: {  	[sflag:s3] =	ssyncset.done $0x0  }
0x183: {  	[sflag:s3] =	ssyncadd.s32 $0xFFFFFFB0  }
0x184: {  	v0 =	vld [tilespmem:$0x200]  }
0x185: {  	v1 =	vld [tilespmem:$0x700]  }
0x186: {  	v2 =	vld [tilespmem:$0x210]  }
0x187: {  	v3 =	vld [tilespmem:$0x710]  }
0x188: {  	v4 =	vld [tilespmem:$0x220]  }
0x189: {  	v5 =	vld [tilespmem:$0x720];
	vm0 =	vlt.s32 v0, $0x1FF  }
0x18a: {  	v6 =	vld [tilespmem:$0x230];
	vm9 =	vlt.s32 v1, $0x1FF;
	v0 =	vnsel vm0, $0x1FF, v0  }
0x18b: {  	v33 =	vld [tilespmem:$0x730];
	vm10 =	vlt.s32 v2, $0x1FF;
	v32 =	vnsel vm9, $0x1FF, v1;
	[tilespmem:$0x200] =	vst v0  }
0x18c: {  	v35 =	vld [tilespmem:$0x240];
	vm11 =	vlt.s32 v3, $0x1FF;
	v34 =	vnsel vm10, $0x1FF, v2;
	[tilespmem:$0x700] =	vst v32  }
0x18d: {  	v37 =	vld [tilespmem:$0x740];
	vm12 =	vlt.s32 v4, $0x1FF;
	v36 =	vnsel vm11, $0x1FF, v3;
	[tilespmem:$0x210] =	vst v34  }
0x18e: {  	v39 =	vld [tilespmem:$0x280];
	vm13 =	vlt.s32 v5, $0x1FF;
	v38 =	vnsel vm12, $0x1FF, v4;
	[tilespmem:$0x710] =	vst v36  }
0x18f: {  	v41 =	vld [tilespmem:$0x780];
	vm14 =	vlt.s32 v6, $0x1FF;
	v40 =	vnsel vm13, $0x1FF, v5;
	[tilespmem:$0x220] =	vst v38  }
0x190: {  	v43 =	vld [tilespmem:$0x290];
	vm15 =	vlt.s32 v33, $0x1FF;
	v42 =	vnsel vm14, $0x1FF, v6;
	[tilespmem:$0x720] =	vst v40  }
0x191: {  	v45 =	vld [tilespmem:$0x790];
	vm4 =	vlt.s32 v35, $0x1FF;
	v44 =	vnsel vm15, $0x1FF, v33;
	[tilespmem:$0x230] =	vst v42  }
0x192: {  	v47 =	vld [tilespmem:$0x2A0];
	vm5 =	vlt.s32 v37, $0x1FF;
	v46 =	vnsel vm4, $0x1FF, v35;
	[tilespmem:$0x730] =	vst v44  }
0x193: {  	v49 =	vld [tilespmem:$0x7A0];
	vm6 =	vlt.s32 v39, $0x1FF;
	v48 =	vnsel vm5, $0x1FF, v37;
	[tilespmem:$0x240] =	vst v46  }
0x194: {  	v51 =	vld [tilespmem:$0x2B0];
	vm7 =	vlt.s32 v41, $0x1FF;
	v50 =	vnsel vm6, $0x1FF, v39;
	[tilespmem:$0x740] =	vst v48  }
0x195: {  	v53 =	vld [tilespmem:$0x7B0];
	vm8 =	vlt.s32 v43, $0x1FF;
	v52 =	vnsel vm7, $0x1FF, v41;
	[tilespmem:$0x280] =	vst v50  }
0x196: {  	v55 =	vld [tilespmem:$0x2C0];
	v54 =	vnsel vm8, $0x1FF, v43;
	vm9 =	vlt.s32 v45, $0x1FF;
	[tilespmem:$0x780] =	vst v52  }
0x197: {  	v57 =	vld [tilespmem:$0x7C0];
	vm10 =	vlt.s32 v47, $0x1FF;
	[tilespmem:$0x290] =	vst v54;
	v56 =	vnsel vm9, $0x1FF, v45  }
0x198: {  	vm11 =	vlt.s32 v49, $0x1FF;
	v58 =	vnsel vm10, $0x1FF, v47;
	[tilespmem:$0x790] =	vst v56  }
0x199: {  	vm12 =	vlt.s32 v51, $0x1FF;
	v59 =	vnsel vm11, $0x1FF, v49;
	[tilespmem:$0x2A0] =	vst v58  }
0x19a: {  	vm13 =	vlt.s32 v53, $0x1FF;
	v60 =	vnsel vm12, $0x1FF, v51;
	[tilespmem:$0x7A0] =	vst v59  }
0x19b: {  	vm14 =	vlt.s32 v55, $0x1FF;
	v61 =	vnsel vm13, $0x1FF, v53;
	[tilespmem:$0x2B0] =	vst v60  }
0x19c: {  	vm15 =	vlt.s32 v57, $0x1FF;
	v62 =	vnsel vm14, $0x1FF, v55;
	[tilespmem:$0x7B0] =	vst v61  }
0x19d: {  	v63 =	vnsel vm15, $0x1FF, v57;
	[tilespmem:$0x2C0] =	vst v62  }
0x19e: {  	s16 =	simm.s32 $0x3;
	[tilespmem:$0x7C0] =	vst v63  }
0x19f: {  	_ =	swait.ge [sflag:s16], $0x5000  }
0x1a0: {  	[sflag:s16] =	ssyncset.done $0x0  }
0x1a1: {  	s22 =	simm.s32 $0x200;
	[sflag:s16] =	ssyncadd.s32 $0xFFFFB000  }
0x1a2: {  	[tilespmem:s23], [sflag:$0xD] =	stream.indirect.gather.add.f32 [spmem:s7], $0x80, s22, s31, $0xb8;
	[tilespmem:$0x1BA00] =	vst v63  }
0x1a3: {  	s21 =	simm.s32 $0x700  }
0x1a4: {  	[tilespmem:s23], [sflag:$0xD] =	stream.indirect.gather.add.f32 [spmem:s8], $0x80, s21, s31, $0xb8;
	[tilespmem:$0x1BA00] =	vst v63  }
0x1a5: {  	s22 =	simm.s32 $0x280;
	s21 =	simm.s32 $0xD200  }
0x1a6: {  	[tilespmem:s21], [sflag:$0xD] =	stream.indirect.gather.add.f32 [spmem:s7], $0x80, s22, s31, $0xb8;
	[tilespmem:$0x1BA00] =	vst v63  }
0x1a7: {  	s22 =	simm.s32 $0x780  }
0x1a8: {  	[tilespmem:s21], [sflag:$0xD] =	stream.indirect.gather.add.f32 [spmem:s8], $0x80, s22, s31, $0xb8;
	[tilespmem:$0x1BA00] =	vst v63  }
.LBB2_18:
0x1a9: {  	s16 =	simm.s32 @!p3 $0xB  }
0x1aa: {  	_ =	swait.ge @!p3 [sflag:s16], $0x2800  }
0x1ab: {  	[sflag:s16] =	ssyncset.done @!p3 $0x0  }
0x1ac: {  	[sflag:s16] =	ssyncadd.s32 @!p3 $0xFFFFD800  }
0x1ad: {  	_ =	swait.ge @!p3 [sflag:s16], $0x2800  }
0x1ae: {  	[sflag:s16] =	ssyncset.done @!p3 $0x0  }
0x1af: {  	[sflag:s16] =	ssyncadd.s32 @!p3 $0xFFFFD800  }
0x1b0: {  	_ =	swait.ge @!p3 [sflag:s16], $0x2800  }
0x1b1: {  	[sflag:s16] =	ssyncset.done @!p3 $0x0  }
0x1b2: {  	[sflag:s16] =	ssyncadd.s32 @!p3 $0xFFFFD800  }
0x1b3: {  	_ =	swait.ge @!p3 [sflag:s16], $0x2800  }
0x1b4: {  	s21 =	simm.s32 @!p3 $0x0;
	[sflag:s16] =	ssyncset.done @!p3 $0x0  }
0x1b5: {  	s22 =	simm.s32 @!p3 $0xA00;
	[sflag:s16] =	ssyncadd.s32 @!p3 $0xFFFFD800;
	s16 =	sadd.s32 @!p3 s30, s17  }
0x1b6: {  	[hbm4b:s16+s21] =	stream.linear.scatter @!p3 [tilespmem:s22], [sflag:$0x10], $0x5000, $0x38;
	[tilespmem:$0x1BA00] =	vst v63  }
0x1b7: {  	p3 =	sgt.u32 s5, $0x270  }
0x1b8: {  	p1 =	seq.s32 @!p3 s11, $0x0  }
0x1b9: {  	p1 =	por p1, p3  }
0x1ba: {  	s16 =	simm.s32 @!p1 $0x14  }
0x1bb: {  	_ =	swait.ge @!p1 [sflag:s16], $0x5000  }
0x1bc: {  	[sflag:s16] =	ssyncset.done @!p1 $0x0  }
0x1bd: {  	[sflag:s16] =	ssyncadd.s32 @!p1 $0xFFFFB000;
	s16 =	sadd.s32 @!p3 s10, s17  }
0x1be: {  	s21 =	simm.s32 @!p3 $0x0;
	s22 =	simm.s32 @!p3 $0x14A00;
	s16 =	sadd.s32 @!p3 $0x50000, s16  }
0x1bf: {  	[tilespmem:s22], [sflag:$0x5] =	stream.linear.gather @!p3 [hbm4b:s16+s21], $0x5000, $0x38;
	[tilespmem:$0x1BA00] =	vst v63  }
0x1c0: {  	s16 =	sadd.s32 @!p3 s11, s14  }
0x1c1: {  	s22 =	simm.s32 @!p3 $0x400;
	s16 =	sadd.s32 @!p3 $0xA00, s16  }
0x1c2: {  	[tilespmem:s22], [sflag:$0xA] =	stream.linear.gather @!p3 [hbm4b:s16+s21], $0x50, $0x38;
	[tilespmem:$0x1BA00] =	vst v63  }
0x1c3: {  	s16 =	sadd.s32 @!p3 s11, s13  }
0x1c4: {  	s22 =	simm.s32 @!p3 $0x900;
	s16 =	sadd.s32 @!p3 $0xA00, s16  }
0x1c5: {  	[tilespmem:s22], [sflag:$0xA] =	stream.linear.gather @!p3 [hbm4b:s16+s21], $0x50, $0x38;
	[tilespmem:$0x1BA00] =	vst v63  }
0x1c6: {  	s16 =	rddreg [dreg:$0xd]  }
.Ltmp13:
0x1c7: {  	s22 =	simm.s32 @!p3 $0x480;
	s16 =	sadd.s32 @!p3 s11, s16;
	(pc) =	sbr.rel @p5 .LBB2_20-.Ltmp13, $4  }
0x1c8: {  	[tilespmem:s22], [sflag:$0xA] =	stream.linear.gather @!p3 [hbm4b:s16+s21], $0x50, $0x38;
	[tilespmem:$0x1BA00] =	vst v63  }
0x1c9: {  	s16 =	rddreg [dreg:$0xc]  }
0x1ca: {  	s22 =	simm.s32 @!p3 $0x980;
	s16 =	sadd.s32 @!p3 s11, s16  }
0x1cb: {  	[tilespmem:s22], [sflag:$0xA] =	stream.linear.gather @!p3 [hbm4b:s16+s21], $0x50, $0x38;
	[tilespmem:$0x1BA00] =	vst v63  }
0x1cc: {  	_ =	swait.ge [sflag:s12], $0x50  }
0x1cd: {  	[sflag:s12] =	ssyncset.done $0x0  }
0x1ce: {  	[sflag:s12] =	ssyncadd.s32 $0xFFFFFFB0  }
0x1cf: {  	_ =	swait.ge [sflag:s12], $0x50  }
0x1d0: {  	[sflag:s12] =	ssyncset.done $0x0  }
0x1d1: {  	[sflag:s12] =	ssyncadd.s32 $0xFFFFFFB0  }
0x1d2: {  	_ =	swait.ge [sflag:s12], $0x50  }
0x1d3: {  	[sflag:s12] =	ssyncset.done $0x0  }
0x1d4: {  	[sflag:s12] =	ssyncadd.s32 $0xFFFFFFB0  }
0x1d5: {  	_ =	swait.ge [sflag:s12], $0x50  }
0x1d6: {  	[sflag:s12] =	ssyncset.done $0x0  }
0x1d7: {  	[sflag:s12] =	ssyncadd.s32 $0xFFFFFFB0  }
0x1d8: {  	v0 =	vld [tilespmem:$0x300]  }
0x1d9: {  	v1 =	vld [tilespmem:$0x800]  }
0x1da: {  	v2 =	vld [tilespmem:$0x310]  }
0x1db: {  	v3 =	vld [tilespmem:$0x810]  }
0x1dc: {  	v4 =	vld [tilespmem:$0x320]  }
0x1dd: {  	v5 =	vld [tilespmem:$0x820];
	vm0 =	vlt.s32 v0, $0x1FF  }
0x1de: {  	v6 =	vld [tilespmem:$0x330];
	vm9 =	vlt.s32 v1, $0x1FF;
	v0 =	vnsel vm0, $0x1FF, v0  }
0x1df: {  	v33 =	vld [tilespmem:$0x830];
	vm10 =	vlt.s32 v2, $0x1FF;
	v32 =	vnsel vm9, $0x1FF, v1;
	[tilespmem:$0x300] =	vst v0  }
0x1e0: {  	v35 =	vld [tilespmem:$0x340];
	vm11 =	vlt.s32 v3, $0x1FF;
	v34 =	vnsel vm10, $0x1FF, v2;
	[tilespmem:$0x800] =	vst v32  }
0x1e1: {  	v37 =	vld [tilespmem:$0x840];
	vm12 =	vlt.s32 v4, $0x1FF;
	v36 =	vnsel vm11, $0x1FF, v3;
	[tilespmem:$0x310] =	vst v34  }
0x1e2: {  	v39 =	vld [tilespmem:$0x380];
	vm13 =	vlt.s32 v5, $0x1FF;
	v38 =	vnsel vm12, $0x1FF, v4;
	[tilespmem:$0x810] =	vst v36  }
0x1e3: {  	v41 =	vld [tilespmem:$0x880];
	vm14 =	vlt.s32 v6, $0x1FF;
	v40 =	vnsel vm13, $0x1FF, v5;
	[tilespmem:$0x320] =	vst v38  }
0x1e4: {  	v43 =	vld [tilespmem:$0x390];
	vm15 =	vlt.s32 v33, $0x1FF;
	v42 =	vnsel vm14, $0x1FF, v6;
	[tilespmem:$0x820] =	vst v40  }
0x1e5: {  	v45 =	vld [tilespmem:$0x890];
	vm4 =	vlt.s32 v35, $0x1FF;
	v44 =	vnsel vm15, $0x1FF, v33;
	[tilespmem:$0x330] =	vst v42  }
0x1e6: {  	v47 =	vld [tilespmem:$0x3A0];
	vm5 =	vlt.s32 v37, $0x1FF;
	v46 =	vnsel vm4, $0x1FF, v35;
	[tilespmem:$0x830] =	vst v44  }
0x1e7: {  	v49 =	vld [tilespmem:$0x8A0];
	vm6 =	vlt.s32 v39, $0x1FF;
	v48 =	vnsel vm5, $0x1FF, v37;
	[tilespmem:$0x340] =	vst v46  }
0x1e8: {  	v51 =	vld [tilespmem:$0x3B0];
	vm7 =	vlt.s32 v41, $0x1FF;
	v50 =	vnsel vm6, $0x1FF, v39;
	[tilespmem:$0x840] =	vst v48  }
0x1e9: {  	v53 =	vld [tilespmem:$0x8B0];
	vm8 =	vlt.s32 v43, $0x1FF;
	v52 =	vnsel vm7, $0x1FF, v41;
	[tilespmem:$0x380] =	vst v50  }
0x1ea: {  	v55 =	vld [tilespmem:$0x3C0];
	v54 =	vnsel vm8, $0x1FF, v43;
	vm9 =	vlt.s32 v45, $0x1FF;
	[tilespmem:$0x880] =	vst v52  }
0x1eb: {  	v57 =	vld [tilespmem:$0x8C0];
	vm10 =	vlt.s32 v47, $0x1FF;
	[tilespmem:$0x390] =	vst v54;
	v56 =	vnsel vm9, $0x1FF, v45  }
0x1ec: {  	vm11 =	vlt.s32 v49, $0x1FF;
	v58 =	vnsel vm10, $0x1FF, v47;
	[tilespmem:$0x890] =	vst v56  }
0x1ed: {  	vm12 =	vlt.s32 v51, $0x1FF;
	v59 =	vnsel vm11, $0x1FF, v49;
	[tilespmem:$0x3A0] =	vst v58  }
0x1ee: {  	vm13 =	vlt.s32 v53, $0x1FF;
	v60 =	vnsel vm12, $0x1FF, v51;
	[tilespmem:$0x8A0] =	vst v59  }
0x1ef: {  	vm14 =	vlt.s32 v55, $0x1FF;
	v61 =	vnsel vm13, $0x1FF, v53;
	[tilespmem:$0x3B0] =	vst v60  }
0x1f0: {  	vm15 =	vlt.s32 v57, $0x1FF;
	v62 =	vnsel vm14, $0x1FF, v55;
	[tilespmem:$0x8B0] =	vst v61  }
0x1f1: {  	v63 =	vnsel vm15, $0x1FF, v57;
	[tilespmem:$0x3C0] =	vst v62  }
0x1f2: {  	s16 =	simm.s32 $0x4;
	[tilespmem:$0x8C0] =	vst v63  }
0x1f3: {  	_ =	swait.ge [sflag:s16], $0x5000  }
0x1f4: {  	[sflag:s16] =	ssyncset.done $0x0  }
0x1f5: {  	s21 =	simm.s32 $0x300;
	[sflag:s16] =	ssyncadd.s32 $0xFFFFB000;
	s16 =	simm.s32 $0xFA00  }
0x1f6: {  	[tilespmem:s16], [sflag:$0xE] =	stream.indirect.gather.add.f32 [spmem:s7], $0x80, s21, s31, $0xb8;
	[tilespmem:$0x1BA00] =	vst v63  }
0x1f7: {  	s22 =	simm.s32 $0x800  }
0x1f8: {  	[tilespmem:s16], [sflag:$0xE] =	stream.indirect.gather.add.f32 [spmem:s8], $0x80, s22, s31, $0xb8;
	[tilespmem:$0x1BA00] =	vst v63  }
.Ltmp14:
0x1f9: {  	_ = 	snop;
	(pc) =	sbr.rel .LBB2_20-.Ltmp14, $4  }
0x1fa: {  	s21 =	simm.s32 $0x12200;
	s22 =	simm.s32 $0x380  }
0x1fb: {  	[tilespmem:s21], [sflag:$0xE] =	stream.indirect.gather.add.f32 [spmem:s7], $0x80, s22, s31, $0xb8;
	[tilespmem:$0x1BA00] =	vst v63  }
0x1fc: {  	s25 =	simm.s32 $0xFA00;
	s22 =	simm.s32 $0x880  }
0x1fd: {  	[tilespmem:s21], [sflag:$0xE] =	stream.indirect.gather.add.f32 [spmem:s8], $0x80, s22, s31, $0xb8;
	[tilespmem:$0x1BA00] =	vst v63  }
.LBB2_22:
0x1fe: {  	_ =	sfence.sel $0x180000  }
0x1ff: {  	[bflag:$0x0] =	sbarrier.arrive $0xFFFF  }
0x200: {  	_ =	strace $0x90000047  }
0x201: {  	[bflag:$0x2] =	sbarrier.arrive $0xFFFF  }
0x202: {  	s0 =	rddreg [dreg:$0x8]  }
0x203: {  	s0 =	sadd.s32 @!p0 $0x100000, s0  }
0x204: {  	[sflag:s0] =	ssyncadd.tile.s32 @!p0 $0x1;
	_ =	shalt  }
.Lfunc_end2:
_tile_overlayer_lowered:
.L_overlay_start_2:
0x205: {  	(tag) =	ssettag $0x2  }
0x206: {  	s0 =	rddreg [dreg:$0x0];
	s2 =	stileid.u32  }
0x207: {  	s1 =	rddreg [dreg:$0x1];
	p0 =	sne.s32 s2, $0x0  }
0x208: {  	s3 =	rddreg [dreg:$0x2];
	[bflag:$0x3] =	sbarrier.arrive $0xFFFF;
	s2 =	simm.s32 @!p0 $0x1C15  }
0x209: {  	[timem:s3], [sflag:s2] =	dma.local @!p0 [hbm:s0], s1  }
0x20a: {  	s0 =	simm.s32 @!p0 $0x15  }
0x20b: {  	_ =	swait.ge @!p0 [sflag:s0], s1  }
0x20c: {  	s1 =	ssub.s32 @!p0 $0x0, s1;
	[sflag:s0] =	ssyncset.done @!p0 $0x0  }
0x20d: {  	[sflag:s0] =	ssyncadd.s32 @!p0 s1  }
0x20e: {  	[bflag:$0x3] =	sbarrier.arrive $0xFFFF  }
0x20f: {  	_ =	shalt  }

</sc_bundles>
